<compile_context>
chip_gen: v7x
topology: tpu7x:2x2x1
jax: 0.10.2.dev20260603
libtpu: 0.0.44.dev20260713+nightly
codegen_flags: <defaults>
</compile_context>

<pallas_src>
import functools

import jax
import jax.numpy as jnp
from jax import lax
from jax.experimental import pallas as pl
from jax.experimental.pallas import tpu as pltpu
from jax.experimental.pallas import tpu_sc as plsc

NC = 2
NS = 16
NW = NC * NS
C = 128
NBUF = 8


def _mesh():
    return plsc.VectorSubcoreMesh(
        core_axis_name="c", subcore_axis_name="s", num_cores=NC, num_subcores=NS
    )


_SC_PARAMS = pltpu.CompilerParams(use_tc_tiling_on_sc=False)



def _my_rows(wid, rpt, rem):
    return jnp.where(wid < rem, rpt + 1, rpt)


def _copy_idx(ei_hbm, k, wid, v, rpt, rem):
    pltpu.sync_copy(ei_hbm.at[k, pl.ds(wid * rpt, rpt)], v.at[pl.ds(0, rpt)])

    @pl.when(wid < rem)
    def _():
        pltpu.sync_copy(ei_hbm.at[k, pl.ds(rpt * NW + wid, 1)],
                        v.at[pl.ds(rpt, 1)])


def _deg_call(ei3, n_acc, f, rpt, rem):
    npt = n_acc // NS

    @functools.partial(
        pl.kernel,
        out_type=jax.ShapeDtypeStruct((NC, n_acc, f), jnp.float32),
        mesh=_mesh(),
        compiler_params=_SC_PARAMS,
        scratch_types=[
            pltpu.VMEM((rpt + 1, C), jnp.int32),
            pltpu.VMEM((C, f), jnp.float32),
            pltpu.VMEM((C, f), jnp.float32),
            pltpu.VMEM_SHARED((n_acc, f), jnp.float32),
        ],
    )
    def deg_kernel(ei_hbm, out_hbm, dst_v, ones_v, zero_v, acc_sh):
        cid = lax.axis_index("c")
        sid = lax.axis_index("s")
        wid = sid * NC + cid
        nrows = _my_rows(wid, rpt, rem)

        _copy_idx(ei_hbm, 1, wid, dst_v, rpt, rem)

        def fill(i, carry):
            ones_v[i, :] = jnp.full((f,), 1.0, jnp.float32)
            zero_v[i, :] = jnp.zeros((f,), jnp.float32)
            return carry
        lax.fori_loop(0, C, fill, 0)

        base = sid * npt
        for off in range(0, npt, C):
            w = min(C, npt - off)
            pltpu.sync_copy(zero_v.at[pl.ds(0, w)], acc_sh.at[pl.ds(base + off, w)])
        plsc.subcore_barrier()

        def chunk(j, carry):
            pltpu.sync_copy(ones_v, acc_sh.at[dst_v.at[j]], add=True)
            return carry
        lax.fori_loop(0, nrows, chunk, 0)
        plsc.subcore_barrier()

        pltpu.sync_copy(acc_sh.at[pl.ds(base, npt)],
                        out_hbm.at[cid, pl.ds(base, npt)])

    return deg_kernel(ei3)


def _prop_call(g, ei3, n_acc, rpt, rem):
    f = g.shape[1]
    npt = n_acc // NS

    @functools.partial(
        pl.kernel,
        out_type=jax.ShapeDtypeStruct((NC, n_acc, f), jnp.float32),
        mesh=_mesh(),
        compiler_params=_SC_PARAMS,
        scratch_types=[
            pltpu.VMEM((rpt + 1, C), jnp.int32),
            pltpu.VMEM((rpt + 1, C), jnp.int32),
            pltpu.VMEM((NBUF, C, f), jnp.float32),
            pltpu.VMEM((C, f), jnp.float32),
            pltpu.VMEM_SHARED((n_acc, f), jnp.float32),
            pltpu.VMEM_SHARED((n_acc, f), jnp.float32),
            pltpu.SemaphoreType.DMA((NBUF,)),
            pltpu.SemaphoreType.DMA((NBUF,)),
        ],
    )
    def prop_kernel(g_hbm, ei_hbm, out_hbm,
                    src_v, dst_v, rows_v, zero_v, acc_sh, g_sh, sem_g, sem_s):
        cid = lax.axis_index("c")
        sid = lax.axis_index("s")
        wid = sid * NC + cid
        nrows = _my_rows(wid, rpt, rem)

        _copy_idx(ei_hbm, 0, wid, src_v, rpt, rem)
        _copy_idx(ei_hbm, 1, wid, dst_v, rpt, rem)

        def fill(i, carry):
            zero_v[i, :] = jnp.zeros((f,), jnp.float32)
            return carry
        lax.fori_loop(0, C, fill, 0)

        base = sid * npt
        pltpu.sync_copy(g_hbm.at[pl.ds(base, npt)], g_sh.at[pl.ds(base, npt)])
        for off in range(0, npt, C):
            w = min(C, npt - off)
            pltpu.sync_copy(zero_v.at[pl.ds(0, w)], acc_sh.at[pl.ds(base + off, w)])
        plsc.subcore_barrier()

        D = 4
        for d in range(D):
            pltpu.async_copy(g_sh.at[src_v.at[d]], rows_v.at[d], sem_g.at[d])

        def chunk(j, carry):
            b = j % NBUF
            pltpu.make_async_copy(g_sh.at[src_v.at[j]], rows_v.at[b],
                                  sem_g.at[b]).wait()
            pltpu.make_async_copy(rows_v.at[b], acc_sh.at[dst_v.at[j]],
                                  sem_s.at[b]).start(add=True)
            bn = (j + D) % NBUF

            @pl.when(j + D >= NBUF)
            def _():
                pltpu.make_async_copy(rows_v.at[bn],
                                      acc_sh.at[dst_v.at[j + D - NBUF]],
                                      sem_s.at[bn]).wait()

            @pl.when(j + D < nrows)
            def _():
                pltpu.async_copy(g_sh.at[src_v.at[j + D]], rows_v.at[bn],
                                 sem_g.at[bn])
            return carry
        lax.fori_loop(0, nrows, chunk, 0)

        def drain(t, carry):
            bt = t % NBUF
            pltpu.make_async_copy(rows_v.at[bt], acc_sh.at[dst_v.at[t]],
                                  sem_s.at[bt]).wait()
            return carry
        lax.fori_loop(nrows - (NBUF - D), nrows, drain, 0)
        plsc.subcore_barrier()

        pltpu.sync_copy(acc_sh.at[pl.ds(base, npt)],
                        out_hbm.at[cid, pl.ds(base, npt)])

    return prop_kernel(g, ei3)




def _kron8(w_ref):
    w = w_ref[...]
    fi, fo = w.shape
    blocks = []
    for a in range(8):
        row = w
        if a:
            row = jnp.concatenate(
                [jnp.zeros((fi, a * fo), jnp.float32), row], axis=1)
        if a < 7:
            row = jnp.concatenate(
                [row, jnp.zeros((fi, (7 - a) * fo), jnp.float32)], axis=1)
        blocks.append(row)
    return jnp.concatenate(blocks, axis=0)


def _tile8(b_ref):
    return jnp.tile(b_ref[...], (1, 8))


def _k0_body(xg_ref, w1_ref, t1_ref):
    npr = xg_ref.shape[0]
    np_, lanes = t1_ref.shape
    t1 = jnp.dot(xg_ref[...], _kron8(w1_ref),
                 preferred_element_type=jnp.float32)
    t1_ref[...] = jnp.concatenate(
        [t1, jnp.zeros((np_ - npr, lanes), jnp.float32)], axis=0)


def _k1_body(t1_ref, degp_ref, g1_ref, dinv_ref):
    deg = degp_ref[0] + degp_ref[1] + 1.0
    dinv = 1.0 / jnp.sqrt(deg)
    dinv_ref[...] = dinv
    g1_ref[...] = dinv * t1_ref[...]


def _k2_body(acc_ref, g_ref, dinv_ref, b1_ref, wm1_ref, bm1_ref, w2_ref, g2_ref):
    s = acc_ref[0] + acc_ref[1] + g_ref[...]
    h1 = jnp.maximum(dinv_ref[...] * s + _tile8(b1_ref), 0.0)
    h2 = jnp.maximum(
        jnp.dot(h1, _kron8(wm1_ref), preferred_element_type=jnp.float32)
        + _tile8(bm1_ref), 0.0)
    g2_ref[...] = dinv_ref[...] * jnp.dot(
        h2, _kron8(w2_ref), preferred_element_type=jnp.float32)


def _k3_body(acc_ref, g_ref, dinv_ref, b2_ref, w3_ref, g3_ref):
    s = acc_ref[0] + acc_ref[1] + g_ref[...]
    h3 = jnp.maximum(dinv_ref[...] * s + _tile8(b2_ref), 0.0)
    g3_ref[...] = dinv_ref[...] * jnp.dot(
        h3, _kron8(w3_ref), preferred_element_type=jnp.float32)


def _k4_body(acc_ref, g_ref, dinv_ref, b3_ref, batchp_ref, wl_ref, bl_ref,
             out_ref):
    g_out = out_ref.shape[0]
    lanes = g_ref.shape[1]
    f = lanes // 8
    ge = 8 * g_out
    s = acc_ref[0] + acc_ref[1] + g_ref[...]
    hp = jnp.maximum(dinv_ref[...] * s + _tile8(b3_ref), 0.0)
    bpt = batchp_ref[...]
    gid = lax.broadcasted_iota(jnp.int32, (ge, 1), 0) // 8
    ppkt = (jnp.tile(bpt, (g_out, 1)) == gid).astype(jnp.float32)
    s2 = jnp.dot(ppkt, hp, preferred_element_type=jnp.float32,
                 precision=lax.Precision.HIGHEST)
    keep = (lax.broadcasted_iota(jnp.int32, (ge, lanes), 0) % 8
            == lax.broadcasted_iota(jnp.int32, (ge, lanes), 1) // f)
    d2 = jnp.where(keep, s2, 0.0)
    nsum = (lax.broadcasted_iota(jnp.int32, (g_out, ge), 1) // 8
            == lax.broadcasted_iota(jnp.int32, (g_out, ge), 0)
            ).astype(jnp.float32)
    msum = (lax.broadcasted_iota(jnp.int32, (lanes, f), 0) % f
            == lax.broadcasted_iota(jnp.int32, (lanes, f), 1)
            ).astype(jnp.float32)
    sums = jnp.dot(jnp.dot(nsum, d2, preferred_element_type=jnp.float32, precision=lax.Precision.HIGHEST),
                   msum, preferred_element_type=jnp.float32, precision=lax.Precision.HIGHEST)
    ones_col = jnp.ones((ppkt.shape[1], 1), jnp.float32)
    cnt = jnp.dot(nsum,
                  jnp.dot(ppkt, ones_col, preferred_element_type=jnp.float32,
                          precision=lax.Precision.HIGHEST),
                  preferred_element_type=jnp.float32,
                  precision=lax.Precision.HIGHEST)
    pooled = sums / jnp.maximum(cnt, 1.0)
    out_ref[...] = jnp.dot(pooled, wl_ref[...],
                           preferred_element_type=jnp.float32) + bl_ref[...]


def _tc(body, out_shapes):
    return pl.pallas_call(body, out_shape=out_shapes)



def kernel(x, edge_index, batch, W1, b1, Wm1, bm1, W2, b2, W3, b3, Wl, bl):
    n, f_in = x.shape
    f = W1.shape[1]
    e = edge_index.shape[1]
    num_graphs = 32

    n_acc = ((n + 1 + 8 * NS - 1) // (8 * NS)) * (8 * NS)

    if e % C:
        pad = C - e % C
        edge_index = jnp.pad(edge_index, ((0, 0), (0, pad)), constant_values=n)
    r = edge_index.shape[1] // C
    rpt, rem = r // NW, r % NW
    ei3 = edge_index.reshape(2, r, C)

    np_ = n_acc * f // 128
    pk = jax.ShapeDtypeStruct((np_, 128), jnp.float32)
    xg = x.reshape(n // 8, 8 * f_in)
    batchp = jnp.full((n_acc,), -1, jnp.int32).at[:n].set(batch)
    t1 = _tc(_k0_body, pk)(xg, W1)
    degp = _deg_call(ei3, n_acc, f, rpt, rem)
    g1, dinv = _tc(_k1_body, [pk, pk])(t1, degp.reshape(NC, np_, 128))

    acc1 = _prop_call(g1.reshape(n_acc, f), ei3, n_acc, rpt, rem)
    g2 = _tc(_k2_body, pk)(acc1.reshape(NC, np_, 128), g1, dinv,
                           b1.reshape(1, f), Wm1, bm1.reshape(1, f), W2)
    acc2 = _prop_call(g2.reshape(n_acc, f), ei3, n_acc, rpt, rem)
    g3 = _tc(_k3_body, pk)(acc2.reshape(NC, np_, 128), g2, dinv,
                           b2.reshape(1, f), W3)
    acc3 = _prop_call(g3.reshape(n_acc, f), ei3, n_acc, rpt, rem)
    out = _tc(_k4_body, jax.ShapeDtypeStruct((num_graphs, 1), jnp.float32))(
        acc3.reshape(NC, np_, 128), g3, dinv, b3.reshape(1, f),
        batchp.reshape(np_, 8).T, Wl, bl.reshape(1, 1))
    return out

# --- scband reference (transcript-rebuilt; emitter-appended) ---
"""Pipeline reference for scband-gcn-88802743812362 (READ-ONLY COPY).

The authoritative reference and input builder live on the scoring server;
editing this copy changes nothing except your own understanding.
"""

import jax, jax.numpy as jnp
import numpy as np

N = 10000
E = 320000
F_IN = 128
H = 16
NUM_GRAPHS = 32


def setup_inputs(seed: int = 0) -> dict:
    key = jax.random.key(seed)
    ks = jax.random.split(key, 12)
    x = jax.random.normal(ks[0], (N, F_IN), dtype=jnp.float32)
    edge_index = jax.random.randint(ks[1], (2, E), 0, N, dtype=jnp.int32)
    batch = jnp.sort(jax.random.randint(ks[2], (N,), 0, NUM_GRAPHS, dtype=jnp.int32))
    s_in = 1.0 / np.sqrt(F_IN)
    s_h = 1.0 / np.sqrt(H)
    W1 = jax.random.normal(ks[3], (F_IN, H), dtype=jnp.float32) * s_in
    b1 = jnp.zeros((H,), dtype=jnp.float32)
    Wm1 = jax.random.normal(ks[4], (H, H), dtype=jnp.float32) * s_h
    bm1 = jnp.zeros((H,), dtype=jnp.float32)
    W2 = jax.random.normal(ks[5], (H, H), dtype=jnp.float32) * s_h
    b2 = jnp.zeros((H,), dtype=jnp.float32)
    W3 = jax.random.normal(ks[6], (H, H), dtype=jnp.float32) * s_h
    b3 = jnp.zeros((H,), dtype=jnp.float32)
    Wl = jax.random.normal(ks[7], (H, 1), dtype=jnp.float32) * s_h
    bl = jnp.zeros((1,), dtype=jnp.float32)
    return {"x": x, "edge_index": edge_index, "batch": batch,
            "W1": W1, "b1": b1, "Wm1": Wm1, "bm1": bm1,
            "W2": W2, "b2": b2, "W3": W3, "b3": b3, "Wl": Wl, "bl": bl}


def gcn_conv(x, edge_index, W, b):
    # GCNConv: add self-loops, symmetric normalization D^-1/2 (A+I) D^-1/2 X W + b
    num_nodes = x.shape[0]
    src = edge_index[0]
    dst = edge_index[1]
    loop = jnp.arange(num_nodes, dtype=src.dtype)
    src = jnp.concatenate([src, loop])
    dst = jnp.concatenate([dst, loop])
    h = x @ W
    deg = jnp.zeros((num_nodes,), dtype=h.dtype).at[dst].add(1.0)
    dinv = jnp.where(deg > 0, jax.lax.rsqrt(deg), 0.0)
    norm = dinv[src] * dinv[dst]
    msg = h[src] * norm[:, None]
    out = jnp.zeros_like(h).at[dst].add(msg)
    return out + b


def reference(x, edge_index, batch, W1, b1, Wm1, bm1, W2, b2, W3, b3, Wl, bl):
    h = jax.nn.relu(gcn_conv(x, edge_index, W1, b1))
    h = jax.nn.relu(h @ Wm1 + bm1)
    h = jax.nn.relu(gcn_conv(h, edge_index, W2, b2))
    h = jax.nn.relu(gcn_conv(h, edge_index, W3, b3))
    # global_mean_pool over batch assignment
    sums = jax.ops.segment_sum(h, batch, num_segments=NUM_GRAPHS)
    counts = jax.ops.segment_sum(jnp.ones((h.shape[0], 1), dtype=h.dtype), batch, num_segments=NUM_GRAPHS)
    pooled = sums / jnp.maximum(counts, 1.0)
    # dropout p=0.5 is identity in eval mode
    out = pooled @ Wl + bl
    return out

if __name__ == "__main__":
    import jax
    _d = setup_inputs()
    print(jax.jit(kernel)(*tuple(_d.values())))

</pallas_src>

<mosaic_0001>
#map = affine_map<(d0, d1) -> (0, 0, 0)>
module attributes {stable_mosaic.version = 14 : i64} {
  func.func @deg_kernel(%arg0: i32, %arg1: i32, %arg2: memref<2x2500x128xi32, #tpu.memory_space<hbm>>, %arg3: memref<2x10112x16xf32, #tpu.memory_space<hbm>>, %arg4: memref<79x128xi32, #tpu.memory_space<vmem>>, %arg5: memref<128x16xf32, #tpu.memory_space<vmem>>, %arg6: memref<128x16xf32, #tpu.memory_space<vmem>>, %arg7: memref<10112x16xf32, #tpu.memory_space<vmem_shared>>) attributes {dimension_semantics = [#tpu.dimension_semantics<core_parallel>, #tpu.dimension_semantics<subcore_parallel>], iteration_bounds = array<i64: 2, 16>, scalar_prefetch = 0 : i64, scratch_operands = 4 : i64, tpu.core_type = #tpu.core_type<sc_vector_subcore>, window_params = [{transform_indices = #map}, {transform_indices = #map}]} {
    %mul3A = arith.constant 2 : i32
    %mul3A_0 = arith.muli %arg1, %mul3A : i32
    %add3A = arith.addi %mul3A_0, %arg0 : i32
    %lt3A = arith.constant 4 : i32
    %lt3A_1 = arith.cmpi slt, %add3A, %lt3A : i32
    %jit3A = arith.constant 79 : i32
    %jit3A_2 = arith.constant 78 : i32
    %select_n3A = arith.select %lt3A_1, %jit3A, %jit3A_2 : i32
    %mul3A_3 = arith.constant 78 : i32
    %mul3A_4 = arith.muli %add3A, %mul3A_3 : i32
    %run_scoped3A = arith.constant 1 : i32
    "tpu.region"() ({
      %run_scoped3A_35 = tpu.sem_alloc : memref<!tpu.dma_semaphore, #tpu.memory_space<semaphore_mem>>
      %dma_start3A = arith.constant 0 : i32
      %dma_start3A_36 = arith.constant 0 : i32
      %dma_start3A_37 = tpu.memref_slice %arg4[%dma_start3A, %dma_start3A_36] : memref<79x128xi32, #tpu.memory_space<vmem>> -> memref<78x128xi32, #tpu.memory_space<vmem>>
      %dma_start3A_38 = arith.constant 0 : i32
      %dma_start3A_39 = tpu.memref_slice %arg2[%run_scoped3A, %mul3A_4, %dma_start3A_38] : memref<2x2500x128xi32, #tpu.memory_space<hbm>> -> memref<1x78x128xi32, #tpu.memory_space<hbm>>
      %dma_start3A_40 = tpu.memref_squeeze %dma_start3A_39 : memref<1x78x128xi32, #tpu.memory_space<hbm>> -> memref<78x128xi32, #tpu.memory_space<hbm>>
      %dma_start3A_41 = arith.constant 0 : i32
      %dma_start3A_42 = arith.constant 0 : i32
      %dma_start3A_43 = tpu.memref_slice %arg4[%dma_start3A_41, %dma_start3A_42] : memref<79x128xi32, #tpu.memory_space<vmem>> -> memref<78x128xi32, #tpu.memory_space<vmem>>
      %dma_start3A_44 = arith.constant 0 : i32
      %dma_start3A_45 = tpu.memref_slice %arg2[%run_scoped3A, %mul3A_4, %dma_start3A_44] : memref<2x2500x128xi32, #tpu.memory_space<hbm>> -> memref<1x78x128xi32, #tpu.memory_space<hbm>>
      %dma_start3A_46 = tpu.memref_squeeze %dma_start3A_45 : memref<1x78x128xi32, #tpu.memory_space<hbm>> -> memref<78x128xi32, #tpu.memory_space<hbm>>
      tpu.enqueue_dma source(%dma_start3A_46 : memref<78x128xi32, #tpu.memory_space<hbm>>) target(%dma_start3A_43 : memref<78x128xi32, #tpu.memory_space<vmem>>) target_semaphore(%run_scoped3A_35 : memref<!tpu.dma_semaphore, #tpu.memory_space<semaphore_mem>>)
      %dma_wait3A = arith.constant 0 : i32
      %dma_wait3A_47 = arith.constant 0 : i32
      %dma_wait3A_48 = tpu.memref_slice %arg4[%dma_wait3A, %dma_wait3A_47] : memref<79x128xi32, #tpu.memory_space<vmem>> -> memref<78x128xi32, #tpu.memory_space<vmem>>
      %dma_wait3A_49 = arith.constant 0 : i32
      %dma_wait3A_50 = tpu.memref_slice %arg2[%run_scoped3A, %mul3A_4, %dma_wait3A_49] : memref<2x2500x128xi32, #tpu.memory_space<hbm>> -> memref<1x78x128xi32, #tpu.memory_space<hbm>>
      %dma_wait3A_51 = tpu.memref_squeeze %dma_wait3A_50 : memref<1x78x128xi32, #tpu.memory_space<hbm>> -> memref<78x128xi32, #tpu.memory_space<hbm>>
      %dma_wait3A_52 = arith.constant 0 : i32
      %dma_wait3A_53 = arith.constant 0 : i32
      %dma_wait3A_54 = tpu.memref_slice %arg4[%dma_wait3A_52, %dma_wait3A_53] : memref<79x128xi32, #tpu.memory_space<vmem>> -> memref<78x128xi32, #tpu.memory_space<vmem>>
      %dma_wait3A_55 = arith.constant 0 : i32
      %dma_wait3A_56 = tpu.memref_slice %arg2[%run_scoped3A, %mul3A_4, %dma_wait3A_55] : memref<2x2500x128xi32, #tpu.memory_space<hbm>> -> memref<1x78x128xi32, #tpu.memory_space<hbm>>
      %dma_wait3A_57 = tpu.memref_squeeze %dma_wait3A_56 : memref<1x78x128xi32, #tpu.memory_space<hbm>> -> memref<78x128xi32, #tpu.memory_space<hbm>>
      tpu.wait_dma2 semaphore(%run_scoped3A_35 : memref<!tpu.dma_semaphore, #tpu.memory_space<semaphore_mem>>) src(%dma_wait3A_57 : memref<78x128xi32, #tpu.memory_space<hbm>>) dst(%dma_wait3A_54 : memref<78x128xi32, #tpu.memory_space<vmem>>)
      tpu.yield
    }) : () -> ()
    %lt3A_5 = arith.constant 4 : i32
    %lt3A_6 = arith.cmpi slt, %add3A, %lt3A_5 : i32
    %convert_element_type3A = arith.extui %lt3A_6 : i1 to i32
    %cond3A = arith.constant 0 : i32
    %cond3A_7 = arith.cmpi ne, %convert_element_type3A, %cond3A : i32
    scf.if %cond3A_7 {
      %add3A_35 = arith.constant 2496 : i32
      %add3A_36 = arith.addi %add3A_35, %add3A : i32
      %run_scoped3A_37 = arith.constant 1 : i32
      "tpu.region"() ({
        %run_scoped3A_38 = tpu.sem_alloc : memref<!tpu.dma_semaphore, #tpu.memory_space<semaphore_mem>>
        %dma_start3A = arith.constant 78 : i32
        %dma_start3A_39 = arith.constant 0 : i32
        %dma_start3A_40 = tpu.memref_slice %arg4[%dma_start3A, %dma_start3A_39] : memref<79x128xi32, #tpu.memory_space<vmem>> -> memref<1x128xi32, #tpu.memory_space<vmem>>
        %dma_start3A_41 = arith.constant 0 : i32
        %dma_start3A_42 = tpu.memref_slice %arg2[%run_scoped3A_37, %add3A_36, %dma_start3A_41] : memref<2x2500x128xi32, #tpu.memory_space<hbm>> -> memref<1x1x128xi32, #tpu.memory_space<hbm>>
        %dma_start3A_43 = tpu.memref_squeeze %dma_start3A_42 : memref<1x1x128xi32, #tpu.memory_space<hbm>> -> memref<1x128xi32, #tpu.memory_space<hbm>>
        %dma_start3A_44 = arith.constant 78 : i32
        %dma_start3A_45 = arith.constant 0 : i32
        %dma_start3A_46 = tpu.memref_slice %arg4[%dma_start3A_44, %dma_start3A_45] : memref<79x128xi32, #tpu.memory_space<vmem>> -> memref<1x128xi32, #tpu.memory_space<vmem>>
        %dma_start3A_47 = arith.constant 0 : i32
        %dma_start3A_48 = tpu.memref_slice %arg2[%run_scoped3A_37, %add3A_36, %dma_start3A_47] : memref<2x2500x128xi32, #tpu.memory_space<hbm>> -> memref<1x1x128xi32, #tpu.memory_space<hbm>>
        %dma_start3A_49 = tpu.memref_squeeze %dma_start3A_48 : memref<1x1x128xi32, #tpu.memory_space<hbm>> -> memref<1x128xi32, #tpu.memory_space<hbm>>
        tpu.enqueue_dma source(%dma_start3A_49 : memref<1x128xi32, #tpu.memory_space<hbm>>) target(%dma_start3A_46 : memref<1x128xi32, #tpu.memory_space<vmem>>) target_semaphore(%run_scoped3A_38 : memref<!tpu.dma_semaphore, #tpu.memory_space<semaphore_mem>>)
        %dma_wait3A = arith.constant 78 : i32
        %dma_wait3A_50 = arith.constant 0 : i32
        %dma_wait3A_51 = tpu.memref_slice %arg4[%dma_wait3A, %dma_wait3A_50] : memref<79x128xi32, #tpu.memory_space<vmem>> -> memref<1x128xi32, #tpu.memory_space<vmem>>
        %dma_wait3A_52 = arith.constant 0 : i32
        %dma_wait3A_53 = tpu.memref_slice %arg2[%run_scoped3A_37, %add3A_36, %dma_wait3A_52] : memref<2x2500x128xi32, #tpu.memory_space<hbm>> -> memref<1x1x128xi32, #tpu.memory_space<hbm>>
        %dma_wait3A_54 = tpu.memref_squeeze %dma_wait3A_53 : memref<1x1x128xi32, #tpu.memory_space<hbm>> -> memref<1x128xi32, #tpu.memory_space<hbm>>
        %dma_wait3A_55 = arith.constant 78 : i32
        %dma_wait3A_56 = arith.constant 0 : i32
        %dma_wait3A_57 = tpu.memref_slice %arg4[%dma_wait3A_55, %dma_wait3A_56] : memref<79x128xi32, #tpu.memory_space<vmem>> -> memref<1x128xi32, #tpu.memory_space<vmem>>
        %dma_wait3A_58 = arith.constant 0 : i32
        %dma_wait3A_59 = tpu.memref_slice %arg2[%run_scoped3A_37, %add3A_36, %dma_wait3A_58] : memref<2x2500x128xi32, #tpu.memory_space<hbm>> -> memref<1x1x128xi32, #tpu.memory_space<hbm>>
        %dma_wait3A_60 = tpu.memref_squeeze %dma_wait3A_59 : memref<1x1x128xi32, #tpu.memory_space<hbm>> -> memref<1x128xi32, #tpu.memory_space<hbm>>
        tpu.wait_dma2 semaphore(%run_scoped3A_38 : memref<!tpu.dma_semaphore, #tpu.memory_space<semaphore_mem>>) src(%dma_wait3A_60 : memref<1x128xi32, #tpu.memory_space<hbm>>) dst(%dma_wait3A_57 : memref<1x128xi32, #tpu.memory_space<vmem>>)
        tpu.yield
      }) : () -> ()
    } else {
    }
    %scan3A = arith.constant 0 : i32
    %scan3A_8 = arith.constant 0 : i32
    %scan3A_9 = arith.constant 128 : i32
    %scan3A_10 = arith.addi %scan3A_8, %scan3A_9 : i32
    %scan3A_11 = arith.constant 1 : i32
    scf.for %scan3A_35 = %scan3A_8 to %scan3A_10 step %scan3A_11  : i32 {
      %broadcast_in_dim3A = arith.constant 1.000000e+00 : f32
      %broadcast_in_dim3A_36 = vector.broadcast %broadcast_in_dim3A : f32 to vector<16xf32>
      %swap3A = arith.index_cast %scan3A_35 : i32 to index
      %swap3A_37 = arith.constant 0 : index
      %swap3A_38 = tpu.vector_load %arg5[%swap3A, %swap3A_37] {strides = array<i32>} : memref<128x16xf32, #tpu.memory_space<vmem>>, vector<1x16xf32>,
      %swap3A_39 = vector.shape_cast %swap3A_38 : vector<1x16xf32> to vector<16xf32>
      %swap3A_40 = vector.shape_cast %broadcast_in_dim3A_36 : vector<16xf32> to vector<1x16xf32>
      tpu.vector_store %arg5[%swap3A, %swap3A_37], %swap3A_40 {strides = array<i32>} : memref<128x16xf32, #tpu.memory_space<vmem>>, vector<1x16xf32>,
      %broadcast_in_dim3A_41 = arith.constant 0.000000e+00 : f32
      %broadcast_in_dim3A_42 = vector.broadcast %broadcast_in_dim3A_41 : f32 to vector<16xf32>
      %swap3A_43 = arith.index_cast %scan3A_35 : i32 to index
      %swap3A_44 = arith.constant 0 : index
      %swap3A_45 = tpu.vector_load %arg6[%swap3A_43, %swap3A_44] {strides = array<i32>} : memref<128x16xf32, #tpu.memory_space<vmem>>, vector<1x16xf32>,
      %swap3A_46 = vector.shape_cast %swap3A_45 : vector<1x16xf32> to vector<16xf32>
      %swap3A_47 = vector.shape_cast %broadcast_in_dim3A_42 : vector<16xf32> to vector<1x16xf32>
      tpu.vector_store %arg6[%swap3A_43, %swap3A_44], %swap3A_47 {strides = array<i32>} : memref<128x16xf32, #tpu.memory_space<vmem>>, vector<1x16xf32>,
    }
    %scan3A_12 = arith.constant 128 : i32
    %mul3A_13 = arith.constant 632 : i32
    %mul3A_14 = arith.muli %arg1, %mul3A_13 : i32
    %add3A_15 = arith.constant 0 : i32
    %add3A_16 = arith.addi %mul3A_14, %add3A_15 : i32
    "tpu.region"() ({
      %run_scoped3A_35 = tpu.sem_alloc : memref<!tpu.dma_semaphore, #tpu.memory_space<semaphore_mem>>
      %dma_start3A = arith.constant 0 : i32
      %dma_start3A_36 = arith.constant 0 : i32
      %dma_start3A_37 = tpu.memref_slice %arg6[%dma_start3A, %dma_start3A_36] : memref<128x16xf32, #tpu.memory_space<vmem>> -> memref<128x16xf32, #tpu.memory_space<vmem>>
      %dma_start3A_38 = arith.constant 0 : i32
      %dma_start3A_39 = tpu.memref_slice %arg7[%add3A_16, %dma_start3A_38] : memref<10112x16xf32, #tpu.memory_space<vmem_shared>> -> memref<128x16xf32, #tpu.memory_space<vmem_shared>>
      %dma_start3A_40 = arith.constant 0 : i32
      %dma_start3A_41 = tpu.memref_slice %arg7[%add3A_16, %dma_start3A_40] : memref<10112x16xf32, #tpu.memory_space<vmem_shared>> -> memref<128x16xf32, #tpu.memory_space<vmem_shared>>
      %dma_start3A_42 = arith.constant 0 : i32
      %dma_start3A_43 = arith.constant 0 : i32
      %dma_start3A_44 = tpu.memref_slice %arg6[%dma_start3A_42, %dma_start3A_43] : memref<128x16xf32, #tpu.memory_space<vmem>> -> memref<128x16xf32, #tpu.memory_space<vmem>>
      tpu.enqueue_dma source(%dma_start3A_44 : memref<128x16xf32, #tpu.memory_space<vmem>>) target(%dma_start3A_41 : memref<128x16xf32, #tpu.memory_space<vmem_shared>>) target_semaphore(%run_scoped3A_35 : memref<!tpu.dma_semaphore, #tpu.memory_space<semaphore_mem>>)
      %dma_wait3A = arith.constant 0 : i32
      %dma_wait3A_45 = arith.constant 0 : i32
      %dma_wait3A_46 = tpu.memref_slice %arg6[%dma_wait3A, %dma_wait3A_45] : memref<128x16xf32, #tpu.memory_space<vmem>> -> memref<128x16xf32, #tpu.memory_space<vmem>>
      %dma_wait3A_47 = arith.constant 0 : i32
      %dma_wait3A_48 = tpu.memref_slice %arg7[%add3A_16, %dma_wait3A_47] : memref<10112x16xf32, #tpu.memory_space<vmem_shared>> -> memref<128x16xf32, #tpu.memory_space<vmem_shared>>
      %dma_wait3A_49 = arith.constant 0 : i32
      %dma_wait3A_50 = tpu.memref_slice %arg7[%add3A_16, %dma_wait3A_49] : memref<10112x16xf32, #tpu.memory_space<vmem_shared>> -> memref<128x16xf32, #tpu.memory_space<vmem_shared>>
      %dma_wait3A_51 = arith.constant 0 : i32
      %dma_wait3A_52 = arith.constant 0 : i32
      %dma_wait3A_53 = tpu.memref_slice %arg6[%dma_wait3A_51, %dma_wait3A_52] : memref<128x16xf32, #tpu.memory_space<vmem>> -> memref<128x16xf32, #tpu.memory_space<vmem>>
      tpu.wait_dma2 semaphore(%run_scoped3A_35 : memref<!tpu.dma_semaphore, #tpu.memory_space<semaphore_mem>>) src(%dma_wait3A_53 : memref<128x16xf32, #tpu.memory_space<vmem>>) dst(%dma_wait3A_50 : memref<128x16xf32, #tpu.memory_space<vmem_shared>>)
      tpu.yield
    }) : () -> ()
    %add3A_17 = arith.constant 128 : i32
    %add3A_18 = arith.addi %mul3A_14, %add3A_17 : i32
    "tpu.region"() ({
      %run_scoped3A_35 = tpu.sem_alloc : memref<!tpu.dma_semaphore, #tpu.memory_space<semaphore_mem>>
      %dma_start3A = arith.constant 0 : i32
      %dma_start3A_36 = arith.constant 0 : i32
      %dma_start3A_37 = tpu.memref_slice %arg6[%dma_start3A, %dma_start3A_36] : memref<128x16xf32, #tpu.memory_space<vmem>> -> memref<128x16xf32, #tpu.memory_space<vmem>>
      %dma_start3A_38 = arith.constant 0 : i32
      %dma_start3A_39 = tpu.memref_slice %arg7[%add3A_18, %dma_start3A_38] : memref<10112x16xf32, #tpu.memory_space<vmem_shared>> -> memref<128x16xf32, #tpu.memory_space<vmem_shared>>
      %dma_start3A_40 = arith.constant 0 : i32
      %dma_start3A_41 = tpu.memref_slice %arg7[%add3A_18, %dma_start3A_40] : memref<10112x16xf32, #tpu.memory_space<vmem_shared>> -> memref<128x16xf32, #tpu.memory_space<vmem_shared>>
      %dma_start3A_42 = arith.constant 0 : i32
      %dma_start3A_43 = arith.constant 0 : i32
      %dma_start3A_44 = tpu.memref_slice %arg6[%dma_start3A_42, %dma_start3A_43] : memref<128x16xf32, #tpu.memory_space<vmem>> -> memref<128x16xf32, #tpu.memory_space<vmem>>
      tpu.enqueue_dma source(%dma_start3A_44 : memref<128x16xf32, #tpu.memory_space<vmem>>) target(%dma_start3A_41 : memref<128x16xf32, #tpu.memory_space<vmem_shared>>) target_semaphore(%run_scoped3A_35 : memref<!tpu.dma_semaphore, #tpu.memory_space<semaphore_mem>>)
      %dma_wait3A = arith.constant 0 : i32
      %dma_wait3A_45 = arith.constant 0 : i32
      %dma_wait3A_46 = tpu.memref_slice %arg6[%dma_wait3A, %dma_wait3A_45] : memref<128x16xf32, #tpu.memory_space<vmem>> -> memref<128x16xf32, #tpu.memory_space<vmem>>
      %dma_wait3A_47 = arith.constant 0 : i32
      %dma_wait3A_48 = tpu.memref_slice %arg7[%add3A_18, %dma_wait3A_47] : memref<10112x16xf32, #tpu.memory_space<vmem_shared>> -> memref<128x16xf32, #tpu.memory_space<vmem_shared>>
      %dma_wait3A_49 = arith.constant 0 : i32
      %dma_wait3A_50 = tpu.memref_slice %arg7[%add3A_18, %dma_wait3A_49] : memref<10112x16xf32, #tpu.memory_space<vmem_shared>> -> memref<128x16xf32, #tpu.memory_space<vmem_shared>>
      %dma_wait3A_51 = arith.constant 0 : i32
      %dma_wait3A_52 = arith.constant 0 : i32
      %dma_wait3A_53 = tpu.memref_slice %arg6[%dma_wait3A_51, %dma_wait3A_52] : memref<128x16xf32, #tpu.memory_space<vmem>> -> memref<128x16xf32, #tpu.memory_space<vmem>>
      tpu.wait_dma2 semaphore(%run_scoped3A_35 : memref<!tpu.dma_semaphore, #tpu.memory_space<semaphore_mem>>) src(%dma_wait3A_53 : memref<128x16xf32, #tpu.memory_space<vmem>>) dst(%dma_wait3A_50 : memref<128x16xf32, #tpu.memory_space<vmem_shared>>)
      tpu.yield
    }) : () -> ()
    %add3A_19 = arith.constant 256 : i32
    %add3A_20 = arith.addi %mul3A_14, %add3A_19 : i32
    "tpu.region"() ({
      %run_scoped3A_35 = tpu.sem_alloc : memref<!tpu.dma_semaphore, #tpu.memory_space<semaphore_mem>>
      %dma_start3A = arith.constant 0 : i32
      %dma_start3A_36 = arith.constant 0 : i32
      %dma_start3A_37 = tpu.memref_slice %arg6[%dma_start3A, %dma_start3A_36] : memref<128x16xf32, #tpu.memory_space<vmem>> -> memref<128x16xf32, #tpu.memory_space<vmem>>
      %dma_start3A_38 = arith.constant 0 : i32
      %dma_start3A_39 = tpu.memref_slice %arg7[%add3A_20, %dma_start3A_38] : memref<10112x16xf32, #tpu.memory_space<vmem_shared>> -> memref<128x16xf32, #tpu.memory_space<vmem_shared>>
      %dma_start3A_40 = arith.constant 0 : i32
      %dma_start3A_41 = tpu.memref_slice %arg7[%add3A_20, %dma_start3A_40] : memref<10112x16xf32, #tpu.memory_space<vmem_shared>> -> memref<128x16xf32, #tpu.memory_space<vmem_shared>>
      %dma_start3A_42 = arith.constant 0 : i32
      %dma_start3A_43 = arith.constant 0 : i32
      %dma_start3A_44 = tpu.memref_slice %arg6[%dma_start3A_42, %dma_start3A_43] : memref<128x16xf32, #tpu.memory_space<vmem>> -> memref<128x16xf32, #tpu.memory_space<vmem>>
      tpu.enqueue_dma source(%dma_start3A_44 : memref<128x16xf32, #tpu.memory_space<vmem>>) target(%dma_start3A_41 : memref<128x16xf32, #tpu.memory_space<vmem_shared>>) target_semaphore(%run_scoped3A_35 : memref<!tpu.dma_semaphore, #tpu.memory_space<semaphore_mem>>)
      %dma_wait3A = arith.constant 0 : i32
      %dma_wait3A_45 = arith.constant 0 : i32
      %dma_wait3A_46 = tpu.memref_slice %arg6[%dma_wait3A, %dma_wait3A_45] : memref<128x16xf32, #tpu.memory_space<vmem>> -> memref<128x16xf32, #tpu.memory_space<vmem>>
      %dma_wait3A_47 = arith.constant 0 : i32
      %dma_wait3A_48 = tpu.memref_slice %arg7[%add3A_20, %dma_wait3A_47] : memref<10112x16xf32, #tpu.memory_space<vmem_shared>> -> memref<128x16xf32, #tpu.memory_space<vmem_shared>>
      %dma_wait3A_49 = arith.constant 0 : i32
      %dma_wait3A_50 = tpu.memref_slice %arg7[%add3A_20, %dma_wait3A_49] : memref<10112x16xf32, #tpu.memory_space<vmem_shared>> -> memref<128x16xf32, #tpu.memory_space<vmem_shared>>
      %dma_wait3A_51 = arith.constant 0 : i32
      %dma_wait3A_52 = arith.constant 0 : i32
      %dma_wait3A_53 = tpu.memref_slice %arg6[%dma_wait3A_51, %dma_wait3A_52] : memref<128x16xf32, #tpu.memory_space<vmem>> -> memref<128x16xf32, #tpu.memory_space<vmem>>
      tpu.wait_dma2 semaphore(%run_scoped3A_35 : memref<!tpu.dma_semaphore, #tpu.memory_space<semaphore_mem>>) src(%dma_wait3A_53 : memref<128x16xf32, #tpu.memory_space<vmem>>) dst(%dma_wait3A_50 : memref<128x16xf32, #tpu.memory_space<vmem_shared>>)
      tpu.yield
    }) : () -> ()
    %add3A_21 = arith.constant 384 : i32
    %add3A_22 = arith.addi %mul3A_14, %add3A_21 : i32
    "tpu.region"() ({
      %run_scoped3A_35 = tpu.sem_alloc : memref<!tpu.dma_semaphore, #tpu.memory_space<semaphore_mem>>
      %dma_start3A = arith.constant 0 : i32
      %dma_start3A_36 = arith.constant 0 : i32
      %dma_start3A_37 = tpu.memref_slice %arg6[%dma_start3A, %dma_start3A_36] : memref<128x16xf32, #tpu.memory_space<vmem>> -> memref<128x16xf32, #tpu.memory_space<vmem>>
      %dma_start3A_38 = arith.constant 0 : i32
      %dma_start3A_39 = tpu.memref_slice %arg7[%add3A_22, %dma_start3A_38] : memref<10112x16xf32, #tpu.memory_space<vmem_shared>> -> memref<128x16xf32, #tpu.memory_space<vmem_shared>>
      %dma_start3A_40 = arith.constant 0 : i32
      %dma_start3A_41 = tpu.memref_slice %arg7[%add3A_22, %dma_start3A_40] : memref<10112x16xf32, #tpu.memory_space<vmem_shared>> -> memref<128x16xf32, #tpu.memory_space<vmem_shared>>
      %dma_start3A_42 = arith.constant 0 : i32
      %dma_start3A_43 = arith.constant 0 : i32
      %dma_start3A_44 = tpu.memref_slice %arg6[%dma_start3A_42, %dma_start3A_43] : memref<128x16xf32, #tpu.memory_space<vmem>> -> memref<128x16xf32, #tpu.memory_space<vmem>>
      tpu.enqueue_dma source(%dma_start3A_44 : memref<128x16xf32, #tpu.memory_space<vmem>>) target(%dma_start3A_41 : memref<128x16xf32, #tpu.memory_space<vmem_shared>>) target_semaphore(%run_scoped3A_35 : memref<!tpu.dma_semaphore, #tpu.memory_space<semaphore_mem>>)
      %dma_wait3A = arith.constant 0 : i32
      %dma_wait3A_45 = arith.constant 0 : i32
      %dma_wait3A_46 = tpu.memref_slice %arg6[%dma_wait3A, %dma_wait3A_45] : memref<128x16xf32, #tpu.memory_space<vmem>> -> memref<128x16xf32, #tpu.memory_space<vmem>>
      %dma_wait3A_47 = arith.constant 0 : i32
      %dma_wait3A_48 = tpu.memref_slice %arg7[%add3A_22, %dma_wait3A_47] : memref<10112x16xf32, #tpu.memory_space<vmem_shared>> -> memref<128x16xf32, #tpu.memory_space<vmem_shared>>
      %dma_wait3A_49 = arith.constant 0 : i32
      %dma_wait3A_50 = tpu.memref_slice %arg7[%add3A_22, %dma_wait3A_49] : memref<10112x16xf32, #tpu.memory_space<vmem_shared>> -> memref<128x16xf32, #tpu.memory_space<vmem_shared>>
      %dma_wait3A_51 = arith.constant 0 : i32
      %dma_wait3A_52 = arith.constant 0 : i32
      %dma_wait3A_53 = tpu.memref_slice %arg6[%dma_wait3A_51, %dma_wait3A_52] : memref<128x16xf32, #tpu.memory_space<vmem>> -> memref<128x16xf32, #tpu.memory_space<vmem>>
      tpu.wait_dma2 semaphore(%run_scoped3A_35 : memref<!tpu.dma_semaphore, #tpu.memory_space<semaphore_mem>>) src(%dma_wait3A_53 : memref<128x16xf32, #tpu.memory_space<vmem>>) dst(%dma_wait3A_50 : memref<128x16xf32, #tpu.memory_space<vmem_shared>>)
      tpu.yield
    }) : () -> ()
    %add3A_23 = arith.constant 512 : i32
    %add3A_24 = arith.addi %mul3A_14, %add3A_23 : i32
    "tpu.region"() ({
      %run_scoped3A_35 = tpu.sem_alloc : memref<!tpu.dma_semaphore, #tpu.memory_space<semaphore_mem>>
      %dma_start3A = arith.constant 0 : i32
      %dma_start3A_36 = arith.constant 0 : i32
      %dma_start3A_37 = tpu.memref_slice %arg6[%dma_start3A, %dma_start3A_36] : memref<128x16xf32, #tpu.memory_space<vmem>> -> memref<120x16xf32, #tpu.memory_space<vmem>>
      %dma_start3A_38 = arith.constant 0 : i32
      %dma_start3A_39 = tpu.memref_slice %arg7[%add3A_24, %dma_start3A_38] : memref<10112x16xf32, #tpu.memory_space<vmem_shared>> -> memref<120x16xf32, #tpu.memory_space<vmem_shared>>
      %dma_start3A_40 = arith.constant 0 : i32
      %dma_start3A_41 = tpu.memref_slice %arg7[%add3A_24, %dma_start3A_40] : memref<10112x16xf32, #tpu.memory_space<vmem_shared>> -> memref<120x16xf32, #tpu.memory_space<vmem_shared>>
      %dma_start3A_42 = arith.constant 0 : i32
      %dma_start3A_43 = arith.constant 0 : i32
      %dma_start3A_44 = tpu.memref_slice %arg6[%dma_start3A_42, %dma_start3A_43] : memref<128x16xf32, #tpu.memory_space<vmem>> -> memref<120x16xf32, #tpu.memory_space<vmem>>
      tpu.enqueue_dma source(%dma_start3A_44 : memref<120x16xf32, #tpu.memory_space<vmem>>) target(%dma_start3A_41 : memref<120x16xf32, #tpu.memory_space<vmem_shared>>) target_semaphore(%run_scoped3A_35 : memref<!tpu.dma_semaphore, #tpu.memory_space<semaphore_mem>>)
      %dma_wait3A = arith.constant 0 : i32
      %dma_wait3A_45 = arith.constant 0 : i32
      %dma_wait3A_46 = tpu.memref_slice %arg6[%dma_wait3A, %dma_wait3A_45] : memref<128x16xf32, #tpu.memory_space<vmem>> -> memref<120x16xf32, #tpu.memory_space<vmem>>
      %dma_wait3A_47 = arith.constant 0 : i32
      %dma_wait3A_48 = tpu.memref_slice %arg7[%add3A_24, %dma_wait3A_47] : memref<10112x16xf32, #tpu.memory_space<vmem_shared>> -> memref<120x16xf32, #tpu.memory_space<vmem_shared>>
      %dma_wait3A_49 = arith.constant 0 : i32
      %dma_wait3A_50 = tpu.memref_slice %arg7[%add3A_24, %dma_wait3A_49] : memref<10112x16xf32, #tpu.memory_space<vmem_shared>> -> memref<120x16xf32, #tpu.memory_space<vmem_shared>>
      %dma_wait3A_51 = arith.constant 0 : i32
      %dma_wait3A_52 = arith.constant 0 : i32
      %dma_wait3A_53 = tpu.memref_slice %arg6[%dma_wait3A_51, %dma_wait3A_52] : memref<128x16xf32, #tpu.memory_space<vmem>> -> memref<120x16xf32, #tpu.memory_space<vmem>>
      tpu.wait_dma2 semaphore(%run_scoped3A_35 : memref<!tpu.dma_semaphore, #tpu.memory_space<semaphore_mem>>) src(%dma_wait3A_53 : memref<120x16xf32, #tpu.memory_space<vmem>>) dst(%dma_wait3A_50 : memref<120x16xf32, #tpu.memory_space<vmem_shared>>)
      tpu.yield
    }) : () -> ()
    %barrier3A = arith.constant 0 : index
    tpu.barrier barrier_id(%barrier3A)
    %while3A = arith.constant 0 : i32
    %while3A_25 = arith.constant 0 : i32
    %while3A_26 = arith.subi %select_n3A, %while3A_25 : i32
    %while3A_27 = arith.addi %while3A_25, %while3A_26 : i32
    %while3A_28 = arith.constant 1 : i32
    %while3A_29 = arith.divsi %while3A_26, %while3A_28 : i32
    %while3A_30 = arith.muli %while3A_29, %while3A_28 : i32
    %while3A_31 = arith.addi %while3A_25, %while3A_30 : i32
    %while3A_32 = arith.constant 1 : i32
    scf.for %while3A_35 = %while3A_25 to %while3A_31 step %while3A_32  : i32 {
      "tpu.region"() ({
        %run_scoped3A_36 = tpu.sem_alloc : memref<!tpu.dma_semaphore, #tpu.memory_space<semaphore_mem>>
        %dma_start3A = arith.constant 0 : i32
        %dma_start3A_37 = tpu.memref_slice %arg4[%while3A_35, %dma_start3A] : memref<79x128xi32, #tpu.memory_space<vmem>> -> memref<1x128xi32, #tpu.memory_space<vmem>>
        %dma_start3A_38 = tpu.memref_squeeze %dma_start3A_37 : memref<1x128xi32, #tpu.memory_space<vmem>> -> memref<128xi32, #tpu.memory_space<vmem>>
        %dma_start3A_39 = arith.constant 0 : i32
        %dma_start3A_40 = arith.constant 0 : i32
        %dma_start3A_41 = tpu.memref_slice %arg7[%dma_start3A_39, %dma_start3A_40] : memref<10112x16xf32, #tpu.memory_space<vmem_shared>> -> memref<10112x16xf32, #tpu.memory_space<vmem_shared>>
        tpu.enqueue_indirect_dma source(%arg5 : memref<128x16xf32, #tpu.memory_space<vmem>>) target(%dma_start3A_41 : memref<10112x16xf32, #tpu.memory_space<vmem_shared>>) offsets(%dma_start3A_38 : memref<128xi32, #tpu.memory_space<vmem>>) semaphore(%run_scoped3A_36 : memref<!tpu.dma_semaphore, #tpu.memory_space<semaphore_mem>>) {add = true}
        %dma_wait3A = arith.constant 0 : i32
        %dma_wait3A_42 = tpu.memref_slice %arg4[%while3A_35, %dma_wait3A] : memref<79x128xi32, #tpu.memory_space<vmem>> -> memref<1x128xi32, #tpu.memory_space<vmem>>
        %dma_wait3A_43 = tpu.memref_squeeze %dma_wait3A_42 : memref<1x128xi32, #tpu.memory_space<vmem>> -> memref<128xi32, #tpu.memory_space<vmem>>
        %dma_wait3A_44 = arith.constant 0 : i32
        %dma_wait3A_45 = arith.constant 0 : i32
        %dma_wait3A_46 = tpu.memref_slice %arg7[%dma_wait3A_44, %dma_wait3A_45] : memref<10112x16xf32, #tpu.memory_space<vmem_shared>> -> memref<10112x16xf32, #tpu.memory_space<vmem_shared>>
        tpu.wait_indirect_dma semaphore(%run_scoped3A_36 : memref<!tpu.dma_semaphore, #tpu.memory_space<semaphore_mem>>) src(%arg5 : memref<128x16xf32, #tpu.memory_space<vmem>>) dst(%dma_wait3A_46 : memref<10112x16xf32, #tpu.memory_space<vmem_shared>>)
        tpu.yield
      }) : () -> ()
    }
    %while3A_33 = arith.constant 1 : i32
    scf.for %while3A_35 = %while3A_31 to %while3A_27 step %while3A_33  : i32 {
      "tpu.region"() ({
        %run_scoped3A_36 = tpu.sem_alloc : memref<!tpu.dma_semaphore, #tpu.memory_space<semaphore_mem>>
        %dma_start3A = arith.constant 0 : i32
        %dma_start3A_37 = tpu.memref_slice %arg4[%while3A_35, %dma_start3A] : memref<79x128xi32, #tpu.memory_space<vmem>> -> memref<1x128xi32, #tpu.memory_space<vmem>>
        %dma_start3A_38 = tpu.memref_squeeze %dma_start3A_37 : memref<1x128xi32, #tpu.memory_space<vmem>> -> memref<128xi32, #tpu.memory_space<vmem>>
        %dma_start3A_39 = arith.constant 0 : i32
        %dma_start3A_40 = arith.constant 0 : i32
        %dma_start3A_41 = tpu.memref_slice %arg7[%dma_start3A_39, %dma_start3A_40] : memref<10112x16xf32, #tpu.memory_space<vmem_shared>> -> memref<10112x16xf32, #tpu.memory_space<vmem_shared>>
        tpu.enqueue_indirect_dma source(%arg5 : memref<128x16xf32, #tpu.memory_space<vmem>>) target(%dma_start3A_41 : memref<10112x16xf32, #tpu.memory_space<vmem_shared>>) offsets(%dma_start3A_38 : memref<128xi32, #tpu.memory_space<vmem>>) semaphore(%run_scoped3A_36 : memref<!tpu.dma_semaphore, #tpu.memory_space<semaphore_mem>>) {add = true}
        %dma_wait3A = arith.constant 0 : i32
        %dma_wait3A_42 = tpu.memref_slice %arg4[%while3A_35, %dma_wait3A] : memref<79x128xi32, #tpu.memory_space<vmem>> -> memref<1x128xi32, #tpu.memory_space<vmem>>
        %dma_wait3A_43 = tpu.memref_squeeze %dma_wait3A_42 : memref<1x128xi32, #tpu.memory_space<vmem>> -> memref<128xi32, #tpu.memory_space<vmem>>
        %dma_wait3A_44 = arith.constant 0 : i32
        %dma_wait3A_45 = arith.constant 0 : i32
        %dma_wait3A_46 = tpu.memref_slice %arg7[%dma_wait3A_44, %dma_wait3A_45] : memref<10112x16xf32, #tpu.memory_space<vmem_shared>> -> memref<10112x16xf32, #tpu.memory_space<vmem_shared>>
        tpu.wait_indirect_dma semaphore(%run_scoped3A_36 : memref<!tpu.dma_semaphore, #tpu.memory_space<semaphore_mem>>) src(%arg5 : memref<128x16xf32, #tpu.memory_space<vmem>>) dst(%dma_wait3A_46 : memref<10112x16xf32, #tpu.memory_space<vmem_shared>>)
        tpu.yield
      }) : () -> ()
    }
    %barrier3A_34 = arith.constant 0 : index
    tpu.barrier barrier_id(%barrier3A_34)
    "tpu.region"() ({
      %run_scoped3A_35 = tpu.sem_alloc : memref<!tpu.dma_semaphore, #tpu.memory_space<semaphore_mem>>
      %dma_start3A = arith.constant 0 : i32
      %dma_start3A_36 = tpu.memref_slice %arg3[%arg0, %mul3A_14, %dma_start3A] : memref<2x10112x16xf32, #tpu.memory_space<hbm>> -> memref<1x632x16xf32, #tpu.memory_space<hbm>>
      %dma_start3A_37 = tpu.memref_squeeze %dma_start3A_36 : memref<1x632x16xf32, #tpu.memory_space<hbm>> -> memref<632x16xf32, #tpu.memory_space<hbm>>
      %dma_start3A_38 = arith.constant 0 : i32
      %dma_start3A_39 = tpu.memref_slice %arg7[%mul3A_14, %dma_start3A_38] : memref<10112x16xf32, #tpu.memory_space<vmem_shared>> -> memref<632x16xf32, #tpu.memory_space<vmem_shared>>
      tpu.enqueue_dma source(%dma_start3A_39 : memref<632x16xf32, #tpu.memory_space<vmem_shared>>) target(%dma_start3A_37 : memref<632x16xf32, #tpu.memory_space<hbm>>) target_semaphore(%run_scoped3A_35 : memref<!tpu.dma_semaphore, #tpu.memory_space<semaphore_mem>>)
      %dma_wait3A = arith.constant 0 : i32
      %dma_wait3A_40 = tpu.memref_slice %arg3[%arg0, %mul3A_14, %dma_wait3A] : memref<2x10112x16xf32, #tpu.memory_space<hbm>> -> memref<1x632x16xf32, #tpu.memory_space<hbm>>
      %dma_wait3A_41 = tpu.memref_squeeze %dma_wait3A_40 : memref<1x632x16xf32, #tpu.memory_space<hbm>> -> memref<632x16xf32, #tpu.memory_space<hbm>>
      %dma_wait3A_42 = arith.constant 0 : i32
      %dma_wait3A_43 = tpu.memref_slice %arg7[%mul3A_14, %dma_wait3A_42] : memref<10112x16xf32, #tpu.memory_space<vmem_shared>> -> memref<632x16xf32, #tpu.memory_space<vmem_shared>>
      tpu.wait_dma2 semaphore(%run_scoped3A_35 : memref<!tpu.dma_semaphore, #tpu.memory_space<semaphore_mem>>) src(%dma_wait3A_43 : memref<632x16xf32, #tpu.memory_space<vmem_shared>>) dst(%dma_wait3A_41 : memref<632x16xf32, #tpu.memory_space<hbm>>)
      tpu.yield
    }) : () -> ()
    return
  }
}

#map = affine_map<(d0, d1) -> (0, 0)>
#map1 = affine_map<(d0, d1) -> (0, 0, 0)>
module attributes {stable_mosaic.version = 14 : i64} {
  func.func @prop_kernel(%arg0: i32, %arg1: i32, %arg2: memref<10112x16xf32, #tpu.memory_space<hbm>>, %arg3: memref<2x2500x128xi32, #tpu.memory_space<hbm>>, %arg4: memref<2x10112x16xf32, #tpu.memory_space<hbm>>, %arg5: memref<79x128xi32, #tpu.memory_space<vmem>>, %arg6: memref<79x128xi32, #tpu.memory_space<vmem>>, %arg7: memref<8x128x16xf32, #tpu.memory_space<vmem>>, %arg8: memref<128x16xf32, #tpu.memory_space<vmem>>, %arg9: memref<10112x16xf32, #tpu.memory_space<vmem_shared>>, %arg10: memref<10112x16xf32, #tpu.memory_space<vmem_shared>>, %arg11: memref<8x!tpu.dma_semaphore, #tpu.memory_space<semaphore_mem>>, %arg12: memref<8x!tpu.dma_semaphore, #tpu.memory_space<semaphore_mem>>) attributes {dimension_semantics = [#tpu.dimension_semantics<core_parallel>, #tpu.dimension_semantics<subcore_parallel>], iteration_bounds = array<i64: 2, 16>, scalar_prefetch = 0 : i64, scratch_operands = 8 : i64, tpu.core_type = #tpu.core_type<sc_vector_subcore>, window_params = [{transform_indices = #map}, {transform_indices = #map1}, {transform_indices = #map1}]} {
    %mul3A = arith.constant 2 : i32
    %mul3A_0 = arith.muli %arg1, %mul3A : i32
    %add3A = arith.addi %mul3A_0, %arg0 : i32
    %lt3A = arith.constant 4 : i32
    %lt3A_1 = arith.cmpi slt, %add3A, %lt3A : i32
    %jit3A = arith.constant 79 : i32
    %jit3A_2 = arith.constant 78 : i32
    %select_n3A = arith.select %lt3A_1, %jit3A, %jit3A_2 : i32
    %mul3A_3 = arith.constant 78 : i32
    %mul3A_4 = arith.muli %add3A, %mul3A_3 : i32
    %run_scoped3A = arith.constant 0 : i32
    "tpu.region"() ({
      %run_scoped3A_112 = tpu.sem_alloc : memref<!tpu.dma_semaphore, #tpu.memory_space<semaphore_mem>>
      %dma_start3A_113 = arith.constant 0 : i32
      %dma_start3A_114 = arith.constant 0 : i32
      %dma_start3A_115 = tpu.memref_slice %arg5[%dma_start3A_113, %dma_start3A_114] : memref<79x128xi32, #tpu.memory_space<vmem>> -> memref<78x128xi32, #tpu.memory_space<vmem>>
      %dma_start3A_116 = arith.constant 0 : i32
      %dma_start3A_117 = tpu.memref_slice %arg3[%run_scoped3A, %mul3A_4, %dma_start3A_116] : memref<2x2500x128xi32, #tpu.memory_space<hbm>> -> memref<1x78x128xi32, #tpu.memory_space<hbm>>
      %dma_start3A_118 = tpu.memref_squeeze %dma_start3A_117 : memref<1x78x128xi32, #tpu.memory_space<hbm>> -> memref<78x128xi32, #tpu.memory_space<hbm>>
      %dma_start3A_119 = arith.constant 0 : i32
      %dma_start3A_120 = arith.constant 0 : i32
      %dma_start3A_121 = tpu.memref_slice %arg5[%dma_start3A_119, %dma_start3A_120] : memref<79x128xi32, #tpu.memory_space<vmem>> -> memref<78x128xi32, #tpu.memory_space<vmem>>
      %dma_start3A_122 = arith.constant 0 : i32
      %dma_start3A_123 = tpu.memref_slice %arg3[%run_scoped3A, %mul3A_4, %dma_start3A_122] : memref<2x2500x128xi32, #tpu.memory_space<hbm>> -> memref<1x78x128xi32, #tpu.memory_space<hbm>>
      %dma_start3A_124 = tpu.memref_squeeze %dma_start3A_123 : memref<1x78x128xi32, #tpu.memory_space<hbm>> -> memref<78x128xi32, #tpu.memory_space<hbm>>
      tpu.enqueue_dma source(%dma_start3A_124 : memref<78x128xi32, #tpu.memory_space<hbm>>) target(%dma_start3A_121 : memref<78x128xi32, #tpu.memory_space<vmem>>) target_semaphore(%run_scoped3A_112 : memref<!tpu.dma_semaphore, #tpu.memory_space<semaphore_mem>>)
      %dma_wait3A = arith.constant 0 : i32
      %dma_wait3A_125 = arith.constant 0 : i32
      %dma_wait3A_126 = tpu.memref_slice %arg5[%dma_wait3A, %dma_wait3A_125] : memref<79x128xi32, #tpu.memory_space<vmem>> -> memref<78x128xi32, #tpu.memory_space<vmem>>
      %dma_wait3A_127 = arith.constant 0 : i32
      %dma_wait3A_128 = tpu.memref_slice %arg3[%run_scoped3A, %mul3A_4, %dma_wait3A_127] : memref<2x2500x128xi32, #tpu.memory_space<hbm>> -> memref<1x78x128xi32, #tpu.memory_space<hbm>>
      %dma_wait3A_129 = tpu.memref_squeeze %dma_wait3A_128 : memref<1x78x128xi32, #tpu.memory_space<hbm>> -> memref<78x128xi32, #tpu.memory_space<hbm>>
      %dma_wait3A_130 = arith.constant 0 : i32
      %dma_wait3A_131 = arith.constant 0 : i32
      %dma_wait3A_132 = tpu.memref_slice %arg5[%dma_wait3A_130, %dma_wait3A_131] : memref<79x128xi32, #tpu.memory_space<vmem>> -> memref<78x128xi32, #tpu.memory_space<vmem>>
      %dma_wait3A_133 = arith.constant 0 : i32
      %dma_wait3A_134 = tpu.memref_slice %arg3[%run_scoped3A, %mul3A_4, %dma_wait3A_133] : memref<2x2500x128xi32, #tpu.memory_space<hbm>> -> memref<1x78x128xi32, #tpu.memory_space<hbm>>
      %dma_wait3A_135 = tpu.memref_squeeze %dma_wait3A_134 : memref<1x78x128xi32, #tpu.memory_space<hbm>> -> memref<78x128xi32, #tpu.memory_space<hbm>>
      tpu.wait_dma2 semaphore(%run_scoped3A_112 : memref<!tpu.dma_semaphore, #tpu.memory_space<semaphore_mem>>) src(%dma_wait3A_135 : memref<78x128xi32, #tpu.memory_space<hbm>>) dst(%dma_wait3A_132 : memref<78x128xi32, #tpu.memory_space<vmem>>)
      tpu.yield
    }) : () -> ()
    %lt3A_5 = arith.constant 4 : i32
    %lt3A_6 = arith.cmpi slt, %add3A, %lt3A_5 : i32
    %convert_element_type3A = arith.extui %lt3A_6 : i1 to i32
    %cond3A = arith.constant 0 : i32
    %cond3A_7 = arith.cmpi ne, %convert_element_type3A, %cond3A : i32
    scf.if %cond3A_7 {
      %add3A_112 = arith.constant 2496 : i32
      %add3A_113 = arith.addi %add3A_112, %add3A : i32
      %run_scoped3A_114 = arith.constant 0 : i32
      "tpu.region"() ({
        %run_scoped3A_115 = tpu.sem_alloc : memref<!tpu.dma_semaphore, #tpu.memory_space<semaphore_mem>>
        %dma_start3A_116 = arith.constant 78 : i32
        %dma_start3A_117 = arith.constant 0 : i32
        %dma_start3A_118 = tpu.memref_slice %arg5[%dma_start3A_116, %dma_start3A_117] : memref<79x128xi32, #tpu.memory_space<vmem>> -> memref<1x128xi32, #tpu.memory_space<vmem>>
        %dma_start3A_119 = arith.constant 0 : i32
        %dma_start3A_120 = tpu.memref_slice %arg3[%run_scoped3A_114, %add3A_113, %dma_start3A_119] : memref<2x2500x128xi32, #tpu.memory_space<hbm>> -> memref<1x1x128xi32, #tpu.memory_space<hbm>>
        %dma_start3A_121 = tpu.memref_squeeze %dma_start3A_120 : memref<1x1x128xi32, #tpu.memory_space<hbm>> -> memref<1x128xi32, #tpu.memory_space<hbm>>
        %dma_start3A_122 = arith.constant 78 : i32
        %dma_start3A_123 = arith.constant 0 : i32
        %dma_start3A_124 = tpu.memref_slice %arg5[%dma_start3A_122, %dma_start3A_123] : memref<79x128xi32, #tpu.memory_space<vmem>> -> memref<1x128xi32, #tpu.memory_space<vmem>>
        %dma_start3A_125 = arith.constant 0 : i32
        %dma_start3A_126 = tpu.memref_slice %arg3[%run_scoped3A_114, %add3A_113, %dma_start3A_125] : memref<2x2500x128xi32, #tpu.memory_space<hbm>> -> memref<1x1x128xi32, #tpu.memory_space<hbm>>
        %dma_start3A_127 = tpu.memref_squeeze %dma_start3A_126 : memref<1x1x128xi32, #tpu.memory_space<hbm>> -> memref<1x128xi32, #tpu.memory_space<hbm>>
        tpu.enqueue_dma source(%dma_start3A_127 : memref<1x128xi32, #tpu.memory_space<hbm>>) target(%dma_start3A_124 : memref<1x128xi32, #tpu.memory_space<vmem>>) target_semaphore(%run_scoped3A_115 : memref<!tpu.dma_semaphore, #tpu.memory_space<semaphore_mem>>)
        %dma_wait3A = arith.constant 78 : i32
        %dma_wait3A_128 = arith.constant 0 : i32
        %dma_wait3A_129 = tpu.memref_slice %arg5[%dma_wait3A, %dma_wait3A_128] : memref<79x128xi32, #tpu.memory_space<vmem>> -> memref<1x128xi32, #tpu.memory_space<vmem>>
        %dma_wait3A_130 = arith.constant 0 : i32
        %dma_wait3A_131 = tpu.memref_slice %arg3[%run_scoped3A_114, %add3A_113, %dma_wait3A_130] : memref<2x2500x128xi32, #tpu.memory_space<hbm>> -> memref<1x1x128xi32, #tpu.memory_space<hbm>>
        %dma_wait3A_132 = tpu.memref_squeeze %dma_wait3A_131 : memref<1x1x128xi32, #tpu.memory_space<hbm>> -> memref<1x128xi32, #tpu.memory_space<hbm>>
        %dma_wait3A_133 = arith.constant 78 : i32
        %dma_wait3A_134 = arith.constant 0 : i32
        %dma_wait3A_135 = tpu.memref_slice %arg5[%dma_wait3A_133, %dma_wait3A_134] : memref<79x128xi32, #tpu.memory_space<vmem>> -> memref<1x128xi32, #tpu.memory_space<vmem>>
        %dma_wait3A_136 = arith.constant 0 : i32
        %dma_wait3A_137 = tpu.memref_slice %arg3[%run_scoped3A_114, %add3A_113, %dma_wait3A_136] : memref<2x2500x128xi32, #tpu.memory_space<hbm>> -> memref<1x1x128xi32, #tpu.memory_space<hbm>>
        %dma_wait3A_138 = tpu.memref_squeeze %dma_wait3A_137 : memref<1x1x128xi32, #tpu.memory_space<hbm>> -> memref<1x128xi32, #tpu.memory_space<hbm>>
        tpu.wait_dma2 semaphore(%run_scoped3A_115 : memref<!tpu.dma_semaphore, #tpu.memory_space<semaphore_mem>>) src(%dma_wait3A_138 : memref<1x128xi32, #tpu.memory_space<hbm>>) dst(%dma_wait3A_135 : memref<1x128xi32, #tpu.memory_space<vmem>>)
        tpu.yield
      }) : () -> ()
    } else {
    }
    %mul3A_8 = arith.constant 78 : i32
    %mul3A_9 = arith.muli %add3A, %mul3A_8 : i32
    %run_scoped3A_10 = arith.constant 1 : i32
    "tpu.region"() ({
      %run_scoped3A_112 = tpu.sem_alloc : memref<!tpu.dma_semaphore, #tpu.memory_space<semaphore_mem>>
      %dma_start3A_113 = arith.constant 0 : i32
      %dma_start3A_114 = arith.constant 0 : i32
      %dma_start3A_115 = tpu.memref_slice %arg6[%dma_start3A_113, %dma_start3A_114] : memref<79x128xi32, #tpu.memory_space<vmem>> -> memref<78x128xi32, #tpu.memory_space<vmem>>
      %dma_start3A_116 = arith.constant 0 : i32
      %dma_start3A_117 = tpu.memref_slice %arg3[%run_scoped3A_10, %mul3A_9, %dma_start3A_116] : memref<2x2500x128xi32, #tpu.memory_space<hbm>> -> memref<1x78x128xi32, #tpu.memory_space<hbm>>
      %dma_start3A_118 = tpu.memref_squeeze %dma_start3A_117 : memref<1x78x128xi32, #tpu.memory_space<hbm>> -> memref<78x128xi32, #tpu.memory_space<hbm>>
      %dma_start3A_119 = arith.constant 0 : i32
      %dma_start3A_120 = arith.constant 0 : i32
      %dma_start3A_121 = tpu.memref_slice %arg6[%dma_start3A_119, %dma_start3A_120] : memref<79x128xi32, #tpu.memory_space<vmem>> -> memref<78x128xi32, #tpu.memory_space<vmem>>
      %dma_start3A_122 = arith.constant 0 : i32
      %dma_start3A_123 = tpu.memref_slice %arg3[%run_scoped3A_10, %mul3A_9, %dma_start3A_122] : memref<2x2500x128xi32, #tpu.memory_space<hbm>> -> memref<1x78x128xi32, #tpu.memory_space<hbm>>
      %dma_start3A_124 = tpu.memref_squeeze %dma_start3A_123 : memref<1x78x128xi32, #tpu.memory_space<hbm>> -> memref<78x128xi32, #tpu.memory_space<hbm>>
      tpu.enqueue_dma source(%dma_start3A_124 : memref<78x128xi32, #tpu.memory_space<hbm>>) target(%dma_start3A_121 : memref<78x128xi32, #tpu.memory_space<vmem>>) target_semaphore(%run_scoped3A_112 : memref<!tpu.dma_semaphore, #tpu.memory_space<semaphore_mem>>)
      %dma_wait3A = arith.constant 0 : i32
      %dma_wait3A_125 = arith.constant 0 : i32
      %dma_wait3A_126 = tpu.memref_slice %arg6[%dma_wait3A, %dma_wait3A_125] : memref<79x128xi32, #tpu.memory_space<vmem>> -> memref<78x128xi32, #tpu.memory_space<vmem>>
      %dma_wait3A_127 = arith.constant 0 : i32
      %dma_wait3A_128 = tpu.memref_slice %arg3[%run_scoped3A_10, %mul3A_9, %dma_wait3A_127] : memref<2x2500x128xi32, #tpu.memory_space<hbm>> -> memref<1x78x128xi32, #tpu.memory_space<hbm>>
      %dma_wait3A_129 = tpu.memref_squeeze %dma_wait3A_128 : memref<1x78x128xi32, #tpu.memory_space<hbm>> -> memref<78x128xi32, #tpu.memory_space<hbm>>
      %dma_wait3A_130 = arith.constant 0 : i32
      %dma_wait3A_131 = arith.constant 0 : i32
      %dma_wait3A_132 = tpu.memref_slice %arg6[%dma_wait3A_130, %dma_wait3A_131] : memref<79x128xi32, #tpu.memory_space<vmem>> -> memref<78x128xi32, #tpu.memory_space<vmem>>
      %dma_wait3A_133 = arith.constant 0 : i32
      %dma_wait3A_134 = tpu.memref_slice %arg3[%run_scoped3A_10, %mul3A_9, %dma_wait3A_133] : memref<2x2500x128xi32, #tpu.memory_space<hbm>> -> memref<1x78x128xi32, #tpu.memory_space<hbm>>
      %dma_wait3A_135 = tpu.memref_squeeze %dma_wait3A_134 : memref<1x78x128xi32, #tpu.memory_space<hbm>> -> memref<78x128xi32, #tpu.memory_space<hbm>>
      tpu.wait_dma2 semaphore(%run_scoped3A_112 : memref<!tpu.dma_semaphore, #tpu.memory_space<semaphore_mem>>) src(%dma_wait3A_135 : memref<78x128xi32, #tpu.memory_space<hbm>>) dst(%dma_wait3A_132 : memref<78x128xi32, #tpu.memory_space<vmem>>)
      tpu.yield
    }) : () -> ()
    %lt3A_11 = arith.constant 4 : i32
    %lt3A_12 = arith.cmpi slt, %add3A, %lt3A_11 : i32
    %convert_element_type3A_13 = arith.extui %lt3A_12 : i1 to i32
    %cond3A_14 = arith.constant 0 : i32
    %cond3A_15 = arith.cmpi ne, %convert_element_type3A_13, %cond3A_14 : i32
    scf.if %cond3A_15 {
      %add3A_112 = arith.constant 2496 : i32
      %add3A_113 = arith.addi %add3A_112, %add3A : i32
      %run_scoped3A_114 = arith.constant 1 : i32
      "tpu.region"() ({
        %run_scoped3A_115 = tpu.sem_alloc : memref<!tpu.dma_semaphore, #tpu.memory_space<semaphore_mem>>
        %dma_start3A_116 = arith.constant 78 : i32
        %dma_start3A_117 = arith.constant 0 : i32
        %dma_start3A_118 = tpu.memref_slice %arg6[%dma_start3A_116, %dma_start3A_117] : memref<79x128xi32, #tpu.memory_space<vmem>> -> memref<1x128xi32, #tpu.memory_space<vmem>>
        %dma_start3A_119 = arith.constant 0 : i32
        %dma_start3A_120 = tpu.memref_slice %arg3[%run_scoped3A_114, %add3A_113, %dma_start3A_119] : memref<2x2500x128xi32, #tpu.memory_space<hbm>> -> memref<1x1x128xi32, #tpu.memory_space<hbm>>
        %dma_start3A_121 = tpu.memref_squeeze %dma_start3A_120 : memref<1x1x128xi32, #tpu.memory_space<hbm>> -> memref<1x128xi32, #tpu.memory_space<hbm>>
        %dma_start3A_122 = arith.constant 78 : i32
        %dma_start3A_123 = arith.constant 0 : i32
        %dma_start3A_124 = tpu.memref_slice %arg6[%dma_start3A_122, %dma_start3A_123] : memref<79x128xi32, #tpu.memory_space<vmem>> -> memref<1x128xi32, #tpu.memory_space<vmem>>
        %dma_start3A_125 = arith.constant 0 : i32
        %dma_start3A_126 = tpu.memref_slice %arg3[%run_scoped3A_114, %add3A_113, %dma_start3A_125] : memref<2x2500x128xi32, #tpu.memory_space<hbm>> -> memref<1x1x128xi32, #tpu.memory_space<hbm>>
        %dma_start3A_127 = tpu.memref_squeeze %dma_start3A_126 : memref<1x1x128xi32, #tpu.memory_space<hbm>> -> memref<1x128xi32, #tpu.memory_space<hbm>>
        tpu.enqueue_dma source(%dma_start3A_127 : memref<1x128xi32, #tpu.memory_space<hbm>>) target(%dma_start3A_124 : memref<1x128xi32, #tpu.memory_space<vmem>>) target_semaphore(%run_scoped3A_115 : memref<!tpu.dma_semaphore, #tpu.memory_space<semaphore_mem>>)
        %dma_wait3A = arith.constant 78 : i32
        %dma_wait3A_128 = arith.constant 0 : i32
        %dma_wait3A_129 = tpu.memref_slice %arg6[%dma_wait3A, %dma_wait3A_128] : memref<79x128xi32, #tpu.memory_space<vmem>> -> memref<1x128xi32, #tpu.memory_space<vmem>>
        %dma_wait3A_130 = arith.constant 0 : i32
        %dma_wait3A_131 = tpu.memref_slice %arg3[%run_scoped3A_114, %add3A_113, %dma_wait3A_130] : memref<2x2500x128xi32, #tpu.memory_space<hbm>> -> memref<1x1x128xi32, #tpu.memory_space<hbm>>
        %dma_wait3A_132 = tpu.memref_squeeze %dma_wait3A_131 : memref<1x1x128xi32, #tpu.memory_space<hbm>> -> memref<1x128xi32, #tpu.memory_space<hbm>>
        %dma_wait3A_133 = arith.constant 78 : i32
        %dma_wait3A_134 = arith.constant 0 : i32
        %dma_wait3A_135 = tpu.memref_slice %arg6[%dma_wait3A_133, %dma_wait3A_134] : memref<79x128xi32, #tpu.memory_space<vmem>> -> memref<1x128xi32, #tpu.memory_space<vmem>>
        %dma_wait3A_136 = arith.constant 0 : i32
        %dma_wait3A_137 = tpu.memref_slice %arg3[%run_scoped3A_114, %add3A_113, %dma_wait3A_136] : memref<2x2500x128xi32, #tpu.memory_space<hbm>> -> memref<1x1x128xi32, #tpu.memory_space<hbm>>
        %dma_wait3A_138 = tpu.memref_squeeze %dma_wait3A_137 : memref<1x1x128xi32, #tpu.memory_space<hbm>> -> memref<1x128xi32, #tpu.memory_space<hbm>>
        tpu.wait_dma2 semaphore(%run_scoped3A_115 : memref<!tpu.dma_semaphore, #tpu.memory_space<semaphore_mem>>) src(%dma_wait3A_138 : memref<1x128xi32, #tpu.memory_space<hbm>>) dst(%dma_wait3A_135 : memref<1x128xi32, #tpu.memory_space<vmem>>)
        tpu.yield
      }) : () -> ()
    } else {
    }
    %scan3A = arith.constant 0 : i32
    %scan3A_16 = arith.constant 0 : i32
    %scan3A_17 = arith.constant 128 : i32
    %scan3A_18 = arith.addi %scan3A_16, %scan3A_17 : i32
    %scan3A_19 = arith.constant 1 : i32
    scf.for %scan3A_112 = %scan3A_16 to %scan3A_18 step %scan3A_19  : i32 {
      %broadcast_in_dim3A = arith.constant 0.000000e+00 : f32
      %broadcast_in_dim3A_113 = vector.broadcast %broadcast_in_dim3A : f32 to vector<16xf32>
      %swap3A = arith.index_cast %scan3A_112 : i32 to index
      %swap3A_114 = arith.constant 0 : index
      %swap3A_115 = tpu.vector_load %arg8[%swap3A, %swap3A_114] {strides = array<i32>} : memref<128x16xf32, #tpu.memory_space<vmem>>, vector<1x16xf32>,
      %swap3A_116 = vector.shape_cast %swap3A_115 : vector<1x16xf32> to vector<16xf32>
      %swap3A_117 = vector.shape_cast %broadcast_in_dim3A_113 : vector<16xf32> to vector<1x16xf32>
      tpu.vector_store %arg8[%swap3A, %swap3A_114], %swap3A_117 {strides = array<i32>} : memref<128x16xf32, #tpu.memory_space<vmem>>, vector<1x16xf32>,
    }
    %scan3A_20 = arith.constant 128 : i32
    %mul3A_21 = arith.constant 632 : i32
    %mul3A_22 = arith.muli %arg1, %mul3A_21 : i32
    "tpu.region"() ({
      %run_scoped3A_112 = tpu.sem_alloc : memref<!tpu.dma_semaphore, #tpu.memory_space<semaphore_mem>>
      %dma_start3A_113 = arith.constant 0 : i32
      %dma_start3A_114 = tpu.memref_slice %arg10[%mul3A_22, %dma_start3A_113] : memref<10112x16xf32, #tpu.memory_space<vmem_shared>> -> memref<632x16xf32, #tpu.memory_space<vmem_shared>>
      %dma_start3A_115 = arith.constant 0 : i32
      %dma_start3A_116 = tpu.memref_slice %arg2[%mul3A_22, %dma_start3A_115] : memref<10112x16xf32, #tpu.memory_space<hbm>> -> memref<632x16xf32, #tpu.memory_space<hbm>>
      tpu.enqueue_dma source(%dma_start3A_116 : memref<632x16xf32, #tpu.memory_space<hbm>>) target(%dma_start3A_114 : memref<632x16xf32, #tpu.memory_space<vmem_shared>>) target_semaphore(%run_scoped3A_112 : memref<!tpu.dma_semaphore, #tpu.memory_space<semaphore_mem>>)
      %dma_wait3A = arith.constant 0 : i32
      %dma_wait3A_117 = tpu.memref_slice %arg10[%mul3A_22, %dma_wait3A] : memref<10112x16xf32, #tpu.memory_space<vmem_shared>> -> memref<632x16xf32, #tpu.memory_space<vmem_shared>>
      %dma_wait3A_118 = arith.constant 0 : i32
      %dma_wait3A_119 = tpu.memref_slice %arg2[%mul3A_22, %dma_wait3A_118] : memref<10112x16xf32, #tpu.memory_space<hbm>> -> memref<632x16xf32, #tpu.memory_space<hbm>>
      tpu.wait_dma2 semaphore(%run_scoped3A_112 : memref<!tpu.dma_semaphore, #tpu.memory_space<semaphore_mem>>) src(%dma_wait3A_119 : memref<632x16xf32, #tpu.memory_space<hbm>>) dst(%dma_wait3A_117 : memref<632x16xf32, #tpu.memory_space<vmem_shared>>)
      tpu.yield
    }) : () -> ()
    %add3A_23 = arith.constant 0 : i32
    %add3A_24 = arith.addi %mul3A_22, %add3A_23 : i32
    "tpu.region"() ({
      %run_scoped3A_112 = tpu.sem_alloc : memref<!tpu.dma_semaphore, #tpu.memory_space<semaphore_mem>>
      %dma_start3A_113 = arith.constant 0 : i32
      %dma_start3A_114 = arith.constant 0 : i32
      %dma_start3A_115 = tpu.memref_slice %arg8[%dma_start3A_113, %dma_start3A_114] : memref<128x16xf32, #tpu.memory_space<vmem>> -> memref<128x16xf32, #tpu.memory_space<vmem>>
      %dma_start3A_116 = arith.constant 0 : i32
      %dma_start3A_117 = tpu.memref_slice %arg9[%add3A_24, %dma_start3A_116] : memref<10112x16xf32, #tpu.memory_space<vmem_shared>> -> memref<128x16xf32, #tpu.memory_space<vmem_shared>>
      %dma_start3A_118 = arith.constant 0 : i32
      %dma_start3A_119 = tpu.memref_slice %arg9[%add3A_24, %dma_start3A_118] : memref<10112x16xf32, #tpu.memory_space<vmem_shared>> -> memref<128x16xf32, #tpu.memory_space<vmem_shared>>
      %dma_start3A_120 = arith.constant 0 : i32
      %dma_start3A_121 = arith.constant 0 : i32
      %dma_start3A_122 = tpu.memref_slice %arg8[%dma_start3A_120, %dma_start3A_121] : memref<128x16xf32, #tpu.memory_space<vmem>> -> memref<128x16xf32, #tpu.memory_space<vmem>>
      tpu.enqueue_dma source(%dma_start3A_122 : memref<128x16xf32, #tpu.memory_space<vmem>>) target(%dma_start3A_119 : memref<128x16xf32, #tpu.memory_space<vmem_shared>>) target_semaphore(%run_scoped3A_112 : memref<!tpu.dma_semaphore, #tpu.memory_space<semaphore_mem>>)
      %dma_wait3A = arith.constant 0 : i32
      %dma_wait3A_123 = arith.constant 0 : i32
      %dma_wait3A_124 = tpu.memref_slice %arg8[%dma_wait3A, %dma_wait3A_123] : memref<128x16xf32, #tpu.memory_space<vmem>> -> memref<128x16xf32, #tpu.memory_space<vmem>>
      %dma_wait3A_125 = arith.constant 0 : i32
      %dma_wait3A_126 = tpu.memref_slice %arg9[%add3A_24, %dma_wait3A_125] : memref<10112x16xf32, #tpu.memory_space<vmem_shared>> -> memref<128x16xf32, #tpu.memory_space<vmem_shared>>
      %dma_wait3A_127 = arith.constant 0 : i32
      %dma_wait3A_128 = tpu.memref_slice %arg9[%add3A_24, %dma_wait3A_127] : memref<10112x16xf32, #tpu.memory_space<vmem_shared>> -> memref<128x16xf32, #tpu.memory_space<vmem_shared>>
      %dma_wait3A_129 = arith.constant 0 : i32
      %dma_wait3A_130 = arith.constant 0 : i32
      %dma_wait3A_131 = tpu.memref_slice %arg8[%dma_wait3A_129, %dma_wait3A_130] : memref<128x16xf32, #tpu.memory_space<vmem>> -> memref<128x16xf32, #tpu.memory_space<vmem>>
      tpu.wait_dma2 semaphore(%run_scoped3A_112 : memref<!tpu.dma_semaphore, #tpu.memory_space<semaphore_mem>>) src(%dma_wait3A_131 : memref<128x16xf32, #tpu.memory_space<vmem>>) dst(%dma_wait3A_128 : memref<128x16xf32, #tpu.memory_space<vmem_shared>>)
      tpu.yield
    }) : () -> ()
    %add3A_25 = arith.constant 128 : i32
    %add3A_26 = arith.addi %mul3A_22, %add3A_25 : i32
    "tpu.region"() ({
      %run_scoped3A_112 = tpu.sem_alloc : memref<!tpu.dma_semaphore, #tpu.memory_space<semaphore_mem>>
      %dma_start3A_113 = arith.constant 0 : i32
      %dma_start3A_114 = arith.constant 0 : i32
      %dma_start3A_115 = tpu.memref_slice %arg8[%dma_start3A_113, %dma_start3A_114] : memref<128x16xf32, #tpu.memory_space<vmem>> -> memref<128x16xf32, #tpu.memory_space<vmem>>
      %dma_start3A_116 = arith.constant 0 : i32
      %dma_start3A_117 = tpu.memref_slice %arg9[%add3A_26, %dma_start3A_116] : memref<10112x16xf32, #tpu.memory_space<vmem_shared>> -> memref<128x16xf32, #tpu.memory_space<vmem_shared>>
      %dma_start3A_118 = arith.constant 0 : i32
      %dma_start3A_119 = tpu.memref_slice %arg9[%add3A_26, %dma_start3A_118] : memref<10112x16xf32, #tpu.memory_space<vmem_shared>> -> memref<128x16xf32, #tpu.memory_space<vmem_shared>>
      %dma_start3A_120 = arith.constant 0 : i32
      %dma_start3A_121 = arith.constant 0 : i32
      %dma_start3A_122 = tpu.memref_slice %arg8[%dma_start3A_120, %dma_start3A_121] : memref<128x16xf32, #tpu.memory_space<vmem>> -> memref<128x16xf32, #tpu.memory_space<vmem>>
      tpu.enqueue_dma source(%dma_start3A_122 : memref<128x16xf32, #tpu.memory_space<vmem>>) target(%dma_start3A_119 : memref<128x16xf32, #tpu.memory_space<vmem_shared>>) target_semaphore(%run_scoped3A_112 : memref<!tpu.dma_semaphore, #tpu.memory_space<semaphore_mem>>)
      %dma_wait3A = arith.constant 0 : i32
      %dma_wait3A_123 = arith.constant 0 : i32
      %dma_wait3A_124 = tpu.memref_slice %arg8[%dma_wait3A, %dma_wait3A_123] : memref<128x16xf32, #tpu.memory_space<vmem>> -> memref<128x16xf32, #tpu.memory_space<vmem>>
      %dma_wait3A_125 = arith.constant 0 : i32
      %dma_wait3A_126 = tpu.memref_slice %arg9[%add3A_26, %dma_wait3A_125] : memref<10112x16xf32, #tpu.memory_space<vmem_shared>> -> memref<128x16xf32, #tpu.memory_space<vmem_shared>>
      %dma_wait3A_127 = arith.constant 0 : i32
      %dma_wait3A_128 = tpu.memref_slice %arg9[%add3A_26, %dma_wait3A_127] : memref<10112x16xf32, #tpu.memory_space<vmem_shared>> -> memref<128x16xf32, #tpu.memory_space<vmem_shared>>
      %dma_wait3A_129 = arith.constant 0 : i32
      %dma_wait3A_130 = arith.constant 0 : i32
      %dma_wait3A_131 = tpu.memref_slice %arg8[%dma_wait3A_129, %dma_wait3A_130] : memref<128x16xf32, #tpu.memory_space<vmem>> -> memref<128x16xf32, #tpu.memory_space<vmem>>
      tpu.wait_dma2 semaphore(%run_scoped3A_112 : memref<!tpu.dma_semaphore, #tpu.memory_space<semaphore_mem>>) src(%dma_wait3A_131 : memref<128x16xf32, #tpu.memory_space<vmem>>) dst(%dma_wait3A_128 : memref<128x16xf32, #tpu.memory_space<vmem_shared>>)
      tpu.yield
    }) : () -> ()
    %add3A_27 = arith.constant 256 : i32
    %add3A_28 = arith.addi %mul3A_22, %add3A_27 : i32
    "tpu.region"() ({
      %run_scoped3A_112 = tpu.sem_alloc : memref<!tpu.dma_semaphore, #tpu.memory_space<semaphore_mem>>
      %dma_start3A_113 = arith.constant 0 : i32
      %dma_start3A_114 = arith.constant 0 : i32
      %dma_start3A_115 = tpu.memref_slice %arg8[%dma_start3A_113, %dma_start3A_114] : memref<128x16xf32, #tpu.memory_space<vmem>> -> memref<128x16xf32, #tpu.memory_space<vmem>>
      %dma_start3A_116 = arith.constant 0 : i32
      %dma_start3A_117 = tpu.memref_slice %arg9[%add3A_28, %dma_start3A_116] : memref<10112x16xf32, #tpu.memory_space<vmem_shared>> -> memref<128x16xf32, #tpu.memory_space<vmem_shared>>
      %dma_start3A_118 = arith.constant 0 : i32
      %dma_start3A_119 = tpu.memref_slice %arg9[%add3A_28, %dma_start3A_118] : memref<10112x16xf32, #tpu.memory_space<vmem_shared>> -> memref<128x16xf32, #tpu.memory_space<vmem_shared>>
      %dma_start3A_120 = arith.constant 0 : i32
      %dma_start3A_121 = arith.constant 0 : i32
      %dma_start3A_122 = tpu.memref_slice %arg8[%dma_start3A_120, %dma_start3A_121] : memref<128x16xf32, #tpu.memory_space<vmem>> -> memref<128x16xf32, #tpu.memory_space<vmem>>
      tpu.enqueue_dma source(%dma_start3A_122 : memref<128x16xf32, #tpu.memory_space<vmem>>) target(%dma_start3A_119 : memref<128x16xf32, #tpu.memory_space<vmem_shared>>) target_semaphore(%run_scoped3A_112 : memref<!tpu.dma_semaphore, #tpu.memory_space<semaphore_mem>>)
      %dma_wait3A = arith.constant 0 : i32
      %dma_wait3A_123 = arith.constant 0 : i32
      %dma_wait3A_124 = tpu.memref_slice %arg8[%dma_wait3A, %dma_wait3A_123] : memref<128x16xf32, #tpu.memory_space<vmem>> -> memref<128x16xf32, #tpu.memory_space<vmem>>
      %dma_wait3A_125 = arith.constant 0 : i32
      %dma_wait3A_126 = tpu.memref_slice %arg9[%add3A_28, %dma_wait3A_125] : memref<10112x16xf32, #tpu.memory_space<vmem_shared>> -> memref<128x16xf32, #tpu.memory_space<vmem_shared>>
      %dma_wait3A_127 = arith.constant 0 : i32
      %dma_wait3A_128 = tpu.memref_slice %arg9[%add3A_28, %dma_wait3A_127] : memref<10112x16xf32, #tpu.memory_space<vmem_shared>> -> memref<128x16xf32, #tpu.memory_space<vmem_shared>>
      %dma_wait3A_129 = arith.constant 0 : i32
      %dma_wait3A_130 = arith.constant 0 : i32
      %dma_wait3A_131 = tpu.memref_slice %arg8[%dma_wait3A_129, %dma_wait3A_130] : memref<128x16xf32, #tpu.memory_space<vmem>> -> memref<128x16xf32, #tpu.memory_space<vmem>>
      tpu.wait_dma2 semaphore(%run_scoped3A_112 : memref<!tpu.dma_semaphore, #tpu.memory_space<semaphore_mem>>) src(%dma_wait3A_131 : memref<128x16xf32, #tpu.memory_space<vmem>>) dst(%dma_wait3A_128 : memref<128x16xf32, #tpu.memory_space<vmem_shared>>)
      tpu.yield
    }) : () -> ()
    %add3A_29 = arith.constant 384 : i32
    %add3A_30 = arith.addi %mul3A_22, %add3A_29 : i32
    "tpu.region"() ({
      %run_scoped3A_112 = tpu.sem_alloc : memref<!tpu.dma_semaphore, #tpu.memory_space<semaphore_mem>>
      %dma_start3A_113 = arith.constant 0 : i32
      %dma_start3A_114 = arith.constant 0 : i32
      %dma_start3A_115 = tpu.memref_slice %arg8[%dma_start3A_113, %dma_start3A_114] : memref<128x16xf32, #tpu.memory_space<vmem>> -> memref<128x16xf32, #tpu.memory_space<vmem>>
      %dma_start3A_116 = arith.constant 0 : i32
      %dma_start3A_117 = tpu.memref_slice %arg9[%add3A_30, %dma_start3A_116] : memref<10112x16xf32, #tpu.memory_space<vmem_shared>> -> memref<128x16xf32, #tpu.memory_space<vmem_shared>>
      %dma_start3A_118 = arith.constant 0 : i32
      %dma_start3A_119 = tpu.memref_slice %arg9[%add3A_30, %dma_start3A_118] : memref<10112x16xf32, #tpu.memory_space<vmem_shared>> -> memref<128x16xf32, #tpu.memory_space<vmem_shared>>
      %dma_start3A_120 = arith.constant 0 : i32
      %dma_start3A_121 = arith.constant 0 : i32
      %dma_start3A_122 = tpu.memref_slice %arg8[%dma_start3A_120, %dma_start3A_121] : memref<128x16xf32, #tpu.memory_space<vmem>> -> memref<128x16xf32, #tpu.memory_space<vmem>>
      tpu.enqueue_dma source(%dma_start3A_122 : memref<128x16xf32, #tpu.memory_space<vmem>>) target(%dma_start3A_119 : memref<128x16xf32, #tpu.memory_space<vmem_shared>>) target_semaphore(%run_scoped3A_112 : memref<!tpu.dma_semaphore, #tpu.memory_space<semaphore_mem>>)
      %dma_wait3A = arith.constant 0 : i32
      %dma_wait3A_123 = arith.constant 0 : i32
      %dma_wait3A_124 = tpu.memref_slice %arg8[%dma_wait3A, %dma_wait3A_123] : memref<128x16xf32, #tpu.memory_space<vmem>> -> memref<128x16xf32, #tpu.memory_space<vmem>>
      %dma_wait3A_125 = arith.constant 0 : i32
      %dma_wait3A_126 = tpu.memref_slice %arg9[%add3A_30, %dma_wait3A_125] : memref<10112x16xf32, #tpu.memory_space<vmem_shared>> -> memref<128x16xf32, #tpu.memory_space<vmem_shared>>
      %dma_wait3A_127 = arith.constant 0 : i32
      %dma_wait3A_128 = tpu.memref_slice %arg9[%add3A_30, %dma_wait3A_127] : memref<10112x16xf32, #tpu.memory_space<vmem_shared>> -> memref<128x16xf32, #tpu.memory_space<vmem_shared>>
      %dma_wait3A_129 = arith.constant 0 : i32
      %dma_wait3A_130 = arith.constant 0 : i32
      %dma_wait3A_131 = tpu.memref_slice %arg8[%dma_wait3A_129, %dma_wait3A_130] : memref<128x16xf32, #tpu.memory_space<vmem>> -> memref<128x16xf32, #tpu.memory_space<vmem>>
      tpu.wait_dma2 semaphore(%run_scoped3A_112 : memref<!tpu.dma_semaphore, #tpu.memory_space<semaphore_mem>>) src(%dma_wait3A_131 : memref<128x16xf32, #tpu.memory_space<vmem>>) dst(%dma_wait3A_128 : memref<128x16xf32, #tpu.memory_space<vmem_shared>>)
      tpu.yield
    }) : () -> ()
    %add3A_31 = arith.constant 512 : i32
    %add3A_32 = arith.addi %mul3A_22, %add3A_31 : i32
    "tpu.region"() ({
      %run_scoped3A_112 = tpu.sem_alloc : memref<!tpu.dma_semaphore, #tpu.memory_space<semaphore_mem>>
      %dma_start3A_113 = arith.constant 0 : i32
      %dma_start3A_114 = arith.constant 0 : i32
      %dma_start3A_115 = tpu.memref_slice %arg8[%dma_start3A_113, %dma_start3A_114] : memref<128x16xf32, #tpu.memory_space<vmem>> -> memref<120x16xf32, #tpu.memory_space<vmem>>
      %dma_start3A_116 = arith.constant 0 : i32
      %dma_start3A_117 = tpu.memref_slice %arg9[%add3A_32, %dma_start3A_116] : memref<10112x16xf32, #tpu.memory_space<vmem_shared>> -> memref<120x16xf32, #tpu.memory_space<vmem_shared>>
      %dma_start3A_118 = arith.constant 0 : i32
      %dma_start3A_119 = tpu.memref_slice %arg9[%add3A_32, %dma_start3A_118] : memref<10112x16xf32, #tpu.memory_space<vmem_shared>> -> memref<120x16xf32, #tpu.memory_space<vmem_shared>>
      %dma_start3A_120 = arith.constant 0 : i32
      %dma_start3A_121 = arith.constant 0 : i32
      %dma_start3A_122 = tpu.memref_slice %arg8[%dma_start3A_120, %dma_start3A_121] : memref<128x16xf32, #tpu.memory_space<vmem>> -> memref<120x16xf32, #tpu.memory_space<vmem>>
      tpu.enqueue_dma source(%dma_start3A_122 : memref<120x16xf32, #tpu.memory_space<vmem>>) target(%dma_start3A_119 : memref<120x16xf32, #tpu.memory_space<vmem_shared>>) target_semaphore(%run_scoped3A_112 : memref<!tpu.dma_semaphore, #tpu.memory_space<semaphore_mem>>)
      %dma_wait3A = arith.constant 0 : i32
      %dma_wait3A_123 = arith.constant 0 : i32
      %dma_wait3A_124 = tpu.memref_slice %arg8[%dma_wait3A, %dma_wait3A_123] : memref<128x16xf32, #tpu.memory_space<vmem>> -> memref<120x16xf32, #tpu.memory_space<vmem>>
      %dma_wait3A_125 = arith.constant 0 : i32
      %dma_wait3A_126 = tpu.memref_slice %arg9[%add3A_32, %dma_wait3A_125] : memref<10112x16xf32, #tpu.memory_space<vmem_shared>> -> memref<120x16xf32, #tpu.memory_space<vmem_shared>>
      %dma_wait3A_127 = arith.constant 0 : i32
      %dma_wait3A_128 = tpu.memref_slice %arg9[%add3A_32, %dma_wait3A_127] : memref<10112x16xf32, #tpu.memory_space<vmem_shared>> -> memref<120x16xf32, #tpu.memory_space<vmem_shared>>
      %dma_wait3A_129 = arith.constant 0 : i32
      %dma_wait3A_130 = arith.constant 0 : i32
      %dma_wait3A_131 = tpu.memref_slice %arg8[%dma_wait3A_129, %dma_wait3A_130] : memref<128x16xf32, #tpu.memory_space<vmem>> -> memref<120x16xf32, #tpu.memory_space<vmem>>
      tpu.wait_dma2 semaphore(%run_scoped3A_112 : memref<!tpu.dma_semaphore, #tpu.memory_space<semaphore_mem>>) src(%dma_wait3A_131 : memref<120x16xf32, #tpu.memory_space<vmem>>) dst(%dma_wait3A_128 : memref<120x16xf32, #tpu.memory_space<vmem_shared>>)
      tpu.yield
    }) : () -> ()
    %barrier3A = arith.constant 0 : index
    tpu.barrier barrier_id(%barrier3A)
    %dma_start3A = arith.constant 0 : i32
    %dma_start3A_33 = arith.constant 0 : i32
    %dma_start3A_34 = arith.constant 0 : i32
    %dma_start3A_35 = arith.constant 0 : i32
    %dma_start3A_36 = arith.constant 0 : i32
    %dma_start3A_37 = tpu.memref_slice %arg7[%dma_start3A_33, %dma_start3A_35, %dma_start3A_36] : memref<8x128x16xf32, #tpu.memory_space<vmem>> -> memref<1x128x16xf32, #tpu.memory_space<vmem>>
    %dma_start3A_38 = tpu.memref_squeeze %dma_start3A_37 : memref<1x128x16xf32, #tpu.memory_space<vmem>> -> memref<128x16xf32, #tpu.memory_space<vmem>>
    %dma_start3A_39 = arith.constant 0 : i32
    %dma_start3A_40 = tpu.memref_slice %arg5[%dma_start3A, %dma_start3A_39] : memref<79x128xi32, #tpu.memory_space<vmem>> -> memref<1x128xi32, #tpu.memory_space<vmem>>
    %dma_start3A_41 = tpu.memref_squeeze %dma_start3A_40 : memref<1x128xi32, #tpu.memory_space<vmem>> -> memref<128xi32, #tpu.memory_space<vmem>>
    %dma_start3A_42 = arith.constant 0 : i32
    %dma_start3A_43 = arith.constant 0 : i32
    %dma_start3A_44 = tpu.memref_slice %arg10[%dma_start3A_42, %dma_start3A_43] : memref<10112x16xf32, #tpu.memory_space<vmem_shared>> -> memref<10112x16xf32, #tpu.memory_space<vmem_shared>>
    %dma_start3A_45 = tpu.memref_slice %arg11[%dma_start3A_34] : memref<8x!tpu.dma_semaphore, #tpu.memory_space<semaphore_mem>> -> memref<1x!tpu.dma_semaphore, #tpu.memory_space<semaphore_mem>>
    %dma_start3A_46 = tpu.memref_squeeze %dma_start3A_45 : memref<1x!tpu.dma_semaphore, #tpu.memory_space<semaphore_mem>> -> memref<!tpu.dma_semaphore, #tpu.memory_space<semaphore_mem>>
    tpu.enqueue_indirect_dma source(%dma_start3A_44 : memref<10112x16xf32, #tpu.memory_space<vmem_shared>>) target(%dma_start3A_38 : memref<128x16xf32, #tpu.memory_space<vmem>>) offsets(%dma_start3A_41 : memref<128xi32, #tpu.memory_space<vmem>>) semaphore(%dma_start3A_46 : memref<!tpu.dma_semaphore, #tpu.memory_space<semaphore_mem>>)
    %dma_start3A_47 = arith.constant 1 : i32
    %dma_start3A_48 = arith.constant 1 : i32
    %dma_start3A_49 = arith.constant 1 : i32
    %dma_start3A_50 = arith.constant 0 : i32
    %dma_start3A_51 = arith.constant 0 : i32
    %dma_start3A_52 = tpu.memref_slice %arg7[%dma_start3A_48, %dma_start3A_50, %dma_start3A_51] : memref<8x128x16xf32, #tpu.memory_space<vmem>> -> memref<1x128x16xf32, #tpu.memory_space<vmem>>
    %dma_start3A_53 = tpu.memref_squeeze %dma_start3A_52 : memref<1x128x16xf32, #tpu.memory_space<vmem>> -> memref<128x16xf32, #tpu.memory_space<vmem>>
    %dma_start3A_54 = arith.constant 0 : i32
    %dma_start3A_55 = tpu.memref_slice %arg5[%dma_start3A_47, %dma_start3A_54] : memref<79x128xi32, #tpu.memory_space<vmem>> -> memref<1x128xi32, #tpu.memory_space<vmem>>
    %dma_start3A_56 = tpu.memref_squeeze %dma_start3A_55 : memref<1x128xi32, #tpu.memory_space<vmem>> -> memref<128xi32, #tpu.memory_space<vmem>>
    %dma_start3A_57 = arith.constant 0 : i32
    %dma_start3A_58 = arith.constant 0 : i32
    %dma_start3A_59 = tpu.memref_slice %arg10[%dma_start3A_57, %dma_start3A_58] : memref<10112x16xf32, #tpu.memory_space<vmem_shared>> -> memref<10112x16xf32, #tpu.memory_space<vmem_shared>>
    %dma_start3A_60 = tpu.memref_slice %arg11[%dma_start3A_49] : memref<8x!tpu.dma_semaphore, #tpu.memory_space<semaphore_mem>> -> memref<1x!tpu.dma_semaphore, #tpu.memory_space<semaphore_mem>>
    %dma_start3A_61 = tpu.memref_squeeze %dma_start3A_60 : memref<1x!tpu.dma_semaphore, #tpu.memory_space<semaphore_mem>> -> memref<!tpu.dma_semaphore, #tpu.memory_space<semaphore_mem>>
    tpu.enqueue_indirect_dma source(%dma_start3A_59 : memref<10112x16xf32, #tpu.memory_space<vmem_shared>>) target(%dma_start3A_53 : memref<128x16xf32, #tpu.memory_space<vmem>>) offsets(%dma_start3A_56 : memref<128xi32, #tpu.memory_space<vmem>>) semaphore(%dma_start3A_61 : memref<!tpu.dma_semaphore, #tpu.memory_space<semaphore_mem>>)
    %dma_start3A_62 = arith.constant 2 : i32
    %dma_start3A_63 = arith.constant 2 : i32
    %dma_start3A_64 = arith.constant 2 : i32
    %dma_start3A_65 = arith.constant 0 : i32
    %dma_start3A_66 = arith.constant 0 : i32
    %dma_start3A_67 = tpu.memref_slice %arg7[%dma_start3A_63, %dma_start3A_65, %dma_start3A_66] : memref<8x128x16xf32, #tpu.memory_space<vmem>> -> memref<1x128x16xf32, #tpu.memory_space<vmem>>
    %dma_start3A_68 = tpu.memref_squeeze %dma_start3A_67 : memref<1x128x16xf32, #tpu.memory_space<vmem>> -> memref<128x16xf32, #tpu.memory_space<vmem>>
    %dma_start3A_69 = arith.constant 0 : i32
    %dma_start3A_70 = tpu.memref_slice %arg5[%dma_start3A_62, %dma_start3A_69] : memref<79x128xi32, #tpu.memory_space<vmem>> -> memref<1x128xi32, #tpu.memory_space<vmem>>
    %dma_start3A_71 = tpu.memref_squeeze %dma_start3A_70 : memref<1x128xi32, #tpu.memory_space<vmem>> -> memref<128xi32, #tpu.memory_space<vmem>>
    %dma_start3A_72 = arith.constant 0 : i32
    %dma_start3A_73 = arith.constant 0 : i32
    %dma_start3A_74 = tpu.memref_slice %arg10[%dma_start3A_72, %dma_start3A_73] : memref<10112x16xf32, #tpu.memory_space<vmem_shared>> -> memref<10112x16xf32, #tpu.memory_space<vmem_shared>>
    %dma_start3A_75 = tpu.memref_slice %arg11[%dma_start3A_64] : memref<8x!tpu.dma_semaphore, #tpu.memory_space<semaphore_mem>> -> memref<1x!tpu.dma_semaphore, #tpu.memory_space<semaphore_mem>>
    %dma_start3A_76 = tpu.memref_squeeze %dma_start3A_75 : memref<1x!tpu.dma_semaphore, #tpu.memory_space<semaphore_mem>> -> memref<!tpu.dma_semaphore, #tpu.memory_space<semaphore_mem>>
    tpu.enqueue_indirect_dma source(%dma_start3A_74 : memref<10112x16xf32, #tpu.memory_space<vmem_shared>>) target(%dma_start3A_68 : memref<128x16xf32, #tpu.memory_space<vmem>>) offsets(%dma_start3A_71 : memref<128xi32, #tpu.memory_space<vmem>>) semaphore(%dma_start3A_76 : memref<!tpu.dma_semaphore, #tpu.memory_space<semaphore_mem>>)
    %dma_start3A_77 = arith.constant 3 : i32
    %dma_start3A_78 = arith.constant 3 : i32
    %dma_start3A_79 = arith.constant 3 : i32
    %dma_start3A_80 = arith.constant 0 : i32
    %dma_start3A_81 = arith.constant 0 : i32
    %dma_start3A_82 = tpu.memref_slice %arg7[%dma_start3A_78, %dma_start3A_80, %dma_start3A_81] : memref<8x128x16xf32, #tpu.memory_space<vmem>> -> memref<1x128x16xf32, #tpu.memory_space<vmem>>
    %dma_start3A_83 = tpu.memref_squeeze %dma_start3A_82 : memref<1x128x16xf32, #tpu.memory_space<vmem>> -> memref<128x16xf32, #tpu.memory_space<vmem>>
    %dma_start3A_84 = arith.constant 0 : i32
    %dma_start3A_85 = tpu.memref_slice %arg5[%dma_start3A_77, %dma_start3A_84] : memref<79x128xi32, #tpu.memory_space<vmem>> -> memref<1x128xi32, #tpu.memory_space<vmem>>
    %dma_start3A_86 = tpu.memref_squeeze %dma_start3A_85 : memref<1x128xi32, #tpu.memory_space<vmem>> -> memref<128xi32, #tpu.memory_space<vmem>>
    %dma_start3A_87 = arith.constant 0 : i32
    %dma_start3A_88 = arith.constant 0 : i32
    %dma_start3A_89 = tpu.memref_slice %arg10[%dma_start3A_87, %dma_start3A_88] : memref<10112x16xf32, #tpu.memory_space<vmem_shared>> -> memref<10112x16xf32, #tpu.memory_space<vmem_shared>>
    %dma_start3A_90 = tpu.memref_slice %arg11[%dma_start3A_79] : memref<8x!tpu.dma_semaphore, #tpu.memory_space<semaphore_mem>> -> memref<1x!tpu.dma_semaphore, #tpu.memory_space<semaphore_mem>>
    %dma_start3A_91 = tpu.memref_squeeze %dma_start3A_90 : memref<1x!tpu.dma_semaphore, #tpu.memory_space<semaphore_mem>> -> memref<!tpu.dma_semaphore, #tpu.memory_space<semaphore_mem>>
    tpu.enqueue_indirect_dma source(%dma_start3A_89 : memref<10112x16xf32, #tpu.memory_space<vmem_shared>>) target(%dma_start3A_83 : memref<128x16xf32, #tpu.memory_space<vmem>>) offsets(%dma_start3A_86 : memref<128xi32, #tpu.memory_space<vmem>>) semaphore(%dma_start3A_91 : memref<!tpu.dma_semaphore, #tpu.memory_space<semaphore_mem>>)
    %while3A = arith.constant 0 : i32
    %while3A_92 = arith.constant 0 : i32
    %while3A_93 = arith.subi %select_n3A, %while3A_92 : i32
    %while3A_94 = arith.addi %while3A_92, %while3A_93 : i32
    %while3A_95 = arith.constant 1 : i32
    %while3A_96 = arith.divsi %while3A_93, %while3A_95 : i32
    %while3A_97 = arith.muli %while3A_96, %while3A_95 : i32
    %while3A_98 = arith.addi %while3A_92, %while3A_97 : i32
    %while3A_99 = arith.constant 1 : i32
    scf.for %while3A_112 = %while3A_92 to %while3A_98 step %while3A_99  : i32 {
      %jit3A_113 = arith.constant 8 : i32
      %eq3A = arith.constant 0 : i32
      %eq3A_114 = arith.cmpi eq, %jit3A_113, %eq3A : i32
      %jit3A_115 = arith.constant 1 : i32
      %select_n3A_116 = arith.select %eq3A_114, %jit3A_115, %jit3A_113 : i32
      %rem3A = arith.remsi %while3A_112, %select_n3A_116 : i32
      %ne3A = arith.constant 0 : i32
      %ne3A_117 = arith.cmpi ne, %rem3A, %ne3A : i32
      %lt3A_118 = arith.constant 0 : i32
      %lt3A_119 = arith.cmpi slt, %rem3A, %lt3A_118 : i32
      %lt3A_120 = arith.constant 0 : i32
      %lt3A_121 = arith.cmpi slt, %select_n3A_116, %lt3A_120 : i32
      %ne3A_122 = arith.xori %lt3A_119, %lt3A_121 : i1
      %and3A = arith.andi %ne3A_122, %ne3A_117 : i1
      %add3A_123 = arith.addi %rem3A, %select_n3A_116 : i32
      %select_n3A_124 = arith.select %and3A, %add3A_123, %rem3A : i32
      %dma_wait3A = arith.constant 0 : i32
      %dma_wait3A_125 = arith.constant 0 : i32
      %dma_wait3A_126 = tpu.memref_slice %arg7[%select_n3A_124, %dma_wait3A, %dma_wait3A_125] : memref<8x128x16xf32, #tpu.memory_space<vmem>> -> memref<1x128x16xf32, #tpu.memory_space<vmem>>
      %dma_wait3A_127 = tpu.memref_squeeze %dma_wait3A_126 : memref<1x128x16xf32, #tpu.memory_space<vmem>> -> memref<128x16xf32, #tpu.memory_space<vmem>>
      %dma_wait3A_128 = arith.constant 0 : i32
      %dma_wait3A_129 = tpu.memref_slice %arg5[%while3A_112, %dma_wait3A_128] : memref<79x128xi32, #tpu.memory_space<vmem>> -> memref<1x128xi32, #tpu.memory_space<vmem>>
      %dma_wait3A_130 = tpu.memref_squeeze %dma_wait3A_129 : memref<1x128xi32, #tpu.memory_space<vmem>> -> memref<128xi32, #tpu.memory_space<vmem>>
      %dma_wait3A_131 = arith.constant 0 : i32
      %dma_wait3A_132 = arith.constant 0 : i32
      %dma_wait3A_133 = tpu.memref_slice %arg10[%dma_wait3A_131, %dma_wait3A_132] : memref<10112x16xf32, #tpu.memory_space<vmem_shared>> -> memref<10112x16xf32, #tpu.memory_space<vmem_shared>>
      %dma_wait3A_134 = tpu.memref_slice %arg11[%select_n3A_124] : memref<8x!tpu.dma_semaphore, #tpu.memory_space<semaphore_mem>> -> memref<1x!tpu.dma_semaphore, #tpu.memory_space<semaphore_mem>>
      %dma_wait3A_135 = tpu.memref_squeeze %dma_wait3A_134 : memref<1x!tpu.dma_semaphore, #tpu.memory_space<semaphore_mem>> -> memref<!tpu.dma_semaphore, #tpu.memory_space<semaphore_mem>>
      tpu.wait_indirect_dma semaphore(%dma_wait3A_135 : memref<!tpu.dma_semaphore, #tpu.memory_space<semaphore_mem>>) src(%dma_wait3A_133 : memref<10112x16xf32, #tpu.memory_space<vmem_shared>>) dst(%dma_wait3A_127 : memref<128x16xf32, #tpu.memory_space<vmem>>)
      %dma_start3A_136 = arith.constant 0 : i32
      %dma_start3A_137 = arith.constant 0 : i32
      %dma_start3A_138 = tpu.memref_slice %arg7[%select_n3A_124, %dma_start3A_136, %dma_start3A_137] : memref<8x128x16xf32, #tpu.memory_space<vmem>> -> memref<1x128x16xf32, #tpu.memory_space<vmem>>
      %dma_start3A_139 = tpu.memref_squeeze %dma_start3A_138 : memref<1x128x16xf32, #tpu.memory_space<vmem>> -> memref<128x16xf32, #tpu.memory_space<vmem>>
      %dma_start3A_140 = arith.constant 0 : i32
      %dma_start3A_141 = tpu.memref_slice %arg6[%while3A_112, %dma_start3A_140] : memref<79x128xi32, #tpu.memory_space<vmem>> -> memref<1x128xi32, #tpu.memory_space<vmem>>
      %dma_start3A_142 = tpu.memref_squeeze %dma_start3A_141 : memref<1x128xi32, #tpu.memory_space<vmem>> -> memref<128xi32, #tpu.memory_space<vmem>>
      %dma_start3A_143 = arith.constant 0 : i32
      %dma_start3A_144 = arith.constant 0 : i32
      %dma_start3A_145 = tpu.memref_slice %arg9[%dma_start3A_143, %dma_start3A_144] : memref<10112x16xf32, #tpu.memory_space<vmem_shared>> -> memref<10112x16xf32, #tpu.memory_space<vmem_shared>>
      %dma_start3A_146 = tpu.memref_slice %arg12[%select_n3A_124] : memref<8x!tpu.dma_semaphore, #tpu.memory_space<semaphore_mem>> -> memref<1x!tpu.dma_semaphore, #tpu.memory_space<semaphore_mem>>
      %dma_start3A_147 = tpu.memref_squeeze %dma_start3A_146 : memref<1x!tpu.dma_semaphore, #tpu.memory_space<semaphore_mem>> -> memref<!tpu.dma_semaphore, #tpu.memory_space<semaphore_mem>>
      tpu.enqueue_indirect_dma source(%dma_start3A_139 : memref<128x16xf32, #tpu.memory_space<vmem>>) target(%dma_start3A_145 : memref<10112x16xf32, #tpu.memory_space<vmem_shared>>) offsets(%dma_start3A_142 : memref<128xi32, #tpu.memory_space<vmem>>) semaphore(%dma_start3A_147 : memref<!tpu.dma_semaphore, #tpu.memory_space<semaphore_mem>>) {add = true}
      %add3A_148 = arith.constant 4 : i32
      %add3A_149 = arith.addi %while3A_112, %add3A_148 : i32
      %jit3A_150 = arith.constant 8 : i32
      %eq3A_151 = arith.constant 0 : i32
      %eq3A_152 = arith.cmpi eq, %jit3A_150, %eq3A_151 : i32
      %jit3A_153 = arith.constant 1 : i32
      %select_n3A_154 = arith.select %eq3A_152, %jit3A_153, %jit3A_150 : i32
      %rem3A_155 = arith.remsi %add3A_149, %select_n3A_154 : i32
      %ne3A_156 = arith.constant 0 : i32
      %ne3A_157 = arith.cmpi ne, %rem3A_155, %ne3A_156 : i32
      %lt3A_158 = arith.constant 0 : i32
      %lt3A_159 = arith.cmpi slt, %rem3A_155, %lt3A_158 : i32
      %lt3A_160 = arith.constant 0 : i32
      %lt3A_161 = arith.cmpi slt, %select_n3A_154, %lt3A_160 : i32
      %ne3A_162 = arith.xori %lt3A_159, %lt3A_161 : i1
      %and3A_163 = arith.andi %ne3A_162, %ne3A_157 : i1
      %add3A_164 = arith.addi %rem3A_155, %select_n3A_154 : i32
      %select_n3A_165 = arith.select %and3A_163, %add3A_164, %rem3A_155 : i32
      %add3A_166 = arith.constant 4 : i32
      %add3A_167 = arith.addi %while3A_112, %add3A_166 : i32
      %ge3A = arith.constant 8 : i32
      %ge3A_168 = arith.cmpi sge, %add3A_167, %ge3A : i32
      %convert_element_type3A_169 = arith.extui %ge3A_168 : i1 to i32
      %cond3A_170 = arith.constant 0 : i32
      %cond3A_171 = arith.cmpi ne, %convert_element_type3A_169, %cond3A_170 : i32
      scf.if %cond3A_171 {
        %add3A_178 = arith.constant 4 : i32
        %add3A_179 = arith.addi %while3A_112, %add3A_178 : i32
        %sub3A_180 = arith.constant 8 : i32
        %sub3A_181 = arith.subi %add3A_179, %sub3A_180 : i32
        %dma_wait3A_182 = arith.constant 0 : i32
        %dma_wait3A_183 = arith.constant 0 : i32
        %dma_wait3A_184 = tpu.memref_slice %arg7[%select_n3A_165, %dma_wait3A_182, %dma_wait3A_183] : memref<8x128x16xf32, #tpu.memory_space<vmem>> -> memref<1x128x16xf32, #tpu.memory_space<vmem>>
        %dma_wait3A_185 = tpu.memref_squeeze %dma_wait3A_184 : memref<1x128x16xf32, #tpu.memory_space<vmem>> -> memref<128x16xf32, #tpu.memory_space<vmem>>
        %dma_wait3A_186 = arith.constant 0 : i32
        %dma_wait3A_187 = tpu.memref_slice %arg6[%sub3A_181, %dma_wait3A_186] : memref<79x128xi32, #tpu.memory_space<vmem>> -> memref<1x128xi32, #tpu.memory_space<vmem>>
        %dma_wait3A_188 = tpu.memref_squeeze %dma_wait3A_187 : memref<1x128xi32, #tpu.memory_space<vmem>> -> memref<128xi32, #tpu.memory_space<vmem>>
        %dma_wait3A_189 = arith.constant 0 : i32
        %dma_wait3A_190 = arith.constant 0 : i32
        %dma_wait3A_191 = tpu.memref_slice %arg9[%dma_wait3A_189, %dma_wait3A_190] : memref<10112x16xf32, #tpu.memory_space<vmem_shared>> -> memref<10112x16xf32, #tpu.memory_space<vmem_shared>>
        %dma_wait3A_192 = tpu.memref_slice %arg12[%select_n3A_165] : memref<8x!tpu.dma_semaphore, #tpu.memory_space<semaphore_mem>> -> memref<1x!tpu.dma_semaphore, #tpu.memory_space<semaphore_mem>>
        %dma_wait3A_193 = tpu.memref_squeeze %dma_wait3A_192 : memref<1x!tpu.dma_semaphore, #tpu.memory_space<semaphore_mem>> -> memref<!tpu.dma_semaphore, #tpu.memory_space<semaphore_mem>>
        tpu.wait_indirect_dma semaphore(%dma_wait3A_193 : memref<!tpu.dma_semaphore, #tpu.memory_space<semaphore_mem>>) src(%dma_wait3A_185 : memref<128x16xf32, #tpu.memory_space<vmem>>) dst(%dma_wait3A_191 : memref<10112x16xf32, #tpu.memory_space<vmem_shared>>)
      } else {
      }
      %add3A_172 = arith.constant 4 : i32
      %add3A_173 = arith.addi %while3A_112, %add3A_172 : i32
      %lt3A_174 = arith.cmpi slt, %add3A_173, %select_n3A : i32
      %convert_element_type3A_175 = arith.extui %lt3A_174 : i1 to i32
      %cond3A_176 = arith.constant 0 : i32
      %cond3A_177 = arith.cmpi ne, %convert_element_type3A_175, %cond3A_176 : i32
      scf.if %cond3A_177 {
        %add3A_178 = arith.constant 4 : i32
        %add3A_179 = arith.addi %while3A_112, %add3A_178 : i32
        %dma_start3A_180 = arith.constant 0 : i32
        %dma_start3A_181 = arith.constant 0 : i32
        %dma_start3A_182 = tpu.memref_slice %arg7[%select_n3A_165, %dma_start3A_180, %dma_start3A_181] : memref<8x128x16xf32, #tpu.memory_space<vmem>> -> memref<1x128x16xf32, #tpu.memory_space<vmem>>
        %dma_start3A_183 = tpu.memref_squeeze %dma_start3A_182 : memref<1x128x16xf32, #tpu.memory_space<vmem>> -> memref<128x16xf32, #tpu.memory_space<vmem>>
        %dma_start3A_184 = arith.constant 0 : i32
        %dma_start3A_185 = tpu.memref_slice %arg5[%add3A_179, %dma_start3A_184] : memref<79x128xi32, #tpu.memory_space<vmem>> -> memref<1x128xi32, #tpu.memory_space<vmem>>
        %dma_start3A_186 = tpu.memref_squeeze %dma_start3A_185 : memref<1x128xi32, #tpu.memory_space<vmem>> -> memref<128xi32, #tpu.memory_space<vmem>>
        %dma_start3A_187 = arith.constant 0 : i32
        %dma_start3A_188 = arith.constant 0 : i32
        %dma_start3A_189 = tpu.memref_slice %arg10[%dma_start3A_187, %dma_start3A_188] : memref<10112x16xf32, #tpu.memory_space<vmem_shared>> -> memref<10112x16xf32, #tpu.memory_space<vmem_shared>>
        %dma_start3A_190 = tpu.memref_slice %arg11[%select_n3A_165] : memref<8x!tpu.dma_semaphore, #tpu.memory_space<semaphore_mem>> -> memref<1x!tpu.dma_semaphore, #tpu.memory_space<semaphore_mem>>
        %dma_start3A_191 = tpu.memref_squeeze %dma_start3A_190 : memref<1x!tpu.dma_semaphore, #tpu.memory_space<semaphore_mem>> -> memref<!tpu.dma_semaphore, #tpu.memory_space<semaphore_mem>>
        tpu.enqueue_indirect_dma source(%dma_start3A_189 : memref<10112x16xf32, #tpu.memory_space<vmem_shared>>) target(%dma_start3A_183 : memref<128x16xf32, #tpu.memory_space<vmem>>) offsets(%dma_start3A_186 : memref<128xi32, #tpu.memory_space<vmem>>) semaphore(%dma_start3A_191 : memref<!tpu.dma_semaphore, #tpu.memory_space<semaphore_mem>>)
      } else {
      }
    }
    %while3A_100 = arith.constant 1 : i32
    scf.for %while3A_112 = %while3A_98 to %while3A_94 step %while3A_100  : i32 {
      %jit3A_113 = arith.constant 8 : i32
      %eq3A = arith.constant 0 : i32
      %eq3A_114 = arith.cmpi eq, %jit3A_113, %eq3A : i32
      %jit3A_115 = arith.constant 1 : i32
      %select_n3A_116 = arith.select %eq3A_114, %jit3A_115, %jit3A_113 : i32
      %rem3A = arith.remsi %while3A_112, %select_n3A_116 : i32
      %ne3A = arith.constant 0 : i32
      %ne3A_117 = arith.cmpi ne, %rem3A, %ne3A : i32
      %lt3A_118 = arith.constant 0 : i32
      %lt3A_119 = arith.cmpi slt, %rem3A, %lt3A_118 : i32
      %lt3A_120 = arith.constant 0 : i32
      %lt3A_121 = arith.cmpi slt, %select_n3A_116, %lt3A_120 : i32
      %ne3A_122 = arith.xori %lt3A_119, %lt3A_121 : i1
      %and3A = arith.andi %ne3A_122, %ne3A_117 : i1
      %add3A_123 = arith.addi %rem3A, %select_n3A_116 : i32
      %select_n3A_124 = arith.select %and3A, %add3A_123, %rem3A : i32
      %dma_wait3A = arith.constant 0 : i32
      %dma_wait3A_125 = arith.constant 0 : i32
      %dma_wait3A_126 = tpu.memref_slice %arg7[%select_n3A_124, %dma_wait3A, %dma_wait3A_125] : memref<8x128x16xf32, #tpu.memory_space<vmem>> -> memref<1x128x16xf32, #tpu.memory_space<vmem>>
      %dma_wait3A_127 = tpu.memref_squeeze %dma_wait3A_126 : memref<1x128x16xf32, #tpu.memory_space<vmem>> -> memref<128x16xf32, #tpu.memory_space<vmem>>
      %dma_wait3A_128 = arith.constant 0 : i32
      %dma_wait3A_129 = tpu.memref_slice %arg5[%while3A_112, %dma_wait3A_128] : memref<79x128xi32, #tpu.memory_space<vmem>> -> memref<1x128xi32, #tpu.memory_space<vmem>>
      %dma_wait3A_130 = tpu.memref_squeeze %dma_wait3A_129 : memref<1x128xi32, #tpu.memory_space<vmem>> -> memref<128xi32, #tpu.memory_space<vmem>>
      %dma_wait3A_131 = arith.constant 0 : i32
      %dma_wait3A_132 = arith.constant 0 : i32
      %dma_wait3A_133 = tpu.memref_slice %arg10[%dma_wait3A_131, %dma_wait3A_132] : memref<10112x16xf32, #tpu.memory_space<vmem_shared>> -> memref<10112x16xf32, #tpu.memory_space<vmem_shared>>
      %dma_wait3A_134 = tpu.memref_slice %arg11[%select_n3A_124] : memref<8x!tpu.dma_semaphore, #tpu.memory_space<semaphore_mem>> -> memref<1x!tpu.dma_semaphore, #tpu.memory_space<semaphore_mem>>
      %dma_wait3A_135 = tpu.memref_squeeze %dma_wait3A_134 : memref<1x!tpu.dma_semaphore, #tpu.memory_space<semaphore_mem>> -> memref<!tpu.dma_semaphore, #tpu.memory_space<semaphore_mem>>
      tpu.wait_indirect_dma semaphore(%dma_wait3A_135 : memref<!tpu.dma_semaphore, #tpu.memory_space<semaphore_mem>>) src(%dma_wait3A_133 : memref<10112x16xf32, #tpu.memory_space<vmem_shared>>) dst(%dma_wait3A_127 : memref<128x16xf32, #tpu.memory_space<vmem>>)
      %dma_start3A_136 = arith.constant 0 : i32
      %dma_start3A_137 = arith.constant 0 : i32
      %dma_start3A_138 = tpu.memref_slice %arg7[%select_n3A_124, %dma_start3A_136, %dma_start3A_137] : memref<8x128x16xf32, #tpu.memory_space<vmem>> -> memref<1x128x16xf32, #tpu.memory_space<vmem>>
      %dma_start3A_139 = tpu.memref_squeeze %dma_start3A_138 : memref<1x128x16xf32, #tpu.memory_space<vmem>> -> memref<128x16xf32, #tpu.memory_space<vmem>>
      %dma_start3A_140 = arith.constant 0 : i32
      %dma_start3A_141 = tpu.memref_slice %arg6[%while3A_112, %dma_start3A_140] : memref<79x128xi32, #tpu.memory_space<vmem>> -> memref<1x128xi32, #tpu.memory_space<vmem>>
      %dma_start3A_142 = tpu.memref_squeeze %dma_start3A_141 : memref<1x128xi32, #tpu.memory_space<vmem>> -> memref<128xi32, #tpu.memory_space<vmem>>
      %dma_start3A_143 = arith.constant 0 : i32
      %dma_start3A_144 = arith.constant 0 : i32
      %dma_start3A_145 = tpu.memref_slice %arg9[%dma_start3A_143, %dma_start3A_144] : memref<10112x16xf32, #tpu.memory_space<vmem_shared>> -> memref<10112x16xf32, #tpu.memory_space<vmem_shared>>
      %dma_start3A_146 = tpu.memref_slice %arg12[%select_n3A_124] : memref<8x!tpu.dma_semaphore, #tpu.memory_space<semaphore_mem>> -> memref<1x!tpu.dma_semaphore, #tpu.memory_space<semaphore_mem>>
      %dma_start3A_147 = tpu.memref_squeeze %dma_start3A_146 : memref<1x!tpu.dma_semaphore, #tpu.memory_space<semaphore_mem>> -> memref<!tpu.dma_semaphore, #tpu.memory_space<semaphore_mem>>
      tpu.enqueue_indirect_dma source(%dma_start3A_139 : memref<128x16xf32, #tpu.memory_space<vmem>>) target(%dma_start3A_145 : memref<10112x16xf32, #tpu.memory_space<vmem_shared>>) offsets(%dma_start3A_142 : memref<128xi32, #tpu.memory_space<vmem>>) semaphore(%dma_start3A_147 : memref<!tpu.dma_semaphore, #tpu.memory_space<semaphore_mem>>) {add = true}
      %add3A_148 = arith.constant 4 : i32
      %add3A_149 = arith.addi %while3A_112, %add3A_148 : i32
      %jit3A_150 = arith.constant 8 : i32
      %eq3A_151 = arith.constant 0 : i32
      %eq3A_152 = arith.cmpi eq, %jit3A_150, %eq3A_151 : i32
      %jit3A_153 = arith.constant 1 : i32
      %select_n3A_154 = arith.select %eq3A_152, %jit3A_153, %jit3A_150 : i32
      %rem3A_155 = arith.remsi %add3A_149, %select_n3A_154 : i32
      %ne3A_156 = arith.constant 0 : i32
      %ne3A_157 = arith.cmpi ne, %rem3A_155, %ne3A_156 : i32
      %lt3A_158 = arith.constant 0 : i32
      %lt3A_159 = arith.cmpi slt, %rem3A_155, %lt3A_158 : i32
      %lt3A_160 = arith.constant 0 : i32
      %lt3A_161 = arith.cmpi slt, %select_n3A_154, %lt3A_160 : i32
      %ne3A_162 = arith.xori %lt3A_159, %lt3A_161 : i1
      %and3A_163 = arith.andi %ne3A_162, %ne3A_157 : i1
      %add3A_164 = arith.addi %rem3A_155, %select_n3A_154 : i32
      %select_n3A_165 = arith.select %and3A_163, %add3A_164, %rem3A_155 : i32
      %add3A_166 = arith.constant 4 : i32
      %add3A_167 = arith.addi %while3A_112, %add3A_166 : i32
      %ge3A = arith.constant 8 : i32
      %ge3A_168 = arith.cmpi sge, %add3A_167, %ge3A : i32
      %convert_element_type3A_169 = arith.extui %ge3A_168 : i1 to i32
      %cond3A_170 = arith.constant 0 : i32
      %cond3A_171 = arith.cmpi ne, %convert_element_type3A_169, %cond3A_170 : i32
      scf.if %cond3A_171 {
        %add3A_178 = arith.constant 4 : i32
        %add3A_179 = arith.addi %while3A_112, %add3A_178 : i32
        %sub3A_180 = arith.constant 8 : i32
        %sub3A_181 = arith.subi %add3A_179, %sub3A_180 : i32
        %dma_wait3A_182 = arith.constant 0 : i32
        %dma_wait3A_183 = arith.constant 0 : i32
        %dma_wait3A_184 = tpu.memref_slice %arg7[%select_n3A_165, %dma_wait3A_182, %dma_wait3A_183] : memref<8x128x16xf32, #tpu.memory_space<vmem>> -> memref<1x128x16xf32, #tpu.memory_space<vmem>>
        %dma_wait3A_185 = tpu.memref_squeeze %dma_wait3A_184 : memref<1x128x16xf32, #tpu.memory_space<vmem>> -> memref<128x16xf32, #tpu.memory_space<vmem>>
        %dma_wait3A_186 = arith.constant 0 : i32
        %dma_wait3A_187 = tpu.memref_slice %arg6[%sub3A_181, %dma_wait3A_186] : memref<79x128xi32, #tpu.memory_space<vmem>> -> memref<1x128xi32, #tpu.memory_space<vmem>>
        %dma_wait3A_188 = tpu.memref_squeeze %dma_wait3A_187 : memref<1x128xi32, #tpu.memory_space<vmem>> -> memref<128xi32, #tpu.memory_space<vmem>>
        %dma_wait3A_189 = arith.constant 0 : i32
        %dma_wait3A_190 = arith.constant 0 : i32
        %dma_wait3A_191 = tpu.memref_slice %arg9[%dma_wait3A_189, %dma_wait3A_190] : memref<10112x16xf32, #tpu.memory_space<vmem_shared>> -> memref<10112x16xf32, #tpu.memory_space<vmem_shared>>
        %dma_wait3A_192 = tpu.memref_slice %arg12[%select_n3A_165] : memref<8x!tpu.dma_semaphore, #tpu.memory_space<semaphore_mem>> -> memref<1x!tpu.dma_semaphore, #tpu.memory_space<semaphore_mem>>
        %dma_wait3A_193 = tpu.memref_squeeze %dma_wait3A_192 : memref<1x!tpu.dma_semaphore, #tpu.memory_space<semaphore_mem>> -> memref<!tpu.dma_semaphore, #tpu.memory_space<semaphore_mem>>
        tpu.wait_indirect_dma semaphore(%dma_wait3A_193 : memref<!tpu.dma_semaphore, #tpu.memory_space<semaphore_mem>>) src(%dma_wait3A_185 : memref<128x16xf32, #tpu.memory_space<vmem>>) dst(%dma_wait3A_191 : memref<10112x16xf32, #tpu.memory_space<vmem_shared>>)
      } else {
      }
      %add3A_172 = arith.constant 4 : i32
      %add3A_173 = arith.addi %while3A_112, %add3A_172 : i32
      %lt3A_174 = arith.cmpi slt, %add3A_173, %select_n3A : i32
      %convert_element_type3A_175 = arith.extui %lt3A_174 : i1 to i32
      %cond3A_176 = arith.constant 0 : i32
      %cond3A_177 = arith.cmpi ne, %convert_element_type3A_175, %cond3A_176 : i32
      scf.if %cond3A_177 {
        %add3A_178 = arith.constant 4 : i32
        %add3A_179 = arith.addi %while3A_112, %add3A_178 : i32
        %dma_start3A_180 = arith.constant 0 : i32
        %dma_start3A_181 = arith.constant 0 : i32
        %dma_start3A_182 = tpu.memref_slice %arg7[%select_n3A_165, %dma_start3A_180, %dma_start3A_181] : memref<8x128x16xf32, #tpu.memory_space<vmem>> -> memref<1x128x16xf32, #tpu.memory_space<vmem>>
        %dma_start3A_183 = tpu.memref_squeeze %dma_start3A_182 : memref<1x128x16xf32, #tpu.memory_space<vmem>> -> memref<128x16xf32, #tpu.memory_space<vmem>>
        %dma_start3A_184 = arith.constant 0 : i32
        %dma_start3A_185 = tpu.memref_slice %arg5[%add3A_179, %dma_start3A_184] : memref<79x128xi32, #tpu.memory_space<vmem>> -> memref<1x128xi32, #tpu.memory_space<vmem>>
        %dma_start3A_186 = tpu.memref_squeeze %dma_start3A_185 : memref<1x128xi32, #tpu.memory_space<vmem>> -> memref<128xi32, #tpu.memory_space<vmem>>
        %dma_start3A_187 = arith.constant 0 : i32
        %dma_start3A_188 = arith.constant 0 : i32
        %dma_start3A_189 = tpu.memref_slice %arg10[%dma_start3A_187, %dma_start3A_188] : memref<10112x16xf32, #tpu.memory_space<vmem_shared>> -> memref<10112x16xf32, #tpu.memory_space<vmem_shared>>
        %dma_start3A_190 = tpu.memref_slice %arg11[%select_n3A_165] : memref<8x!tpu.dma_semaphore, #tpu.memory_space<semaphore_mem>> -> memref<1x!tpu.dma_semaphore, #tpu.memory_space<semaphore_mem>>
        %dma_start3A_191 = tpu.memref_squeeze %dma_start3A_190 : memref<1x!tpu.dma_semaphore, #tpu.memory_space<semaphore_mem>> -> memref<!tpu.dma_semaphore, #tpu.memory_space<semaphore_mem>>
        tpu.enqueue_indirect_dma source(%dma_start3A_189 : memref<10112x16xf32, #tpu.memory_space<vmem_shared>>) target(%dma_start3A_183 : memref<128x16xf32, #tpu.memory_space<vmem>>) offsets(%dma_start3A_186 : memref<128xi32, #tpu.memory_space<vmem>>) semaphore(%dma_start3A_191 : memref<!tpu.dma_semaphore, #tpu.memory_space<semaphore_mem>>)
      } else {
      }
    }
    %sub3A = arith.constant 4 : i32
    %sub3A_101 = arith.subi %select_n3A, %sub3A : i32
    %while3A_102 = arith.constant 0 : i32
    %while3A_103 = arith.subi %select_n3A, %sub3A_101 : i32
    %while3A_104 = arith.addi %sub3A_101, %while3A_103 : i32
    %while3A_105 = arith.constant 1 : i32
    %while3A_106 = arith.divsi %while3A_103, %while3A_105 : i32
    %while3A_107 = arith.muli %while3A_106, %while3A_105 : i32
    %while3A_108 = arith.addi %sub3A_101, %while3A_107 : i32
    %while3A_109 = arith.constant 1 : i32
    scf.for %while3A_112 = %sub3A_101 to %while3A_108 step %while3A_109  : i32 {
      %jit3A_113 = arith.constant 8 : i32
      %eq3A = arith.constant 0 : i32
      %eq3A_114 = arith.cmpi eq, %jit3A_113, %eq3A : i32
      %jit3A_115 = arith.constant 1 : i32
      %select_n3A_116 = arith.select %eq3A_114, %jit3A_115, %jit3A_113 : i32
      %rem3A = arith.remsi %while3A_112, %select_n3A_116 : i32
      %ne3A = arith.constant 0 : i32
      %ne3A_117 = arith.cmpi ne, %rem3A, %ne3A : i32
      %lt3A_118 = arith.constant 0 : i32
      %lt3A_119 = arith.cmpi slt, %rem3A, %lt3A_118 : i32
      %lt3A_120 = arith.constant 0 : i32
      %lt3A_121 = arith.cmpi slt, %select_n3A_116, %lt3A_120 : i32
      %ne3A_122 = arith.xori %lt3A_119, %lt3A_121 : i1
      %and3A = arith.andi %ne3A_122, %ne3A_117 : i1
      %add3A_123 = arith.addi %rem3A, %select_n3A_116 : i32
      %select_n3A_124 = arith.select %and3A, %add3A_123, %rem3A : i32
      %dma_wait3A = arith.constant 0 : i32
      %dma_wait3A_125 = arith.constant 0 : i32
      %dma_wait3A_126 = tpu.memref_slice %arg7[%select_n3A_124, %dma_wait3A, %dma_wait3A_125] : memref<8x128x16xf32, #tpu.memory_space<vmem>> -> memref<1x128x16xf32, #tpu.memory_space<vmem>>
      %dma_wait3A_127 = tpu.memref_squeeze %dma_wait3A_126 : memref<1x128x16xf32, #tpu.memory_space<vmem>> -> memref<128x16xf32, #tpu.memory_space<vmem>>
      %dma_wait3A_128 = arith.constant 0 : i32
      %dma_wait3A_129 = tpu.memref_slice %arg6[%while3A_112, %dma_wait3A_128] : memref<79x128xi32, #tpu.memory_space<vmem>> -> memref<1x128xi32, #tpu.memory_space<vmem>>
      %dma_wait3A_130 = tpu.memref_squeeze %dma_wait3A_129 : memref<1x128xi32, #tpu.memory_space<vmem>> -> memref<128xi32, #tpu.memory_space<vmem>>
      %dma_wait3A_131 = arith.constant 0 : i32
      %dma_wait3A_132 = arith.constant 0 : i32
      %dma_wait3A_133 = tpu.memref_slice %arg9[%dma_wait3A_131, %dma_wait3A_132] : memref<10112x16xf32, #tpu.memory_space<vmem_shared>> -> memref<10112x16xf32, #tpu.memory_space<vmem_shared>>
      %dma_wait3A_134 = tpu.memref_slice %arg12[%select_n3A_124] : memref<8x!tpu.dma_semaphore, #tpu.memory_space<semaphore_mem>> -> memref<1x!tpu.dma_semaphore, #tpu.memory_space<semaphore_mem>>
      %dma_wait3A_135 = tpu.memref_squeeze %dma_wait3A_134 : memref<1x!tpu.dma_semaphore, #tpu.memory_space<semaphore_mem>> -> memref<!tpu.dma_semaphore, #tpu.memory_space<semaphore_mem>>
      tpu.wait_indirect_dma semaphore(%dma_wait3A_135 : memref<!tpu.dma_semaphore, #tpu.memory_space<semaphore_mem>>) src(%dma_wait3A_127 : memref<128x16xf32, #tpu.memory_space<vmem>>) dst(%dma_wait3A_133 : memref<10112x16xf32, #tpu.memory_space<vmem_shared>>)
    }
    %while3A_110 = arith.constant 1 : i32
    scf.for %while3A_112 = %while3A_108 to %while3A_104 step %while3A_110  : i32 {
      %jit3A_113 = arith.constant 8 : i32
      %eq3A = arith.constant 0 : i32
      %eq3A_114 = arith.cmpi eq, %jit3A_113, %eq3A : i32
      %jit3A_115 = arith.constant 1 : i32
      %select_n3A_116 = arith.select %eq3A_114, %jit3A_115, %jit3A_113 : i32
      %rem3A = arith.remsi %while3A_112, %select_n3A_116 : i32
      %ne3A = arith.constant 0 : i32
      %ne3A_117 = arith.cmpi ne, %rem3A, %ne3A : i32
      %lt3A_118 = arith.constant 0 : i32
      %lt3A_119 = arith.cmpi slt, %rem3A, %lt3A_118 : i32
      %lt3A_120 = arith.constant 0 : i32
      %lt3A_121 = arith.cmpi slt, %select_n3A_116, %lt3A_120 : i32
      %ne3A_122 = arith.xori %lt3A_119, %lt3A_121 : i1
      %and3A = arith.andi %ne3A_122, %ne3A_117 : i1
      %add3A_123 = arith.addi %rem3A, %select_n3A_116 : i32
      %select_n3A_124 = arith.select %and3A, %add3A_123, %rem3A : i32
      %dma_wait3A = arith.constant 0 : i32
      %dma_wait3A_125 = arith.constant 0 : i32
      %dma_wait3A_126 = tpu.memref_slice %arg7[%select_n3A_124, %dma_wait3A, %dma_wait3A_125] : memref<8x128x16xf32, #tpu.memory_space<vmem>> -> memref<1x128x16xf32, #tpu.memory_space<vmem>>
      %dma_wait3A_127 = tpu.memref_squeeze %dma_wait3A_126 : memref<1x128x16xf32, #tpu.memory_space<vmem>> -> memref<128x16xf32, #tpu.memory_space<vmem>>
      %dma_wait3A_128 = arith.constant 0 : i32
      %dma_wait3A_129 = tpu.memref_slice %arg6[%while3A_112, %dma_wait3A_128] : memref<79x128xi32, #tpu.memory_space<vmem>> -> memref<1x128xi32, #tpu.memory_space<vmem>>
      %dma_wait3A_130 = tpu.memref_squeeze %dma_wait3A_129 : memref<1x128xi32, #tpu.memory_space<vmem>> -> memref<128xi32, #tpu.memory_space<vmem>>
      %dma_wait3A_131 = arith.constant 0 : i32
      %dma_wait3A_132 = arith.constant 0 : i32
      %dma_wait3A_133 = tpu.memref_slice %arg9[%dma_wait3A_131, %dma_wait3A_132] : memref<10112x16xf32, #tpu.memory_space<vmem_shared>> -> memref<10112x16xf32, #tpu.memory_space<vmem_shared>>
      %dma_wait3A_134 = tpu.memref_slice %arg12[%select_n3A_124] : memref<8x!tpu.dma_semaphore, #tpu.memory_space<semaphore_mem>> -> memref<1x!tpu.dma_semaphore, #tpu.memory_space<semaphore_mem>>
      %dma_wait3A_135 = tpu.memref_squeeze %dma_wait3A_134 : memref<1x!tpu.dma_semaphore, #tpu.memory_space<semaphore_mem>> -> memref<!tpu.dma_semaphore, #tpu.memory_space<semaphore_mem>>
      tpu.wait_indirect_dma semaphore(%dma_wait3A_135 : memref<!tpu.dma_semaphore, #tpu.memory_space<semaphore_mem>>) src(%dma_wait3A_127 : memref<128x16xf32, #tpu.memory_space<vmem>>) dst(%dma_wait3A_133 : memref<10112x16xf32, #tpu.memory_space<vmem_shared>>)
    }
    %barrier3A_111 = arith.constant 0 : index
    tpu.barrier barrier_id(%barrier3A_111)
    "tpu.region"() ({
      %run_scoped3A_112 = tpu.sem_alloc : memref<!tpu.dma_semaphore, #tpu.memory_space<semaphore_mem>>
      %dma_start3A_113 = arith.constant 0 : i32
      %dma_start3A_114 = tpu.memref_slice %arg4[%arg0, %mul3A_22, %dma_start3A_113] : memref<2x10112x16xf32, #tpu.memory_space<hbm>> -> memref<1x632x16xf32, #tpu.memory_space<hbm>>
      %dma_start3A_115 = tpu.memref_squeeze %dma_start3A_114 : memref<1x632x16xf32, #tpu.memory_space<hbm>> -> memref<632x16xf32, #tpu.memory_space<hbm>>
      %dma_start3A_116 = arith.constant 0 : i32
      %dma_start3A_117 = tpu.memref_slice %arg9[%mul3A_22, %dma_start3A_116] : memref<10112x16xf32, #tpu.memory_space<vmem_shared>> -> memref<632x16xf32, #tpu.memory_space<vmem_shared>>
      tpu.enqueue_dma source(%dma_start3A_117 : memref<632x16xf32, #tpu.memory_space<vmem_shared>>) target(%dma_start3A_115 : memref<632x16xf32, #tpu.memory_space<hbm>>) target_semaphore(%run_scoped3A_112 : memref<!tpu.dma_semaphore, #tpu.memory_space<semaphore_mem>>)
      %dma_wait3A = arith.constant 0 : i32
      %dma_wait3A_118 = tpu.memref_slice %arg4[%arg0, %mul3A_22, %dma_wait3A] : memref<2x10112x16xf32, #tpu.memory_space<hbm>> -> memref<1x632x16xf32, #tpu.memory_space<hbm>>
      %dma_wait3A_119 = tpu.memref_squeeze %dma_wait3A_118 : memref<1x632x16xf32, #tpu.memory_space<hbm>> -> memref<632x16xf32, #tpu.memory_space<hbm>>
      %dma_wait3A_120 = arith.constant 0 : i32
      %dma_wait3A_121 = tpu.memref_slice %arg9[%mul3A_22, %dma_wait3A_120] : memref<10112x16xf32, #tpu.memory_space<vmem_shared>> -> memref<632x16xf32, #tpu.memory_space<vmem_shared>>
      tpu.wait_dma2 semaphore(%run_scoped3A_112 : memref<!tpu.dma_semaphore, #tpu.memory_space<semaphore_mem>>) src(%dma_wait3A_121 : memref<632x16xf32, #tpu.memory_space<vmem_shared>>) dst(%dma_wait3A_119 : memref<632x16xf32, #tpu.memory_space<hbm>>)
      tpu.yield
    }) : () -> ()
    return
  }
}

#map = affine_map<(d0, d1) -> (0, 0)>
#map1 = affine_map<(d0, d1) -> (0, 0, 0)>
module attributes {stable_mosaic.version = 14 : i64} {
  func.func @prop_kernel(%arg0: i32, %arg1: i32, %arg2: memref<10112x16xf32, #tpu.memory_space<hbm>>, %arg3: memref<2x2500x128xi32, #tpu.memory_space<hbm>>, %arg4: memref<2x10112x16xf32, #tpu.memory_space<hbm>>, %arg5: memref<79x128xi32, #tpu.memory_space<vmem>>, %arg6: memref<79x128xi32, #tpu.memory_space<vmem>>, %arg7: memref<8x128x16xf32, #tpu.memory_space<vmem>>, %arg8: memref<128x16xf32, #tpu.memory_space<vmem>>, %arg9: memref<10112x16xf32, #tpu.memory_space<vmem_shared>>, %arg10: memref<10112x16xf32, #tpu.memory_space<vmem_shared>>, %arg11: memref<8x!tpu.dma_semaphore, #tpu.memory_space<semaphore_mem>>, %arg12: memref<8x!tpu.dma_semaphore, #tpu.memory_space<semaphore_mem>>) attributes {dimension_semantics = [#tpu.dimension_semantics<core_parallel>, #tpu.dimension_semantics<subcore_parallel>], iteration_bounds = array<i64: 2, 16>, scalar_prefetch = 0 : i64, scratch_operands = 8 : i64, tpu.core_type = #tpu.core_type<sc_vector_subcore>, window_params = [{transform_indices = #map}, {transform_indices = #map1}, {transform_indices = #map1}]} {
    %mul3A = arith.constant 2 : i32
    %mul3A_0 = arith.muli %arg1, %mul3A : i32
    %add3A = arith.addi %mul3A_0, %arg0 : i32
    %lt3A = arith.constant 4 : i32
    %lt3A_1 = arith.cmpi slt, %add3A, %lt3A : i32
    %jit3A = arith.constant 79 : i32
    %jit3A_2 = arith.constant 78 : i32
    %select_n3A = arith.select %lt3A_1, %jit3A, %jit3A_2 : i32
    %mul3A_3 = arith.constant 78 : i32
    %mul3A_4 = arith.muli %add3A, %mul3A_3 : i32
    %run_scoped3A = arith.constant 0 : i32
    "tpu.region"() ({
      %run_scoped3A_112 = tpu.sem_alloc : memref<!tpu.dma_semaphore, #tpu.memory_space<semaphore_mem>>
      %dma_start3A_113 = arith.constant 0 : i32
      %dma_start3A_114 = arith.constant 0 : i32
      %dma_start3A_115 = tpu.memref_slice %arg5[%dma_start3A_113, %dma_start3A_114] : memref<79x128xi32, #tpu.memory_space<vmem>> -> memref<78x128xi32, #tpu.memory_space<vmem>>
      %dma_start3A_116 = arith.constant 0 : i32
      %dma_start3A_117 = tpu.memref_slice %arg3[%run_scoped3A, %mul3A_4, %dma_start3A_116] : memref<2x2500x128xi32, #tpu.memory_space<hbm>> -> memref<1x78x128xi32, #tpu.memory_space<hbm>>
      %dma_start3A_118 = tpu.memref_squeeze %dma_start3A_117 : memref<1x78x128xi32, #tpu.memory_space<hbm>> -> memref<78x128xi32, #tpu.memory_space<hbm>>
      %dma_start3A_119 = arith.constant 0 : i32
      %dma_start3A_120 = arith.constant 0 : i32
      %dma_start3A_121 = tpu.memref_slice %arg5[%dma_start3A_119, %dma_start3A_120] : memref<79x128xi32, #tpu.memory_space<vmem>> -> memref<78x128xi32, #tpu.memory_space<vmem>>
      %dma_start3A_122 = arith.constant 0 : i32
      %dma_start3A_123 = tpu.memref_slice %arg3[%run_scoped3A, %mul3A_4, %dma_start3A_122] : memref<2x2500x128xi32, #tpu.memory_space<hbm>> -> memref<1x78x128xi32, #tpu.memory_space<hbm>>
      %dma_start3A_124 = tpu.memref_squeeze %dma_start3A_123 : memref<1x78x128xi32, #tpu.memory_space<hbm>> -> memref<78x128xi32, #tpu.memory_space<hbm>>
      tpu.enqueue_dma source(%dma_start3A_124 : memref<78x128xi32, #tpu.memory_space<hbm>>) target(%dma_start3A_121 : memref<78x128xi32, #tpu.memory_space<vmem>>) target_semaphore(%run_scoped3A_112 : memref<!tpu.dma_semaphore, #tpu.memory_space<semaphore_mem>>)
      %dma_wait3A = arith.constant 0 : i32
      %dma_wait3A_125 = arith.constant 0 : i32
      %dma_wait3A_126 = tpu.memref_slice %arg5[%dma_wait3A, %dma_wait3A_125] : memref<79x128xi32, #tpu.memory_space<vmem>> -> memref<78x128xi32, #tpu.memory_space<vmem>>
      %dma_wait3A_127 = arith.constant 0 : i32
      %dma_wait3A_128 = tpu.memref_slice %arg3[%run_scoped3A, %mul3A_4, %dma_wait3A_127] : memref<2x2500x128xi32, #tpu.memory_space<hbm>> -> memref<1x78x128xi32, #tpu.memory_space<hbm>>
      %dma_wait3A_129 = tpu.memref_squeeze %dma_wait3A_128 : memref<1x78x128xi32, #tpu.memory_space<hbm>> -> memref<78x128xi32, #tpu.memory_space<hbm>>
      %dma_wait3A_130 = arith.constant 0 : i32
      %dma_wait3A_131 = arith.constant 0 : i32
      %dma_wait3A_132 = tpu.memref_slice %arg5[%dma_wait3A_130, %dma_wait3A_131] : memref<79x128xi32, #tpu.memory_space<vmem>> -> memref<78x128xi32, #tpu.memory_space<vmem>>
      %dma_wait3A_133 = arith.constant 0 : i32
      %dma_wait3A_134 = tpu.memref_slice %arg3[%run_scoped3A, %mul3A_4, %dma_wait3A_133] : memref<2x2500x128xi32, #tpu.memory_space<hbm>> -> memref<1x78x128xi32, #tpu.memory_space<hbm>>
      %dma_wait3A_135 = tpu.memref_squeeze %dma_wait3A_134 : memref<1x78x128xi32, #tpu.memory_space<hbm>> -> memref<78x128xi32, #tpu.memory_space<hbm>>
      tpu.wait_dma2 semaphore(%run_scoped3A_112 : memref<!tpu.dma_semaphore, #tpu.memory_space<semaphore_mem>>) src(%dma_wait3A_135 : memref<78x128xi32, #tpu.memory_space<hbm>>) dst(%dma_wait3A_132 : memref<78x128xi32, #tpu.memory_space<vmem>>)
      tpu.yield
    }) : () -> ()
    %lt3A_5 = arith.constant 4 : i32
    %lt3A_6 = arith.cmpi slt, %add3A, %lt3A_5 : i32
    %convert_element_type3A = arith.extui %lt3A_6 : i1 to i32
    %cond3A = arith.constant 0 : i32
    %cond3A_7 = arith.cmpi ne, %convert_element_type3A, %cond3A : i32
    scf.if %cond3A_7 {
      %add3A_112 = arith.constant 2496 : i32
      %add3A_113 = arith.addi %add3A_112, %add3A : i32
      %run_scoped3A_114 = arith.constant 0 : i32
      "tpu.region"() ({
        %run_scoped3A_115 = tpu.sem_alloc : memref<!tpu.dma_semaphore, #tpu.memory_space<semaphore_mem>>
        %dma_start3A_116 = arith.constant 78 : i32
        %dma_start3A_117 = arith.constant 0 : i32
        %dma_start3A_118 = tpu.memref_slice %arg5[%dma_start3A_116, %dma_start3A_117] : memref<79x128xi32, #tpu.memory_space<vmem>> -> memref<1x128xi32, #tpu.memory_space<vmem>>
        %dma_start3A_119 = arith.constant 0 : i32
        %dma_start3A_120 = tpu.memref_slice %arg3[%run_scoped3A_114, %add3A_113, %dma_start3A_119] : memref<2x2500x128xi32, #tpu.memory_space<hbm>> -> memref<1x1x128xi32, #tpu.memory_space<hbm>>
        %dma_start3A_121 = tpu.memref_squeeze %dma_start3A_120 : memref<1x1x128xi32, #tpu.memory_space<hbm>> -> memref<1x128xi32, #tpu.memory_space<hbm>>
        %dma_start3A_122 = arith.constant 78 : i32
        %dma_start3A_123 = arith.constant 0 : i32
        %dma_start3A_124 = tpu.memref_slice %arg5[%dma_start3A_122, %dma_start3A_123] : memref<79x128xi32, #tpu.memory_space<vmem>> -> memref<1x128xi32, #tpu.memory_space<vmem>>
        %dma_start3A_125 = arith.constant 0 : i32
        %dma_start3A_126 = tpu.memref_slice %arg3[%run_scoped3A_114, %add3A_113, %dma_start3A_125] : memref<2x2500x128xi32, #tpu.memory_space<hbm>> -> memref<1x1x128xi32, #tpu.memory_space<hbm>>
        %dma_start3A_127 = tpu.memref_squeeze %dma_start3A_126 : memref<1x1x128xi32, #tpu.memory_space<hbm>> -> memref<1x128xi32, #tpu.memory_space<hbm>>
        tpu.enqueue_dma source(%dma_start3A_127 : memref<1x128xi32, #tpu.memory_space<hbm>>) target(%dma_start3A_124 : memref<1x128xi32, #tpu.memory_space<vmem>>) target_semaphore(%run_scoped3A_115 : memref<!tpu.dma_semaphore, #tpu.memory_space<semaphore_mem>>)
        %dma_wait3A = arith.constant 78 : i32
        %dma_wait3A_128 = arith.constant 0 : i32
        %dma_wait3A_129 = tpu.memref_slice %arg5[%dma_wait3A, %dma_wait3A_128] : memref<79x128xi32, #tpu.memory_space<vmem>> -> memref<1x128xi32, #tpu.memory_space<vmem>>
        %dma_wait3A_130 = arith.constant 0 : i32
        %dma_wait3A_131 = tpu.memref_slice %arg3[%run_scoped3A_114, %add3A_113, %dma_wait3A_130] : memref<2x2500x128xi32, #tpu.memory_space<hbm>> -> memref<1x1x128xi32, #tpu.memory_space<hbm>>
        %dma_wait3A_132 = tpu.memref_squeeze %dma_wait3A_131 : memref<1x1x128xi32, #tpu.memory_space<hbm>> -> memref<1x128xi32, #tpu.memory_space<hbm>>
        %dma_wait3A_133 = arith.constant 78 : i32
        %dma_wait3A_134 = arith.constant 0 : i32
        %dma_wait3A_135 = tpu.memref_slice %arg5[%dma_wait3A_133, %dma_wait3A_134] : memref<79x128xi32, #tpu.memory_space<vmem>> -> memref<1x128xi32, #tpu.memory_space<vmem>>
        %dma_wait3A_136 = arith.constant 0 : i32
        %dma_wait3A_137 = tpu.memref_slice %arg3[%run_scoped3A_114, %add3A_113, %dma_wait3A_136] : memref<2x2500x128xi32, #tpu.memory_space<hbm>> -> memref<1x1x128xi32, #tpu.memory_space<hbm>>
        %dma_wait3A_138 = tpu.memref_squeeze %dma_wait3A_137 : memref<1x1x128xi32, #tpu.memory_space<hbm>> -> memref<1x128xi32, #tpu.memory_space<hbm>>
        tpu.wait_dma2 semaphore(%run_scoped3A_115 : memref<!tpu.dma_semaphore, #tpu.memory_space<semaphore_mem>>) src(%dma_wait3A_138 : memref<1x128xi32, #tpu.memory_space<hbm>>) dst(%dma_wait3A_135 : memref<1x128xi32, #tpu.memory_space<vmem>>)
        tpu.yield
      }) : () -> ()
    } else {
    }
    %mul3A_8 = arith.constant 78 : i32
    %mul3A_9 = arith.muli %add3A, %mul3A_8 : i32
    %run_scoped3A_10 = arith.constant 1 : i32
    "tpu.region"() ({
      %run_scoped3A_112 = tpu.sem_alloc : memref<!tpu.dma_semaphore, #tpu.memory_space<semaphore_mem>>
      %dma_start3A_113 = arith.constant 0 : i32
      %dma_start3A_114 = arith.constant 0 : i32
      %dma_start3A_115 = tpu.memref_slice %arg6[%dma_start3A_113, %dma_start3A_114] : memref<79x128xi32, #tpu.memory_space<vmem>> -> memref<78x128xi32, #tpu.memory_space<vmem>>
      %dma_start3A_116 = arith.constant 0 : i32
      %dma_start3A_117 = tpu.memref_slice %arg3[%run_scoped3A_10, %mul3A_9, %dma_start3A_116] : memref<2x2500x128xi32, #tpu.memory_space<hbm>> -> memref<1x78x128xi32, #tpu.memory_space<hbm>>
      %dma_start3A_118 = tpu.memref_squeeze %dma_start3A_117 : memref<1x78x128xi32, #tpu.memory_space<hbm>> -> memref<78x128xi32, #tpu.memory_space<hbm>>
      %dma_start3A_119 = arith.constant 0 : i32
      %dma_start3A_120 = arith.constant 0 : i32
      %dma_start3A_121 = tpu.memref_slice %arg6[%dma_start3A_119, %dma_start3A_120] : memref<79x128xi32, #tpu.memory_space<vmem>> -> memref<78x128xi32, #tpu.memory_space<vmem>>
      %dma_start3A_122 = arith.constant 0 : i32
      %dma_start3A_123 = tpu.memref_slice %arg3[%run_scoped3A_10, %mul3A_9, %dma_start3A_122] : memref<2x2500x128xi32, #tpu.memory_space<hbm>> -> memref<1x78x128xi32, #tpu.memory_space<hbm>>
      %dma_start3A_124 = tpu.memref_squeeze %dma_start3A_123 : memref<1x78x128xi32, #tpu.memory_space<hbm>> -> memref<78x128xi32, #tpu.memory_space<hbm>>
      tpu.enqueue_dma source(%dma_start3A_124 : memref<78x128xi32, #tpu.memory_space<hbm>>) target(%dma_start3A_121 : memref<78x128xi32, #tpu.memory_space<vmem>>) target_semaphore(%run_scoped3A_112 : memref<!tpu.dma_semaphore, #tpu.memory_space<semaphore_mem>>)
      %dma_wait3A = arith.constant 0 : i32
      %dma_wait3A_125 = arith.constant 0 : i32
      %dma_wait3A_126 = tpu.memref_slice %arg6[%dma_wait3A, %dma_wait3A_125] : memref<79x128xi32, #tpu.memory_space<vmem>> -> memref<78x128xi32, #tpu.memory_space<vmem>>
      %dma_wait3A_127 = arith.constant 0 : i32
      %dma_wait3A_128 = tpu.memref_slice %arg3[%run_scoped3A_10, %mul3A_9, %dma_wait3A_127] : memref<2x2500x128xi32, #tpu.memory_space<hbm>> -> memref<1x78x128xi32, #tpu.memory_space<hbm>>
      %dma_wait3A_129 = tpu.memref_squeeze %dma_wait3A_128 : memref<1x78x128xi32, #tpu.memory_space<hbm>> -> memref<78x128xi32, #tpu.memory_space<hbm>>
      %dma_wait3A_130 = arith.constant 0 : i32
      %dma_wait3A_131 = arith.constant 0 : i32
      %dma_wait3A_132 = tpu.memref_slice %arg6[%dma_wait3A_130, %dma_wait3A_131] : memref<79x128xi32, #tpu.memory_space<vmem>> -> memref<78x128xi32, #tpu.memory_space<vmem>>
      %dma_wait3A_133 = arith.constant 0 : i32
      %dma_wait3A_134 = tpu.memref_slice %arg3[%run_scoped3A_10, %mul3A_9, %dma_wait3A_133] : memref<2x2500x128xi32, #tpu.memory_space<hbm>> -> memref<1x78x128xi32, #tpu.memory_space<hbm>>
      %dma_wait3A_135 = tpu.memref_squeeze %dma_wait3A_134 : memref<1x78x128xi32, #tpu.memory_space<hbm>> -> memref<78x128xi32, #tpu.memory_space<hbm>>
      tpu.wait_dma2 semaphore(%run_scoped3A_112 : memref<!tpu.dma_semaphore, #tpu.memory_space<semaphore_mem>>) src(%dma_wait3A_135 : memref<78x128xi32, #tpu.memory_space<hbm>>) dst(%dma_wait3A_132 : memref<78x128xi32, #tpu.memory_space<vmem>>)
      tpu.yield
    }) : () -> ()
    %lt3A_11 = arith.constant 4 : i32
    %lt3A_12 = arith.cmpi slt, %add3A, %lt3A_11 : i32
    %convert_element_type3A_13 = arith.extui %lt3A_12 : i1 to i32
    %cond3A_14 = arith.constant 0 : i32
    %cond3A_15 = arith.cmpi ne, %convert_element_type3A_13, %cond3A_14 : i32
    scf.if %cond3A_15 {
      %add3A_112 = arith.constant 2496 : i32
      %add3A_113 = arith.addi %add3A_112, %add3A : i32
      %run_scoped3A_114 = arith.constant 1 : i32
      "tpu.region"() ({
        %run_scoped3A_115 = tpu.sem_alloc : memref<!tpu.dma_semaphore, #tpu.memory_space<semaphore_mem>>
        %dma_start3A_116 = arith.constant 78 : i32
        %dma_start3A_117 = arith.constant 0 : i32
        %dma_start3A_118 = tpu.memref_slice %arg6[%dma_start3A_116, %dma_start3A_117] : memref<79x128xi32, #tpu.memory_space<vmem>> -> memref<1x128xi32, #tpu.memory_space<vmem>>
        %dma_start3A_119 = arith.constant 0 : i32
        %dma_start3A_120 = tpu.memref_slice %arg3[%run_scoped3A_114, %add3A_113, %dma_start3A_119] : memref<2x2500x128xi32, #tpu.memory_space<hbm>> -> memref<1x1x128xi32, #tpu.memory_space<hbm>>
        %dma_start3A_121 = tpu.memref_squeeze %dma_start3A_120 : memref<1x1x128xi32, #tpu.memory_space<hbm>> -> memref<1x128xi32, #tpu.memory_space<hbm>>
        %dma_start3A_122 = arith.constant 78 : i32
        %dma_start3A_123 = arith.constant 0 : i32
        %dma_start3A_124 = tpu.memref_slice %arg6[%dma_start3A_122, %dma_start3A_123] : memref<79x128xi32, #tpu.memory_space<vmem>> -> memref<1x128xi32, #tpu.memory_space<vmem>>
        %dma_start3A_125 = arith.constant 0 : i32
        %dma_start3A_126 = tpu.memref_slice %arg3[%run_scoped3A_114, %add3A_113, %dma_start3A_125] : memref<2x2500x128xi32, #tpu.memory_space<hbm>> -> memref<1x1x128xi32, #tpu.memory_space<hbm>>
        %dma_start3A_127 = tpu.memref_squeeze %dma_start3A_126 : memref<1x1x128xi32, #tpu.memory_space<hbm>> -> memref<1x128xi32, #tpu.memory_space<hbm>>
        tpu.enqueue_dma source(%dma_start3A_127 : memref<1x128xi32, #tpu.memory_space<hbm>>) target(%dma_start3A_124 : memref<1x128xi32, #tpu.memory_space<vmem>>) target_semaphore(%run_scoped3A_115 : memref<!tpu.dma_semaphore, #tpu.memory_space<semaphore_mem>>)
        %dma_wait3A = arith.constant 78 : i32
        %dma_wait3A_128 = arith.constant 0 : i32
        %dma_wait3A_129 = tpu.memref_slice %arg6[%dma_wait3A, %dma_wait3A_128] : memref<79x128xi32, #tpu.memory_space<vmem>> -> memref<1x128xi32, #tpu.memory_space<vmem>>
        %dma_wait3A_130 = arith.constant 0 : i32
        %dma_wait3A_131 = tpu.memref_slice %arg3[%run_scoped3A_114, %add3A_113, %dma_wait3A_130] : memref<2x2500x128xi32, #tpu.memory_space<hbm>> -> memref<1x1x128xi32, #tpu.memory_space<hbm>>
        %dma_wait3A_132 = tpu.memref_squeeze %dma_wait3A_131 : memref<1x1x128xi32, #tpu.memory_space<hbm>> -> memref<1x128xi32, #tpu.memory_space<hbm>>
        %dma_wait3A_133 = arith.constant 78 : i32
        %dma_wait3A_134 = arith.constant 0 : i32
        %dma_wait3A_135 = tpu.memref_slice %arg6[%dma_wait3A_133, %dma_wait3A_134] : memref<79x128xi32, #tpu.memory_space<vmem>> -> memref<1x128xi32, #tpu.memory_space<vmem>>
        %dma_wait3A_136 = arith.constant 0 : i32
        %dma_wait3A_137 = tpu.memref_slice %arg3[%run_scoped3A_114, %add3A_113, %dma_wait3A_136] : memref<2x2500x128xi32, #tpu.memory_space<hbm>> -> memref<1x1x128xi32, #tpu.memory_space<hbm>>
        %dma_wait3A_138 = tpu.memref_squeeze %dma_wait3A_137 : memref<1x1x128xi32, #tpu.memory_space<hbm>> -> memref<1x128xi32, #tpu.memory_space<hbm>>
        tpu.wait_dma2 semaphore(%run_scoped3A_115 : memref<!tpu.dma_semaphore, #tpu.memory_space<semaphore_mem>>) src(%dma_wait3A_138 : memref<1x128xi32, #tpu.memory_space<hbm>>) dst(%dma_wait3A_135 : memref<1x128xi32, #tpu.memory_space<vmem>>)
        tpu.yield
      }) : () -> ()
    } else {
    }
    %scan3A = arith.constant 0 : i32
    %scan3A_16 = arith.constant 0 : i32
    %scan3A_17 = arith.constant 128 : i32
    %scan3A_18 = arith.addi %scan3A_16, %scan3A_17 : i32
    %scan3A_19 = arith.constant 1 : i32
    scf.for %scan3A_112 = %scan3A_16 to %scan3A_18 step %scan3A_19  : i32 {
      %broadcast_in_dim3A = arith.constant 0.000000e+00 : f32
      %broadcast_in_dim3A_113 = vector.broadcast %broadcast_in_dim3A : f32 to vector<16xf32>
      %swap3A = arith.index_cast %scan3A_112 : i32 to index
      %swap3A_114 = arith.constant 0 : index
      %swap3A_115 = tpu.vector_load %arg8[%swap3A, %swap3A_114] {strides = array<i32>} : memref<128x16xf32, #tpu.memory_space<vmem>>, vector<1x16xf32>,
      %swap3A_116 = vector.shape_cast %swap3A_115 : vector<1x16xf32> to vector<16xf32>
      %swap3A_117 = vector.shape_cast %broadcast_in_dim3A_113 : vector<16xf32> to vector<1x16xf32>
      tpu.vector_store %arg8[%swap3A, %swap3A_114], %swap3A_117 {strides = array<i32>} : memref<128x16xf32, #tpu.memory_space<vmem>>, vector<1x16xf32>,
    }
    %scan3A_20 = arith.constant 128 : i32
    %mul3A_21 = arith.constant 632 : i32
    %mul3A_22 = arith.muli %arg1, %mul3A_21 : i32
    "tpu.region"() ({
      %run_scoped3A_112 = tpu.sem_alloc : memref<!tpu.dma_semaphore, #tpu.memory_space<semaphore_mem>>
      %dma_start3A_113 = arith.constant 0 : i32
      %dma_start3A_114 = tpu.memref_slice %arg10[%mul3A_22, %dma_start3A_113] : memref<10112x16xf32, #tpu.memory_space<vmem_shared>> -> memref<632x16xf32, #tpu.memory_space<vmem_shared>>
      %dma_start3A_115 = arith.constant 0 : i32
      %dma_start3A_116 = tpu.memref_slice %arg2[%mul3A_22, %dma_start3A_115] : memref<10112x16xf32, #tpu.memory_space<hbm>> -> memref<632x16xf32, #tpu.memory_space<hbm>>
      tpu.enqueue_dma source(%dma_start3A_116 : memref<632x16xf32, #tpu.memory_space<hbm>>) target(%dma_start3A_114 : memref<632x16xf32, #tpu.memory_space<vmem_shared>>) target_semaphore(%run_scoped3A_112 : memref<!tpu.dma_semaphore, #tpu.memory_space<semaphore_mem>>)
      %dma_wait3A = arith.constant 0 : i32
      %dma_wait3A_117 = tpu.memref_slice %arg10[%mul3A_22, %dma_wait3A] : memref<10112x16xf32, #tpu.memory_space<vmem_shared>> -> memref<632x16xf32, #tpu.memory_space<vmem_shared>>
      %dma_wait3A_118 = arith.constant 0 : i32
      %dma_wait3A_119 = tpu.memref_slice %arg2[%mul3A_22, %dma_wait3A_118] : memref<10112x16xf32, #tpu.memory_space<hbm>> -> memref<632x16xf32, #tpu.memory_space<hbm>>
      tpu.wait_dma2 semaphore(%run_scoped3A_112 : memref<!tpu.dma_semaphore, #tpu.memory_space<semaphore_mem>>) src(%dma_wait3A_119 : memref<632x16xf32, #tpu.memory_space<hbm>>) dst(%dma_wait3A_117 : memref<632x16xf32, #tpu.memory_space<vmem_shared>>)
      tpu.yield
    }) : () -> ()
    %add3A_23 = arith.constant 0 : i32
    %add3A_24 = arith.addi %mul3A_22, %add3A_23 : i32
    "tpu.region"() ({
      %run_scoped3A_112 = tpu.sem_alloc : memref<!tpu.dma_semaphore, #tpu.memory_space<semaphore_mem>>
      %dma_start3A_113 = arith.constant 0 : i32
      %dma_start3A_114 = arith.constant 0 : i32
      %dma_start3A_115 = tpu.memref_slice %arg8[%dma_start3A_113, %dma_start3A_114] : memref<128x16xf32, #tpu.memory_space<vmem>> -> memref<128x16xf32, #tpu.memory_space<vmem>>
      %dma_start3A_116 = arith.constant 0 : i32
      %dma_start3A_117 = tpu.memref_slice %arg9[%add3A_24, %dma_start3A_116] : memref<10112x16xf32, #tpu.memory_space<vmem_shared>> -> memref<128x16xf32, #tpu.memory_space<vmem_shared>>
      %dma_start3A_118 = arith.constant 0 : i32
      %dma_start3A_119 = tpu.memref_slice %arg9[%add3A_24, %dma_start3A_118] : memref<10112x16xf32, #tpu.memory_space<vmem_shared>> -> memref<128x16xf32, #tpu.memory_space<vmem_shared>>
      %dma_start3A_120 = arith.constant 0 : i32
      %dma_start3A_121 = arith.constant 0 : i32
      %dma_start3A_122 = tpu.memref_slice %arg8[%dma_start3A_120, %dma_start3A_121] : memref<128x16xf32, #tpu.memory_space<vmem>> -> memref<128x16xf32, #tpu.memory_space<vmem>>
      tpu.enqueue_dma source(%dma_start3A_122 : memref<128x16xf32, #tpu.memory_space<vmem>>) target(%dma_start3A_119 : memref<128x16xf32, #tpu.memory_space<vmem_shared>>) target_semaphore(%run_scoped3A_112 : memref<!tpu.dma_semaphore, #tpu.memory_space<semaphore_mem>>)
      %dma_wait3A = arith.constant 0 : i32
      %dma_wait3A_123 = arith.constant 0 : i32
      %dma_wait3A_124 = tpu.memref_slice %arg8[%dma_wait3A, %dma_wait3A_123] : memref<128x16xf32, #tpu.memory_space<vmem>> -> memref<128x16xf32, #tpu.memory_space<vmem>>
      %dma_wait3A_125 = arith.constant 0 : i32
      %dma_wait3A_126 = tpu.memref_slice %arg9[%add3A_24, %dma_wait3A_125] : memref<10112x16xf32, #tpu.memory_space<vmem_shared>> -> memref<128x16xf32, #tpu.memory_space<vmem_shared>>
      %dma_wait3A_127 = arith.constant 0 : i32
      %dma_wait3A_128 = tpu.memref_slice %arg9[%add3A_24, %dma_wait3A_127] : memref<10112x16xf32, #tpu.memory_space<vmem_shared>> -> memref<128x16xf32, #tpu.memory_space<vmem_shared>>
      %dma_wait3A_129 = arith.constant 0 : i32
      %dma_wait3A_130 = arith.constant 0 : i32
      %dma_wait3A_131 = tpu.memref_slice %arg8[%dma_wait3A_129, %dma_wait3A_130] : memref<128x16xf32, #tpu.memory_space<vmem>> -> memref<128x16xf32, #tpu.memory_space<vmem>>
      tpu.wait_dma2 semaphore(%run_scoped3A_112 : memref<!tpu.dma_semaphore, #tpu.memory_space<semaphore_mem>>) src(%dma_wait3A_131 : memref<128x16xf32, #tpu.memory_space<vmem>>) dst(%dma_wait3A_128 : memref<128x16xf32, #tpu.memory_space<vmem_shared>>)
      tpu.yield
    }) : () -> ()
    %add3A_25 = arith.constant 128 : i32
    %add3A_26 = arith.addi %mul3A_22, %add3A_25 : i32
    "tpu.region"() ({
      %run_scoped3A_112 = tpu.sem_alloc : memref<!tpu.dma_semaphore, #tpu.memory_space<semaphore_mem>>
      %dma_start3A_113 = arith.constant 0 : i32
      %dma_start3A_114 = arith.constant 0 : i32
      %dma_start3A_115 = tpu.memref_slice %arg8[%dma_start3A_113, %dma_start3A_114] : memref<128x16xf32, #tpu.memory_space<vmem>> -> memref<128x16xf32, #tpu.memory_space<vmem>>
      %dma_start3A_116 = arith.constant 0 : i32
      %dma_start3A_117 = tpu.memref_slice %arg9[%add3A_26, %dma_start3A_116] : memref<10112x16xf32, #tpu.memory_space<vmem_shared>> -> memref<128x16xf32, #tpu.memory_space<vmem_shared>>
      %dma_start3A_118 = arith.constant 0 : i32
      %dma_start3A_119 = tpu.memref_slice %arg9[%add3A_26, %dma_start3A_118] : memref<10112x16xf32, #tpu.memory_space<vmem_shared>> -> memref<128x16xf32, #tpu.memory_space<vmem_shared>>
      %dma_start3A_120 = arith.constant 0 : i32
      %dma_start3A_121 = arith.constant 0 : i32
      %dma_start3A_122 = tpu.memref_slice %arg8[%dma_start3A_120, %dma_start3A_121] : memref<128x16xf32, #tpu.memory_space<vmem>> -> memref<128x16xf32, #tpu.memory_space<vmem>>
      tpu.enqueue_dma source(%dma_start3A_122 : memref<128x16xf32, #tpu.memory_space<vmem>>) target(%dma_start3A_119 : memref<128x16xf32, #tpu.memory_space<vmem_shared>>) target_semaphore(%run_scoped3A_112 : memref<!tpu.dma_semaphore, #tpu.memory_space<semaphore_mem>>)
      %dma_wait3A = arith.constant 0 : i32
      %dma_wait3A_123 = arith.constant 0 : i32
      %dma_wait3A_124 = tpu.memref_slice %arg8[%dma_wait3A, %dma_wait3A_123] : memref<128x16xf32, #tpu.memory_space<vmem>> -> memref<128x16xf32, #tpu.memory_space<vmem>>
      %dma_wait3A_125 = arith.constant 0 : i32
      %dma_wait3A_126 = tpu.memref_slice %arg9[%add3A_26, %dma_wait3A_125] : memref<10112x16xf32, #tpu.memory_space<vmem_shared>> -> memref<128x16xf32, #tpu.memory_space<vmem_shared>>
      %dma_wait3A_127 = arith.constant 0 : i32
      %dma_wait3A_128 = tpu.memref_slice %arg9[%add3A_26, %dma_wait3A_127] : memref<10112x16xf32, #tpu.memory_space<vmem_shared>> -> memref<128x16xf32, #tpu.memory_space<vmem_shared>>
      %dma_wait3A_129 = arith.constant 0 : i32
      %dma_wait3A_130 = arith.constant 0 : i32
      %dma_wait3A_131 = tpu.memref_slice %arg8[%dma_wait3A_129, %dma_wait3A_130] : memref<128x16xf32, #tpu.memory_space<vmem>> -> memref<128x16xf32, #tpu.memory_space<vmem>>
      tpu.wait_dma2 semaphore(%run_scoped3A_112 : memref<!tpu.dma_semaphore, #tpu.memory_space<semaphore_mem>>) src(%dma_wait3A_131 : memref<128x16xf32, #tpu.memory_space<vmem>>) dst(%dma_wait3A_128 : memref<128x16xf32, #tpu.memory_space<vmem_shared>>)
      tpu.yield
    }) : () -> ()
    %add3A_27 = arith.constant 256 : i32
    %add3A_28 = arith.addi %mul3A_22, %add3A_27 : i32
    "tpu.region"() ({
      %run_scoped3A_112 = tpu.sem_alloc : memref<!tpu.dma_semaphore, #tpu.memory_space<semaphore_mem>>
      %dma_start3A_113 = arith.constant 0 : i32
      %dma_start3A_114 = arith.constant 0 : i32
      %dma_start3A_115 = tpu.memref_slice %arg8[%dma_start3A_113, %dma_start3A_114] : memref<128x16xf32, #tpu.memory_space<vmem>> -> memref<128x16xf32, #tpu.memory_space<vmem>>
      %dma_start3A_116 = arith.constant 0 : i32
      %dma_start3A_117 = tpu.memref_slice %arg9[%add3A_28, %dma_start3A_116] : memref<10112x16xf32, #tpu.memory_space<vmem_shared>> -> memref<128x16xf32, #tpu.memory_space<vmem_shared>>
      %dma_start3A_118 = arith.constant 0 : i32
      %dma_start3A_119 = tpu.memref_slice %arg9[%add3A_28, %dma_start3A_118] : memref<10112x16xf32, #tpu.memory_space<vmem_shared>> -> memref<128x16xf32, #tpu.memory_space<vmem_shared>>
      %dma_start3A_120 = arith.constant 0 : i32
      %dma_start3A_121 = arith.constant 0 : i32
      %dma_start3A_122 = tpu.memref_slice %arg8[%dma_start3A_120, %dma_start3A_121] : memref<128x16xf32, #tpu.memory_space<vmem>> -> memref<128x16xf32, #tpu.memory_space<vmem>>
      tpu.enqueue_dma source(%dma_start3A_122 : memref<128x16xf32, #tpu.memory_space<vmem>>) target(%dma_start3A_119 : memref<128x16xf32, #tpu.memory_space<vmem_shared>>) target_semaphore(%run_scoped3A_112 : memref<!tpu.dma_semaphore, #tpu.memory_space<semaphore_mem>>)
      %dma_wait3A = arith.constant 0 : i32
      %dma_wait3A_123 = arith.constant 0 : i32
      %dma_wait3A_124 = tpu.memref_slice %arg8[%dma_wait3A, %dma_wait3A_123] : memref<128x16xf32, #tpu.memory_space<vmem>> -> memref<128x16xf32, #tpu.memory_space<vmem>>
      %dma_wait3A_125 = arith.constant 0 : i32
      %dma_wait3A_126 = tpu.memref_slice %arg9[%add3A_28, %dma_wait3A_125] : memref<10112x16xf32, #tpu.memory_space<vmem_shared>> -> memref<128x16xf32, #tpu.memory_space<vmem_shared>>
      %dma_wait3A_127 = arith.constant 0 : i32
      %dma_wait3A_128 = tpu.memref_slice %arg9[%add3A_28, %dma_wait3A_127] : memref<10112x16xf32, #tpu.memory_space<vmem_shared>> -> memref<128x16xf32, #tpu.memory_space<vmem_shared>>
      %dma_wait3A_129 = arith.constant 0 : i32
      %dma_wait3A_130 = arith.constant 0 : i32
      %dma_wait3A_131 = tpu.memref_slice %arg8[%dma_wait3A_129, %dma_wait3A_130] : memref<128x16xf32, #tpu.memory_space<vmem>> -> memref<128x16xf32, #tpu.memory_space<vmem>>
      tpu.wait_dma2 semaphore(%run_scoped3A_112 : memref<!tpu.dma_semaphore, #tpu.memory_space<semaphore_mem>>) src(%dma_wait3A_131 : memref<128x16xf32, #tpu.memory_space<vmem>>) dst(%dma_wait3A_128 : memref<128x16xf32, #tpu.memory_space<vmem_shared>>)
      tpu.yield
    }) : () -> ()
    %add3A_29 = arith.constant 384 : i32
    %add3A_30 = arith.addi %mul3A_22, %add3A_29 : i32
    "tpu.region"() ({
      %run_scoped3A_112 = tpu.sem_alloc : memref<!tpu.dma_semaphore, #tpu.memory_space<semaphore_mem>>
      %dma_start3A_113 = arith.constant 0 : i32
      %dma_start3A_114 = arith.constant 0 : i32
      %dma_start3A_115 = tpu.memref_slice %arg8[%dma_start3A_113, %dma_start3A_114] : memref<128x16xf32, #tpu.memory_space<vmem>> -> memref<128x16xf32, #tpu.memory_space<vmem>>
      %dma_start3A_116 = arith.constant 0 : i32
      %dma_start3A_117 = tpu.memref_slice %arg9[%add3A_30, %dma_start3A_116] : memref<10112x16xf32, #tpu.memory_space<vmem_shared>> -> memref<128x16xf32, #tpu.memory_space<vmem_shared>>
      %dma_start3A_118 = arith.constant 0 : i32
      %dma_start3A_119 = tpu.memref_slice %arg9[%add3A_30, %dma_start3A_118] : memref<10112x16xf32, #tpu.memory_space<vmem_shared>> -> memref<128x16xf32, #tpu.memory_space<vmem_shared>>
      %dma_start3A_120 = arith.constant 0 : i32
      %dma_start3A_121 = arith.constant 0 : i32
      %dma_start3A_122 = tpu.memref_slice %arg8[%dma_start3A_120, %dma_start3A_121] : memref<128x16xf32, #tpu.memory_space<vmem>> -> memref<128x16xf32, #tpu.memory_space<vmem>>
      tpu.enqueue_dma source(%dma_start3A_122 : memref<128x16xf32, #tpu.memory_space<vmem>>) target(%dma_start3A_119 : memref<128x16xf32, #tpu.memory_space<vmem_shared>>) target_semaphore(%run_scoped3A_112 : memref<!tpu.dma_semaphore, #tpu.memory_space<semaphore_mem>>)
      %dma_wait3A = arith.constant 0 : i32
      %dma_wait3A_123 = arith.constant 0 : i32
      %dma_wait3A_124 = tpu.memref_slice %arg8[%dma_wait3A, %dma_wait3A_123] : memref<128x16xf32, #tpu.memory_space<vmem>> -> memref<128x16xf32, #tpu.memory_space<vmem>>
      %dma_wait3A_125 = arith.constant 0 : i32
      %dma_wait3A_126 = tpu.memref_slice %arg9[%add3A_30, %dma_wait3A_125] : memref<10112x16xf32, #tpu.memory_space<vmem_shared>> -> memref<128x16xf32, #tpu.memory_space<vmem_shared>>
      %dma_wait3A_127 = arith.constant 0 : i32
      %dma_wait3A_128 = tpu.memref_slice %arg9[%add3A_30, %dma_wait3A_127] : memref<10112x16xf32, #tpu.memory_space<vmem_shared>> -> memref<128x16xf32, #tpu.memory_space<vmem_shared>>
      %dma_wait3A_129 = arith.constant 0 : i32
      %dma_wait3A_130 = arith.constant 0 : i32
      %dma_wait3A_131 = tpu.memref_slice %arg8[%dma_wait3A_129, %dma_wait3A_130] : memref<128x16xf32, #tpu.memory_space<vmem>> -> memref<128x16xf32, #tpu.memory_space<vmem>>
      tpu.wait_dma2 semaphore(%run_scoped3A_112 : memref<!tpu.dma_semaphore, #tpu.memory_space<semaphore_mem>>) src(%dma_wait3A_131 : memref<128x16xf32, #tpu.memory_space<vmem>>) dst(%dma_wait3A_128 : memref<128x16xf32, #tpu.memory_space<vmem_shared>>)
      tpu.yield
    }) : () -> ()
    %add3A_31 = arith.constant 512 : i32
    %add3A_32 = arith.addi %mul3A_22, %add3A_31 : i32
    "tpu.region"() ({
      %run_scoped3A_112 = tpu.sem_alloc : memref<!tpu.dma_semaphore, #tpu.memory_space<semaphore_mem>>
      %dma_start3A_113 = arith.constant 0 : i32
      %dma_start3A_114 = arith.constant 0 : i32
      %dma_start3A_115 = tpu.memref_slice %arg8[%dma_start3A_113, %dma_start3A_114] : memref<128x16xf32, #tpu.memory_space<vmem>> -> memref<120x16xf32, #tpu.memory_space<vmem>>
      %dma_start3A_116 = arith.constant 0 : i32
      %dma_start3A_117 = tpu.memref_slice %arg9[%add3A_32, %dma_start3A_116] : memref<10112x16xf32, #tpu.memory_space<vmem_shared>> -> memref<120x16xf32, #tpu.memory_space<vmem_shared>>
      %dma_start3A_118 = arith.constant 0 : i32
      %dma_start3A_119 = tpu.memref_slice %arg9[%add3A_32, %dma_start3A_118] : memref<10112x16xf32, #tpu.memory_space<vmem_shared>> -> memref<120x16xf32, #tpu.memory_space<vmem_shared>>
      %dma_start3A_120 = arith.constant 0 : i32
      %dma_start3A_121 = arith.constant 0 : i32
      %dma_start3A_122 = tpu.memref_slice %arg8[%dma_start3A_120, %dma_start3A_121] : memref<128x16xf32, #tpu.memory_space<vmem>> -> memref<120x16xf32, #tpu.memory_space<vmem>>
      tpu.enqueue_dma source(%dma_start3A_122 : memref<120x16xf32, #tpu.memory_space<vmem>>) target(%dma_start3A_119 : memref<120x16xf32, #tpu.memory_space<vmem_shared>>) target_semaphore(%run_scoped3A_112 : memref<!tpu.dma_semaphore, #tpu.memory_space<semaphore_mem>>)
      %dma_wait3A = arith.constant 0 : i32
      %dma_wait3A_123 = arith.constant 0 : i32
      %dma_wait3A_124 = tpu.memref_slice %arg8[%dma_wait3A, %dma_wait3A_123] : memref<128x16xf32, #tpu.memory_space<vmem>> -> memref<120x16xf32, #tpu.memory_space<vmem>>
      %dma_wait3A_125 = arith.constant 0 : i32
      %dma_wait3A_126 = tpu.memref_slice %arg9[%add3A_32, %dma_wait3A_125] : memref<10112x16xf32, #tpu.memory_space<vmem_shared>> -> memref<120x16xf32, #tpu.memory_space<vmem_shared>>
      %dma_wait3A_127 = arith.constant 0 : i32
      %dma_wait3A_128 = tpu.memref_slice %arg9[%add3A_32, %dma_wait3A_127] : memref<10112x16xf32, #tpu.memory_space<vmem_shared>> -> memref<120x16xf32, #tpu.memory_space<vmem_shared>>
      %dma_wait3A_129 = arith.constant 0 : i32
      %dma_wait3A_130 = arith.constant 0 : i32
      %dma_wait3A_131 = tpu.memref_slice %arg8[%dma_wait3A_129, %dma_wait3A_130] : memref<128x16xf32, #tpu.memory_space<vmem>> -> memref<120x16xf32, #tpu.memory_space<vmem>>
      tpu.wait_dma2 semaphore(%run_scoped3A_112 : memref<!tpu.dma_semaphore, #tpu.memory_space<semaphore_mem>>) src(%dma_wait3A_131 : memref<120x16xf32, #tpu.memory_space<vmem>>) dst(%dma_wait3A_128 : memref<120x16xf32, #tpu.memory_space<vmem_shared>>)
      tpu.yield
    }) : () -> ()
    %barrier3A = arith.constant 0 : index
    tpu.barrier barrier_id(%barrier3A)
    %dma_start3A = arith.constant 0 : i32
    %dma_start3A_33 = arith.constant 0 : i32
    %dma_start3A_34 = arith.constant 0 : i32
    %dma_start3A_35 = arith.constant 0 : i32
    %dma_start3A_36 = arith.constant 0 : i32
    %dma_start3A_37 = tpu.memref_slice %arg7[%dma_start3A_33, %dma_start3A_35, %dma_start3A_36] : memref<8x128x16xf32, #tpu.memory_space<vmem>> -> memref<1x128x16xf32, #tpu.memory_space<vmem>>
    %dma_start3A_38 = tpu.memref_squeeze %dma_start3A_37 : memref<1x128x16xf32, #tpu.memory_space<vmem>> -> memref<128x16xf32, #tpu.memory_space<vmem>>
    %dma_start3A_39 = arith.constant 0 : i32
    %dma_start3A_40 = tpu.memref_slice %arg5[%dma_start3A, %dma_start3A_39] : memref<79x128xi32, #tpu.memory_space<vmem>> -> memref<1x128xi32, #tpu.memory_space<vmem>>
    %dma_start3A_41 = tpu.memref_squeeze %dma_start3A_40 : memref<1x128xi32, #tpu.memory_space<vmem>> -> memref<128xi32, #tpu.memory_space<vmem>>
    %dma_start3A_42 = arith.constant 0 : i32
    %dma_start3A_43 = arith.constant 0 : i32
    %dma_start3A_44 = tpu.memref_slice %arg10[%dma_start3A_42, %dma_start3A_43] : memref<10112x16xf32, #tpu.memory_space<vmem_shared>> -> memref<10112x16xf32, #tpu.memory_space<vmem_shared>>
    %dma_start3A_45 = tpu.memref_slice %arg11[%dma_start3A_34] : memref<8x!tpu.dma_semaphore, #tpu.memory_space<semaphore_mem>> -> memref<1x!tpu.dma_semaphore, #tpu.memory_space<semaphore_mem>>
    %dma_start3A_46 = tpu.memref_squeeze %dma_start3A_45 : memref<1x!tpu.dma_semaphore, #tpu.memory_space<semaphore_mem>> -> memref<!tpu.dma_semaphore, #tpu.memory_space<semaphore_mem>>
    tpu.enqueue_indirect_dma source(%dma_start3A_44 : memref<10112x16xf32, #tpu.memory_space<vmem_shared>>) target(%dma_start3A_38 : memref<128x16xf32, #tpu.memory_space<vmem>>) offsets(%dma_start3A_41 : memref<128xi32, #tpu.memory_space<vmem>>) semaphore(%dma_start3A_46 : memref<!tpu.dma_semaphore, #tpu.memory_space<semaphore_mem>>)
    %dma_start3A_47 = arith.constant 1 : i32
    %dma_start3A_48 = arith.constant 1 : i32
    %dma_start3A_49 = arith.constant 1 : i32
    %dma_start3A_50 = arith.constant 0 : i32
    %dma_start3A_51 = arith.constant 0 : i32
    %dma_start3A_52 = tpu.memref_slice %arg7[%dma_start3A_48, %dma_start3A_50, %dma_start3A_51] : memref<8x128x16xf32, #tpu.memory_space<vmem>> -> memref<1x128x16xf32, #tpu.memory_space<vmem>>
    %dma_start3A_53 = tpu.memref_squeeze %dma_start3A_52 : memref<1x128x16xf32, #tpu.memory_space<vmem>> -> memref<128x16xf32, #tpu.memory_space<vmem>>
    %dma_start3A_54 = arith.constant 0 : i32
    %dma_start3A_55 = tpu.memref_slice %arg5[%dma_start3A_47, %dma_start3A_54] : memref<79x128xi32, #tpu.memory_space<vmem>> -> memref<1x128xi32, #tpu.memory_space<vmem>>
    %dma_start3A_56 = tpu.memref_squeeze %dma_start3A_55 : memref<1x128xi32, #tpu.memory_space<vmem>> -> memref<128xi32, #tpu.memory_space<vmem>>
    %dma_start3A_57 = arith.constant 0 : i32
    %dma_start3A_58 = arith.constant 0 : i32
    %dma_start3A_59 = tpu.memref_slice %arg10[%dma_start3A_57, %dma_start3A_58] : memref<10112x16xf32, #tpu.memory_space<vmem_shared>> -> memref<10112x16xf32, #tpu.memory_space<vmem_shared>>
    %dma_start3A_60 = tpu.memref_slice %arg11[%dma_start3A_49] : memref<8x!tpu.dma_semaphore, #tpu.memory_space<semaphore_mem>> -> memref<1x!tpu.dma_semaphore, #tpu.memory_space<semaphore_mem>>
    %dma_start3A_61 = tpu.memref_squeeze %dma_start3A_60 : memref<1x!tpu.dma_semaphore, #tpu.memory_space<semaphore_mem>> -> memref<!tpu.dma_semaphore, #tpu.memory_space<semaphore_mem>>
    tpu.enqueue_indirect_dma source(%dma_start3A_59 : memref<10112x16xf32, #tpu.memory_space<vmem_shared>>) target(%dma_start3A_53 : memref<128x16xf32, #tpu.memory_space<vmem>>) offsets(%dma_start3A_56 : memref<128xi32, #tpu.memory_space<vmem>>) semaphore(%dma_start3A_61 : memref<!tpu.dma_semaphore, #tpu.memory_space<semaphore_mem>>)
    %dma_start3A_62 = arith.constant 2 : i32
    %dma_start3A_63 = arith.constant 2 : i32
    %dma_start3A_64 = arith.constant 2 : i32
    %dma_start3A_65 = arith.constant 0 : i32
    %dma_start3A_66 = arith.constant 0 : i32
    %dma_start3A_67 = tpu.memref_slice %arg7[%dma_start3A_63, %dma_start3A_65, %dma_start3A_66] : memref<8x128x16xf32, #tpu.memory_space<vmem>> -> memref<1x128x16xf32, #tpu.memory_space<vmem>>
    %dma_start3A_68 = tpu.memref_squeeze %dma_start3A_67 : memref<1x128x16xf32, #tpu.memory_space<vmem>> -> memref<128x16xf32, #tpu.memory_space<vmem>>
    %dma_start3A_69 = arith.constant 0 : i32
    %dma_start3A_70 = tpu.memref_slice %arg5[%dma_start3A_62, %dma_start3A_69] : memref<79x128xi32, #tpu.memory_space<vmem>> -> memref<1x128xi32, #tpu.memory_space<vmem>>
    %dma_start3A_71 = tpu.memref_squeeze %dma_start3A_70 : memref<1x128xi32, #tpu.memory_space<vmem>> -> memref<128xi32, #tpu.memory_space<vmem>>
    %dma_start3A_72 = arith.constant 0 : i32
    %dma_start3A_73 = arith.constant 0 : i32
    %dma_start3A_74 = tpu.memref_slice %arg10[%dma_start3A_72, %dma_start3A_73] : memref<10112x16xf32, #tpu.memory_space<vmem_shared>> -> memref<10112x16xf32, #tpu.memory_space<vmem_shared>>
    %dma_start3A_75 = tpu.memref_slice %arg11[%dma_start3A_64] : memref<8x!tpu.dma_semaphore, #tpu.memory_space<semaphore_mem>> -> memref<1x!tpu.dma_semaphore, #tpu.memory_space<semaphore_mem>>
    %dma_start3A_76 = tpu.memref_squeeze %dma_start3A_75 : memref<1x!tpu.dma_semaphore, #tpu.memory_space<semaphore_mem>> -> memref<!tpu.dma_semaphore, #tpu.memory_space<semaphore_mem>>
    tpu.enqueue_indirect_dma source(%dma_start3A_74 : memref<10112x16xf32, #tpu.memory_space<vmem_shared>>) target(%dma_start3A_68 : memref<128x16xf32, #tpu.memory_space<vmem>>) offsets(%dma_start3A_71 : memref<128xi32, #tpu.memory_space<vmem>>) semaphore(%dma_start3A_76 : memref<!tpu.dma_semaphore, #tpu.memory_space<semaphore_mem>>)
    %dma_start3A_77 = arith.constant 3 : i32
    %dma_start3A_78 = arith.constant 3 : i32
    %dma_start3A_79 = arith.constant 3 : i32
    %dma_start3A_80 = arith.constant 0 : i32
    %dma_start3A_81 = arith.constant 0 : i32
    %dma_start3A_82 = tpu.memref_slice %arg7[%dma_start3A_78, %dma_start3A_80, %dma_start3A_81] : memref<8x128x16xf32, #tpu.memory_space<vmem>> -> memref<1x128x16xf32, #tpu.memory_space<vmem>>
    %dma_start3A_83 = tpu.memref_squeeze %dma_start3A_82 : memref<1x128x16xf32, #tpu.memory_space<vmem>> -> memref<128x16xf32, #tpu.memory_space<vmem>>
    %dma_start3A_84 = arith.constant 0 : i32
    %dma_start3A_85 = tpu.memref_slice %arg5[%dma_start3A_77, %dma_start3A_84] : memref<79x128xi32, #tpu.memory_space<vmem>> -> memref<1x128xi32, #tpu.memory_space<vmem>>
    %dma_start3A_86 = tpu.memref_squeeze %dma_start3A_85 : memref<1x128xi32, #tpu.memory_space<vmem>> -> memref<128xi32, #tpu.memory_space<vmem>>
    %dma_start3A_87 = arith.constant 0 : i32
    %dma_start3A_88 = arith.constant 0 : i32
    %dma_start3A_89 = tpu.memref_slice %arg10[%dma_start3A_87, %dma_start3A_88] : memref<10112x16xf32, #tpu.memory_space<vmem_shared>> -> memref<10112x16xf32, #tpu.memory_space<vmem_shared>>
    %dma_start3A_90 = tpu.memref_slice %arg11[%dma_start3A_79] : memref<8x!tpu.dma_semaphore, #tpu.memory_space<semaphore_mem>> -> memref<1x!tpu.dma_semaphore, #tpu.memory_space<semaphore_mem>>
    %dma_start3A_91 = tpu.memref_squeeze %dma_start3A_90 : memref<1x!tpu.dma_semaphore, #tpu.memory_space<semaphore_mem>> -> memref<!tpu.dma_semaphore, #tpu.memory_space<semaphore_mem>>
    tpu.enqueue_indirect_dma source(%dma_start3A_89 : memref<10112x16xf32, #tpu.memory_space<vmem_shared>>) target(%dma_start3A_83 : memref<128x16xf32, #tpu.memory_space<vmem>>) offsets(%dma_start3A_86 : memref<128xi32, #tpu.memory_space<vmem>>) semaphore(%dma_start3A_91 : memref<!tpu.dma_semaphore, #tpu.memory_space<semaphore_mem>>)
    %while3A = arith.constant 0 : i32
    %while3A_92 = arith.constant 0 : i32
    %while3A_93 = arith.subi %select_n3A, %while3A_92 : i32
    %while3A_94 = arith.addi %while3A_92, %while3A_93 : i32
    %while3A_95 = arith.constant 1 : i32
    %while3A_96 = arith.divsi %while3A_93, %while3A_95 : i32
    %while3A_97 = arith.muli %while3A_96, %while3A_95 : i32
    %while3A_98 = arith.addi %while3A_92, %while3A_97 : i32
    %while3A_99 = arith.constant 1 : i32
    scf.for %while3A_112 = %while3A_92 to %while3A_98 step %while3A_99  : i32 {
      %jit3A_113 = arith.constant 8 : i32
      %eq3A = arith.constant 0 : i32
      %eq3A_114 = arith.cmpi eq, %jit3A_113, %eq3A : i32
      %jit3A_115 = arith.constant 1 : i32
      %select_n3A_116 = arith.select %eq3A_114, %jit3A_115, %jit3A_113 : i32
      %rem3A = arith.remsi %while3A_112, %select_n3A_116 : i32
      %ne3A = arith.constant 0 : i32
      %ne3A_117 = arith.cmpi ne, %rem3A, %ne3A : i32
      %lt3A_118 = arith.constant 0 : i32
      %lt3A_119 = arith.cmpi slt, %rem3A, %lt3A_118 : i32
      %lt3A_120 = arith.constant 0 : i32
      %lt3A_121 = arith.cmpi slt, %select_n3A_116, %lt3A_120 : i32
      %ne3A_122 = arith.xori %lt3A_119, %lt3A_121 : i1
      %and3A = arith.andi %ne3A_122, %ne3A_117 : i1
      %add3A_123 = arith.addi %rem3A, %select_n3A_116 : i32
      %select_n3A_124 = arith.select %and3A, %add3A_123, %rem3A : i32
      %dma_wait3A = arith.constant 0 : i32
      %dma_wait3A_125 = arith.constant 0 : i32
      %dma_wait3A_126 = tpu.memref_slice %arg7[%select_n3A_124, %dma_wait3A, %dma_wait3A_125] : memref<8x128x16xf32, #tpu.memory_space<vmem>> -> memref<1x128x16xf32, #tpu.memory_space<vmem>>
      %dma_wait3A_127 = tpu.memref_squeeze %dma_wait3A_126 : memref<1x128x16xf32, #tpu.memory_space<vmem>> -> memref<128x16xf32, #tpu.memory_space<vmem>>
      %dma_wait3A_128 = arith.constant 0 : i32
      %dma_wait3A_129 = tpu.memref_slice %arg5[%while3A_112, %dma_wait3A_128] : memref<79x128xi32, #tpu.memory_space<vmem>> -> memref<1x128xi32, #tpu.memory_space<vmem>>
      %dma_wait3A_130 = tpu.memref_squeeze %dma_wait3A_129 : memref<1x128xi32, #tpu.memory_space<vmem>> -> memref<128xi32, #tpu.memory_space<vmem>>
      %dma_wait3A_131 = arith.constant 0 : i32
      %dma_wait3A_132 = arith.constant 0 : i32
      %dma_wait3A_133 = tpu.memref_slice %arg10[%dma_wait3A_131, %dma_wait3A_132] : memref<10112x16xf32, #tpu.memory_space<vmem_shared>> -> memref<10112x16xf32, #tpu.memory_space<vmem_shared>>
      %dma_wait3A_134 = tpu.memref_slice %arg11[%select_n3A_124] : memref<8x!tpu.dma_semaphore, #tpu.memory_space<semaphore_mem>> -> memref<1x!tpu.dma_semaphore, #tpu.memory_space<semaphore_mem>>
      %dma_wait3A_135 = tpu.memref_squeeze %dma_wait3A_134 : memref<1x!tpu.dma_semaphore, #tpu.memory_space<semaphore_mem>> -> memref<!tpu.dma_semaphore, #tpu.memory_space<semaphore_mem>>
      tpu.wait_indirect_dma semaphore(%dma_wait3A_135 : memref<!tpu.dma_semaphore, #tpu.memory_space<semaphore_mem>>) src(%dma_wait3A_133 : memref<10112x16xf32, #tpu.memory_space<vmem_shared>>) dst(%dma_wait3A_127 : memref<128x16xf32, #tpu.memory_space<vmem>>)
      %dma_start3A_136 = arith.constant 0 : i32
      %dma_start3A_137 = arith.constant 0 : i32
      %dma_start3A_138 = tpu.memref_slice %arg7[%select_n3A_124, %dma_start3A_136, %dma_start3A_137] : memref<8x128x16xf32, #tpu.memory_space<vmem>> -> memref<1x128x16xf32, #tpu.memory_space<vmem>>
      %dma_start3A_139 = tpu.memref_squeeze %dma_start3A_138 : memref<1x128x16xf32, #tpu.memory_space<vmem>> -> memref<128x16xf32, #tpu.memory_space<vmem>>
      %dma_start3A_140 = arith.constant 0 : i32
      %dma_start3A_141 = tpu.memref_slice %arg6[%while3A_112, %dma_start3A_140] : memref<79x128xi32, #tpu.memory_space<vmem>> -> memref<1x128xi32, #tpu.memory_space<vmem>>
      %dma_start3A_142 = tpu.memref_squeeze %dma_start3A_141 : memref<1x128xi32, #tpu.memory_space<vmem>> -> memref<128xi32, #tpu.memory_space<vmem>>
      %dma_start3A_143 = arith.constant 0 : i32
      %dma_start3A_144 = arith.constant 0 : i32
      %dma_start3A_145 = tpu.memref_slice %arg9[%dma_start3A_143, %dma_start3A_144] : memref<10112x16xf32, #tpu.memory_space<vmem_shared>> -> memref<10112x16xf32, #tpu.memory_space<vmem_shared>>
      %dma_start3A_146 = tpu.memref_slice %arg12[%select_n3A_124] : memref<8x!tpu.dma_semaphore, #tpu.memory_space<semaphore_mem>> -> memref<1x!tpu.dma_semaphore, #tpu.memory_space<semaphore_mem>>
      %dma_start3A_147 = tpu.memref_squeeze %dma_start3A_146 : memref<1x!tpu.dma_semaphore, #tpu.memory_space<semaphore_mem>> -> memref<!tpu.dma_semaphore, #tpu.memory_space<semaphore_mem>>
      tpu.enqueue_indirect_dma source(%dma_start3A_139 : memref<128x16xf32, #tpu.memory_space<vmem>>) target(%dma_start3A_145 : memref<10112x16xf32, #tpu.memory_space<vmem_shared>>) offsets(%dma_start3A_142 : memref<128xi32, #tpu.memory_space<vmem>>) semaphore(%dma_start3A_147 : memref<!tpu.dma_semaphore, #tpu.memory_space<semaphore_mem>>) {add = true}
      %add3A_148 = arith.constant 4 : i32
      %add3A_149 = arith.addi %while3A_112, %add3A_148 : i32
      %jit3A_150 = arith.constant 8 : i32
      %eq3A_151 = arith.constant 0 : i32
      %eq3A_152 = arith.cmpi eq, %jit3A_150, %eq3A_151 : i32
      %jit3A_153 = arith.constant 1 : i32
      %select_n3A_154 = arith.select %eq3A_152, %jit3A_153, %jit3A_150 : i32
      %rem3A_155 = arith.remsi %add3A_149, %select_n3A_154 : i32
      %ne3A_156 = arith.constant 0 : i32
      %ne3A_157 = arith.cmpi ne, %rem3A_155, %ne3A_156 : i32
      %lt3A_158 = arith.constant 0 : i32
      %lt3A_159 = arith.cmpi slt, %rem3A_155, %lt3A_158 : i32
      %lt3A_160 = arith.constant 0 : i32
      %lt3A_161 = arith.cmpi slt, %select_n3A_154, %lt3A_160 : i32
      %ne3A_162 = arith.xori %lt3A_159, %lt3A_161 : i1
      %and3A_163 = arith.andi %ne3A_162, %ne3A_157 : i1
      %add3A_164 = arith.addi %rem3A_155, %select_n3A_154 : i32
      %select_n3A_165 = arith.select %and3A_163, %add3A_164, %rem3A_155 : i32
      %add3A_166 = arith.constant 4 : i32
      %add3A_167 = arith.addi %while3A_112, %add3A_166 : i32
      %ge3A = arith.constant 8 : i32
      %ge3A_168 = arith.cmpi sge, %add3A_167, %ge3A : i32
      %convert_element_type3A_169 = arith.extui %ge3A_168 : i1 to i32
      %cond3A_170 = arith.constant 0 : i32
      %cond3A_171 = arith.cmpi ne, %convert_element_type3A_169, %cond3A_170 : i32
      scf.if %cond3A_171 {
        %add3A_178 = arith.constant 4 : i32
        %add3A_179 = arith.addi %while3A_112, %add3A_178 : i32
        %sub3A_180 = arith.constant 8 : i32
        %sub3A_181 = arith.subi %add3A_179, %sub3A_180 : i32
        %dma_wait3A_182 = arith.constant 0 : i32
        %dma_wait3A_183 = arith.constant 0 : i32
        %dma_wait3A_184 = tpu.memref_slice %arg7[%select_n3A_165, %dma_wait3A_182, %dma_wait3A_183] : memref<8x128x16xf32, #tpu.memory_space<vmem>> -> memref<1x128x16xf32, #tpu.memory_space<vmem>>
        %dma_wait3A_185 = tpu.memref_squeeze %dma_wait3A_184 : memref<1x128x16xf32, #tpu.memory_space<vmem>> -> memref<128x16xf32, #tpu.memory_space<vmem>>
        %dma_wait3A_186 = arith.constant 0 : i32
        %dma_wait3A_187 = tpu.memref_slice %arg6[%sub3A_181, %dma_wait3A_186] : memref<79x128xi32, #tpu.memory_space<vmem>> -> memref<1x128xi32, #tpu.memory_space<vmem>>
        %dma_wait3A_188 = tpu.memref_squeeze %dma_wait3A_187 : memref<1x128xi32, #tpu.memory_space<vmem>> -> memref<128xi32, #tpu.memory_space<vmem>>
        %dma_wait3A_189 = arith.constant 0 : i32
        %dma_wait3A_190 = arith.constant 0 : i32
        %dma_wait3A_191 = tpu.memref_slice %arg9[%dma_wait3A_189, %dma_wait3A_190] : memref<10112x16xf32, #tpu.memory_space<vmem_shared>> -> memref<10112x16xf32, #tpu.memory_space<vmem_shared>>
        %dma_wait3A_192 = tpu.memref_slice %arg12[%select_n3A_165] : memref<8x!tpu.dma_semaphore, #tpu.memory_space<semaphore_mem>> -> memref<1x!tpu.dma_semaphore, #tpu.memory_space<semaphore_mem>>
        %dma_wait3A_193 = tpu.memref_squeeze %dma_wait3A_192 : memref<1x!tpu.dma_semaphore, #tpu.memory_space<semaphore_mem>> -> memref<!tpu.dma_semaphore, #tpu.memory_space<semaphore_mem>>
        tpu.wait_indirect_dma semaphore(%dma_wait3A_193 : memref<!tpu.dma_semaphore, #tpu.memory_space<semaphore_mem>>) src(%dma_wait3A_185 : memref<128x16xf32, #tpu.memory_space<vmem>>) dst(%dma_wait3A_191 : memref<10112x16xf32, #tpu.memory_space<vmem_shared>>)
      } else {
      }
      %add3A_172 = arith.constant 4 : i32
      %add3A_173 = arith.addi %while3A_112, %add3A_172 : i32
      %lt3A_174 = arith.cmpi slt, %add3A_173, %select_n3A : i32
      %convert_element_type3A_175 = arith.extui %lt3A_174 : i1 to i32
      %cond3A_176 = arith.constant 0 : i32
      %cond3A_177 = arith.cmpi ne, %convert_element_type3A_175, %cond3A_176 : i32
      scf.if %cond3A_177 {
        %add3A_178 = arith.constant 4 : i32
        %add3A_179 = arith.addi %while3A_112, %add3A_178 : i32
        %dma_start3A_180 = arith.constant 0 : i32
        %dma_start3A_181 = arith.constant 0 : i32
        %dma_start3A_182 = tpu.memref_slice %arg7[%select_n3A_165, %dma_start3A_180, %dma_start3A_181] : memref<8x128x16xf32, #tpu.memory_space<vmem>> -> memref<1x128x16xf32, #tpu.memory_space<vmem>>
        %dma_start3A_183 = tpu.memref_squeeze %dma_start3A_182 : memref<1x128x16xf32, #tpu.memory_space<vmem>> -> memref<128x16xf32, #tpu.memory_space<vmem>>
        %dma_start3A_184 = arith.constant 0 : i32
        %dma_start3A_185 = tpu.memref_slice %arg5[%add3A_179, %dma_start3A_184] : memref<79x128xi32, #tpu.memory_space<vmem>> -> memref<1x128xi32, #tpu.memory_space<vmem>>
        %dma_start3A_186 = tpu.memref_squeeze %dma_start3A_185 : memref<1x128xi32, #tpu.memory_space<vmem>> -> memref<128xi32, #tpu.memory_space<vmem>>
        %dma_start3A_187 = arith.constant 0 : i32
        %dma_start3A_188 = arith.constant 0 : i32
        %dma_start3A_189 = tpu.memref_slice %arg10[%dma_start3A_187, %dma_start3A_188] : memref<10112x16xf32, #tpu.memory_space<vmem_shared>> -> memref<10112x16xf32, #tpu.memory_space<vmem_shared>>
        %dma_start3A_190 = tpu.memref_slice %arg11[%select_n3A_165] : memref<8x!tpu.dma_semaphore, #tpu.memory_space<semaphore_mem>> -> memref<1x!tpu.dma_semaphore, #tpu.memory_space<semaphore_mem>>
        %dma_start3A_191 = tpu.memref_squeeze %dma_start3A_190 : memref<1x!tpu.dma_semaphore, #tpu.memory_space<semaphore_mem>> -> memref<!tpu.dma_semaphore, #tpu.memory_space<semaphore_mem>>
        tpu.enqueue_indirect_dma source(%dma_start3A_189 : memref<10112x16xf32, #tpu.memory_space<vmem_shared>>) target(%dma_start3A_183 : memref<128x16xf32, #tpu.memory_space<vmem>>) offsets(%dma_start3A_186 : memref<128xi32, #tpu.memory_space<vmem>>) semaphore(%dma_start3A_191 : memref<!tpu.dma_semaphore, #tpu.memory_space<semaphore_mem>>)
      } else {
      }
    }
    %while3A_100 = arith.constant 1 : i32
    scf.for %while3A_112 = %while3A_98 to %while3A_94 step %while3A_100  : i32 {
      %jit3A_113 = arith.constant 8 : i32
      %eq3A = arith.constant 0 : i32
      %eq3A_114 = arith.cmpi eq, %jit3A_113, %eq3A : i32
      %jit3A_115 = arith.constant 1 : i32
      %select_n3A_116 = arith.select %eq3A_114, %jit3A_115, %jit3A_113 : i32
      %rem3A = arith.remsi %while3A_112, %select_n3A_116 : i32
      %ne3A = arith.constant 0 : i32
      %ne3A_117 = arith.cmpi ne, %rem3A, %ne3A : i32
      %lt3A_118 = arith.constant 0 : i32
      %lt3A_119 = arith.cmpi slt, %rem3A, %lt3A_118 : i32
      %lt3A_120 = arith.constant 0 : i32
      %lt3A_121 = arith.cmpi slt, %select_n3A_116, %lt3A_120 : i32
      %ne3A_122 = arith.xori %lt3A_119, %lt3A_121 : i1
      %and3A = arith.andi %ne3A_122, %ne3A_117 : i1
      %add3A_123 = arith.addi %rem3A, %select_n3A_116 : i32
      %select_n3A_124 = arith.select %and3A, %add3A_123, %rem3A : i32
      %dma_wait3A = arith.constant 0 : i32
      %dma_wait3A_125 = arith.constant 0 : i32
      %dma_wait3A_126 = tpu.memref_slice %arg7[%select_n3A_124, %dma_wait3A, %dma_wait3A_125] : memref<8x128x16xf32, #tpu.memory_space<vmem>> -> memref<1x128x16xf32, #tpu.memory_space<vmem>>
      %dma_wait3A_127 = tpu.memref_squeeze %dma_wait3A_126 : memref<1x128x16xf32, #tpu.memory_space<vmem>> -> memref<128x16xf32, #tpu.memory_space<vmem>>
      %dma_wait3A_128 = arith.constant 0 : i32
      %dma_wait3A_129 = tpu.memref_slice %arg5[%while3A_112, %dma_wait3A_128] : memref<79x128xi32, #tpu.memory_space<vmem>> -> memref<1x128xi32, #tpu.memory_space<vmem>>
      %dma_wait3A_130 = tpu.memref_squeeze %dma_wait3A_129 : memref<1x128xi32, #tpu.memory_space<vmem>> -> memref<128xi32, #tpu.memory_space<vmem>>
      %dma_wait3A_131 = arith.constant 0 : i32
      %dma_wait3A_132 = arith.constant 0 : i32
      %dma_wait3A_133 = tpu.memref_slice %arg10[%dma_wait3A_131, %dma_wait3A_132] : memref<10112x16xf32, #tpu.memory_space<vmem_shared>> -> memref<10112x16xf32, #tpu.memory_space<vmem_shared>>
      %dma_wait3A_134 = tpu.memref_slice %arg11[%select_n3A_124] : memref<8x!tpu.dma_semaphore, #tpu.memory_space<semaphore_mem>> -> memref<1x!tpu.dma_semaphore, #tpu.memory_space<semaphore_mem>>
      %dma_wait3A_135 = tpu.memref_squeeze %dma_wait3A_134 : memref<1x!tpu.dma_semaphore, #tpu.memory_space<semaphore_mem>> -> memref<!tpu.dma_semaphore, #tpu.memory_space<semaphore_mem>>
      tpu.wait_indirect_dma semaphore(%dma_wait3A_135 : memref<!tpu.dma_semaphore, #tpu.memory_space<semaphore_mem>>) src(%dma_wait3A_133 : memref<10112x16xf32, #tpu.memory_space<vmem_shared>>) dst(%dma_wait3A_127 : memref<128x16xf32, #tpu.memory_space<vmem>>)
      %dma_start3A_136 = arith.constant 0 : i32
      %dma_start3A_137 = arith.constant 0 : i32
      %dma_start3A_138 = tpu.memref_slice %arg7[%select_n3A_124, %dma_start3A_136, %dma_start3A_137] : memref<8x128x16xf32, #tpu.memory_space<vmem>> -> memref<1x128x16xf32, #tpu.memory_space<vmem>>
      %dma_start3A_139 = tpu.memref_squeeze %dma_start3A_138 : memref<1x128x16xf32, #tpu.memory_space<vmem>> -> memref<128x16xf32, #tpu.memory_space<vmem>>
      %dma_start3A_140 = arith.constant 0 : i32
      %dma_start3A_141 = tpu.memref_slice %arg6[%while3A_112, %dma_start3A_140] : memref<79x128xi32, #tpu.memory_space<vmem>> -> memref<1x128xi32, #tpu.memory_space<vmem>>
      %dma_start3A_142 = tpu.memref_squeeze %dma_start3A_141 : memref<1x128xi32, #tpu.memory_space<vmem>> -> memref<128xi32, #tpu.memory_space<vmem>>
      %dma_start3A_143 = arith.constant 0 : i32
      %dma_start3A_144 = arith.constant 0 : i32
      %dma_start3A_145 = tpu.memref_slice %arg9[%dma_start3A_143, %dma_start3A_144] : memref<10112x16xf32, #tpu.memory_space<vmem_shared>> -> memref<10112x16xf32, #tpu.memory_space<vmem_shared>>
      %dma_start3A_146 = tpu.memref_slice %arg12[%select_n3A_124] : memref<8x!tpu.dma_semaphore, #tpu.memory_space<semaphore_mem>> -> memref<1x!tpu.dma_semaphore, #tpu.memory_space<semaphore_mem>>
      %dma_start3A_147 = tpu.memref_squeeze %dma_start3A_146 : memref<1x!tpu.dma_semaphore, #tpu.memory_space<semaphore_mem>> -> memref<!tpu.dma_semaphore, #tpu.memory_space<semaphore_mem>>
      tpu.enqueue_indirect_dma source(%dma_start3A_139 : memref<128x16xf32, #tpu.memory_space<vmem>>) target(%dma_start3A_145 : memref<10112x16xf32, #tpu.memory_space<vmem_shared>>) offsets(%dma_start3A_142 : memref<128xi32, #tpu.memory_space<vmem>>) semaphore(%dma_start3A_147 : memref<!tpu.dma_semaphore, #tpu.memory_space<semaphore_mem>>) {add = true}
      %add3A_148 = arith.constant 4 : i32
      %add3A_149 = arith.addi %while3A_112, %add3A_148 : i32
      %jit3A_150 = arith.constant 8 : i32
      %eq3A_151 = arith.constant 0 : i32
      %eq3A_152 = arith.cmpi eq, %jit3A_150, %eq3A_151 : i32
      %jit3A_153 = arith.constant 1 : i32
      %select_n3A_154 = arith.select %eq3A_152, %jit3A_153, %jit3A_150 : i32
      %rem3A_155 = arith.remsi %add3A_149, %select_n3A_154 : i32
      %ne3A_156 = arith.constant 0 : i32
      %ne3A_157 = arith.cmpi ne, %rem3A_155, %ne3A_156 : i32
      %lt3A_158 = arith.constant 0 : i32
      %lt3A_159 = arith.cmpi slt, %rem3A_155, %lt3A_158 : i32
      %lt3A_160 = arith.constant 0 : i32
      %lt3A_161 = arith.cmpi slt, %select_n3A_154, %lt3A_160 : i32
      %ne3A_162 = arith.xori %lt3A_159, %lt3A_161 : i1
      %and3A_163 = arith.andi %ne3A_162, %ne3A_157 : i1
      %add3A_164 = arith.addi %rem3A_155, %select_n3A_154 : i32
      %select_n3A_165 = arith.select %and3A_163, %add3A_164, %rem3A_155 : i32
      %add3A_166 = arith.constant 4 : i32
      %add3A_167 = arith.addi %while3A_112, %add3A_166 : i32
      %ge3A = arith.constant 8 : i32
      %ge3A_168 = arith.cmpi sge, %add3A_167, %ge3A : i32
      %convert_element_type3A_169 = arith.extui %ge3A_168 : i1 to i32
      %cond3A_170 = arith.constant 0 : i32
      %cond3A_171 = arith.cmpi ne, %convert_element_type3A_169, %cond3A_170 : i32
      scf.if %cond3A_171 {
        %add3A_178 = arith.constant 4 : i32
        %add3A_179 = arith.addi %while3A_112, %add3A_178 : i32
        %sub3A_180 = arith.constant 8 : i32
        %sub3A_181 = arith.subi %add3A_179, %sub3A_180 : i32
        %dma_wait3A_182 = arith.constant 0 : i32
        %dma_wait3A_183 = arith.constant 0 : i32
        %dma_wait3A_184 = tpu.memref_slice %arg7[%select_n3A_165, %dma_wait3A_182, %dma_wait3A_183] : memref<8x128x16xf32, #tpu.memory_space<vmem>> -> memref<1x128x16xf32, #tpu.memory_space<vmem>>
        %dma_wait3A_185 = tpu.memref_squeeze %dma_wait3A_184 : memref<1x128x16xf32, #tpu.memory_space<vmem>> -> memref<128x16xf32, #tpu.memory_space<vmem>>
        %dma_wait3A_186 = arith.constant 0 : i32
        %dma_wait3A_187 = tpu.memref_slice %arg6[%sub3A_181, %dma_wait3A_186] : memref<79x128xi32, #tpu.memory_space<vmem>> -> memref<1x128xi32, #tpu.memory_space<vmem>>
        %dma_wait3A_188 = tpu.memref_squeeze %dma_wait3A_187 : memref<1x128xi32, #tpu.memory_space<vmem>> -> memref<128xi32, #tpu.memory_space<vmem>>
        %dma_wait3A_189 = arith.constant 0 : i32
        %dma_wait3A_190 = arith.constant 0 : i32
        %dma_wait3A_191 = tpu.memref_slice %arg9[%dma_wait3A_189, %dma_wait3A_190] : memref<10112x16xf32, #tpu.memory_space<vmem_shared>> -> memref<10112x16xf32, #tpu.memory_space<vmem_shared>>
        %dma_wait3A_192 = tpu.memref_slice %arg12[%select_n3A_165] : memref<8x!tpu.dma_semaphore, #tpu.memory_space<semaphore_mem>> -> memref<1x!tpu.dma_semaphore, #tpu.memory_space<semaphore_mem>>
        %dma_wait3A_193 = tpu.memref_squeeze %dma_wait3A_192 : memref<1x!tpu.dma_semaphore, #tpu.memory_space<semaphore_mem>> -> memref<!tpu.dma_semaphore, #tpu.memory_space<semaphore_mem>>
        tpu.wait_indirect_dma semaphore(%dma_wait3A_193 : memref<!tpu.dma_semaphore, #tpu.memory_space<semaphore_mem>>) src(%dma_wait3A_185 : memref<128x16xf32, #tpu.memory_space<vmem>>) dst(%dma_wait3A_191 : memref<10112x16xf32, #tpu.memory_space<vmem_shared>>)
      } else {
      }
      %add3A_172 = arith.constant 4 : i32
      %add3A_173 = arith.addi %while3A_112, %add3A_172 : i32
      %lt3A_174 = arith.cmpi slt, %add3A_173, %select_n3A : i32
      %convert_element_type3A_175 = arith.extui %lt3A_174 : i1 to i32
      %cond3A_176 = arith.constant 0 : i32
      %cond3A_177 = arith.cmpi ne, %convert_element_type3A_175, %cond3A_176 : i32
      scf.if %cond3A_177 {
        %add3A_178 = arith.constant 4 : i32
        %add3A_179 = arith.addi %while3A_112, %add3A_178 : i32
        %dma_start3A_180 = arith.constant 0 : i32
        %dma_start3A_181 = arith.constant 0 : i32
        %dma_start3A_182 = tpu.memref_slice %arg7[%select_n3A_165, %dma_start3A_180, %dma_start3A_181] : memref<8x128x16xf32, #tpu.memory_space<vmem>> -> memref<1x128x16xf32, #tpu.memory_space<vmem>>
        %dma_start3A_183 = tpu.memref_squeeze %dma_start3A_182 : memref<1x128x16xf32, #tpu.memory_space<vmem>> -> memref<128x16xf32, #tpu.memory_space<vmem>>
        %dma_start3A_184 = arith.constant 0 : i32
        %dma_start3A_185 = tpu.memref_slice %arg5[%add3A_179, %dma_start3A_184] : memref<79x128xi32, #tpu.memory_space<vmem>> -> memref<1x128xi32, #tpu.memory_space<vmem>>
        %dma_start3A_186 = tpu.memref_squeeze %dma_start3A_185 : memref<1x128xi32, #tpu.memory_space<vmem>> -> memref<128xi32, #tpu.memory_space<vmem>>
        %dma_start3A_187 = arith.constant 0 : i32
        %dma_start3A_188 = arith.constant 0 : i32
        %dma_start3A_189 = tpu.memref_slice %arg10[%dma_start3A_187, %dma_start3A_188] : memref<10112x16xf32, #tpu.memory_space<vmem_shared>> -> memref<10112x16xf32, #tpu.memory_space<vmem_shared>>
        %dma_start3A_190 = tpu.memref_slice %arg11[%select_n3A_165] : memref<8x!tpu.dma_semaphore, #tpu.memory_space<semaphore_mem>> -> memref<1x!tpu.dma_semaphore, #tpu.memory_space<semaphore_mem>>
        %dma_start3A_191 = tpu.memref_squeeze %dma_start3A_190 : memref<1x!tpu.dma_semaphore, #tpu.memory_space<semaphore_mem>> -> memref<!tpu.dma_semaphore, #tpu.memory_space<semaphore_mem>>
        tpu.enqueue_indirect_dma source(%dma_start3A_189 : memref<10112x16xf32, #tpu.memory_space<vmem_shared>>) target(%dma_start3A_183 : memref<128x16xf32, #tpu.memory_space<vmem>>) offsets(%dma_start3A_186 : memref<128xi32, #tpu.memory_space<vmem>>) semaphore(%dma_start3A_191 : memref<!tpu.dma_semaphore, #tpu.memory_space<semaphore_mem>>)
      } else {
      }
    }
    %sub3A = arith.constant 4 : i32
    %sub3A_101 = arith.subi %select_n3A, %sub3A : i32
    %while3A_102 = arith.constant 0 : i32
    %while3A_103 = arith.subi %select_n3A, %sub3A_101 : i32
    %while3A_104 = arith.addi %sub3A_101, %while3A_103 : i32
    %while3A_105 = arith.constant 1 : i32
    %while3A_106 = arith.divsi %while3A_103, %while3A_105 : i32
    %while3A_107 = arith.muli %while3A_106, %while3A_105 : i32
    %while3A_108 = arith.addi %sub3A_101, %while3A_107 : i32
    %while3A_109 = arith.constant 1 : i32
    scf.for %while3A_112 = %sub3A_101 to %while3A_108 step %while3A_109  : i32 {
      %jit3A_113 = arith.constant 8 : i32
      %eq3A = arith.constant 0 : i32
      %eq3A_114 = arith.cmpi eq, %jit3A_113, %eq3A : i32
      %jit3A_115 = arith.constant 1 : i32
      %select_n3A_116 = arith.select %eq3A_114, %jit3A_115, %jit3A_113 : i32
      %rem3A = arith.remsi %while3A_112, %select_n3A_116 : i32
      %ne3A = arith.constant 0 : i32
      %ne3A_117 = arith.cmpi ne, %rem3A, %ne3A : i32
      %lt3A_118 = arith.constant 0 : i32
      %lt3A_119 = arith.cmpi slt, %rem3A, %lt3A_118 : i32
      %lt3A_120 = arith.constant 0 : i32
      %lt3A_121 = arith.cmpi slt, %select_n3A_116, %lt3A_120 : i32
      %ne3A_122 = arith.xori %lt3A_119, %lt3A_121 : i1
      %and3A = arith.andi %ne3A_122, %ne3A_117 : i1
      %add3A_123 = arith.addi %rem3A, %select_n3A_116 : i32
      %select_n3A_124 = arith.select %and3A, %add3A_123, %rem3A : i32
      %dma_wait3A = arith.constant 0 : i32
      %dma_wait3A_125 = arith.constant 0 : i32
      %dma_wait3A_126 = tpu.memref_slice %arg7[%select_n3A_124, %dma_wait3A, %dma_wait3A_125] : memref<8x128x16xf32, #tpu.memory_space<vmem>> -> memref<1x128x16xf32, #tpu.memory_space<vmem>>
      %dma_wait3A_127 = tpu.memref_squeeze %dma_wait3A_126 : memref<1x128x16xf32, #tpu.memory_space<vmem>> -> memref<128x16xf32, #tpu.memory_space<vmem>>
      %dma_wait3A_128 = arith.constant 0 : i32
      %dma_wait3A_129 = tpu.memref_slice %arg6[%while3A_112, %dma_wait3A_128] : memref<79x128xi32, #tpu.memory_space<vmem>> -> memref<1x128xi32, #tpu.memory_space<vmem>>
      %dma_wait3A_130 = tpu.memref_squeeze %dma_wait3A_129 : memref<1x128xi32, #tpu.memory_space<vmem>> -> memref<128xi32, #tpu.memory_space<vmem>>
      %dma_wait3A_131 = arith.constant 0 : i32
      %dma_wait3A_132 = arith.constant 0 : i32
      %dma_wait3A_133 = tpu.memref_slice %arg9[%dma_wait3A_131, %dma_wait3A_132] : memref<10112x16xf32, #tpu.memory_space<vmem_shared>> -> memref<10112x16xf32, #tpu.memory_space<vmem_shared>>
      %dma_wait3A_134 = tpu.memref_slice %arg12[%select_n3A_124] : memref<8x!tpu.dma_semaphore, #tpu.memory_space<semaphore_mem>> -> memref<1x!tpu.dma_semaphore, #tpu.memory_space<semaphore_mem>>
      %dma_wait3A_135 = tpu.memref_squeeze %dma_wait3A_134 : memref<1x!tpu.dma_semaphore, #tpu.memory_space<semaphore_mem>> -> memref<!tpu.dma_semaphore, #tpu.memory_space<semaphore_mem>>
      tpu.wait_indirect_dma semaphore(%dma_wait3A_135 : memref<!tpu.dma_semaphore, #tpu.memory_space<semaphore_mem>>) src(%dma_wait3A_127 : memref<128x16xf32, #tpu.memory_space<vmem>>) dst(%dma_wait3A_133 : memref<10112x16xf32, #tpu.memory_space<vmem_shared>>)
    }
    %while3A_110 = arith.constant 1 : i32
    scf.for %while3A_112 = %while3A_108 to %while3A_104 step %while3A_110  : i32 {
      %jit3A_113 = arith.constant 8 : i32
      %eq3A = arith.constant 0 : i32
      %eq3A_114 = arith.cmpi eq, %jit3A_113, %eq3A : i32
      %jit3A_115 = arith.constant 1 : i32
      %select_n3A_116 = arith.select %eq3A_114, %jit3A_115, %jit3A_113 : i32
      %rem3A = arith.remsi %while3A_112, %select_n3A_116 : i32
      %ne3A = arith.constant 0 : i32
      %ne3A_117 = arith.cmpi ne, %rem3A, %ne3A : i32
      %lt3A_118 = arith.constant 0 : i32
      %lt3A_119 = arith.cmpi slt, %rem3A, %lt3A_118 : i32
      %lt3A_120 = arith.constant 0 : i32
      %lt3A_121 = arith.cmpi slt, %select_n3A_116, %lt3A_120 : i32
      %ne3A_122 = arith.xori %lt3A_119, %lt3A_121 : i1
      %and3A = arith.andi %ne3A_122, %ne3A_117 : i1
      %add3A_123 = arith.addi %rem3A, %select_n3A_116 : i32
      %select_n3A_124 = arith.select %and3A, %add3A_123, %rem3A : i32
      %dma_wait3A = arith.constant 0 : i32
      %dma_wait3A_125 = arith.constant 0 : i32
      %dma_wait3A_126 = tpu.memref_slice %arg7[%select_n3A_124, %dma_wait3A, %dma_wait3A_125] : memref<8x128x16xf32, #tpu.memory_space<vmem>> -> memref<1x128x16xf32, #tpu.memory_space<vmem>>
      %dma_wait3A_127 = tpu.memref_squeeze %dma_wait3A_126 : memref<1x128x16xf32, #tpu.memory_space<vmem>> -> memref<128x16xf32, #tpu.memory_space<vmem>>
      %dma_wait3A_128 = arith.constant 0 : i32
      %dma_wait3A_129 = tpu.memref_slice %arg6[%while3A_112, %dma_wait3A_128] : memref<79x128xi32, #tpu.memory_space<vmem>> -> memref<1x128xi32, #tpu.memory_space<vmem>>
      %dma_wait3A_130 = tpu.memref_squeeze %dma_wait3A_129 : memref<1x128xi32, #tpu.memory_space<vmem>> -> memref<128xi32, #tpu.memory_space<vmem>>
      %dma_wait3A_131 = arith.constant 0 : i32
      %dma_wait3A_132 = arith.constant 0 : i32
      %dma_wait3A_133 = tpu.memref_slice %arg9[%dma_wait3A_131, %dma_wait3A_132] : memref<10112x16xf32, #tpu.memory_space<vmem_shared>> -> memref<10112x16xf32, #tpu.memory_space<vmem_shared>>
      %dma_wait3A_134 = tpu.memref_slice %arg12[%select_n3A_124] : memref<8x!tpu.dma_semaphore, #tpu.memory_space<semaphore_mem>> -> memref<1x!tpu.dma_semaphore, #tpu.memory_space<semaphore_mem>>
      %dma_wait3A_135 = tpu.memref_squeeze %dma_wait3A_134 : memref<1x!tpu.dma_semaphore, #tpu.memory_space<semaphore_mem>> -> memref<!tpu.dma_semaphore, #tpu.memory_space<semaphore_mem>>
      tpu.wait_indirect_dma semaphore(%dma_wait3A_135 : memref<!tpu.dma_semaphore, #tpu.memory_space<semaphore_mem>>) src(%dma_wait3A_127 : memref<128x16xf32, #tpu.memory_space<vmem>>) dst(%dma_wait3A_133 : memref<10112x16xf32, #tpu.memory_space<vmem_shared>>)
    }
    %barrier3A_111 = arith.constant 0 : index
    tpu.barrier barrier_id(%barrier3A_111)
    "tpu.region"() ({
      %run_scoped3A_112 = tpu.sem_alloc : memref<!tpu.dma_semaphore, #tpu.memory_space<semaphore_mem>>
      %dma_start3A_113 = arith.constant 0 : i32
      %dma_start3A_114 = tpu.memref_slice %arg4[%arg0, %mul3A_22, %dma_start3A_113] : memref<2x10112x16xf32, #tpu.memory_space<hbm>> -> memref<1x632x16xf32, #tpu.memory_space<hbm>>
      %dma_start3A_115 = tpu.memref_squeeze %dma_start3A_114 : memref<1x632x16xf32, #tpu.memory_space<hbm>> -> memref<632x16xf32, #tpu.memory_space<hbm>>
      %dma_start3A_116 = arith.constant 0 : i32
      %dma_start3A_117 = tpu.memref_slice %arg9[%mul3A_22, %dma_start3A_116] : memref<10112x16xf32, #tpu.memory_space<vmem_shared>> -> memref<632x16xf32, #tpu.memory_space<vmem_shared>>
      tpu.enqueue_dma source(%dma_start3A_117 : memref<632x16xf32, #tpu.memory_space<vmem_shared>>) target(%dma_start3A_115 : memref<632x16xf32, #tpu.memory_space<hbm>>) target_semaphore(%run_scoped3A_112 : memref<!tpu.dma_semaphore, #tpu.memory_space<semaphore_mem>>)
      %dma_wait3A = arith.constant 0 : i32
      %dma_wait3A_118 = tpu.memref_slice %arg4[%arg0, %mul3A_22, %dma_wait3A] : memref<2x10112x16xf32, #tpu.memory_space<hbm>> -> memref<1x632x16xf32, #tpu.memory_space<hbm>>
      %dma_wait3A_119 = tpu.memref_squeeze %dma_wait3A_118 : memref<1x632x16xf32, #tpu.memory_space<hbm>> -> memref<632x16xf32, #tpu.memory_space<hbm>>
      %dma_wait3A_120 = arith.constant 0 : i32
      %dma_wait3A_121 = tpu.memref_slice %arg9[%mul3A_22, %dma_wait3A_120] : memref<10112x16xf32, #tpu.memory_space<vmem_shared>> -> memref<632x16xf32, #tpu.memory_space<vmem_shared>>
      tpu.wait_dma2 semaphore(%run_scoped3A_112 : memref<!tpu.dma_semaphore, #tpu.memory_space<semaphore_mem>>) src(%dma_wait3A_121 : memref<632x16xf32, #tpu.memory_space<vmem_shared>>) dst(%dma_wait3A_119 : memref<632x16xf32, #tpu.memory_space<hbm>>)
      tpu.yield
    }) : () -> ()
    return
  }
}

#map = affine_map<(d0, d1) -> (0, 0)>
#map1 = affine_map<(d0, d1) -> (0, 0, 0)>
module attributes {stable_mosaic.version = 14 : i64} {
  func.func @prop_kernel(%arg0: i32, %arg1: i32, %arg2: memref<10112x16xf32, #tpu.memory_space<hbm>>, %arg3: memref<2x2500x128xi32, #tpu.memory_space<hbm>>, %arg4: memref<2x10112x16xf32, #tpu.memory_space<hbm>>, %arg5: memref<79x128xi32, #tpu.memory_space<vmem>>, %arg6: memref<79x128xi32, #tpu.memory_space<vmem>>, %arg7: memref<8x128x16xf32, #tpu.memory_space<vmem>>, %arg8: memref<128x16xf32, #tpu.memory_space<vmem>>, %arg9: memref<10112x16xf32, #tpu.memory_space<vmem_shared>>, %arg10: memref<10112x16xf32, #tpu.memory_space<vmem_shared>>, %arg11: memref<8x!tpu.dma_semaphore, #tpu.memory_space<semaphore_mem>>, %arg12: memref<8x!tpu.dma_semaphore, #tpu.memory_space<semaphore_mem>>) attributes {dimension_semantics = [#tpu.dimension_semantics<core_parallel>, #tpu.dimension_semantics<subcore_parallel>], iteration_bounds = array<i64: 2, 16>, scalar_prefetch = 0 : i64, scratch_operands = 8 : i64, tpu.core_type = #tpu.core_type<sc_vector_subcore>, window_params = [{transform_indices = #map}, {transform_indices = #map1}, {transform_indices = #map1}]} {
    %mul3A = arith.constant 2 : i32
    %mul3A_0 = arith.muli %arg1, %mul3A : i32
    %add3A = arith.addi %mul3A_0, %arg0 : i32
    %lt3A = arith.constant 4 : i32
    %lt3A_1 = arith.cmpi slt, %add3A, %lt3A : i32
    %jit3A = arith.constant 79 : i32
    %jit3A_2 = arith.constant 78 : i32
    %select_n3A = arith.select %lt3A_1, %jit3A, %jit3A_2 : i32
    %mul3A_3 = arith.constant 78 : i32
    %mul3A_4 = arith.muli %add3A, %mul3A_3 : i32
    %run_scoped3A = arith.constant 0 : i32
    "tpu.region"() ({
      %run_scoped3A_112 = tpu.sem_alloc : memref<!tpu.dma_semaphore, #tpu.memory_space<semaphore_mem>>
      %dma_start3A_113 = arith.constant 0 : i32
      %dma_start3A_114 = arith.constant 0 : i32
      %dma_start3A_115 = tpu.memref_slice %arg5[%dma_start3A_113, %dma_start3A_114] : memref<79x128xi32, #tpu.memory_space<vmem>> -> memref<78x128xi32, #tpu.memory_space<vmem>>
      %dma_start3A_116 = arith.constant 0 : i32
      %dma_start3A_117 = tpu.memref_slice %arg3[%run_scoped3A, %mul3A_4, %dma_start3A_116] : memref<2x2500x128xi32, #tpu.memory_space<hbm>> -> memref<1x78x128xi32, #tpu.memory_space<hbm>>
      %dma_start3A_118 = tpu.memref_squeeze %dma_start3A_117 : memref<1x78x128xi32, #tpu.memory_space<hbm>> -> memref<78x128xi32, #tpu.memory_space<hbm>>
      %dma_start3A_119 = arith.constant 0 : i32
      %dma_start3A_120 = arith.constant 0 : i32
      %dma_start3A_121 = tpu.memref_slice %arg5[%dma_start3A_119, %dma_start3A_120] : memref<79x128xi32, #tpu.memory_space<vmem>> -> memref<78x128xi32, #tpu.memory_space<vmem>>
      %dma_start3A_122 = arith.constant 0 : i32
      %dma_start3A_123 = tpu.memref_slice %arg3[%run_scoped3A, %mul3A_4, %dma_start3A_122] : memref<2x2500x128xi32, #tpu.memory_space<hbm>> -> memref<1x78x128xi32, #tpu.memory_space<hbm>>
      %dma_start3A_124 = tpu.memref_squeeze %dma_start3A_123 : memref<1x78x128xi32, #tpu.memory_space<hbm>> -> memref<78x128xi32, #tpu.memory_space<hbm>>
      tpu.enqueue_dma source(%dma_start3A_124 : memref<78x128xi32, #tpu.memory_space<hbm>>) target(%dma_start3A_121 : memref<78x128xi32, #tpu.memory_space<vmem>>) target_semaphore(%run_scoped3A_112 : memref<!tpu.dma_semaphore, #tpu.memory_space<semaphore_mem>>)
      %dma_wait3A = arith.constant 0 : i32
      %dma_wait3A_125 = arith.constant 0 : i32
      %dma_wait3A_126 = tpu.memref_slice %arg5[%dma_wait3A, %dma_wait3A_125] : memref<79x128xi32, #tpu.memory_space<vmem>> -> memref<78x128xi32, #tpu.memory_space<vmem>>
      %dma_wait3A_127 = arith.constant 0 : i32
      %dma_wait3A_128 = tpu.memref_slice %arg3[%run_scoped3A, %mul3A_4, %dma_wait3A_127] : memref<2x2500x128xi32, #tpu.memory_space<hbm>> -> memref<1x78x128xi32, #tpu.memory_space<hbm>>
      %dma_wait3A_129 = tpu.memref_squeeze %dma_wait3A_128 : memref<1x78x128xi32, #tpu.memory_space<hbm>> -> memref<78x128xi32, #tpu.memory_space<hbm>>
      %dma_wait3A_130 = arith.constant 0 : i32
      %dma_wait3A_131 = arith.constant 0 : i32
      %dma_wait3A_132 = tpu.memref_slice %arg5[%dma_wait3A_130, %dma_wait3A_131] : memref<79x128xi32, #tpu.memory_space<vmem>> -> memref<78x128xi32, #tpu.memory_space<vmem>>
      %dma_wait3A_133 = arith.constant 0 : i32
      %dma_wait3A_134 = tpu.memref_slice %arg3[%run_scoped3A, %mul3A_4, %dma_wait3A_133] : memref<2x2500x128xi32, #tpu.memory_space<hbm>> -> memref<1x78x128xi32, #tpu.memory_space<hbm>>
      %dma_wait3A_135 = tpu.memref_squeeze %dma_wait3A_134 : memref<1x78x128xi32, #tpu.memory_space<hbm>> -> memref<78x128xi32, #tpu.memory_space<hbm>>
      tpu.wait_dma2 semaphore(%run_scoped3A_112 : memref<!tpu.dma_semaphore, #tpu.memory_space<semaphore_mem>>) src(%dma_wait3A_135 : memref<78x128xi32, #tpu.memory_space<hbm>>) dst(%dma_wait3A_132 : memref<78x128xi32, #tpu.memory_space<vmem>>)
      tpu.yield
    }) : () -> ()
    %lt3A_5 = arith.constant 4 : i32
    %lt3A_6 = arith.cmpi slt, %add3A, %lt3A_5 : i32
    %convert_element_type3A = arith.extui %lt3A_6 : i1 to i32
    %cond3A = arith.constant 0 : i32
    %cond3A_7 = arith.cmpi ne, %convert_element_type3A, %cond3A : i32
    scf.if %cond3A_7 {
      %add3A_112 = arith.constant 2496 : i32
      %add3A_113 = arith.addi %add3A_112, %add3A : i32
      %run_scoped3A_114 = arith.constant 0 : i32
      "tpu.region"() ({
        %run_scoped3A_115 = tpu.sem_alloc : memref<!tpu.dma_semaphore, #tpu.memory_space<semaphore_mem>>
        %dma_start3A_116 = arith.constant 78 : i32
        %dma_start3A_117 = arith.constant 0 : i32
        %dma_start3A_118 = tpu.memref_slice %arg5[%dma_start3A_116, %dma_start3A_117] : memref<79x128xi32, #tpu.memory_space<vmem>> -> memref<1x128xi32, #tpu.memory_space<vmem>>
        %dma_start3A_119 = arith.constant 0 : i32
        %dma_start3A_120 = tpu.memref_slice %arg3[%run_scoped3A_114, %add3A_113, %dma_start3A_119] : memref<2x2500x128xi32, #tpu.memory_space<hbm>> -> memref<1x1x128xi32, #tpu.memory_space<hbm>>
        %dma_start3A_121 = tpu.memref_squeeze %dma_start3A_120 : memref<1x1x128xi32, #tpu.memory_space<hbm>> -> memref<1x128xi32, #tpu.memory_space<hbm>>
        %dma_start3A_122 = arith.constant 78 : i32
        %dma_start3A_123 = arith.constant 0 : i32
        %dma_start3A_124 = tpu.memref_slice %arg5[%dma_start3A_122, %dma_start3A_123] : memref<79x128xi32, #tpu.memory_space<vmem>> -> memref<1x128xi32, #tpu.memory_space<vmem>>
        %dma_start3A_125 = arith.constant 0 : i32
        %dma_start3A_126 = tpu.memref_slice %arg3[%run_scoped3A_114, %add3A_113, %dma_start3A_125] : memref<2x2500x128xi32, #tpu.memory_space<hbm>> -> memref<1x1x128xi32, #tpu.memory_space<hbm>>
        %dma_start3A_127 = tpu.memref_squeeze %dma_start3A_126 : memref<1x1x128xi32, #tpu.memory_space<hbm>> -> memref<1x128xi32, #tpu.memory_space<hbm>>
        tpu.enqueue_dma source(%dma_start3A_127 : memref<1x128xi32, #tpu.memory_space<hbm>>) target(%dma_start3A_124 : memref<1x128xi32, #tpu.memory_space<vmem>>) target_semaphore(%run_scoped3A_115 : memref<!tpu.dma_semaphore, #tpu.memory_space<semaphore_mem>>)
        %dma_wait3A = arith.constant 78 : i32
        %dma_wait3A_128 = arith.constant 0 : i32
        %dma_wait3A_129 = tpu.memref_slice %arg5[%dma_wait3A, %dma_wait3A_128] : memref<79x128xi32, #tpu.memory_space<vmem>> -> memref<1x128xi32, #tpu.memory_space<vmem>>
        %dma_wait3A_130 = arith.constant 0 : i32
        %dma_wait3A_131 = tpu.memref_slice %arg3[%run_scoped3A_114, %add3A_113, %dma_wait3A_130] : memref<2x2500x128xi32, #tpu.memory_space<hbm>> -> memref<1x1x128xi32, #tpu.memory_space<hbm>>
        %dma_wait3A_132 = tpu.memref_squeeze %dma_wait3A_131 : memref<1x1x128xi32, #tpu.memory_space<hbm>> -> memref<1x128xi32, #tpu.memory_space<hbm>>
        %dma_wait3A_133 = arith.constant 78 : i32
        %dma_wait3A_134 = arith.constant 0 : i32
        %dma_wait3A_135 = tpu.memref_slice %arg5[%dma_wait3A_133, %dma_wait3A_134] : memref<79x128xi32, #tpu.memory_space<vmem>> -> memref<1x128xi32, #tpu.memory_space<vmem>>
        %dma_wait3A_136 = arith.constant 0 : i32
        %dma_wait3A_137 = tpu.memref_slice %arg3[%run_scoped3A_114, %add3A_113, %dma_wait3A_136] : memref<2x2500x128xi32, #tpu.memory_space<hbm>> -> memref<1x1x128xi32, #tpu.memory_space<hbm>>
        %dma_wait3A_138 = tpu.memref_squeeze %dma_wait3A_137 : memref<1x1x128xi32, #tpu.memory_space<hbm>> -> memref<1x128xi32, #tpu.memory_space<hbm>>
        tpu.wait_dma2 semaphore(%run_scoped3A_115 : memref<!tpu.dma_semaphore, #tpu.memory_space<semaphore_mem>>) src(%dma_wait3A_138 : memref<1x128xi32, #tpu.memory_space<hbm>>) dst(%dma_wait3A_135 : memref<1x128xi32, #tpu.memory_space<vmem>>)
        tpu.yield
      }) : () -> ()
    } else {
    }
    %mul3A_8 = arith.constant 78 : i32
    %mul3A_9 = arith.muli %add3A, %mul3A_8 : i32
    %run_scoped3A_10 = arith.constant 1 : i32
    "tpu.region"() ({
      %run_scoped3A_112 = tpu.sem_alloc : memref<!tpu.dma_semaphore, #tpu.memory_space<semaphore_mem>>
      %dma_start3A_113 = arith.constant 0 : i32
      %dma_start3A_114 = arith.constant 0 : i32
      %dma_start3A_115 = tpu.memref_slice %arg6[%dma_start3A_113, %dma_start3A_114] : memref<79x128xi32, #tpu.memory_space<vmem>> -> memref<78x128xi32, #tpu.memory_space<vmem>>
      %dma_start3A_116 = arith.constant 0 : i32
      %dma_start3A_117 = tpu.memref_slice %arg3[%run_scoped3A_10, %mul3A_9, %dma_start3A_116] : memref<2x2500x128xi32, #tpu.memory_space<hbm>> -> memref<1x78x128xi32, #tpu.memory_space<hbm>>
      %dma_start3A_118 = tpu.memref_squeeze %dma_start3A_117 : memref<1x78x128xi32, #tpu.memory_space<hbm>> -> memref<78x128xi32, #tpu.memory_space<hbm>>
      %dma_start3A_119 = arith.constant 0 : i32
      %dma_start3A_120 = arith.constant 0 : i32
      %dma_start3A_121 = tpu.memref_slice %arg6[%dma_start3A_119, %dma_start3A_120] : memref<79x128xi32, #tpu.memory_space<vmem>> -> memref<78x128xi32, #tpu.memory_space<vmem>>
      %dma_start3A_122 = arith.constant 0 : i32
      %dma_start3A_123 = tpu.memref_slice %arg3[%run_scoped3A_10, %mul3A_9, %dma_start3A_122] : memref<2x2500x128xi32, #tpu.memory_space<hbm>> -> memref<1x78x128xi32, #tpu.memory_space<hbm>>
      %dma_start3A_124 = tpu.memref_squeeze %dma_start3A_123 : memref<1x78x128xi32, #tpu.memory_space<hbm>> -> memref<78x128xi32, #tpu.memory_space<hbm>>
      tpu.enqueue_dma source(%dma_start3A_124 : memref<78x128xi32, #tpu.memory_space<hbm>>) target(%dma_start3A_121 : memref<78x128xi32, #tpu.memory_space<vmem>>) target_semaphore(%run_scoped3A_112 : memref<!tpu.dma_semaphore, #tpu.memory_space<semaphore_mem>>)
      %dma_wait3A = arith.constant 0 : i32
      %dma_wait3A_125 = arith.constant 0 : i32
      %dma_wait3A_126 = tpu.memref_slice %arg6[%dma_wait3A, %dma_wait3A_125] : memref<79x128xi32, #tpu.memory_space<vmem>> -> memref<78x128xi32, #tpu.memory_space<vmem>>
      %dma_wait3A_127 = arith.constant 0 : i32
      %dma_wait3A_128 = tpu.memref_slice %arg3[%run_scoped3A_10, %mul3A_9, %dma_wait3A_127] : memref<2x2500x128xi32, #tpu.memory_space<hbm>> -> memref<1x78x128xi32, #tpu.memory_space<hbm>>
      %dma_wait3A_129 = tpu.memref_squeeze %dma_wait3A_128 : memref<1x78x128xi32, #tpu.memory_space<hbm>> -> memref<78x128xi32, #tpu.memory_space<hbm>>
      %dma_wait3A_130 = arith.constant 0 : i32
      %dma_wait3A_131 = arith.constant 0 : i32
      %dma_wait3A_132 = tpu.memref_slice %arg6[%dma_wait3A_130, %dma_wait3A_131] : memref<79x128xi32, #tpu.memory_space<vmem>> -> memref<78x128xi32, #tpu.memory_space<vmem>>
      %dma_wait3A_133 = arith.constant 0 : i32
      %dma_wait3A_134 = tpu.memref_slice %arg3[%run_scoped3A_10, %mul3A_9, %dma_wait3A_133] : memref<2x2500x128xi32, #tpu.memory_space<hbm>> -> memref<1x78x128xi32, #tpu.memory_space<hbm>>
      %dma_wait3A_135 = tpu.memref_squeeze %dma_wait3A_134 : memref<1x78x128xi32, #tpu.memory_space<hbm>> -> memref<78x128xi32, #tpu.memory_space<hbm>>
      tpu.wait_dma2 semaphore(%run_scoped3A_112 : memref<!tpu.dma_semaphore, #tpu.memory_space<semaphore_mem>>) src(%dma_wait3A_135 : memref<78x128xi32, #tpu.memory_space<hbm>>) dst(%dma_wait3A_132 : memref<78x128xi32, #tpu.memory_space<vmem>>)
      tpu.yield
    }) : () -> ()
    %lt3A_11 = arith.constant 4 : i32
    %lt3A_12 = arith.cmpi slt, %add3A, %lt3A_11 : i32
    %convert_element_type3A_13 = arith.extui %lt3A_12 : i1 to i32
    %cond3A_14 = arith.constant 0 : i32
    %cond3A_15 = arith.cmpi ne, %convert_element_type3A_13, %cond3A_14 : i32
    scf.if %cond3A_15 {
      %add3A_112 = arith.constant 2496 : i32
      %add3A_113 = arith.addi %add3A_112, %add3A : i32
      %run_scoped3A_114 = arith.constant 1 : i32
      "tpu.region"() ({
        %run_scoped3A_115 = tpu.sem_alloc : memref<!tpu.dma_semaphore, #tpu.memory_space<semaphore_mem>>
        %dma_start3A_116 = arith.constant 78 : i32
        %dma_start3A_117 = arith.constant 0 : i32
        %dma_start3A_118 = tpu.memref_slice %arg6[%dma_start3A_116, %dma_start3A_117] : memref<79x128xi32, #tpu.memory_space<vmem>> -> memref<1x128xi32, #tpu.memory_space<vmem>>
        %dma_start3A_119 = arith.constant 0 : i32
        %dma_start3A_120 = tpu.memref_slice %arg3[%run_scoped3A_114, %add3A_113, %dma_start3A_119] : memref<2x2500x128xi32, #tpu.memory_space<hbm>> -> memref<1x1x128xi32, #tpu.memory_space<hbm>>
        %dma_start3A_121 = tpu.memref_squeeze %dma_start3A_120 : memref<1x1x128xi32, #tpu.memory_space<hbm>> -> memref<1x128xi32, #tpu.memory_space<hbm>>
        %dma_start3A_122 = arith.constant 78 : i32
        %dma_start3A_123 = arith.constant 0 : i32
        %dma_start3A_124 = tpu.memref_slice %arg6[%dma_start3A_122, %dma_start3A_123] : memref<79x128xi32, #tpu.memory_space<vmem>> -> memref<1x128xi32, #tpu.memory_space<vmem>>
        %dma_start3A_125 = arith.constant 0 : i32
        %dma_start3A_126 = tpu.memref_slice %arg3[%run_scoped3A_114, %add3A_113, %dma_start3A_125] : memref<2x2500x128xi32, #tpu.memory_space<hbm>> -> memref<1x1x128xi32, #tpu.memory_space<hbm>>
        %dma_start3A_127 = tpu.memref_squeeze %dma_start3A_126 : memref<1x1x128xi32, #tpu.memory_space<hbm>> -> memref<1x128xi32, #tpu.memory_space<hbm>>
        tpu.enqueue_dma source(%dma_start3A_127 : memref<1x128xi32, #tpu.memory_space<hbm>>) target(%dma_start3A_124 : memref<1x128xi32, #tpu.memory_space<vmem>>) target_semaphore(%run_scoped3A_115 : memref<!tpu.dma_semaphore, #tpu.memory_space<semaphore_mem>>)
        %dma_wait3A = arith.constant 78 : i32
        %dma_wait3A_128 = arith.constant 0 : i32
        %dma_wait3A_129 = tpu.memref_slice %arg6[%dma_wait3A, %dma_wait3A_128] : memref<79x128xi32, #tpu.memory_space<vmem>> -> memref<1x128xi32, #tpu.memory_space<vmem>>
        %dma_wait3A_130 = arith.constant 0 : i32
        %dma_wait3A_131 = tpu.memref_slice %arg3[%run_scoped3A_114, %add3A_113, %dma_wait3A_130] : memref<2x2500x128xi32, #tpu.memory_space<hbm>> -> memref<1x1x128xi32, #tpu.memory_space<hbm>>
        %dma_wait3A_132 = tpu.memref_squeeze %dma_wait3A_131 : memref<1x1x128xi32, #tpu.memory_space<hbm>> -> memref<1x128xi32, #tpu.memory_space<hbm>>
        %dma_wait3A_133 = arith.constant 78 : i32
        %dma_wait3A_134 = arith.constant 0 : i32
        %dma_wait3A_135 = tpu.memref_slice %arg6[%dma_wait3A_133, %dma_wait3A_134] : memref<79x128xi32, #tpu.memory_space<vmem>> -> memref<1x128xi32, #tpu.memory_space<vmem>>
        %dma_wait3A_136 = arith.constant 0 : i32
        %dma_wait3A_137 = tpu.memref_slice %arg3[%run_scoped3A_114, %add3A_113, %dma_wait3A_136] : memref<2x2500x128xi32, #tpu.memory_space<hbm>> -> memref<1x1x128xi32, #tpu.memory_space<hbm>>
        %dma_wait3A_138 = tpu.memref_squeeze %dma_wait3A_137 : memref<1x1x128xi32, #tpu.memory_space<hbm>> -> memref<1x128xi32, #tpu.memory_space<hbm>>
        tpu.wait_dma2 semaphore(%run_scoped3A_115 : memref<!tpu.dma_semaphore, #tpu.memory_space<semaphore_mem>>) src(%dma_wait3A_138 : memref<1x128xi32, #tpu.memory_space<hbm>>) dst(%dma_wait3A_135 : memref<1x128xi32, #tpu.memory_space<vmem>>)
        tpu.yield
      }) : () -> ()
    } else {
    }
    %scan3A = arith.constant 0 : i32
    %scan3A_16 = arith.constant 0 : i32
    %scan3A_17 = arith.constant 128 : i32
    %scan3A_18 = arith.addi %scan3A_16, %scan3A_17 : i32
    %scan3A_19 = arith.constant 1 : i32
    scf.for %scan3A_112 = %scan3A_16 to %scan3A_18 step %scan3A_19  : i32 {
      %broadcast_in_dim3A = arith.constant 0.000000e+00 : f32
      %broadcast_in_dim3A_113 = vector.broadcast %broadcast_in_dim3A : f32 to vector<16xf32>
      %swap3A = arith.index_cast %scan3A_112 : i32 to index
      %swap3A_114 = arith.constant 0 : index
      %swap3A_115 = tpu.vector_load %arg8[%swap3A, %swap3A_114] {strides = array<i32>} : memref<128x16xf32, #tpu.memory_space<vmem>>, vector<1x16xf32>,
      %swap3A_116 = vector.shape_cast %swap3A_115 : vector<1x16xf32> to vector<16xf32>
      %swap3A_117 = vector.shape_cast %broadcast_in_dim3A_113 : vector<16xf32> to vector<1x16xf32>
      tpu.vector_store %arg8[%swap3A, %swap3A_114], %swap3A_117 {strides = array<i32>} : memref<128x16xf32, #tpu.memory_space<vmem>>, vector<1x16xf32>,
    }
    %scan3A_20 = arith.constant 128 : i32
    %mul3A_21 = arith.constant 632 : i32
    %mul3A_22 = arith.muli %arg1, %mul3A_21 : i32
    "tpu.region"() ({
      %run_scoped3A_112 = tpu.sem_alloc : memref<!tpu.dma_semaphore, #tpu.memory_space<semaphore_mem>>
      %dma_start3A_113 = arith.constant 0 : i32
      %dma_start3A_114 = tpu.memref_slice %arg10[%mul3A_22, %dma_start3A_113] : memref<10112x16xf32, #tpu.memory_space<vmem_shared>> -> memref<632x16xf32, #tpu.memory_space<vmem_shared>>
      %dma_start3A_115 = arith.constant 0 : i32
      %dma_start3A_116 = tpu.memref_slice %arg2[%mul3A_22, %dma_start3A_115] : memref<10112x16xf32, #tpu.memory_space<hbm>> -> memref<632x16xf32, #tpu.memory_space<hbm>>
      tpu.enqueue_dma source(%dma_start3A_116 : memref<632x16xf32, #tpu.memory_space<hbm>>) target(%dma_start3A_114 : memref<632x16xf32, #tpu.memory_space<vmem_shared>>) target_semaphore(%run_scoped3A_112 : memref<!tpu.dma_semaphore, #tpu.memory_space<semaphore_mem>>)
      %dma_wait3A = arith.constant 0 : i32
      %dma_wait3A_117 = tpu.memref_slice %arg10[%mul3A_22, %dma_wait3A] : memref<10112x16xf32, #tpu.memory_space<vmem_shared>> -> memref<632x16xf32, #tpu.memory_space<vmem_shared>>
      %dma_wait3A_118 = arith.constant 0 : i32
      %dma_wait3A_119 = tpu.memref_slice %arg2[%mul3A_22, %dma_wait3A_118] : memref<10112x16xf32, #tpu.memory_space<hbm>> -> memref<632x16xf32, #tpu.memory_space<hbm>>
      tpu.wait_dma2 semaphore(%run_scoped3A_112 : memref<!tpu.dma_semaphore, #tpu.memory_space<semaphore_mem>>) src(%dma_wait3A_119 : memref<632x16xf32, #tpu.memory_space<hbm>>) dst(%dma_wait3A_117 : memref<632x16xf32, #tpu.memory_space<vmem_shared>>)
      tpu.yield
    }) : () -> ()
    %add3A_23 = arith.constant 0 : i32
    %add3A_24 = arith.addi %mul3A_22, %add3A_23 : i32
    "tpu.region"() ({
      %run_scoped3A_112 = tpu.sem_alloc : memref<!tpu.dma_semaphore, #tpu.memory_space<semaphore_mem>>
      %dma_start3A_113 = arith.constant 0 : i32
      %dma_start3A_114 = arith.constant 0 : i32
      %dma_start3A_115 = tpu.memref_slice %arg8[%dma_start3A_113, %dma_start3A_114] : memref<128x16xf32, #tpu.memory_space<vmem>> -> memref<128x16xf32, #tpu.memory_space<vmem>>
      %dma_start3A_116 = arith.constant 0 : i32
      %dma_start3A_117 = tpu.memref_slice %arg9[%add3A_24, %dma_start3A_116] : memref<10112x16xf32, #tpu.memory_space<vmem_shared>> -> memref<128x16xf32, #tpu.memory_space<vmem_shared>>
      %dma_start3A_118 = arith.constant 0 : i32
      %dma_start3A_119 = tpu.memref_slice %arg9[%add3A_24, %dma_start3A_118] : memref<10112x16xf32, #tpu.memory_space<vmem_shared>> -> memref<128x16xf32, #tpu.memory_space<vmem_shared>>
      %dma_start3A_120 = arith.constant 0 : i32
      %dma_start3A_121 = arith.constant 0 : i32
      %dma_start3A_122 = tpu.memref_slice %arg8[%dma_start3A_120, %dma_start3A_121] : memref<128x16xf32, #tpu.memory_space<vmem>> -> memref<128x16xf32, #tpu.memory_space<vmem>>
      tpu.enqueue_dma source(%dma_start3A_122 : memref<128x16xf32, #tpu.memory_space<vmem>>) target(%dma_start3A_119 : memref<128x16xf32, #tpu.memory_space<vmem_shared>>) target_semaphore(%run_scoped3A_112 : memref<!tpu.dma_semaphore, #tpu.memory_space<semaphore_mem>>)
      %dma_wait3A = arith.constant 0 : i32
      %dma_wait3A_123 = arith.constant 0 : i32
      %dma_wait3A_124 = tpu.memref_slice %arg8[%dma_wait3A, %dma_wait3A_123] : memref<128x16xf32, #tpu.memory_space<vmem>> -> memref<128x16xf32, #tpu.memory_space<vmem>>
      %dma_wait3A_125 = arith.constant 0 : i32
      %dma_wait3A_126 = tpu.memref_slice %arg9[%add3A_24, %dma_wait3A_125] : memref<10112x16xf32, #tpu.memory_space<vmem_shared>> -> memref<128x16xf32, #tpu.memory_space<vmem_shared>>
      %dma_wait3A_127 = arith.constant 0 : i32
      %dma_wait3A_128 = tpu.memref_slice %arg9[%add3A_24, %dma_wait3A_127] : memref<10112x16xf32, #tpu.memory_space<vmem_shared>> -> memref<128x16xf32, #tpu.memory_space<vmem_shared>>
      %dma_wait3A_129 = arith.constant 0 : i32
      %dma_wait3A_130 = arith.constant 0 : i32
      %dma_wait3A_131 = tpu.memref_slice %arg8[%dma_wait3A_129, %dma_wait3A_130] : memref<128x16xf32, #tpu.memory_space<vmem>> -> memref<128x16xf32, #tpu.memory_space<vmem>>
      tpu.wait_dma2 semaphore(%run_scoped3A_112 : memref<!tpu.dma_semaphore, #tpu.memory_space<semaphore_mem>>) src(%dma_wait3A_131 : memref<128x16xf32, #tpu.memory_space<vmem>>) dst(%dma_wait3A_128 : memref<128x16xf32, #tpu.memory_space<vmem_shared>>)
      tpu.yield
    }) : () -> ()
    %add3A_25 = arith.constant 128 : i32
    %add3A_26 = arith.addi %mul3A_22, %add3A_25 : i32
    "tpu.region"() ({
      %run_scoped3A_112 = tpu.sem_alloc : memref<!tpu.dma_semaphore, #tpu.memory_space<semaphore_mem>>
      %dma_start3A_113 = arith.constant 0 : i32
      %dma_start3A_114 = arith.constant 0 : i32
      %dma_start3A_115 = tpu.memref_slice %arg8[%dma_start3A_113, %dma_start3A_114] : memref<128x16xf32, #tpu.memory_space<vmem>> -> memref<128x16xf32, #tpu.memory_space<vmem>>
      %dma_start3A_116 = arith.constant 0 : i32
      %dma_start3A_117 = tpu.memref_slice %arg9[%add3A_26, %dma_start3A_116] : memref<10112x16xf32, #tpu.memory_space<vmem_shared>> -> memref<128x16xf32, #tpu.memory_space<vmem_shared>>
      %dma_start3A_118 = arith.constant 0 : i32
      %dma_start3A_119 = tpu.memref_slice %arg9[%add3A_26, %dma_start3A_118] : memref<10112x16xf32, #tpu.memory_space<vmem_shared>> -> memref<128x16xf32, #tpu.memory_space<vmem_shared>>
      %dma_start3A_120 = arith.constant 0 : i32
      %dma_start3A_121 = arith.constant 0 : i32
      %dma_start3A_122 = tpu.memref_slice %arg8[%dma_start3A_120, %dma_start3A_121] : memref<128x16xf32, #tpu.memory_space<vmem>> -> memref<128x16xf32, #tpu.memory_space<vmem>>
      tpu.enqueue_dma source(%dma_start3A_122 : memref<128x16xf32, #tpu.memory_space<vmem>>) target(%dma_start3A_119 : memref<128x16xf32, #tpu.memory_space<vmem_shared>>) target_semaphore(%run_scoped3A_112 : memref<!tpu.dma_semaphore, #tpu.memory_space<semaphore_mem>>)
      %dma_wait3A = arith.constant 0 : i32
      %dma_wait3A_123 = arith.constant 0 : i32
      %dma_wait3A_124 = tpu.memref_slice %arg8[%dma_wait3A, %dma_wait3A_123] : memref<128x16xf32, #tpu.memory_space<vmem>> -> memref<128x16xf32, #tpu.memory_space<vmem>>
      %dma_wait3A_125 = arith.constant 0 : i32
      %dma_wait3A_126 = tpu.memref_slice %arg9[%add3A_26, %dma_wait3A_125] : memref<10112x16xf32, #tpu.memory_space<vmem_shared>> -> memref<128x16xf32, #tpu.memory_space<vmem_shared>>
      %dma_wait3A_127 = arith.constant 0 : i32
      %dma_wait3A_128 = tpu.memref_slice %arg9[%add3A_26, %dma_wait3A_127] : memref<10112x16xf32, #tpu.memory_space<vmem_shared>> -> memref<128x16xf32, #tpu.memory_space<vmem_shared>>
      %dma_wait3A_129 = arith.constant 0 : i32
      %dma_wait3A_130 = arith.constant 0 : i32
      %dma_wait3A_131 = tpu.memref_slice %arg8[%dma_wait3A_129, %dma_wait3A_130] : memref<128x16xf32, #tpu.memory_space<vmem>> -> memref<128x16xf32, #tpu.memory_space<vmem>>
      tpu.wait_dma2 semaphore(%run_scoped3A_112 : memref<!tpu.dma_semaphore, #tpu.memory_space<semaphore_mem>>) src(%dma_wait3A_131 : memref<128x16xf32, #tpu.memory_space<vmem>>) dst(%dma_wait3A_128 : memref<128x16xf32, #tpu.memory_space<vmem_shared>>)
      tpu.yield
    }) : () -> ()
    %add3A_27 = arith.constant 256 : i32
    %add3A_28 = arith.addi %mul3A_22, %add3A_27 : i32
    "tpu.region"() ({
      %run_scoped3A_112 = tpu.sem_alloc : memref<!tpu.dma_semaphore, #tpu.memory_space<semaphore_mem>>
      %dma_start3A_113 = arith.constant 0 : i32
      %dma_start3A_114 = arith.constant 0 : i32
      %dma_start3A_115 = tpu.memref_slice %arg8[%dma_start3A_113, %dma_start3A_114] : memref<128x16xf32, #tpu.memory_space<vmem>> -> memref<128x16xf32, #tpu.memory_space<vmem>>
      %dma_start3A_116 = arith.constant 0 : i32
      %dma_start3A_117 = tpu.memref_slice %arg9[%add3A_28, %dma_start3A_116] : memref<10112x16xf32, #tpu.memory_space<vmem_shared>> -> memref<128x16xf32, #tpu.memory_space<vmem_shared>>
      %dma_start3A_118 = arith.constant 0 : i32
      %dma_start3A_119 = tpu.memref_slice %arg9[%add3A_28, %dma_start3A_118] : memref<10112x16xf32, #tpu.memory_space<vmem_shared>> -> memref<128x16xf32, #tpu.memory_space<vmem_shared>>
      %dma_start3A_120 = arith.constant 0 : i32
      %dma_start3A_121 = arith.constant 0 : i32
      %dma_start3A_122 = tpu.memref_slice %arg8[%dma_start3A_120, %dma_start3A_121] : memref<128x16xf32, #tpu.memory_space<vmem>> -> memref<128x16xf32, #tpu.memory_space<vmem>>
      tpu.enqueue_dma source(%dma_start3A_122 : memref<128x16xf32, #tpu.memory_space<vmem>>) target(%dma_start3A_119 : memref<128x16xf32, #tpu.memory_space<vmem_shared>>) target_semaphore(%run_scoped3A_112 : memref<!tpu.dma_semaphore, #tpu.memory_space<semaphore_mem>>)
      %dma_wait3A = arith.constant 0 : i32
      %dma_wait3A_123 = arith.constant 0 : i32
      %dma_wait3A_124 = tpu.memref_slice %arg8[%dma_wait3A, %dma_wait3A_123] : memref<128x16xf32, #tpu.memory_space<vmem>> -> memref<128x16xf32, #tpu.memory_space<vmem>>
      %dma_wait3A_125 = arith.constant 0 : i32
      %dma_wait3A_126 = tpu.memref_slice %arg9[%add3A_28, %dma_wait3A_125] : memref<10112x16xf32, #tpu.memory_space<vmem_shared>> -> memref<128x16xf32, #tpu.memory_space<vmem_shared>>
      %dma_wait3A_127 = arith.constant 0 : i32
      %dma_wait3A_128 = tpu.memref_slice %arg9[%add3A_28, %dma_wait3A_127] : memref<10112x16xf32, #tpu.memory_space<vmem_shared>> -> memref<128x16xf32, #tpu.memory_space<vmem_shared>>
      %dma_wait3A_129 = arith.constant 0 : i32
      %dma_wait3A_130 = arith.constant 0 : i32
      %dma_wait3A_131 = tpu.memref_slice %arg8[%dma_wait3A_129, %dma_wait3A_130] : memref<128x16xf32, #tpu.memory_space<vmem>> -> memref<128x16xf32, #tpu.memory_space<vmem>>
      tpu.wait_dma2 semaphore(%run_scoped3A_112 : memref<!tpu.dma_semaphore, #tpu.memory_space<semaphore_mem>>) src(%dma_wait3A_131 : memref<128x16xf32, #tpu.memory_space<vmem>>) dst(%dma_wait3A_128 : memref<128x16xf32, #tpu.memory_space<vmem_shared>>)
      tpu.yield
    }) : () -> ()
    %add3A_29 = arith.constant 384 : i32
    %add3A_30 = arith.addi %mul3A_22, %add3A_29 : i32
    "tpu.region"() ({
      %run_scoped3A_112 = tpu.sem_alloc : memref<!tpu.dma_semaphore, #tpu.memory_space<semaphore_mem>>
      %dma_start3A_113 = arith.constant 0 : i32
      %dma_start3A_114 = arith.constant 0 : i32
      %dma_start3A_115 = tpu.memref_slice %arg8[%dma_start3A_113, %dma_start3A_114] : memref<128x16xf32, #tpu.memory_space<vmem>> -> memref<128x16xf32, #tpu.memory_space<vmem>>
      %dma_start3A_116 = arith.constant 0 : i32
      %dma_start3A_117 = tpu.memref_slice %arg9[%add3A_30, %dma_start3A_116] : memref<10112x16xf32, #tpu.memory_space<vmem_shared>> -> memref<128x16xf32, #tpu.memory_space<vmem_shared>>
      %dma_start3A_118 = arith.constant 0 : i32
      %dma_start3A_119 = tpu.memref_slice %arg9[%add3A_30, %dma_start3A_118] : memref<10112x16xf32, #tpu.memory_space<vmem_shared>> -> memref<128x16xf32, #tpu.memory_space<vmem_shared>>
      %dma_start3A_120 = arith.constant 0 : i32
      %dma_start3A_121 = arith.constant 0 : i32
      %dma_start3A_122 = tpu.memref_slice %arg8[%dma_start3A_120, %dma_start3A_121] : memref<128x16xf32, #tpu.memory_space<vmem>> -> memref<128x16xf32, #tpu.memory_space<vmem>>
      tpu.enqueue_dma source(%dma_start3A_122 : memref<128x16xf32, #tpu.memory_space<vmem>>) target(%dma_start3A_119 : memref<128x16xf32, #tpu.memory_space<vmem_shared>>) target_semaphore(%run_scoped3A_112 : memref<!tpu.dma_semaphore, #tpu.memory_space<semaphore_mem>>)
      %dma_wait3A = arith.constant 0 : i32
      %dma_wait3A_123 = arith.constant 0 : i32
      %dma_wait3A_124 = tpu.memref_slice %arg8[%dma_wait3A, %dma_wait3A_123] : memref<128x16xf32, #tpu.memory_space<vmem>> -> memref<128x16xf32, #tpu.memory_space<vmem>>
      %dma_wait3A_125 = arith.constant 0 : i32
      %dma_wait3A_126 = tpu.memref_slice %arg9[%add3A_30, %dma_wait3A_125] : memref<10112x16xf32, #tpu.memory_space<vmem_shared>> -> memref<128x16xf32, #tpu.memory_space<vmem_shared>>
      %dma_wait3A_127 = arith.constant 0 : i32
      %dma_wait3A_128 = tpu.memref_slice %arg9[%add3A_30, %dma_wait3A_127] : memref<10112x16xf32, #tpu.memory_space<vmem_shared>> -> memref<128x16xf32, #tpu.memory_space<vmem_shared>>
      %dma_wait3A_129 = arith.constant 0 : i32
      %dma_wait3A_130 = arith.constant 0 : i32
      %dma_wait3A_131 = tpu.memref_slice %arg8[%dma_wait3A_129, %dma_wait3A_130] : memref<128x16xf32, #tpu.memory_space<vmem>> -> memref<128x16xf32, #tpu.memory_space<vmem>>
      tpu.wait_dma2 semaphore(%run_scoped3A_112 : memref<!tpu.dma_semaphore, #tpu.memory_space<semaphore_mem>>) src(%dma_wait3A_131 : memref<128x16xf32, #tpu.memory_space<vmem>>) dst(%dma_wait3A_128 : memref<128x16xf32, #tpu.memory_space<vmem_shared>>)
      tpu.yield
    }) : () -> ()
    %add3A_31 = arith.constant 512 : i32
    %add3A_32 = arith.addi %mul3A_22, %add3A_31 : i32
    "tpu.region"() ({
      %run_scoped3A_112 = tpu.sem_alloc : memref<!tpu.dma_semaphore, #tpu.memory_space<semaphore_mem>>
      %dma_start3A_113 = arith.constant 0 : i32
      %dma_start3A_114 = arith.constant 0 : i32
      %dma_start3A_115 = tpu.memref_slice %arg8[%dma_start3A_113, %dma_start3A_114] : memref<128x16xf32, #tpu.memory_space<vmem>> -> memref<120x16xf32, #tpu.memory_space<vmem>>
      %dma_start3A_116 = arith.constant 0 : i32
      %dma_start3A_117 = tpu.memref_slice %arg9[%add3A_32, %dma_start3A_116] : memref<10112x16xf32, #tpu.memory_space<vmem_shared>> -> memref<120x16xf32, #tpu.memory_space<vmem_shared>>
      %dma_start3A_118 = arith.constant 0 : i32
      %dma_start3A_119 = tpu.memref_slice %arg9[%add3A_32, %dma_start3A_118] : memref<10112x16xf32, #tpu.memory_space<vmem_shared>> -> memref<120x16xf32, #tpu.memory_space<vmem_shared>>
      %dma_start3A_120 = arith.constant 0 : i32
      %dma_start3A_121 = arith.constant 0 : i32
      %dma_start3A_122 = tpu.memref_slice %arg8[%dma_start3A_120, %dma_start3A_121] : memref<128x16xf32, #tpu.memory_space<vmem>> -> memref<120x16xf32, #tpu.memory_space<vmem>>
      tpu.enqueue_dma source(%dma_start3A_122 : memref<120x16xf32, #tpu.memory_space<vmem>>) target(%dma_start3A_119 : memref<120x16xf32, #tpu.memory_space<vmem_shared>>) target_semaphore(%run_scoped3A_112 : memref<!tpu.dma_semaphore, #tpu.memory_space<semaphore_mem>>)
      %dma_wait3A = arith.constant 0 : i32
      %dma_wait3A_123 = arith.constant 0 : i32
      %dma_wait3A_124 = tpu.memref_slice %arg8[%dma_wait3A, %dma_wait3A_123] : memref<128x16xf32, #tpu.memory_space<vmem>> -> memref<120x16xf32, #tpu.memory_space<vmem>>
      %dma_wait3A_125 = arith.constant 0 : i32
      %dma_wait3A_126 = tpu.memref_slice %arg9[%add3A_32, %dma_wait3A_125] : memref<10112x16xf32, #tpu.memory_space<vmem_shared>> -> memref<120x16xf32, #tpu.memory_space<vmem_shared>>
      %dma_wait3A_127 = arith.constant 0 : i32
      %dma_wait3A_128 = tpu.memref_slice %arg9[%add3A_32, %dma_wait3A_127] : memref<10112x16xf32, #tpu.memory_space<vmem_shared>> -> memref<120x16xf32, #tpu.memory_space<vmem_shared>>
      %dma_wait3A_129 = arith.constant 0 : i32
      %dma_wait3A_130 = arith.constant 0 : i32
      %dma_wait3A_131 = tpu.memref_slice %arg8[%dma_wait3A_129, %dma_wait3A_130] : memref<128x16xf32, #tpu.memory_space<vmem>> -> memref<120x16xf32, #tpu.memory_space<vmem>>
      tpu.wait_dma2 semaphore(%run_scoped3A_112 : memref<!tpu.dma_semaphore, #tpu.memory_space<semaphore_mem>>) src(%dma_wait3A_131 : memref<120x16xf32, #tpu.memory_space<vmem>>) dst(%dma_wait3A_128 : memref<120x16xf32, #tpu.memory_space<vmem_shared>>)
      tpu.yield
    }) : () -> ()
    %barrier3A = arith.constant 0 : index
    tpu.barrier barrier_id(%barrier3A)
    %dma_start3A = arith.constant 0 : i32
    %dma_start3A_33 = arith.constant 0 : i32
    %dma_start3A_34 = arith.constant 0 : i32
    %dma_start3A_35 = arith.constant 0 : i32
    %dma_start3A_36 = arith.constant 0 : i32
    %dma_start3A_37 = tpu.memref_slice %arg7[%dma_start3A_33, %dma_start3A_35, %dma_start3A_36] : memref<8x128x16xf32, #tpu.memory_space<vmem>> -> memref<1x128x16xf32, #tpu.memory_space<vmem>>
    %dma_start3A_38 = tpu.memref_squeeze %dma_start3A_37 : memref<1x128x16xf32, #tpu.memory_space<vmem>> -> memref<128x16xf32, #tpu.memory_space<vmem>>
    %dma_start3A_39 = arith.constant 0 : i32
    %dma_start3A_40 = tpu.memref_slice %arg5[%dma_start3A, %dma_start3A_39] : memref<79x128xi32, #tpu.memory_space<vmem>> -> memref<1x128xi32, #tpu.memory_space<vmem>>
    %dma_start3A_41 = tpu.memref_squeeze %dma_start3A_40 : memref<1x128xi32, #tpu.memory_space<vmem>> -> memref<128xi32, #tpu.memory_space<vmem>>
    %dma_start3A_42 = arith.constant 0 : i32
    %dma_start3A_43 = arith.constant 0 : i32
    %dma_start3A_44 = tpu.memref_slice %arg10[%dma_start3A_42, %dma_start3A_43] : memref<10112x16xf32, #tpu.memory_space<vmem_shared>> -> memref<10112x16xf32, #tpu.memory_space<vmem_shared>>
    %dma_start3A_45 = tpu.memref_slice %arg11[%dma_start3A_34] : memref<8x!tpu.dma_semaphore, #tpu.memory_space<semaphore_mem>> -> memref<1x!tpu.dma_semaphore, #tpu.memory_space<semaphore_mem>>
    %dma_start3A_46 = tpu.memref_squeeze %dma_start3A_45 : memref<1x!tpu.dma_semaphore, #tpu.memory_space<semaphore_mem>> -> memref<!tpu.dma_semaphore, #tpu.memory_space<semaphore_mem>>
    tpu.enqueue_indirect_dma source(%dma_start3A_44 : memref<10112x16xf32, #tpu.memory_space<vmem_shared>>) target(%dma_start3A_38 : memref<128x16xf32, #tpu.memory_space<vmem>>) offsets(%dma_start3A_41 : memref<128xi32, #tpu.memory_space<vmem>>) semaphore(%dma_start3A_46 : memref<!tpu.dma_semaphore, #tpu.memory_space<semaphore_mem>>)
    %dma_start3A_47 = arith.constant 1 : i32
    %dma_start3A_48 = arith.constant 1 : i32
    %dma_start3A_49 = arith.constant 1 : i32
    %dma_start3A_50 = arith.constant 0 : i32
    %dma_start3A_51 = arith.constant 0 : i32
    %dma_start3A_52 = tpu.memref_slice %arg7[%dma_start3A_48, %dma_start3A_50, %dma_start3A_51] : memref<8x128x16xf32, #tpu.memory_space<vmem>> -> memref<1x128x16xf32, #tpu.memory_space<vmem>>
    %dma_start3A_53 = tpu.memref_squeeze %dma_start3A_52 : memref<1x128x16xf32, #tpu.memory_space<vmem>> -> memref<128x16xf32, #tpu.memory_space<vmem>>
    %dma_start3A_54 = arith.constant 0 : i32
    %dma_start3A_55 = tpu.memref_slice %arg5[%dma_start3A_47, %dma_start3A_54] : memref<79x128xi32, #tpu.memory_space<vmem>> -> memref<1x128xi32, #tpu.memory_space<vmem>>
    %dma_start3A_56 = tpu.memref_squeeze %dma_start3A_55 : memref<1x128xi32, #tpu.memory_space<vmem>> -> memref<128xi32, #tpu.memory_space<vmem>>
    %dma_start3A_57 = arith.constant 0 : i32
    %dma_start3A_58 = arith.constant 0 : i32
    %dma_start3A_59 = tpu.memref_slice %arg10[%dma_start3A_57, %dma_start3A_58] : memref<10112x16xf32, #tpu.memory_space<vmem_shared>> -> memref<10112x16xf32, #tpu.memory_space<vmem_shared>>
    %dma_start3A_60 = tpu.memref_slice %arg11[%dma_start3A_49] : memref<8x!tpu.dma_semaphore, #tpu.memory_space<semaphore_mem>> -> memref<1x!tpu.dma_semaphore, #tpu.memory_space<semaphore_mem>>
    %dma_start3A_61 = tpu.memref_squeeze %dma_start3A_60 : memref<1x!tpu.dma_semaphore, #tpu.memory_space<semaphore_mem>> -> memref<!tpu.dma_semaphore, #tpu.memory_space<semaphore_mem>>
    tpu.enqueue_indirect_dma source(%dma_start3A_59 : memref<10112x16xf32, #tpu.memory_space<vmem_shared>>) target(%dma_start3A_53 : memref<128x16xf32, #tpu.memory_space<vmem>>) offsets(%dma_start3A_56 : memref<128xi32, #tpu.memory_space<vmem>>) semaphore(%dma_start3A_61 : memref<!tpu.dma_semaphore, #tpu.memory_space<semaphore_mem>>)
    %dma_start3A_62 = arith.constant 2 : i32
    %dma_start3A_63 = arith.constant 2 : i32
    %dma_start3A_64 = arith.constant 2 : i32
    %dma_start3A_65 = arith.constant 0 : i32
    %dma_start3A_66 = arith.constant 0 : i32
    %dma_start3A_67 = tpu.memref_slice %arg7[%dma_start3A_63, %dma_start3A_65, %dma_start3A_66] : memref<8x128x16xf32, #tpu.memory_space<vmem>> -> memref<1x128x16xf32, #tpu.memory_space<vmem>>
    %dma_start3A_68 = tpu.memref_squeeze %dma_start3A_67 : memref<1x128x16xf32, #tpu.memory_space<vmem>> -> memref<128x16xf32, #tpu.memory_space<vmem>>
    %dma_start3A_69 = arith.constant 0 : i32
    %dma_start3A_70 = tpu.memref_slice %arg5[%dma_start3A_62, %dma_start3A_69] : memref<79x128xi32, #tpu.memory_space<vmem>> -> memref<1x128xi32, #tpu.memory_space<vmem>>
    %dma_start3A_71 = tpu.memref_squeeze %dma_start3A_70 : memref<1x128xi32, #tpu.memory_space<vmem>> -> memref<128xi32, #tpu.memory_space<vmem>>
    %dma_start3A_72 = arith.constant 0 : i32
    %dma_start3A_73 = arith.constant 0 : i32
    %dma_start3A_74 = tpu.memref_slice %arg10[%dma_start3A_72, %dma_start3A_73] : memref<10112x16xf32, #tpu.memory_space<vmem_shared>> -> memref<10112x16xf32, #tpu.memory_space<vmem_shared>>
    %dma_start3A_75 = tpu.memref_slice %arg11[%dma_start3A_64] : memref<8x!tpu.dma_semaphore, #tpu.memory_space<semaphore_mem>> -> memref<1x!tpu.dma_semaphore, #tpu.memory_space<semaphore_mem>>
    %dma_start3A_76 = tpu.memref_squeeze %dma_start3A_75 : memref<1x!tpu.dma_semaphore, #tpu.memory_space<semaphore_mem>> -> memref<!tpu.dma_semaphore, #tpu.memory_space<semaphore_mem>>
    tpu.enqueue_indirect_dma source(%dma_start3A_74 : memref<10112x16xf32, #tpu.memory_space<vmem_shared>>) target(%dma_start3A_68 : memref<128x16xf32, #tpu.memory_space<vmem>>) offsets(%dma_start3A_71 : memref<128xi32, #tpu.memory_space<vmem>>) semaphore(%dma_start3A_76 : memref<!tpu.dma_semaphore, #tpu.memory_space<semaphore_mem>>)
    %dma_start3A_77 = arith.constant 3 : i32
    %dma_start3A_78 = arith.constant 3 : i32
    %dma_start3A_79 = arith.constant 3 : i32
    %dma_start3A_80 = arith.constant 0 : i32
    %dma_start3A_81 = arith.constant 0 : i32
    %dma_start3A_82 = tpu.memref_slice %arg7[%dma_start3A_78, %dma_start3A_80, %dma_start3A_81] : memref<8x128x16xf32, #tpu.memory_space<vmem>> -> memref<1x128x16xf32, #tpu.memory_space<vmem>>
    %dma_start3A_83 = tpu.memref_squeeze %dma_start3A_82 : memref<1x128x16xf32, #tpu.memory_space<vmem>> -> memref<128x16xf32, #tpu.memory_space<vmem>>
    %dma_start3A_84 = arith.constant 0 : i32
    %dma_start3A_85 = tpu.memref_slice %arg5[%dma_start3A_77, %dma_start3A_84] : memref<79x128xi32, #tpu.memory_space<vmem>> -> memref<1x128xi32, #tpu.memory_space<vmem>>
    %dma_start3A_86 = tpu.memref_squeeze %dma_start3A_85 : memref<1x128xi32, #tpu.memory_space<vmem>> -> memref<128xi32, #tpu.memory_space<vmem>>
    %dma_start3A_87 = arith.constant 0 : i32
    %dma_start3A_88 = arith.constant 0 : i32
    %dma_start3A_89 = tpu.memref_slice %arg10[%dma_start3A_87, %dma_start3A_88] : memref<10112x16xf32, #tpu.memory_space<vmem_shared>> -> memref<10112x16xf32, #tpu.memory_space<vmem_shared>>
    %dma_start3A_90 = tpu.memref_slice %arg11[%dma_start3A_79] : memref<8x!tpu.dma_semaphore, #tpu.memory_space<semaphore_mem>> -> memref<1x!tpu.dma_semaphore, #tpu.memory_space<semaphore_mem>>
    %dma_start3A_91 = tpu.memref_squeeze %dma_start3A_90 : memref<1x!tpu.dma_semaphore, #tpu.memory_space<semaphore_mem>> -> memref<!tpu.dma_semaphore, #tpu.memory_space<semaphore_mem>>
    tpu.enqueue_indirect_dma source(%dma_start3A_89 : memref<10112x16xf32, #tpu.memory_space<vmem_shared>>) target(%dma_start3A_83 : memref<128x16xf32, #tpu.memory_space<vmem>>) offsets(%dma_start3A_86 : memref<128xi32, #tpu.memory_space<vmem>>) semaphore(%dma_start3A_91 : memref<!tpu.dma_semaphore, #tpu.memory_space<semaphore_mem>>)
    %while3A = arith.constant 0 : i32
    %while3A_92 = arith.constant 0 : i32
    %while3A_93 = arith.subi %select_n3A, %while3A_92 : i32
    %while3A_94 = arith.addi %while3A_92, %while3A_93 : i32
    %while3A_95 = arith.constant 1 : i32
    %while3A_96 = arith.divsi %while3A_93, %while3A_95 : i32
    %while3A_97 = arith.muli %while3A_96, %while3A_95 : i32
    %while3A_98 = arith.addi %while3A_92, %while3A_97 : i32
    %while3A_99 = arith.constant 1 : i32
    scf.for %while3A_112 = %while3A_92 to %while3A_98 step %while3A_99  : i32 {
      %jit3A_113 = arith.constant 8 : i32
      %eq3A = arith.constant 0 : i32
      %eq3A_114 = arith.cmpi eq, %jit3A_113, %eq3A : i32
      %jit3A_115 = arith.constant 1 : i32
      %select_n3A_116 = arith.select %eq3A_114, %jit3A_115, %jit3A_113 : i32
      %rem3A = arith.remsi %while3A_112, %select_n3A_116 : i32
      %ne3A = arith.constant 0 : i32
      %ne3A_117 = arith.cmpi ne, %rem3A, %ne3A : i32
      %lt3A_118 = arith.constant 0 : i32
      %lt3A_119 = arith.cmpi slt, %rem3A, %lt3A_118 : i32
      %lt3A_120 = arith.constant 0 : i32
      %lt3A_121 = arith.cmpi slt, %select_n3A_116, %lt3A_120 : i32
      %ne3A_122 = arith.xori %lt3A_119, %lt3A_121 : i1
      %and3A = arith.andi %ne3A_122, %ne3A_117 : i1
      %add3A_123 = arith.addi %rem3A, %select_n3A_116 : i32
      %select_n3A_124 = arith.select %and3A, %add3A_123, %rem3A : i32
      %dma_wait3A = arith.constant 0 : i32
      %dma_wait3A_125 = arith.constant 0 : i32
      %dma_wait3A_126 = tpu.memref_slice %arg7[%select_n3A_124, %dma_wait3A, %dma_wait3A_125] : memref<8x128x16xf32, #tpu.memory_space<vmem>> -> memref<1x128x16xf32, #tpu.memory_space<vmem>>
      %dma_wait3A_127 = tpu.memref_squeeze %dma_wait3A_126 : memref<1x128x16xf32, #tpu.memory_space<vmem>> -> memref<128x16xf32, #tpu.memory_space<vmem>>
      %dma_wait3A_128 = arith.constant 0 : i32
      %dma_wait3A_129 = tpu.memref_slice %arg5[%while3A_112, %dma_wait3A_128] : memref<79x128xi32, #tpu.memory_space<vmem>> -> memref<1x128xi32, #tpu.memory_space<vmem>>
      %dma_wait3A_130 = tpu.memref_squeeze %dma_wait3A_129 : memref<1x128xi32, #tpu.memory_space<vmem>> -> memref<128xi32, #tpu.memory_space<vmem>>
      %dma_wait3A_131 = arith.constant 0 : i32
      %dma_wait3A_132 = arith.constant 0 : i32
      %dma_wait3A_133 = tpu.memref_slice %arg10[%dma_wait3A_131, %dma_wait3A_132] : memref<10112x16xf32, #tpu.memory_space<vmem_shared>> -> memref<10112x16xf32, #tpu.memory_space<vmem_shared>>
      %dma_wait3A_134 = tpu.memref_slice %arg11[%select_n3A_124] : memref<8x!tpu.dma_semaphore, #tpu.memory_space<semaphore_mem>> -> memref<1x!tpu.dma_semaphore, #tpu.memory_space<semaphore_mem>>
      %dma_wait3A_135 = tpu.memref_squeeze %dma_wait3A_134 : memref<1x!tpu.dma_semaphore, #tpu.memory_space<semaphore_mem>> -> memref<!tpu.dma_semaphore, #tpu.memory_space<semaphore_mem>>
      tpu.wait_indirect_dma semaphore(%dma_wait3A_135 : memref<!tpu.dma_semaphore, #tpu.memory_space<semaphore_mem>>) src(%dma_wait3A_133 : memref<10112x16xf32, #tpu.memory_space<vmem_shared>>) dst(%dma_wait3A_127 : memref<128x16xf32, #tpu.memory_space<vmem>>)
      %dma_start3A_136 = arith.constant 0 : i32
      %dma_start3A_137 = arith.constant 0 : i32
      %dma_start3A_138 = tpu.memref_slice %arg7[%select_n3A_124, %dma_start3A_136, %dma_start3A_137] : memref<8x128x16xf32, #tpu.memory_space<vmem>> -> memref<1x128x16xf32, #tpu.memory_space<vmem>>
      %dma_start3A_139 = tpu.memref_squeeze %dma_start3A_138 : memref<1x128x16xf32, #tpu.memory_space<vmem>> -> memref<128x16xf32, #tpu.memory_space<vmem>>
      %dma_start3A_140 = arith.constant 0 : i32
      %dma_start3A_141 = tpu.memref_slice %arg6[%while3A_112, %dma_start3A_140] : memref<79x128xi32, #tpu.memory_space<vmem>> -> memref<1x128xi32, #tpu.memory_space<vmem>>
      %dma_start3A_142 = tpu.memref_squeeze %dma_start3A_141 : memref<1x128xi32, #tpu.memory_space<vmem>> -> memref<128xi32, #tpu.memory_space<vmem>>
      %dma_start3A_143 = arith.constant 0 : i32
      %dma_start3A_144 = arith.constant 0 : i32
      %dma_start3A_145 = tpu.memref_slice %arg9[%dma_start3A_143, %dma_start3A_144] : memref<10112x16xf32, #tpu.memory_space<vmem_shared>> -> memref<10112x16xf32, #tpu.memory_space<vmem_shared>>
      %dma_start3A_146 = tpu.memref_slice %arg12[%select_n3A_124] : memref<8x!tpu.dma_semaphore, #tpu.memory_space<semaphore_mem>> -> memref<1x!tpu.dma_semaphore, #tpu.memory_space<semaphore_mem>>
      %dma_start3A_147 = tpu.memref_squeeze %dma_start3A_146 : memref<1x!tpu.dma_semaphore, #tpu.memory_space<semaphore_mem>> -> memref<!tpu.dma_semaphore, #tpu.memory_space<semaphore_mem>>
      tpu.enqueue_indirect_dma source(%dma_start3A_139 : memref<128x16xf32, #tpu.memory_space<vmem>>) target(%dma_start3A_145 : memref<10112x16xf32, #tpu.memory_space<vmem_shared>>) offsets(%dma_start3A_142 : memref<128xi32, #tpu.memory_space<vmem>>) semaphore(%dma_start3A_147 : memref<!tpu.dma_semaphore, #tpu.memory_space<semaphore_mem>>) {add = true}
      %add3A_148 = arith.constant 4 : i32
      %add3A_149 = arith.addi %while3A_112, %add3A_148 : i32
      %jit3A_150 = arith.constant 8 : i32
      %eq3A_151 = arith.constant 0 : i32
      %eq3A_152 = arith.cmpi eq, %jit3A_150, %eq3A_151 : i32
      %jit3A_153 = arith.constant 1 : i32
      %select_n3A_154 = arith.select %eq3A_152, %jit3A_153, %jit3A_150 : i32
      %rem3A_155 = arith.remsi %add3A_149, %select_n3A_154 : i32
      %ne3A_156 = arith.constant 0 : i32
      %ne3A_157 = arith.cmpi ne, %rem3A_155, %ne3A_156 : i32
      %lt3A_158 = arith.constant 0 : i32
      %lt3A_159 = arith.cmpi slt, %rem3A_155, %lt3A_158 : i32
      %lt3A_160 = arith.constant 0 : i32
      %lt3A_161 = arith.cmpi slt, %select_n3A_154, %lt3A_160 : i32
      %ne3A_162 = arith.xori %lt3A_159, %lt3A_161 : i1
      %and3A_163 = arith.andi %ne3A_162, %ne3A_157 : i1
      %add3A_164 = arith.addi %rem3A_155, %select_n3A_154 : i32
      %select_n3A_165 = arith.select %and3A_163, %add3A_164, %rem3A_155 : i32
      %add3A_166 = arith.constant 4 : i32
      %add3A_167 = arith.addi %while3A_112, %add3A_166 : i32
      %ge3A = arith.constant 8 : i32
      %ge3A_168 = arith.cmpi sge, %add3A_167, %ge3A : i32
      %convert_element_type3A_169 = arith.extui %ge3A_168 : i1 to i32
      %cond3A_170 = arith.constant 0 : i32
      %cond3A_171 = arith.cmpi ne, %convert_element_type3A_169, %cond3A_170 : i32
      scf.if %cond3A_171 {
        %add3A_178 = arith.constant 4 : i32
        %add3A_179 = arith.addi %while3A_112, %add3A_178 : i32
        %sub3A_180 = arith.constant 8 : i32
        %sub3A_181 = arith.subi %add3A_179, %sub3A_180 : i32
        %dma_wait3A_182 = arith.constant 0 : i32
        %dma_wait3A_183 = arith.constant 0 : i32
        %dma_wait3A_184 = tpu.memref_slice %arg7[%select_n3A_165, %dma_wait3A_182, %dma_wait3A_183] : memref<8x128x16xf32, #tpu.memory_space<vmem>> -> memref<1x128x16xf32, #tpu.memory_space<vmem>>
        %dma_wait3A_185 = tpu.memref_squeeze %dma_wait3A_184 : memref<1x128x16xf32, #tpu.memory_space<vmem>> -> memref<128x16xf32, #tpu.memory_space<vmem>>
        %dma_wait3A_186 = arith.constant 0 : i32
        %dma_wait3A_187 = tpu.memref_slice %arg6[%sub3A_181, %dma_wait3A_186] : memref<79x128xi32, #tpu.memory_space<vmem>> -> memref<1x128xi32, #tpu.memory_space<vmem>>
        %dma_wait3A_188 = tpu.memref_squeeze %dma_wait3A_187 : memref<1x128xi32, #tpu.memory_space<vmem>> -> memref<128xi32, #tpu.memory_space<vmem>>
        %dma_wait3A_189 = arith.constant 0 : i32
        %dma_wait3A_190 = arith.constant 0 : i32
        %dma_wait3A_191 = tpu.memref_slice %arg9[%dma_wait3A_189, %dma_wait3A_190] : memref<10112x16xf32, #tpu.memory_space<vmem_shared>> -> memref<10112x16xf32, #tpu.memory_space<vmem_shared>>
        %dma_wait3A_192 = tpu.memref_slice %arg12[%select_n3A_165] : memref<8x!tpu.dma_semaphore, #tpu.memory_space<semaphore_mem>> -> memref<1x!tpu.dma_semaphore, #tpu.memory_space<semaphore_mem>>
        %dma_wait3A_193 = tpu.memref_squeeze %dma_wait3A_192 : memref<1x!tpu.dma_semaphore, #tpu.memory_space<semaphore_mem>> -> memref<!tpu.dma_semaphore, #tpu.memory_space<semaphore_mem>>
        tpu.wait_indirect_dma semaphore(%dma_wait3A_193 : memref<!tpu.dma_semaphore, #tpu.memory_space<semaphore_mem>>) src(%dma_wait3A_185 : memref<128x16xf32, #tpu.memory_space<vmem>>) dst(%dma_wait3A_191 : memref<10112x16xf32, #tpu.memory_space<vmem_shared>>)
      } else {
      }
      %add3A_172 = arith.constant 4 : i32
      %add3A_173 = arith.addi %while3A_112, %add3A_172 : i32
      %lt3A_174 = arith.cmpi slt, %add3A_173, %select_n3A : i32
      %convert_element_type3A_175 = arith.extui %lt3A_174 : i1 to i32
      %cond3A_176 = arith.constant 0 : i32
      %cond3A_177 = arith.cmpi ne, %convert_element_type3A_175, %cond3A_176 : i32
      scf.if %cond3A_177 {
        %add3A_178 = arith.constant 4 : i32
        %add3A_179 = arith.addi %while3A_112, %add3A_178 : i32
        %dma_start3A_180 = arith.constant 0 : i32
        %dma_start3A_181 = arith.constant 0 : i32
        %dma_start3A_182 = tpu.memref_slice %arg7[%select_n3A_165, %dma_start3A_180, %dma_start3A_181] : memref<8x128x16xf32, #tpu.memory_space<vmem>> -> memref<1x128x16xf32, #tpu.memory_space<vmem>>
        %dma_start3A_183 = tpu.memref_squeeze %dma_start3A_182 : memref<1x128x16xf32, #tpu.memory_space<vmem>> -> memref<128x16xf32, #tpu.memory_space<vmem>>
        %dma_start3A_184 = arith.constant 0 : i32
        %dma_start3A_185 = tpu.memref_slice %arg5[%add3A_179, %dma_start3A_184] : memref<79x128xi32, #tpu.memory_space<vmem>> -> memref<1x128xi32, #tpu.memory_space<vmem>>
        %dma_start3A_186 = tpu.memref_squeeze %dma_start3A_185 : memref<1x128xi32, #tpu.memory_space<vmem>> -> memref<128xi32, #tpu.memory_space<vmem>>
        %dma_start3A_187 = arith.constant 0 : i32
        %dma_start3A_188 = arith.constant 0 : i32
        %dma_start3A_189 = tpu.memref_slice %arg10[%dma_start3A_187, %dma_start3A_188] : memref<10112x16xf32, #tpu.memory_space<vmem_shared>> -> memref<10112x16xf32, #tpu.memory_space<vmem_shared>>
        %dma_start3A_190 = tpu.memref_slice %arg11[%select_n3A_165] : memref<8x!tpu.dma_semaphore, #tpu.memory_space<semaphore_mem>> -> memref<1x!tpu.dma_semaphore, #tpu.memory_space<semaphore_mem>>
        %dma_start3A_191 = tpu.memref_squeeze %dma_start3A_190 : memref<1x!tpu.dma_semaphore, #tpu.memory_space<semaphore_mem>> -> memref<!tpu.dma_semaphore, #tpu.memory_space<semaphore_mem>>
        tpu.enqueue_indirect_dma source(%dma_start3A_189 : memref<10112x16xf32, #tpu.memory_space<vmem_shared>>) target(%dma_start3A_183 : memref<128x16xf32, #tpu.memory_space<vmem>>) offsets(%dma_start3A_186 : memref<128xi32, #tpu.memory_space<vmem>>) semaphore(%dma_start3A_191 : memref<!tpu.dma_semaphore, #tpu.memory_space<semaphore_mem>>)
      } else {
      }
    }
    %while3A_100 = arith.constant 1 : i32
    scf.for %while3A_112 = %while3A_98 to %while3A_94 step %while3A_100  : i32 {
      %jit3A_113 = arith.constant 8 : i32
      %eq3A = arith.constant 0 : i32
      %eq3A_114 = arith.cmpi eq, %jit3A_113, %eq3A : i32
      %jit3A_115 = arith.constant 1 : i32
      %select_n3A_116 = arith.select %eq3A_114, %jit3A_115, %jit3A_113 : i32
      %rem3A = arith.remsi %while3A_112, %select_n3A_116 : i32
      %ne3A = arith.constant 0 : i32
      %ne3A_117 = arith.cmpi ne, %rem3A, %ne3A : i32
      %lt3A_118 = arith.constant 0 : i32
      %lt3A_119 = arith.cmpi slt, %rem3A, %lt3A_118 : i32
      %lt3A_120 = arith.constant 0 : i32
      %lt3A_121 = arith.cmpi slt, %select_n3A_116, %lt3A_120 : i32
      %ne3A_122 = arith.xori %lt3A_119, %lt3A_121 : i1
      %and3A = arith.andi %ne3A_122, %ne3A_117 : i1
      %add3A_123 = arith.addi %rem3A, %select_n3A_116 : i32
      %select_n3A_124 = arith.select %and3A, %add3A_123, %rem3A : i32
      %dma_wait3A = arith.constant 0 : i32
      %dma_wait3A_125 = arith.constant 0 : i32
      %dma_wait3A_126 = tpu.memref_slice %arg7[%select_n3A_124, %dma_wait3A, %dma_wait3A_125] : memref<8x128x16xf32, #tpu.memory_space<vmem>> -> memref<1x128x16xf32, #tpu.memory_space<vmem>>
      %dma_wait3A_127 = tpu.memref_squeeze %dma_wait3A_126 : memref<1x128x16xf32, #tpu.memory_space<vmem>> -> memref<128x16xf32, #tpu.memory_space<vmem>>
      %dma_wait3A_128 = arith.constant 0 : i32
      %dma_wait3A_129 = tpu.memref_slice %arg5[%while3A_112, %dma_wait3A_128] : memref<79x128xi32, #tpu.memory_space<vmem>> -> memref<1x128xi32, #tpu.memory_space<vmem>>
      %dma_wait3A_130 = tpu.memref_squeeze %dma_wait3A_129 : memref<1x128xi32, #tpu.memory_space<vmem>> -> memref<128xi32, #tpu.memory_space<vmem>>
      %dma_wait3A_131 = arith.constant 0 : i32
      %dma_wait3A_132 = arith.constant 0 : i32
      %dma_wait3A_133 = tpu.memref_slice %arg10[%dma_wait3A_131, %dma_wait3A_132] : memref<10112x16xf32, #tpu.memory_space<vmem_shared>> -> memref<10112x16xf32, #tpu.memory_space<vmem_shared>>
      %dma_wait3A_134 = tpu.memref_slice %arg11[%select_n3A_124] : memref<8x!tpu.dma_semaphore, #tpu.memory_space<semaphore_mem>> -> memref<1x!tpu.dma_semaphore, #tpu.memory_space<semaphore_mem>>
      %dma_wait3A_135 = tpu.memref_squeeze %dma_wait3A_134 : memref<1x!tpu.dma_semaphore, #tpu.memory_space<semaphore_mem>> -> memref<!tpu.dma_semaphore, #tpu.memory_space<semaphore_mem>>
      tpu.wait_indirect_dma semaphore(%dma_wait3A_135 : memref<!tpu.dma_semaphore, #tpu.memory_space<semaphore_mem>>) src(%dma_wait3A_133 : memref<10112x16xf32, #tpu.memory_space<vmem_shared>>) dst(%dma_wait3A_127 : memref<128x16xf32, #tpu.memory_space<vmem>>)
      %dma_start3A_136 = arith.constant 0 : i32
      %dma_start3A_137 = arith.constant 0 : i32
      %dma_start3A_138 = tpu.memref_slice %arg7[%select_n3A_124, %dma_start3A_136, %dma_start3A_137] : memref<8x128x16xf32, #tpu.memory_space<vmem>> -> memref<1x128x16xf32, #tpu.memory_space<vmem>>
      %dma_start3A_139 = tpu.memref_squeeze %dma_start3A_138 : memref<1x128x16xf32, #tpu.memory_space<vmem>> -> memref<128x16xf32, #tpu.memory_space<vmem>>
      %dma_start3A_140 = arith.constant 0 : i32
      %dma_start3A_141 = tpu.memref_slice %arg6[%while3A_112, %dma_start3A_140] : memref<79x128xi32, #tpu.memory_space<vmem>> -> memref<1x128xi32, #tpu.memory_space<vmem>>
      %dma_start3A_142 = tpu.memref_squeeze %dma_start3A_141 : memref<1x128xi32, #tpu.memory_space<vmem>> -> memref<128xi32, #tpu.memory_space<vmem>>
      %dma_start3A_143 = arith.constant 0 : i32
      %dma_start3A_144 = arith.constant 0 : i32
      %dma_start3A_145 = tpu.memref_slice %arg9[%dma_start3A_143, %dma_start3A_144] : memref<10112x16xf32, #tpu.memory_space<vmem_shared>> -> memref<10112x16xf32, #tpu.memory_space<vmem_shared>>
      %dma_start3A_146 = tpu.memref_slice %arg12[%select_n3A_124] : memref<8x!tpu.dma_semaphore, #tpu.memory_space<semaphore_mem>> -> memref<1x!tpu.dma_semaphore, #tpu.memory_space<semaphore_mem>>
      %dma_start3A_147 = tpu.memref_squeeze %dma_start3A_146 : memref<1x!tpu.dma_semaphore, #tpu.memory_space<semaphore_mem>> -> memref<!tpu.dma_semaphore, #tpu.memory_space<semaphore_mem>>
      tpu.enqueue_indirect_dma source(%dma_start3A_139 : memref<128x16xf32, #tpu.memory_space<vmem>>) target(%dma_start3A_145 : memref<10112x16xf32, #tpu.memory_space<vmem_shared>>) offsets(%dma_start3A_142 : memref<128xi32, #tpu.memory_space<vmem>>) semaphore(%dma_start3A_147 : memref<!tpu.dma_semaphore, #tpu.memory_space<semaphore_mem>>) {add = true}
      %add3A_148 = arith.constant 4 : i32
      %add3A_149 = arith.addi %while3A_112, %add3A_148 : i32
      %jit3A_150 = arith.constant 8 : i32
      %eq3A_151 = arith.constant 0 : i32
      %eq3A_152 = arith.cmpi eq, %jit3A_150, %eq3A_151 : i32
      %jit3A_153 = arith.constant 1 : i32
      %select_n3A_154 = arith.select %eq3A_152, %jit3A_153, %jit3A_150 : i32
      %rem3A_155 = arith.remsi %add3A_149, %select_n3A_154 : i32
      %ne3A_156 = arith.constant 0 : i32
      %ne3A_157 = arith.cmpi ne, %rem3A_155, %ne3A_156 : i32
      %lt3A_158 = arith.constant 0 : i32
      %lt3A_159 = arith.cmpi slt, %rem3A_155, %lt3A_158 : i32
      %lt3A_160 = arith.constant 0 : i32
      %lt3A_161 = arith.cmpi slt, %select_n3A_154, %lt3A_160 : i32
      %ne3A_162 = arith.xori %lt3A_159, %lt3A_161 : i1
      %and3A_163 = arith.andi %ne3A_162, %ne3A_157 : i1
      %add3A_164 = arith.addi %rem3A_155, %select_n3A_154 : i32
      %select_n3A_165 = arith.select %and3A_163, %add3A_164, %rem3A_155 : i32
      %add3A_166 = arith.constant 4 : i32
      %add3A_167 = arith.addi %while3A_112, %add3A_166 : i32
      %ge3A = arith.constant 8 : i32
      %ge3A_168 = arith.cmpi sge, %add3A_167, %ge3A : i32
      %convert_element_type3A_169 = arith.extui %ge3A_168 : i1 to i32
      %cond3A_170 = arith.constant 0 : i32
      %cond3A_171 = arith.cmpi ne, %convert_element_type3A_169, %cond3A_170 : i32
      scf.if %cond3A_171 {
        %add3A_178 = arith.constant 4 : i32
        %add3A_179 = arith.addi %while3A_112, %add3A_178 : i32
        %sub3A_180 = arith.constant 8 : i32
        %sub3A_181 = arith.subi %add3A_179, %sub3A_180 : i32
        %dma_wait3A_182 = arith.constant 0 : i32
        %dma_wait3A_183 = arith.constant 0 : i32
        %dma_wait3A_184 = tpu.memref_slice %arg7[%select_n3A_165, %dma_wait3A_182, %dma_wait3A_183] : memref<8x128x16xf32, #tpu.memory_space<vmem>> -> memref<1x128x16xf32, #tpu.memory_space<vmem>>
        %dma_wait3A_185 = tpu.memref_squeeze %dma_wait3A_184 : memref<1x128x16xf32, #tpu.memory_space<vmem>> -> memref<128x16xf32, #tpu.memory_space<vmem>>
        %dma_wait3A_186 = arith.constant 0 : i32
        %dma_wait3A_187 = tpu.memref_slice %arg6[%sub3A_181, %dma_wait3A_186] : memref<79x128xi32, #tpu.memory_space<vmem>> -> memref<1x128xi32, #tpu.memory_space<vmem>>
        %dma_wait3A_188 = tpu.memref_squeeze %dma_wait3A_187 : memref<1x128xi32, #tpu.memory_space<vmem>> -> memref<128xi32, #tpu.memory_space<vmem>>
        %dma_wait3A_189 = arith.constant 0 : i32
        %dma_wait3A_190 = arith.constant 0 : i32
        %dma_wait3A_191 = tpu.memref_slice %arg9[%dma_wait3A_189, %dma_wait3A_190] : memref<10112x16xf32, #tpu.memory_space<vmem_shared>> -> memref<10112x16xf32, #tpu.memory_space<vmem_shared>>
        %dma_wait3A_192 = tpu.memref_slice %arg12[%select_n3A_165] : memref<8x!tpu.dma_semaphore, #tpu.memory_space<semaphore_mem>> -> memref<1x!tpu.dma_semaphore, #tpu.memory_space<semaphore_mem>>
        %dma_wait3A_193 = tpu.memref_squeeze %dma_wait3A_192 : memref<1x!tpu.dma_semaphore, #tpu.memory_space<semaphore_mem>> -> memref<!tpu.dma_semaphore, #tpu.memory_space<semaphore_mem>>
        tpu.wait_indirect_dma semaphore(%dma_wait3A_193 : memref<!tpu.dma_semaphore, #tpu.memory_space<semaphore_mem>>) src(%dma_wait3A_185 : memref<128x16xf32, #tpu.memory_space<vmem>>) dst(%dma_wait3A_191 : memref<10112x16xf32, #tpu.memory_space<vmem_shared>>)
      } else {
      }
      %add3A_172 = arith.constant 4 : i32
      %add3A_173 = arith.addi %while3A_112, %add3A_172 : i32
      %lt3A_174 = arith.cmpi slt, %add3A_173, %select_n3A : i32
      %convert_element_type3A_175 = arith.extui %lt3A_174 : i1 to i32
      %cond3A_176 = arith.constant 0 : i32
      %cond3A_177 = arith.cmpi ne, %convert_element_type3A_175, %cond3A_176 : i32
      scf.if %cond3A_177 {
        %add3A_178 = arith.constant 4 : i32
        %add3A_179 = arith.addi %while3A_112, %add3A_178 : i32
        %dma_start3A_180 = arith.constant 0 : i32
        %dma_start3A_181 = arith.constant 0 : i32
        %dma_start3A_182 = tpu.memref_slice %arg7[%select_n3A_165, %dma_start3A_180, %dma_start3A_181] : memref<8x128x16xf32, #tpu.memory_space<vmem>> -> memref<1x128x16xf32, #tpu.memory_space<vmem>>
        %dma_start3A_183 = tpu.memref_squeeze %dma_start3A_182 : memref<1x128x16xf32, #tpu.memory_space<vmem>> -> memref<128x16xf32, #tpu.memory_space<vmem>>
        %dma_start3A_184 = arith.constant 0 : i32
        %dma_start3A_185 = tpu.memref_slice %arg5[%add3A_179, %dma_start3A_184] : memref<79x128xi32, #tpu.memory_space<vmem>> -> memref<1x128xi32, #tpu.memory_space<vmem>>
        %dma_start3A_186 = tpu.memref_squeeze %dma_start3A_185 : memref<1x128xi32, #tpu.memory_space<vmem>> -> memref<128xi32, #tpu.memory_space<vmem>>
        %dma_start3A_187 = arith.constant 0 : i32
        %dma_start3A_188 = arith.constant 0 : i32
        %dma_start3A_189 = tpu.memref_slice %arg10[%dma_start3A_187, %dma_start3A_188] : memref<10112x16xf32, #tpu.memory_space<vmem_shared>> -> memref<10112x16xf32, #tpu.memory_space<vmem_shared>>
        %dma_start3A_190 = tpu.memref_slice %arg11[%select_n3A_165] : memref<8x!tpu.dma_semaphore, #tpu.memory_space<semaphore_mem>> -> memref<1x!tpu.dma_semaphore, #tpu.memory_space<semaphore_mem>>
        %dma_start3A_191 = tpu.memref_squeeze %dma_start3A_190 : memref<1x!tpu.dma_semaphore, #tpu.memory_space<semaphore_mem>> -> memref<!tpu.dma_semaphore, #tpu.memory_space<semaphore_mem>>
        tpu.enqueue_indirect_dma source(%dma_start3A_189 : memref<10112x16xf32, #tpu.memory_space<vmem_shared>>) target(%dma_start3A_183 : memref<128x16xf32, #tpu.memory_space<vmem>>) offsets(%dma_start3A_186 : memref<128xi32, #tpu.memory_space<vmem>>) semaphore(%dma_start3A_191 : memref<!tpu.dma_semaphore, #tpu.memory_space<semaphore_mem>>)
      } else {
      }
    }
    %sub3A = arith.constant 4 : i32
    %sub3A_101 = arith.subi %select_n3A, %sub3A : i32
    %while3A_102 = arith.constant 0 : i32
    %while3A_103 = arith.subi %select_n3A, %sub3A_101 : i32
    %while3A_104 = arith.addi %sub3A_101, %while3A_103 : i32
    %while3A_105 = arith.constant 1 : i32
    %while3A_106 = arith.divsi %while3A_103, %while3A_105 : i32
    %while3A_107 = arith.muli %while3A_106, %while3A_105 : i32
    %while3A_108 = arith.addi %sub3A_101, %while3A_107 : i32
    %while3A_109 = arith.constant 1 : i32
    scf.for %while3A_112 = %sub3A_101 to %while3A_108 step %while3A_109  : i32 {
      %jit3A_113 = arith.constant 8 : i32
      %eq3A = arith.constant 0 : i32
      %eq3A_114 = arith.cmpi eq, %jit3A_113, %eq3A : i32
      %jit3A_115 = arith.constant 1 : i32
      %select_n3A_116 = arith.select %eq3A_114, %jit3A_115, %jit3A_113 : i32
      %rem3A = arith.remsi %while3A_112, %select_n3A_116 : i32
      %ne3A = arith.constant 0 : i32
      %ne3A_117 = arith.cmpi ne, %rem3A, %ne3A : i32
      %lt3A_118 = arith.constant 0 : i32
      %lt3A_119 = arith.cmpi slt, %rem3A, %lt3A_118 : i32
      %lt3A_120 = arith.constant 0 : i32
      %lt3A_121 = arith.cmpi slt, %select_n3A_116, %lt3A_120 : i32
      %ne3A_122 = arith.xori %lt3A_119, %lt3A_121 : i1
      %and3A = arith.andi %ne3A_122, %ne3A_117 : i1
      %add3A_123 = arith.addi %rem3A, %select_n3A_116 : i32
      %select_n3A_124 = arith.select %and3A, %add3A_123, %rem3A : i32
      %dma_wait3A = arith.constant 0 : i32
      %dma_wait3A_125 = arith.constant 0 : i32
      %dma_wait3A_126 = tpu.memref_slice %arg7[%select_n3A_124, %dma_wait3A, %dma_wait3A_125] : memref<8x128x16xf32, #tpu.memory_space<vmem>> -> memref<1x128x16xf32, #tpu.memory_space<vmem>>
      %dma_wait3A_127 = tpu.memref_squeeze %dma_wait3A_126 : memref<1x128x16xf32, #tpu.memory_space<vmem>> -> memref<128x16xf32, #tpu.memory_space<vmem>>
      %dma_wait3A_128 = arith.constant 0 : i32
      %dma_wait3A_129 = tpu.memref_slice %arg6[%while3A_112, %dma_wait3A_128] : memref<79x128xi32, #tpu.memory_space<vmem>> -> memref<1x128xi32, #tpu.memory_space<vmem>>
      %dma_wait3A_130 = tpu.memref_squeeze %dma_wait3A_129 : memref<1x128xi32, #tpu.memory_space<vmem>> -> memref<128xi32, #tpu.memory_space<vmem>>
      %dma_wait3A_131 = arith.constant 0 : i32
      %dma_wait3A_132 = arith.constant 0 : i32
      %dma_wait3A_133 = tpu.memref_slice %arg9[%dma_wait3A_131, %dma_wait3A_132] : memref<10112x16xf32, #tpu.memory_space<vmem_shared>> -> memref<10112x16xf32, #tpu.memory_space<vmem_shared>>
      %dma_wait3A_134 = tpu.memref_slice %arg12[%select_n3A_124] : memref<8x!tpu.dma_semaphore, #tpu.memory_space<semaphore_mem>> -> memref<1x!tpu.dma_semaphore, #tpu.memory_space<semaphore_mem>>
      %dma_wait3A_135 = tpu.memref_squeeze %dma_wait3A_134 : memref<1x!tpu.dma_semaphore, #tpu.memory_space<semaphore_mem>> -> memref<!tpu.dma_semaphore, #tpu.memory_space<semaphore_mem>>
      tpu.wait_indirect_dma semaphore(%dma_wait3A_135 : memref<!tpu.dma_semaphore, #tpu.memory_space<semaphore_mem>>) src(%dma_wait3A_127 : memref<128x16xf32, #tpu.memory_space<vmem>>) dst(%dma_wait3A_133 : memref<10112x16xf32, #tpu.memory_space<vmem_shared>>)
    }
    %while3A_110 = arith.constant 1 : i32
    scf.for %while3A_112 = %while3A_108 to %while3A_104 step %while3A_110  : i32 {
      %jit3A_113 = arith.constant 8 : i32
      %eq3A = arith.constant 0 : i32
      %eq3A_114 = arith.cmpi eq, %jit3A_113, %eq3A : i32
      %jit3A_115 = arith.constant 1 : i32
      %select_n3A_116 = arith.select %eq3A_114, %jit3A_115, %jit3A_113 : i32
      %rem3A = arith.remsi %while3A_112, %select_n3A_116 : i32
      %ne3A = arith.constant 0 : i32
      %ne3A_117 = arith.cmpi ne, %rem3A, %ne3A : i32
      %lt3A_118 = arith.constant 0 : i32
      %lt3A_119 = arith.cmpi slt, %rem3A, %lt3A_118 : i32
      %lt3A_120 = arith.constant 0 : i32
      %lt3A_121 = arith.cmpi slt, %select_n3A_116, %lt3A_120 : i32
      %ne3A_122 = arith.xori %lt3A_119, %lt3A_121 : i1
      %and3A = arith.andi %ne3A_122, %ne3A_117 : i1
      %add3A_123 = arith.addi %rem3A, %select_n3A_116 : i32
      %select_n3A_124 = arith.select %and3A, %add3A_123, %rem3A : i32
      %dma_wait3A = arith.constant 0 : i32
      %dma_wait3A_125 = arith.constant 0 : i32
      %dma_wait3A_126 = tpu.memref_slice %arg7[%select_n3A_124, %dma_wait3A, %dma_wait3A_125] : memref<8x128x16xf32, #tpu.memory_space<vmem>> -> memref<1x128x16xf32, #tpu.memory_space<vmem>>
      %dma_wait3A_127 = tpu.memref_squeeze %dma_wait3A_126 : memref<1x128x16xf32, #tpu.memory_space<vmem>> -> memref<128x16xf32, #tpu.memory_space<vmem>>
      %dma_wait3A_128 = arith.constant 0 : i32
      %dma_wait3A_129 = tpu.memref_slice %arg6[%while3A_112, %dma_wait3A_128] : memref<79x128xi32, #tpu.memory_space<vmem>> -> memref<1x128xi32, #tpu.memory_space<vmem>>
      %dma_wait3A_130 = tpu.memref_squeeze %dma_wait3A_129 : memref<1x128xi32, #tpu.memory_space<vmem>> -> memref<128xi32, #tpu.memory_space<vmem>>
      %dma_wait3A_131 = arith.constant 0 : i32
      %dma_wait3A_132 = arith.constant 0 : i32
      %dma_wait3A_133 = tpu.memref_slice %arg9[%dma_wait3A_131, %dma_wait3A_132] : memref<10112x16xf32, #tpu.memory_space<vmem_shared>> -> memref<10112x16xf32, #tpu.memory_space<vmem_shared>>
      %dma_wait3A_134 = tpu.memref_slice %arg12[%select_n3A_124] : memref<8x!tpu.dma_semaphore, #tpu.memory_space<semaphore_mem>> -> memref<1x!tpu.dma_semaphore, #tpu.memory_space<semaphore_mem>>
      %dma_wait3A_135 = tpu.memref_squeeze %dma_wait3A_134 : memref<1x!tpu.dma_semaphore, #tpu.memory_space<semaphore_mem>> -> memref<!tpu.dma_semaphore, #tpu.memory_space<semaphore_mem>>
      tpu.wait_indirect_dma semaphore(%dma_wait3A_135 : memref<!tpu.dma_semaphore, #tpu.memory_space<semaphore_mem>>) src(%dma_wait3A_127 : memref<128x16xf32, #tpu.memory_space<vmem>>) dst(%dma_wait3A_133 : memref<10112x16xf32, #tpu.memory_space<vmem_shared>>)
    }
    %barrier3A_111 = arith.constant 0 : index
    tpu.barrier barrier_id(%barrier3A_111)
    "tpu.region"() ({
      %run_scoped3A_112 = tpu.sem_alloc : memref<!tpu.dma_semaphore, #tpu.memory_space<semaphore_mem>>
      %dma_start3A_113 = arith.constant 0 : i32
      %dma_start3A_114 = tpu.memref_slice %arg4[%arg0, %mul3A_22, %dma_start3A_113] : memref<2x10112x16xf32, #tpu.memory_space<hbm>> -> memref<1x632x16xf32, #tpu.memory_space<hbm>>
      %dma_start3A_115 = tpu.memref_squeeze %dma_start3A_114 : memref<1x632x16xf32, #tpu.memory_space<hbm>> -> memref<632x16xf32, #tpu.memory_space<hbm>>
      %dma_start3A_116 = arith.constant 0 : i32
      %dma_start3A_117 = tpu.memref_slice %arg9[%mul3A_22, %dma_start3A_116] : memref<10112x16xf32, #tpu.memory_space<vmem_shared>> -> memref<632x16xf32, #tpu.memory_space<vmem_shared>>
      tpu.enqueue_dma source(%dma_start3A_117 : memref<632x16xf32, #tpu.memory_space<vmem_shared>>) target(%dma_start3A_115 : memref<632x16xf32, #tpu.memory_space<hbm>>) target_semaphore(%run_scoped3A_112 : memref<!tpu.dma_semaphore, #tpu.memory_space<semaphore_mem>>)
      %dma_wait3A = arith.constant 0 : i32
      %dma_wait3A_118 = tpu.memref_slice %arg4[%arg0, %mul3A_22, %dma_wait3A] : memref<2x10112x16xf32, #tpu.memory_space<hbm>> -> memref<1x632x16xf32, #tpu.memory_space<hbm>>
      %dma_wait3A_119 = tpu.memref_squeeze %dma_wait3A_118 : memref<1x632x16xf32, #tpu.memory_space<hbm>> -> memref<632x16xf32, #tpu.memory_space<hbm>>
      %dma_wait3A_120 = arith.constant 0 : i32
      %dma_wait3A_121 = tpu.memref_slice %arg9[%mul3A_22, %dma_wait3A_120] : memref<10112x16xf32, #tpu.memory_space<vmem_shared>> -> memref<632x16xf32, #tpu.memory_space<vmem_shared>>
      tpu.wait_dma2 semaphore(%run_scoped3A_112 : memref<!tpu.dma_semaphore, #tpu.memory_space<semaphore_mem>>) src(%dma_wait3A_121 : memref<632x16xf32, #tpu.memory_space<vmem_shared>>) dst(%dma_wait3A_119 : memref<632x16xf32, #tpu.memory_space<hbm>>)
      tpu.yield
    }) : () -> ()
    return
  }
}

module attributes {stable_mosaic.version = 14 : i64} {
  func.func @_k0_body(%arg0: memref<1250x1024xf32, #tpu.memory_space<vmem>>, %arg1: memref<128x16xf32, #tpu.memory_space<vmem>>, %arg2: memref<1264x128xf32, #tpu.memory_space<vmem>>) attributes {dimension_semantics = [], scalar_prefetch = 0 : i64, scratch_operands = 0 : i64, tpu.core_type = #tpu.core_type<tc>} {
    %get3A = arith.constant 0 : index
    %get3A_0 = arith.constant 0 : index
    %get3A_1 = vector.load %arg0[%get3A, %get3A_0] : memref<1250x1024xf32, #tpu.memory_space<vmem>>, vector<1250x1024xf32>
    %get3A_2 = arith.constant 0 : index
    %get3A_3 = arith.constant 0 : index
    %get3A_4 = vector.load %arg1[%get3A_2, %get3A_3] : memref<128x16xf32, #tpu.memory_space<vmem>>, vector<128x16xf32>
    %broadcast_in_dim3A = arith.constant 0.000000e+00 : f32
    %broadcast_in_dim3A_5 = vector.broadcast %broadcast_in_dim3A : f32 to vector<128x112xf32>
    %concatenate3A = tpu.concatenate %get3A_4, %broadcast_in_dim3A_5 in 1 : vector<128x16xf32>, vector<128x112xf32> -> vector<128x128xf32>
    %broadcast_in_dim3A_6 = arith.constant 0.000000e+00 : f32
    %broadcast_in_dim3A_7 = vector.broadcast %broadcast_in_dim3A_6 : f32 to vector<128x16xf32>
    %concatenate3A_8 = tpu.concatenate %broadcast_in_dim3A_7, %get3A_4 in 1 : vector<128x16xf32>, vector<128x16xf32> -> vector<128x32xf32>
    %broadcast_in_dim3A_9 = arith.constant 0.000000e+00 : f32
    %broadcast_in_dim3A_10 = vector.broadcast %broadcast_in_dim3A_9 : f32 to vector<128x96xf32>
    %concatenate3A_11 = tpu.concatenate %concatenate3A_8, %broadcast_in_dim3A_10 in 1 : vector<128x32xf32>, vector<128x96xf32> -> vector<128x128xf32>
    %broadcast_in_dim3A_12 = arith.constant 0.000000e+00 : f32
    %broadcast_in_dim3A_13 = vector.broadcast %broadcast_in_dim3A_12 : f32 to vector<128x32xf32>
    %concatenate3A_14 = tpu.concatenate %broadcast_in_dim3A_13, %get3A_4 in 1 : vector<128x32xf32>, vector<128x16xf32> -> vector<128x48xf32>
    %broadcast_in_dim3A_15 = arith.constant 0.000000e+00 : f32
    %broadcast_in_dim3A_16 = vector.broadcast %broadcast_in_dim3A_15 : f32 to vector<128x80xf32>
    %concatenate3A_17 = tpu.concatenate %concatenate3A_14, %broadcast_in_dim3A_16 in 1 : vector<128x48xf32>, vector<128x80xf32> -> vector<128x128xf32>
    %broadcast_in_dim3A_18 = arith.constant 0.000000e+00 : f32
    %broadcast_in_dim3A_19 = vector.broadcast %broadcast_in_dim3A_18 : f32 to vector<128x48xf32>
    %concatenate3A_20 = tpu.concatenate %broadcast_in_dim3A_19, %get3A_4 in 1 : vector<128x48xf32>, vector<128x16xf32> -> vector<128x64xf32>
    %broadcast_in_dim3A_21 = arith.constant 0.000000e+00 : f32
    %broadcast_in_dim3A_22 = vector.broadcast %broadcast_in_dim3A_21 : f32 to vector<128x64xf32>
    %concatenate3A_23 = tpu.concatenate %concatenate3A_20, %broadcast_in_dim3A_22 in 1 : vector<128x64xf32>, vector<128x64xf32> -> vector<128x128xf32>
    %broadcast_in_dim3A_24 = arith.constant 0.000000e+00 : f32
    %broadcast_in_dim3A_25 = vector.broadcast %broadcast_in_dim3A_24 : f32 to vector<128x64xf32>
    %concatenate3A_26 = tpu.concatenate %broadcast_in_dim3A_25, %get3A_4 in 1 : vector<128x64xf32>, vector<128x16xf32> -> vector<128x80xf32>
    %broadcast_in_dim3A_27 = arith.constant 0.000000e+00 : f32
    %broadcast_in_dim3A_28 = vector.broadcast %broadcast_in_dim3A_27 : f32 to vector<128x48xf32>
    %concatenate3A_29 = tpu.concatenate %concatenate3A_26, %broadcast_in_dim3A_28 in 1 : vector<128x80xf32>, vector<128x48xf32> -> vector<128x128xf32>
    %broadcast_in_dim3A_30 = arith.constant 0.000000e+00 : f32
    %broadcast_in_dim3A_31 = vector.broadcast %broadcast_in_dim3A_30 : f32 to vector<128x80xf32>
    %concatenate3A_32 = tpu.concatenate %broadcast_in_dim3A_31, %get3A_4 in 1 : vector<128x80xf32>, vector<128x16xf32> -> vector<128x96xf32>
    %broadcast_in_dim3A_33 = arith.constant 0.000000e+00 : f32
    %broadcast_in_dim3A_34 = vector.broadcast %broadcast_in_dim3A_33 : f32 to vector<128x32xf32>
    %concatenate3A_35 = tpu.concatenate %concatenate3A_32, %broadcast_in_dim3A_34 in 1 : vector<128x96xf32>, vector<128x32xf32> -> vector<128x128xf32>
    %broadcast_in_dim3A_36 = arith.constant 0.000000e+00 : f32
    %broadcast_in_dim3A_37 = vector.broadcast %broadcast_in_dim3A_36 : f32 to vector<128x96xf32>
    %concatenate3A_38 = tpu.concatenate %broadcast_in_dim3A_37, %get3A_4 in 1 : vector<128x96xf32>, vector<128x16xf32> -> vector<128x112xf32>
    %broadcast_in_dim3A_39 = arith.constant 0.000000e+00 : f32
    %broadcast_in_dim3A_40 = vector.broadcast %broadcast_in_dim3A_39 : f32 to vector<128x16xf32>
    %concatenate3A_41 = tpu.concatenate %concatenate3A_38, %broadcast_in_dim3A_40 in 1 : vector<128x112xf32>, vector<128x16xf32> -> vector<128x128xf32>
    %broadcast_in_dim3A_42 = arith.constant 0.000000e+00 : f32
    %broadcast_in_dim3A_43 = vector.broadcast %broadcast_in_dim3A_42 : f32 to vector<128x112xf32>
    %concatenate3A_44 = tpu.concatenate %broadcast_in_dim3A_43, %get3A_4 in 1 : vector<128x112xf32>, vector<128x16xf32> -> vector<128x128xf32>
    %concatenate3A_45 = tpu.concatenate %concatenate3A, %concatenate3A_11, %concatenate3A_17, %concatenate3A_23, %concatenate3A_29, %concatenate3A_35, %concatenate3A_41, %concatenate3A_44 in 0 : vector<128x128xf32>, vector<128x128xf32>, vector<128x128xf32>, vector<128x128xf32>, vector<128x128xf32>, vector<128x128xf32>, vector<128x128xf32>, vector<128x128xf32> -> vector<1024x128xf32>
    %dot_general3A = arith.constant dense<0.000000e+00> : vector<1250x128xf32>
    %dot_general3A_46 = tpu.matmul %get3A_1, %concatenate3A_45, %dot_general3A {dimension_numbers = #tpu.dot_dimension_numbers<[1], [0], [0], [1], [0, 0, 1, 1], [], []>, transpose_lhs_hint = false} : vector<1250x1024xf32>, vector<1024x128xf32>, vector<1250x128xf32> -> vector<1250x128xf32>
    %broadcast_in_dim3A_47 = arith.constant 0.000000e+00 : f32
    %broadcast_in_dim3A_48 = vector.broadcast %broadcast_in_dim3A_47 : f32 to vector<14x128xf32>
    %concatenate3A_49 = tpu.concatenate %dot_general3A_46, %broadcast_in_dim3A_48 in 0 : vector<1250x128xf32>, vector<14x128xf32> -> vector<1264x128xf32>
    %swap3A = arith.constant 0 : index
    %swap3A_50 = arith.constant 0 : index
    %swap3A_51 = vector.load %arg2[%swap3A, %swap3A_50] : memref<1264x128xf32, #tpu.memory_space<vmem>>, vector<1264x128xf32>
    tpu.vector_store %arg2[%swap3A, %swap3A_50], %concatenate3A_49 {strides = array<i32>} : memref<1264x128xf32, #tpu.memory_space<vmem>>, vector<1264x128xf32>,
    return
  }
}

module attributes {stable_mosaic.version = 14 : i64} {
  func.func @_k1_body(%arg0: memref<1264x128xf32, #tpu.memory_space<vmem>>, %arg1: memref<2x1264x128xf32, #tpu.memory_space<vmem>>, %arg2: memref<1264x128xf32, #tpu.memory_space<vmem>>, %arg3: memref<1264x128xf32, #tpu.memory_space<vmem>>) attributes {dimension_semantics = [], scalar_prefetch = 0 : i64, scratch_operands = 0 : i64, tpu.core_type = #tpu.core_type<tc>} {
    %get3A = arith.constant 0 : index
    %get3A_0 = arith.constant 0 : index
    %get3A_1 = arith.constant 0 : index
    %get3A_2 = vector.load %arg1[%get3A, %get3A_0, %get3A_1] : memref<2x1264x128xf32, #tpu.memory_space<vmem>>, vector<1x1264x128xf32>
    %get3A_3 = vector.shape_cast %get3A_2 : vector<1x1264x128xf32> to vector<1264x128xf32>
    %get3A_4 = arith.constant 1 : index
    %get3A_5 = arith.constant 0 : index
    %get3A_6 = arith.constant 0 : index
    %get3A_7 = vector.load %arg1[%get3A_4, %get3A_5, %get3A_6] : memref<2x1264x128xf32, #tpu.memory_space<vmem>>, vector<1x1264x128xf32>
    %get3A_8 = vector.shape_cast %get3A_7 : vector<1x1264x128xf32> to vector<1264x128xf32>
    %add3A = arith.addf %get3A_3, %get3A_8 : vector<1264x128xf32>
    %add3A_9 = arith.constant 1.000000e+00 : f32
    %add3A_10 = vector.broadcast %add3A_9 : f32 to vector<1264x128xf32>
    %add3A_11 = arith.addf %add3A, %add3A_10 : vector<1264x128xf32>
    %sqrt3A = math.sqrt %add3A_11 : vector<1264x128xf32>
    %div3A = arith.constant 1.000000e+00 : f32
    %div3A_12 = vector.broadcast %div3A : f32 to vector<1264x128xf32>
    %div3A_13 = arith.divf %div3A_12, %sqrt3A : vector<1264x128xf32>
    %swap3A = arith.constant 0 : index
    %swap3A_14 = arith.constant 0 : index
    %swap3A_15 = vector.load %arg3[%swap3A, %swap3A_14] : memref<1264x128xf32, #tpu.memory_space<vmem>>, vector<1264x128xf32>
    tpu.vector_store %arg3[%swap3A, %swap3A_14], %div3A_13 {strides = array<i32>} : memref<1264x128xf32, #tpu.memory_space<vmem>>, vector<1264x128xf32>,
    %get3A_16 = arith.constant 0 : index
    %get3A_17 = arith.constant 0 : index
    %get3A_18 = vector.load %arg0[%get3A_16, %get3A_17] : memref<1264x128xf32, #tpu.memory_space<vmem>>, vector<1264x128xf32>
    %mul3A = arith.mulf %div3A_13, %get3A_18 : vector<1264x128xf32>
    %swap3A_19 = arith.constant 0 : index
    %swap3A_20 = arith.constant 0 : index
    %swap3A_21 = vector.load %arg2[%swap3A_19, %swap3A_20] : memref<1264x128xf32, #tpu.memory_space<vmem>>, vector<1264x128xf32>
    tpu.vector_store %arg2[%swap3A_19, %swap3A_20], %mul3A {strides = array<i32>} : memref<1264x128xf32, #tpu.memory_space<vmem>>, vector<1264x128xf32>,
    return
  }
}

module attributes {stable_mosaic.version = 14 : i64} {
  func.func @_k2_body(%arg0: memref<2x1264x128xf32, #tpu.memory_space<vmem>>, %arg1: memref<1264x128xf32, #tpu.memory_space<vmem>>, %arg2: memref<1264x128xf32, #tpu.memory_space<vmem>>, %arg3: memref<1x16xf32, #tpu.memory_space<vmem>>, %arg4: memref<16x16xf32, #tpu.memory_space<vmem>>, %arg5: memref<1x16xf32, #tpu.memory_space<vmem>>, %arg6: memref<16x16xf32, #tpu.memory_space<vmem>>, %arg7: memref<1264x128xf32, #tpu.memory_space<vmem>>) attributes {dimension_semantics = [], scalar_prefetch = 0 : i64, scratch_operands = 0 : i64, tpu.core_type = #tpu.core_type<tc>} {
    %get3A = arith.constant 0 : index
    %get3A_0 = arith.constant 0 : index
    %get3A_1 = arith.constant 0 : index
    %get3A_2 = vector.load %arg0[%get3A, %get3A_0, %get3A_1] : memref<2x1264x128xf32, #tpu.memory_space<vmem>>, vector<1x1264x128xf32>
    %get3A_3 = vector.shape_cast %get3A_2 : vector<1x1264x128xf32> to vector<1264x128xf32>
    %get3A_4 = arith.constant 1 : index
    %get3A_5 = arith.constant 0 : index
    %get3A_6 = arith.constant 0 : index
    %get3A_7 = vector.load %arg0[%get3A_4, %get3A_5, %get3A_6] : memref<2x1264x128xf32, #tpu.memory_space<vmem>>, vector<1x1264x128xf32>
    %get3A_8 = vector.shape_cast %get3A_7 : vector<1x1264x128xf32> to vector<1264x128xf32>
    %add3A = arith.addf %get3A_3, %get3A_8 : vector<1264x128xf32>
    %get3A_9 = arith.constant 0 : index
    %get3A_10 = arith.constant 0 : index
    %get3A_11 = vector.load %arg1[%get3A_9, %get3A_10] : memref<1264x128xf32, #tpu.memory_space<vmem>>, vector<1264x128xf32>
    %add3A_12 = arith.addf %add3A, %get3A_11 : vector<1264x128xf32>
    %get3A_13 = arith.constant 0 : index
    %get3A_14 = arith.constant 0 : index
    %get3A_15 = vector.load %arg2[%get3A_13, %get3A_14] : memref<1264x128xf32, #tpu.memory_space<vmem>>, vector<1264x128xf32>
    %mul3A = arith.mulf %get3A_15, %add3A_12 : vector<1264x128xf32>
    %get3A_16 = arith.constant 0 : index
    %get3A_17 = arith.constant 0 : index
    %get3A_18 = vector.load %arg3[%get3A_16, %get3A_17] : memref<1x16xf32, #tpu.memory_space<vmem>>, vector<1x16xf32>
    %tile3A = tpu.concatenate %get3A_18, %get3A_18, %get3A_18, %get3A_18, %get3A_18, %get3A_18, %get3A_18, %get3A_18 in 1 : vector<1x16xf32>, vector<1x16xf32>, vector<1x16xf32>, vector<1x16xf32>, vector<1x16xf32>, vector<1x16xf32>, vector<1x16xf32>, vector<1x16xf32> -> vector<1x128xf32>
    %add3A_19 = vector.broadcast %tile3A : vector<1x128xf32> to vector<1264x128xf32>
    %add3A_20 = arith.addf %mul3A, %add3A_19 : vector<1264x128xf32>
    %max3A = arith.constant 0.000000e+00 : f32
    %max3A_21 = vector.broadcast %max3A : f32 to vector<1264x128xf32>
    %max3A_22 = arith.maximumf %add3A_20, %max3A_21 : vector<1264x128xf32>
    %get3A_23 = arith.constant 0 : index
    %get3A_24 = arith.constant 0 : index
    %get3A_25 = vector.load %arg4[%get3A_23, %get3A_24] : memref<16x16xf32, #tpu.memory_space<vmem>>, vector<16x16xf32>
    %broadcast_in_dim3A = arith.constant 0.000000e+00 : f32
    %broadcast_in_dim3A_26 = vector.broadcast %broadcast_in_dim3A : f32 to vector<16x112xf32>
    %concatenate3A = tpu.concatenate %get3A_25, %broadcast_in_dim3A_26 in 1 : vector<16x16xf32>, vector<16x112xf32> -> vector<16x128xf32>
    %broadcast_in_dim3A_27 = arith.constant 0.000000e+00 : f32
    %broadcast_in_dim3A_28 = vector.broadcast %broadcast_in_dim3A_27 : f32 to vector<16x16xf32>
    %concatenate3A_29 = tpu.concatenate %broadcast_in_dim3A_28, %get3A_25 in 1 : vector<16x16xf32>, vector<16x16xf32> -> vector<16x32xf32>
    %broadcast_in_dim3A_30 = arith.constant 0.000000e+00 : f32
    %broadcast_in_dim3A_31 = vector.broadcast %broadcast_in_dim3A_30 : f32 to vector<16x96xf32>
    %concatenate3A_32 = tpu.concatenate %concatenate3A_29, %broadcast_in_dim3A_31 in 1 : vector<16x32xf32>, vector<16x96xf32> -> vector<16x128xf32>
    %broadcast_in_dim3A_33 = arith.constant 0.000000e+00 : f32
    %broadcast_in_dim3A_34 = vector.broadcast %broadcast_in_dim3A_33 : f32 to vector<16x32xf32>
    %concatenate3A_35 = tpu.concatenate %broadcast_in_dim3A_34, %get3A_25 in 1 : vector<16x32xf32>, vector<16x16xf32> -> vector<16x48xf32>
    %broadcast_in_dim3A_36 = arith.constant 0.000000e+00 : f32
    %broadcast_in_dim3A_37 = vector.broadcast %broadcast_in_dim3A_36 : f32 to vector<16x80xf32>
    %concatenate3A_38 = tpu.concatenate %concatenate3A_35, %broadcast_in_dim3A_37 in 1 : vector<16x48xf32>, vector<16x80xf32> -> vector<16x128xf32>
    %broadcast_in_dim3A_39 = arith.constant 0.000000e+00 : f32
    %broadcast_in_dim3A_40 = vector.broadcast %broadcast_in_dim3A_39 : f32 to vector<16x48xf32>
    %concatenate3A_41 = tpu.concatenate %broadcast_in_dim3A_40, %get3A_25 in 1 : vector<16x48xf32>, vector<16x16xf32> -> vector<16x64xf32>
    %broadcast_in_dim3A_42 = arith.constant 0.000000e+00 : f32
    %broadcast_in_dim3A_43 = vector.broadcast %broadcast_in_dim3A_42 : f32 to vector<16x64xf32>
    %concatenate3A_44 = tpu.concatenate %concatenate3A_41, %broadcast_in_dim3A_43 in 1 : vector<16x64xf32>, vector<16x64xf32> -> vector<16x128xf32>
    %broadcast_in_dim3A_45 = arith.constant 0.000000e+00 : f32
    %broadcast_in_dim3A_46 = vector.broadcast %broadcast_in_dim3A_45 : f32 to vector<16x64xf32>
    %concatenate3A_47 = tpu.concatenate %broadcast_in_dim3A_46, %get3A_25 in 1 : vector<16x64xf32>, vector<16x16xf32> -> vector<16x80xf32>
    %broadcast_in_dim3A_48 = arith.constant 0.000000e+00 : f32
    %broadcast_in_dim3A_49 = vector.broadcast %broadcast_in_dim3A_48 : f32 to vector<16x48xf32>
    %concatenate3A_50 = tpu.concatenate %concatenate3A_47, %broadcast_in_dim3A_49 in 1 : vector<16x80xf32>, vector<16x48xf32> -> vector<16x128xf32>
    %broadcast_in_dim3A_51 = arith.constant 0.000000e+00 : f32
    %broadcast_in_dim3A_52 = vector.broadcast %broadcast_in_dim3A_51 : f32 to vector<16x80xf32>
    %concatenate3A_53 = tpu.concatenate %broadcast_in_dim3A_52, %get3A_25 in 1 : vector<16x80xf32>, vector<16x16xf32> -> vector<16x96xf32>
    %broadcast_in_dim3A_54 = arith.constant 0.000000e+00 : f32
    %broadcast_in_dim3A_55 = vector.broadcast %broadcast_in_dim3A_54 : f32 to vector<16x32xf32>
    %concatenate3A_56 = tpu.concatenate %concatenate3A_53, %broadcast_in_dim3A_55 in 1 : vector<16x96xf32>, vector<16x32xf32> -> vector<16x128xf32>
    %broadcast_in_dim3A_57 = arith.constant 0.000000e+00 : f32
    %broadcast_in_dim3A_58 = vector.broadcast %broadcast_in_dim3A_57 : f32 to vector<16x96xf32>
    %concatenate3A_59 = tpu.concatenate %broadcast_in_dim3A_58, %get3A_25 in 1 : vector<16x96xf32>, vector<16x16xf32> -> vector<16x112xf32>
    %broadcast_in_dim3A_60 = arith.constant 0.000000e+00 : f32
    %broadcast_in_dim3A_61 = vector.broadcast %broadcast_in_dim3A_60 : f32 to vector<16x16xf32>
    %concatenate3A_62 = tpu.concatenate %concatenate3A_59, %broadcast_in_dim3A_61 in 1 : vector<16x112xf32>, vector<16x16xf32> -> vector<16x128xf32>
    %broadcast_in_dim3A_63 = arith.constant 0.000000e+00 : f32
    %broadcast_in_dim3A_64 = vector.broadcast %broadcast_in_dim3A_63 : f32 to vector<16x112xf32>
    %concatenate3A_65 = tpu.concatenate %broadcast_in_dim3A_64, %get3A_25 in 1 : vector<16x112xf32>, vector<16x16xf32> -> vector<16x128xf32>
    %concatenate3A_66 = tpu.concatenate %concatenate3A, %concatenate3A_32, %concatenate3A_38, %concatenate3A_44, %concatenate3A_50, %concatenate3A_56, %concatenate3A_62, %concatenate3A_65 in 0 : vector<16x128xf32>, vector<16x128xf32>, vector<16x128xf32>, vector<16x128xf32>, vector<16x128xf32>, vector<16x128xf32>, vector<16x128xf32>, vector<16x128xf32> -> vector<128x128xf32>
    %dot_general3A = arith.constant dense<0.000000e+00> : vector<1264x128xf32>
    %dot_general3A_67 = tpu.matmul %max3A_22, %concatenate3A_66, %dot_general3A {dimension_numbers = #tpu.dot_dimension_numbers<[1], [0], [0], [1], [0, 0, 1, 1], [], []>, transpose_lhs_hint = false} : vector<1264x128xf32>, vector<128x128xf32>, vector<1264x128xf32> -> vector<1264x128xf32>
    %get3A_68 = arith.constant 0 : index
    %get3A_69 = arith.constant 0 : index
    %get3A_70 = vector.load %arg5[%get3A_68, %get3A_69] : memref<1x16xf32, #tpu.memory_space<vmem>>, vector<1x16xf32>
    %tile3A_71 = tpu.concatenate %get3A_70, %get3A_70, %get3A_70, %get3A_70, %get3A_70, %get3A_70, %get3A_70, %get3A_70 in 1 : vector<1x16xf32>, vector<1x16xf32>, vector<1x16xf32>, vector<1x16xf32>, vector<1x16xf32>, vector<1x16xf32>, vector<1x16xf32>, vector<1x16xf32> -> vector<1x128xf32>
    %add3A_72 = vector.broadcast %tile3A_71 : vector<1x128xf32> to vector<1264x128xf32>
    %add3A_73 = arith.addf %dot_general3A_67, %add3A_72 : vector<1264x128xf32>
    %max3A_74 = arith.constant 0.000000e+00 : f32
    %max3A_75 = vector.broadcast %max3A_74 : f32 to vector<1264x128xf32>
    %max3A_76 = arith.maximumf %add3A_73, %max3A_75 : vector<1264x128xf32>
    %get3A_77 = arith.constant 0 : index
    %get3A_78 = arith.constant 0 : index
    %get3A_79 = vector.load %arg2[%get3A_77, %get3A_78] : memref<1264x128xf32, #tpu.memory_space<vmem>>, vector<1264x128xf32>
    %get3A_80 = arith.constant 0 : index
    %get3A_81 = arith.constant 0 : index
    %get3A_82 = vector.load %arg6[%get3A_80, %get3A_81] : memref<16x16xf32, #tpu.memory_space<vmem>>, vector<16x16xf32>
    %broadcast_in_dim3A_83 = arith.constant 0.000000e+00 : f32
    %broadcast_in_dim3A_84 = vector.broadcast %broadcast_in_dim3A_83 : f32 to vector<16x112xf32>
    %concatenate3A_85 = tpu.concatenate %get3A_82, %broadcast_in_dim3A_84 in 1 : vector<16x16xf32>, vector<16x112xf32> -> vector<16x128xf32>
    %broadcast_in_dim3A_86 = arith.constant 0.000000e+00 : f32
    %broadcast_in_dim3A_87 = vector.broadcast %broadcast_in_dim3A_86 : f32 to vector<16x16xf32>
    %concatenate3A_88 = tpu.concatenate %broadcast_in_dim3A_87, %get3A_82 in 1 : vector<16x16xf32>, vector<16x16xf32> -> vector<16x32xf32>
    %broadcast_in_dim3A_89 = arith.constant 0.000000e+00 : f32
    %broadcast_in_dim3A_90 = vector.broadcast %broadcast_in_dim3A_89 : f32 to vector<16x96xf32>
    %concatenate3A_91 = tpu.concatenate %concatenate3A_88, %broadcast_in_dim3A_90 in 1 : vector<16x32xf32>, vector<16x96xf32> -> vector<16x128xf32>
    %broadcast_in_dim3A_92 = arith.constant 0.000000e+00 : f32
    %broadcast_in_dim3A_93 = vector.broadcast %broadcast_in_dim3A_92 : f32 to vector<16x32xf32>
    %concatenate3A_94 = tpu.concatenate %broadcast_in_dim3A_93, %get3A_82 in 1 : vector<16x32xf32>, vector<16x16xf32> -> vector<16x48xf32>
    %broadcast_in_dim3A_95 = arith.constant 0.000000e+00 : f32
    %broadcast_in_dim3A_96 = vector.broadcast %broadcast_in_dim3A_95 : f32 to vector<16x80xf32>
    %concatenate3A_97 = tpu.concatenate %concatenate3A_94, %broadcast_in_dim3A_96 in 1 : vector<16x48xf32>, vector<16x80xf32> -> vector<16x128xf32>
    %broadcast_in_dim3A_98 = arith.constant 0.000000e+00 : f32
    %broadcast_in_dim3A_99 = vector.broadcast %broadcast_in_dim3A_98 : f32 to vector<16x48xf32>
    %concatenate3A_100 = tpu.concatenate %broadcast_in_dim3A_99, %get3A_82 in 1 : vector<16x48xf32>, vector<16x16xf32> -> vector<16x64xf32>
    %broadcast_in_dim3A_101 = arith.constant 0.000000e+00 : f32
    %broadcast_in_dim3A_102 = vector.broadcast %broadcast_in_dim3A_101 : f32 to vector<16x64xf32>
    %concatenate3A_103 = tpu.concatenate %concatenate3A_100, %broadcast_in_dim3A_102 in 1 : vector<16x64xf32>, vector<16x64xf32> -> vector<16x128xf32>
    %broadcast_in_dim3A_104 = arith.constant 0.000000e+00 : f32
    %broadcast_in_dim3A_105 = vector.broadcast %broadcast_in_dim3A_104 : f32 to vector<16x64xf32>
    %concatenate3A_106 = tpu.concatenate %broadcast_in_dim3A_105, %get3A_82 in 1 : vector<16x64xf32>, vector<16x16xf32> -> vector<16x80xf32>
    %broadcast_in_dim3A_107 = arith.constant 0.000000e+00 : f32
    %broadcast_in_dim3A_108 = vector.broadcast %broadcast_in_dim3A_107 : f32 to vector<16x48xf32>
    %concatenate3A_109 = tpu.concatenate %concatenate3A_106, %broadcast_in_dim3A_108 in 1 : vector<16x80xf32>, vector<16x48xf32> -> vector<16x128xf32>
    %broadcast_in_dim3A_110 = arith.constant 0.000000e+00 : f32
    %broadcast_in_dim3A_111 = vector.broadcast %broadcast_in_dim3A_110 : f32 to vector<16x80xf32>
    %concatenate3A_112 = tpu.concatenate %broadcast_in_dim3A_111, %get3A_82 in 1 : vector<16x80xf32>, vector<16x16xf32> -> vector<16x96xf32>
    %broadcast_in_dim3A_113 = arith.constant 0.000000e+00 : f32
    %broadcast_in_dim3A_114 = vector.broadcast %broadcast_in_dim3A_113 : f32 to vector<16x32xf32>
    %concatenate3A_115 = tpu.concatenate %concatenate3A_112, %broadcast_in_dim3A_114 in 1 : vector<16x96xf32>, vector<16x32xf32> -> vector<16x128xf32>
    %broadcast_in_dim3A_116 = arith.constant 0.000000e+00 : f32
    %broadcast_in_dim3A_117 = vector.broadcast %broadcast_in_dim3A_116 : f32 to vector<16x96xf32>
    %concatenate3A_118 = tpu.concatenate %broadcast_in_dim3A_117, %get3A_82 in 1 : vector<16x96xf32>, vector<16x16xf32> -> vector<16x112xf32>
    %broadcast_in_dim3A_119 = arith.constant 0.000000e+00 : f32
    %broadcast_in_dim3A_120 = vector.broadcast %broadcast_in_dim3A_119 : f32 to vector<16x16xf32>
    %concatenate3A_121 = tpu.concatenate %concatenate3A_118, %broadcast_in_dim3A_120 in 1 : vector<16x112xf32>, vector<16x16xf32> -> vector<16x128xf32>
    %broadcast_in_dim3A_122 = arith.constant 0.000000e+00 : f32
    %broadcast_in_dim3A_123 = vector.broadcast %broadcast_in_dim3A_122 : f32 to vector<16x112xf32>
    %concatenate3A_124 = tpu.concatenate %broadcast_in_dim3A_123, %get3A_82 in 1 : vector<16x112xf32>, vector<16x16xf32> -> vector<16x128xf32>
    %concatenate3A_125 = tpu.concatenate %concatenate3A_85, %concatenate3A_91, %concatenate3A_97, %concatenate3A_103, %concatenate3A_109, %concatenate3A_115, %concatenate3A_121, %concatenate3A_124 in 0 : vector<16x128xf32>, vector<16x128xf32>, vector<16x128xf32>, vector<16x128xf32>, vector<16x128xf32>, vector<16x128xf32>, vector<16x128xf32>, vector<16x128xf32> -> vector<128x128xf32>
    %dot_general3A_126 = arith.constant dense<0.000000e+00> : vector<1264x128xf32>
    %dot_general3A_127 = tpu.matmul %max3A_76, %concatenate3A_125, %dot_general3A_126 {dimension_numbers = #tpu.dot_dimension_numbers<[1], [0], [0], [1], [0, 0, 1, 1], [], []>, transpose_lhs_hint = false} : vector<1264x128xf32>, vector<128x128xf32>, vector<1264x128xf32> -> vector<1264x128xf32>
    %mul3A_128 = arith.mulf %get3A_79, %dot_general3A_127 : vector<1264x128xf32>
    %swap3A = arith.constant 0 : index
    %swap3A_129 = arith.constant 0 : index
    %swap3A_130 = vector.load %arg7[%swap3A, %swap3A_129] : memref<1264x128xf32, #tpu.memory_space<vmem>>, vector<1264x128xf32>
    tpu.vector_store %arg7[%swap3A, %swap3A_129], %mul3A_128 {strides = array<i32>} : memref<1264x128xf32, #tpu.memory_space<vmem>>, vector<1264x128xf32>,
    return
  }
}

module attributes {stable_mosaic.version = 14 : i64} {
  func.func @_k3_body(%arg0: memref<2x1264x128xf32, #tpu.memory_space<vmem>>, %arg1: memref<1264x128xf32, #tpu.memory_space<vmem>>, %arg2: memref<1264x128xf32, #tpu.memory_space<vmem>>, %arg3: memref<1x16xf32, #tpu.memory_space<vmem>>, %arg4: memref<16x16xf32, #tpu.memory_space<vmem>>, %arg5: memref<1264x128xf32, #tpu.memory_space<vmem>>) attributes {dimension_semantics = [], scalar_prefetch = 0 : i64, scratch_operands = 0 : i64, tpu.core_type = #tpu.core_type<tc>} {
    %get3A = arith.constant 0 : index
    %get3A_0 = arith.constant 0 : index
    %get3A_1 = arith.constant 0 : index
    %get3A_2 = vector.load %arg0[%get3A, %get3A_0, %get3A_1] : memref<2x1264x128xf32, #tpu.memory_space<vmem>>, vector<1x1264x128xf32>
    %get3A_3 = vector.shape_cast %get3A_2 : vector<1x1264x128xf32> to vector<1264x128xf32>
    %get3A_4 = arith.constant 1 : index
    %get3A_5 = arith.constant 0 : index
    %get3A_6 = arith.constant 0 : index
    %get3A_7 = vector.load %arg0[%get3A_4, %get3A_5, %get3A_6] : memref<2x1264x128xf32, #tpu.memory_space<vmem>>, vector<1x1264x128xf32>
    %get3A_8 = vector.shape_cast %get3A_7 : vector<1x1264x128xf32> to vector<1264x128xf32>
    %add3A = arith.addf %get3A_3, %get3A_8 : vector<1264x128xf32>
    %get3A_9 = arith.constant 0 : index
    %get3A_10 = arith.constant 0 : index
    %get3A_11 = vector.load %arg1[%get3A_9, %get3A_10] : memref<1264x128xf32, #tpu.memory_space<vmem>>, vector<1264x128xf32>
    %add3A_12 = arith.addf %add3A, %get3A_11 : vector<1264x128xf32>
    %get3A_13 = arith.constant 0 : index
    %get3A_14 = arith.constant 0 : index
    %get3A_15 = vector.load %arg2[%get3A_13, %get3A_14] : memref<1264x128xf32, #tpu.memory_space<vmem>>, vector<1264x128xf32>
    %mul3A = arith.mulf %get3A_15, %add3A_12 : vector<1264x128xf32>
    %get3A_16 = arith.constant 0 : index
    %get3A_17 = arith.constant 0 : index
    %get3A_18 = vector.load %arg3[%get3A_16, %get3A_17] : memref<1x16xf32, #tpu.memory_space<vmem>>, vector<1x16xf32>
    %tile3A = tpu.concatenate %get3A_18, %get3A_18, %get3A_18, %get3A_18, %get3A_18, %get3A_18, %get3A_18, %get3A_18 in 1 : vector<1x16xf32>, vector<1x16xf32>, vector<1x16xf32>, vector<1x16xf32>, vector<1x16xf32>, vector<1x16xf32>, vector<1x16xf32>, vector<1x16xf32> -> vector<1x128xf32>
    %add3A_19 = vector.broadcast %tile3A : vector<1x128xf32> to vector<1264x128xf32>
    %add3A_20 = arith.addf %mul3A, %add3A_19 : vector<1264x128xf32>
    %max3A = arith.constant 0.000000e+00 : f32
    %max3A_21 = vector.broadcast %max3A : f32 to vector<1264x128xf32>
    %max3A_22 = arith.maximumf %add3A_20, %max3A_21 : vector<1264x128xf32>
    %get3A_23 = arith.constant 0 : index
    %get3A_24 = arith.constant 0 : index
    %get3A_25 = vector.load %arg2[%get3A_23, %get3A_24] : memref<1264x128xf32, #tpu.memory_space<vmem>>, vector<1264x128xf32>
    %get3A_26 = arith.constant 0 : index
    %get3A_27 = arith.constant 0 : index
    %get3A_28 = vector.load %arg4[%get3A_26, %get3A_27] : memref<16x16xf32, #tpu.memory_space<vmem>>, vector<16x16xf32>
    %broadcast_in_dim3A = arith.constant 0.000000e+00 : f32
    %broadcast_in_dim3A_29 = vector.broadcast %broadcast_in_dim3A : f32 to vector<16x112xf32>
    %concatenate3A = tpu.concatenate %get3A_28, %broadcast_in_dim3A_29 in 1 : vector<16x16xf32>, vector<16x112xf32> -> vector<16x128xf32>
    %broadcast_in_dim3A_30 = arith.constant 0.000000e+00 : f32
    %broadcast_in_dim3A_31 = vector.broadcast %broadcast_in_dim3A_30 : f32 to vector<16x16xf32>
    %concatenate3A_32 = tpu.concatenate %broadcast_in_dim3A_31, %get3A_28 in 1 : vector<16x16xf32>, vector<16x16xf32> -> vector<16x32xf32>
    %broadcast_in_dim3A_33 = arith.constant 0.000000e+00 : f32
    %broadcast_in_dim3A_34 = vector.broadcast %broadcast_in_dim3A_33 : f32 to vector<16x96xf32>
    %concatenate3A_35 = tpu.concatenate %concatenate3A_32, %broadcast_in_dim3A_34 in 1 : vector<16x32xf32>, vector<16x96xf32> -> vector<16x128xf32>
    %broadcast_in_dim3A_36 = arith.constant 0.000000e+00 : f32
    %broadcast_in_dim3A_37 = vector.broadcast %broadcast_in_dim3A_36 : f32 to vector<16x32xf32>
    %concatenate3A_38 = tpu.concatenate %broadcast_in_dim3A_37, %get3A_28 in 1 : vector<16x32xf32>, vector<16x16xf32> -> vector<16x48xf32>
    %broadcast_in_dim3A_39 = arith.constant 0.000000e+00 : f32
    %broadcast_in_dim3A_40 = vector.broadcast %broadcast_in_dim3A_39 : f32 to vector<16x80xf32>
    %concatenate3A_41 = tpu.concatenate %concatenate3A_38, %broadcast_in_dim3A_40 in 1 : vector<16x48xf32>, vector<16x80xf32> -> vector<16x128xf32>
    %broadcast_in_dim3A_42 = arith.constant 0.000000e+00 : f32
    %broadcast_in_dim3A_43 = vector.broadcast %broadcast_in_dim3A_42 : f32 to vector<16x48xf32>
    %concatenate3A_44 = tpu.concatenate %broadcast_in_dim3A_43, %get3A_28 in 1 : vector<16x48xf32>, vector<16x16xf32> -> vector<16x64xf32>
    %broadcast_in_dim3A_45 = arith.constant 0.000000e+00 : f32
    %broadcast_in_dim3A_46 = vector.broadcast %broadcast_in_dim3A_45 : f32 to vector<16x64xf32>
    %concatenate3A_47 = tpu.concatenate %concatenate3A_44, %broadcast_in_dim3A_46 in 1 : vector<16x64xf32>, vector<16x64xf32> -> vector<16x128xf32>
    %broadcast_in_dim3A_48 = arith.constant 0.000000e+00 : f32
    %broadcast_in_dim3A_49 = vector.broadcast %broadcast_in_dim3A_48 : f32 to vector<16x64xf32>
    %concatenate3A_50 = tpu.concatenate %broadcast_in_dim3A_49, %get3A_28 in 1 : vector<16x64xf32>, vector<16x16xf32> -> vector<16x80xf32>
    %broadcast_in_dim3A_51 = arith.constant 0.000000e+00 : f32
    %broadcast_in_dim3A_52 = vector.broadcast %broadcast_in_dim3A_51 : f32 to vector<16x48xf32>
    %concatenate3A_53 = tpu.concatenate %concatenate3A_50, %broadcast_in_dim3A_52 in 1 : vector<16x80xf32>, vector<16x48xf32> -> vector<16x128xf32>
    %broadcast_in_dim3A_54 = arith.constant 0.000000e+00 : f32
    %broadcast_in_dim3A_55 = vector.broadcast %broadcast_in_dim3A_54 : f32 to vector<16x80xf32>
    %concatenate3A_56 = tpu.concatenate %broadcast_in_dim3A_55, %get3A_28 in 1 : vector<16x80xf32>, vector<16x16xf32> -> vector<16x96xf32>
    %broadcast_in_dim3A_57 = arith.constant 0.000000e+00 : f32
    %broadcast_in_dim3A_58 = vector.broadcast %broadcast_in_dim3A_57 : f32 to vector<16x32xf32>
    %concatenate3A_59 = tpu.concatenate %concatenate3A_56, %broadcast_in_dim3A_58 in 1 : vector<16x96xf32>, vector<16x32xf32> -> vector<16x128xf32>
    %broadcast_in_dim3A_60 = arith.constant 0.000000e+00 : f32
    %broadcast_in_dim3A_61 = vector.broadcast %broadcast_in_dim3A_60 : f32 to vector<16x96xf32>
    %concatenate3A_62 = tpu.concatenate %broadcast_in_dim3A_61, %get3A_28 in 1 : vector<16x96xf32>, vector<16x16xf32> -> vector<16x112xf32>
    %broadcast_in_dim3A_63 = arith.constant 0.000000e+00 : f32
    %broadcast_in_dim3A_64 = vector.broadcast %broadcast_in_dim3A_63 : f32 to vector<16x16xf32>
    %concatenate3A_65 = tpu.concatenate %concatenate3A_62, %broadcast_in_dim3A_64 in 1 : vector<16x112xf32>, vector<16x16xf32> -> vector<16x128xf32>
    %broadcast_in_dim3A_66 = arith.constant 0.000000e+00 : f32
    %broadcast_in_dim3A_67 = vector.broadcast %broadcast_in_dim3A_66 : f32 to vector<16x112xf32>
    %concatenate3A_68 = tpu.concatenate %broadcast_in_dim3A_67, %get3A_28 in 1 : vector<16x112xf32>, vector<16x16xf32> -> vector<16x128xf32>
    %concatenate3A_69 = tpu.concatenate %concatenate3A, %concatenate3A_35, %concatenate3A_41, %concatenate3A_47, %concatenate3A_53, %concatenate3A_59, %concatenate3A_65, %concatenate3A_68 in 0 : vector<16x128xf32>, vector<16x128xf32>, vector<16x128xf32>, vector<16x128xf32>, vector<16x128xf32>, vector<16x128xf32>, vector<16x128xf32>, vector<16x128xf32> -> vector<128x128xf32>
    %dot_general3A = arith.constant dense<0.000000e+00> : vector<1264x128xf32>
    %dot_general3A_70 = tpu.matmul %max3A_22, %concatenate3A_69, %dot_general3A {dimension_numbers = #tpu.dot_dimension_numbers<[1], [0], [0], [1], [0, 0, 1, 1], [], []>, transpose_lhs_hint = false} : vector<1264x128xf32>, vector<128x128xf32>, vector<1264x128xf32> -> vector<1264x128xf32>
    %mul3A_71 = arith.mulf %get3A_25, %dot_general3A_70 : vector<1264x128xf32>
    %swap3A = arith.constant 0 : index
    %swap3A_72 = arith.constant 0 : index
    %swap3A_73 = vector.load %arg5[%swap3A, %swap3A_72] : memref<1264x128xf32, #tpu.memory_space<vmem>>, vector<1264x128xf32>
    tpu.vector_store %arg5[%swap3A, %swap3A_72], %mul3A_71 {strides = array<i32>} : memref<1264x128xf32, #tpu.memory_space<vmem>>, vector<1264x128xf32>,
    return
  }
}

module attributes {stable_mosaic.version = 14 : i64} {
  func.func @_k4_body(%arg0: memref<2x1264x128xf32, #tpu.memory_space<vmem>>, %arg1: memref<1264x128xf32, #tpu.memory_space<vmem>>, %arg2: memref<1264x128xf32, #tpu.memory_space<vmem>>, %arg3: memref<1x16xf32, #tpu.memory_space<vmem>>, %arg4: memref<8x1264xi32, #tpu.memory_space<vmem>>, %arg5: memref<16x1xf32, #tpu.memory_space<vmem>>, %arg6: memref<1x1xf32, #tpu.memory_space<vmem>>, %arg7: memref<32x1xf32, #tpu.memory_space<vmem>>) attributes {dimension_semantics = [], scalar_prefetch = 0 : i64, scratch_operands = 0 : i64, tpu.core_type = #tpu.core_type<tc>} {
    %get3A = arith.constant 0 : index
    %get3A_0 = arith.constant 0 : index
    %get3A_1 = arith.constant 0 : index
    %get3A_2 = vector.load %arg0[%get3A, %get3A_0, %get3A_1] : memref<2x1264x128xf32, #tpu.memory_space<vmem>>, vector<1x1264x128xf32>
    %get3A_3 = vector.shape_cast %get3A_2 : vector<1x1264x128xf32> to vector<1264x128xf32>
    %get3A_4 = arith.constant 1 : index
    %get3A_5 = arith.constant 0 : index
    %get3A_6 = arith.constant 0 : index
    %get3A_7 = vector.load %arg0[%get3A_4, %get3A_5, %get3A_6] : memref<2x1264x128xf32, #tpu.memory_space<vmem>>, vector<1x1264x128xf32>
    %get3A_8 = vector.shape_cast %get3A_7 : vector<1x1264x128xf32> to vector<1264x128xf32>
    %add3A = arith.addf %get3A_3, %get3A_8 : vector<1264x128xf32>
    %get3A_9 = arith.constant 0 : index
    %get3A_10 = arith.constant 0 : index
    %get3A_11 = vector.load %arg1[%get3A_9, %get3A_10] : memref<1264x128xf32, #tpu.memory_space<vmem>>, vector<1264x128xf32>
    %add3A_12 = arith.addf %add3A, %get3A_11 : vector<1264x128xf32>
    %get3A_13 = arith.constant 0 : index
    %get3A_14 = arith.constant 0 : index
    %get3A_15 = vector.load %arg2[%get3A_13, %get3A_14] : memref<1264x128xf32, #tpu.memory_space<vmem>>, vector<1264x128xf32>
    %mul3A = arith.mulf %get3A_15, %add3A_12 : vector<1264x128xf32>
    %get3A_16 = arith.constant 0 : index
    %get3A_17 = arith.constant 0 : index
    %get3A_18 = vector.load %arg3[%get3A_16, %get3A_17] : memref<1x16xf32, #tpu.memory_space<vmem>>, vector<1x16xf32>
    %tile3A = tpu.concatenate %get3A_18, %get3A_18, %get3A_18, %get3A_18, %get3A_18, %get3A_18, %get3A_18, %get3A_18 in 1 : vector<1x16xf32>, vector<1x16xf32>, vector<1x16xf32>, vector<1x16xf32>, vector<1x16xf32>, vector<1x16xf32>, vector<1x16xf32>, vector<1x16xf32> -> vector<1x128xf32>
    %add3A_19 = vector.broadcast %tile3A : vector<1x128xf32> to vector<1264x128xf32>
    %add3A_20 = arith.addf %mul3A, %add3A_19 : vector<1264x128xf32>
    %max3A = arith.constant 0.000000e+00 : f32
    %max3A_21 = vector.broadcast %max3A : f32 to vector<1264x128xf32>
    %max3A_22 = arith.maximumf %add3A_20, %max3A_21 : vector<1264x128xf32>
    %get3A_23 = arith.constant 0 : index
    %get3A_24 = arith.constant 0 : index
    %get3A_25 = vector.load %arg4[%get3A_23, %get3A_24] : memref<8x1264xi32, #tpu.memory_space<vmem>>, vector<8x1264xi32>
    %iota3A = tpu.iota {dimensions = array<i32: 0>} : vector<256x1xi32>
    %jit3A = arith.constant 8 : i32
    %div3A = vector.broadcast %jit3A : i32 to vector<256x1xi32>
    %div3A_26 = arith.divsi %iota3A, %div3A : vector<256x1xi32>
    %sign3A = arith.constant 0 : i32
    %sign3A_27 = vector.broadcast %sign3A : i32 to vector<256x1xi32>
    %sign3A_28 = arith.cmpi sgt, %iota3A, %sign3A_27 : vector<256x1xi32>
    %sign3A_29 = arith.extui %sign3A_28 : vector<256x1xi1> to vector<256x1xi32>
    %sign3A_30 = arith.constant 0 : i32
    %sign3A_31 = vector.broadcast %sign3A_30 : i32 to vector<256x1xi32>
    %sign3A_32 = arith.cmpi slt, %iota3A, %sign3A_31 : vector<256x1xi32>
    %sign3A_33 = arith.extui %sign3A_32 : vector<256x1xi1> to vector<256x1xi32>
    %sign3A_34 = arith.subi %sign3A_29, %sign3A_33 : vector<256x1xi32>
    %sign3A_35 = arith.constant 0 : i32
    %sign3A_36 = arith.cmpi sgt, %jit3A, %sign3A_35 : i32
    %sign3A_37 = arith.extui %sign3A_36 : i1 to i32
    %sign3A_38 = arith.constant 0 : i32
    %sign3A_39 = arith.cmpi slt, %jit3A, %sign3A_38 : i32
    %sign3A_40 = arith.extui %sign3A_39 : i1 to i32
    %sign3A_41 = arith.subi %sign3A_37, %sign3A_40 : i32
    %ne3A = vector.broadcast %sign3A_41 : i32 to vector<256x1xi32>
    %ne3A_42 = arith.cmpi ne, %sign3A_34, %ne3A : vector<256x1xi32>
    %rem3A = vector.broadcast %jit3A : i32 to vector<256x1xi32>
    %rem3A_43 = arith.remsi %iota3A, %rem3A : vector<256x1xi32>
    %ne3A_44 = arith.constant 0 : i32
    %ne3A_45 = vector.broadcast %ne3A_44 : i32 to vector<256x1xi32>
    %ne3A_46 = arith.cmpi ne, %rem3A_43, %ne3A_45 : vector<256x1xi32>
    %and3A = arith.andi %ne3A_42, %ne3A_46 : vector<256x1xi1>
    %sub3A = arith.constant 1 : i32
    %sub3A_47 = vector.broadcast %sub3A : i32 to vector<256x1xi32>
    %sub3A_48 = arith.subi %div3A_26, %sub3A_47 : vector<256x1xi32>
    %select_n3A = arith.select %and3A, %sub3A_48, %div3A_26 : vector<256x1xi1>, vector<256x1xi32>
    %tile3A_49 = tpu.concatenate %get3A_25, %get3A_25, %get3A_25, %get3A_25, %get3A_25, %get3A_25, %get3A_25, %get3A_25, %get3A_25, %get3A_25, %get3A_25, %get3A_25, %get3A_25, %get3A_25, %get3A_25, %get3A_25, %get3A_25, %get3A_25, %get3A_25, %get3A_25, %get3A_25, %get3A_25, %get3A_25, %get3A_25, %get3A_25, %get3A_25, %get3A_25, %get3A_25, %get3A_25, %get3A_25, %get3A_25, %get3A_25 in 0 : vector<8x1264xi32>, vector<8x1264xi32>, vector<8x1264xi32>, vector<8x1264xi32>, vector<8x1264xi32>, vector<8x1264xi32>, vector<8x1264xi32>, vector<8x1264xi32>, vector<8x1264xi32>, vector<8x1264xi32>, vector<8x1264xi32>, vector<8x1264xi32>, vector<8x1264xi32>, vector<8x1264xi32>, vector<8x1264xi32>, vector<8x1264xi32>, vector<8x1264xi32>, vector<8x1264xi32>, vector<8x1264xi32>, vector<8x1264xi32>, vector<8x1264xi32>, vector<8x1264xi32>, vector<8x1264xi32>, vector<8x1264xi32>, vector<8x1264xi32>, vector<8x1264xi32>, vector<8x1264xi32>, vector<8x1264xi32>, vector<8x1264xi32>, vector<8x1264xi32>, vector<8x1264xi32>, vector<8x1264xi32> -> vector<256x1264xi32>
    %eq3A = vector.broadcast %select_n3A : vector<256x1xi32> to vector<256x1264xi32>
    %eq3A_50 = arith.cmpi eq, %tile3A_49, %eq3A : vector<256x1264xi32>
    %convert_element_type3A = arith.extui %eq3A_50 : vector<256x1264xi1> to vector<256x1264xi32>
    %convert_element_type3A_51 = arith.sitofp %convert_element_type3A : vector<256x1264xi32> to vector<256x1264xf32>
    %dot_general3A = arith.constant dense<0.000000e+00> : vector<256x128xf32>
    %dot_general3A_52 = tpu.matmul %convert_element_type3A_51, %max3A_22, %dot_general3A {dimension_numbers = #tpu.dot_dimension_numbers<[1], [0], [0], [1], [0, 0, 1, 1], [], []>, precision = #tpu.contract_precision<fp32>, transpose_lhs_hint = false} : vector<256x1264xf32>, vector<1264x128xf32>, vector<256x128xf32> -> vector<256x128xf32>
    %iota3A_53 = tpu.iota {dimensions = array<i32: 0>} : vector<256x128xi32>
    %jit3A_54 = arith.constant 8 : i32
    %eq3A_55 = arith.constant 0 : i32
    %eq3A_56 = arith.cmpi eq, %jit3A_54, %eq3A_55 : i32
    %jit3A_57 = arith.constant 1 : i32
    %select_n3A_58 = arith.select %eq3A_56, %jit3A_57, %jit3A_54 : i32
    %rem3A_59 = vector.broadcast %select_n3A_58 : i32 to vector<256x128xi32>
    %rem3A_60 = arith.remsi %iota3A_53, %rem3A_59 : vector<256x128xi32>
    %ne3A_61 = arith.constant 0 : i32
    %ne3A_62 = vector.broadcast %ne3A_61 : i32 to vector<256x128xi32>
    %ne3A_63 = arith.cmpi ne, %rem3A_60, %ne3A_62 : vector<256x128xi32>
    %lt3A = arith.constant 0 : i32
    %lt3A_64 = vector.broadcast %lt3A : i32 to vector<256x128xi32>
    %lt3A_65 = arith.cmpi slt, %rem3A_60, %lt3A_64 : vector<256x128xi32>
    %lt3A_66 = arith.constant 0 : i32
    %lt3A_67 = arith.cmpi slt, %select_n3A_58, %lt3A_66 : i32
    %ne3A_68 = vector.broadcast %lt3A_67 : i1 to vector<256x128xi1>
    %ne3A_69 = vector.broadcast %ne3A_68 : vector<256x128xi1> to vector<256x128xi1>
    %ne3A_70 = arith.xori %lt3A_65, %ne3A_69 : vector<256x128xi1>
    %and3A_71 = arith.andi %ne3A_70, %ne3A_63 : vector<256x128xi1>
    %add3A_72 = vector.broadcast %select_n3A_58 : i32 to vector<256x128xi32>
    %add3A_73 = arith.addi %rem3A_60, %add3A_72 : vector<256x128xi32>
    %select_n3A_74 = arith.select %and3A_71, %add3A_73, %rem3A_60 : vector<256x128xi1>, vector<256x128xi32>
    %iota3A_75 = tpu.iota {dimensions = array<i32: 1>} : vector<256x128xi32>
    %jit3A_76 = arith.constant 16 : i32
    %div3A_77 = vector.broadcast %jit3A_76 : i32 to vector<256x128xi32>
    %div3A_78 = arith.divsi %iota3A_75, %div3A_77 : vector<256x128xi32>
    %sign3A_79 = arith.constant 0 : i32
    %sign3A_80 = vector.broadcast %sign3A_79 : i32 to vector<256x128xi32>
    %sign3A_81 = arith.cmpi sgt, %iota3A_75, %sign3A_80 : vector<256x128xi32>
    %sign3A_82 = arith.extui %sign3A_81 : vector<256x128xi1> to vector<256x128xi32>
    %sign3A_83 = arith.constant 0 : i32
    %sign3A_84 = vector.broadcast %sign3A_83 : i32 to vector<256x128xi32>
    %sign3A_85 = arith.cmpi slt, %iota3A_75, %sign3A_84 : vector<256x128xi32>
    %sign3A_86 = arith.extui %sign3A_85 : vector<256x128xi1> to vector<256x128xi32>
    %sign3A_87 = arith.subi %sign3A_82, %sign3A_86 : vector<256x128xi32>
    %sign3A_88 = arith.constant 0 : i32
    %sign3A_89 = arith.cmpi sgt, %jit3A_76, %sign3A_88 : i32
    %sign3A_90 = arith.extui %sign3A_89 : i1 to i32
    %sign3A_91 = arith.constant 0 : i32
    %sign3A_92 = arith.cmpi slt, %jit3A_76, %sign3A_91 : i32
    %sign3A_93 = arith.extui %sign3A_92 : i1 to i32
    %sign3A_94 = arith.subi %sign3A_90, %sign3A_93 : i32
    %ne3A_95 = vector.broadcast %sign3A_94 : i32 to vector<256x128xi32>
    %ne3A_96 = arith.cmpi ne, %sign3A_87, %ne3A_95 : vector<256x128xi32>
    %rem3A_97 = vector.broadcast %jit3A_76 : i32 to vector<256x128xi32>
    %rem3A_98 = arith.remsi %iota3A_75, %rem3A_97 : vector<256x128xi32>
    %ne3A_99 = arith.constant 0 : i32
    %ne3A_100 = vector.broadcast %ne3A_99 : i32 to vector<256x128xi32>
    %ne3A_101 = arith.cmpi ne, %rem3A_98, %ne3A_100 : vector<256x128xi32>
    %and3A_102 = arith.andi %ne3A_96, %ne3A_101 : vector<256x128xi1>
    %sub3A_103 = arith.constant 1 : i32
    %sub3A_104 = vector.broadcast %sub3A_103 : i32 to vector<256x128xi32>
    %sub3A_105 = arith.subi %div3A_78, %sub3A_104 : vector<256x128xi32>
    %select_n3A_106 = arith.select %and3A_102, %sub3A_105, %div3A_78 : vector<256x128xi1>, vector<256x128xi32>
    %eq3A_107 = arith.cmpi eq, %select_n3A_74, %select_n3A_106 : vector<256x128xi32>
    %jit3A_108 = arith.constant 0.000000e+00 : f32
    %broadcast_in_dim3A = vector.broadcast %jit3A_108 : f32 to vector<256x128xf32>
    %select_n3A_109 = arith.select %eq3A_107, %dot_general3A_52, %broadcast_in_dim3A : vector<256x128xi1>, vector<256x128xf32>
    %iota3A_110 = tpu.iota {dimensions = array<i32: 1>} : vector<32x256xi32>
    %jit3A_111 = arith.constant 8 : i32
    %div3A_112 = vector.broadcast %jit3A_111 : i32 to vector<32x256xi32>
    %div3A_113 = arith.divsi %iota3A_110, %div3A_112 : vector<32x256xi32>
    %sign3A_114 = arith.constant 0 : i32
    %sign3A_115 = vector.broadcast %sign3A_114 : i32 to vector<32x256xi32>
    %sign3A_116 = arith.cmpi sgt, %iota3A_110, %sign3A_115 : vector<32x256xi32>
    %sign3A_117 = arith.extui %sign3A_116 : vector<32x256xi1> to vector<32x256xi32>
    %sign3A_118 = arith.constant 0 : i32
    %sign3A_119 = vector.broadcast %sign3A_118 : i32 to vector<32x256xi32>
    %sign3A_120 = arith.cmpi slt, %iota3A_110, %sign3A_119 : vector<32x256xi32>
    %sign3A_121 = arith.extui %sign3A_120 : vector<32x256xi1> to vector<32x256xi32>
    %sign3A_122 = arith.subi %sign3A_117, %sign3A_121 : vector<32x256xi32>
    %sign3A_123 = arith.constant 0 : i32
    %sign3A_124 = arith.cmpi sgt, %jit3A_111, %sign3A_123 : i32
    %sign3A_125 = arith.extui %sign3A_124 : i1 to i32
    %sign3A_126 = arith.constant 0 : i32
    %sign3A_127 = arith.cmpi slt, %jit3A_111, %sign3A_126 : i32
    %sign3A_128 = arith.extui %sign3A_127 : i1 to i32
    %sign3A_129 = arith.subi %sign3A_125, %sign3A_128 : i32
    %ne3A_130 = vector.broadcast %sign3A_129 : i32 to vector<32x256xi32>
    %ne3A_131 = arith.cmpi ne, %sign3A_122, %ne3A_130 : vector<32x256xi32>
    %rem3A_132 = vector.broadcast %jit3A_111 : i32 to vector<32x256xi32>
    %rem3A_133 = arith.remsi %iota3A_110, %rem3A_132 : vector<32x256xi32>
    %ne3A_134 = arith.constant 0 : i32
    %ne3A_135 = vector.broadcast %ne3A_134 : i32 to vector<32x256xi32>
    %ne3A_136 = arith.cmpi ne, %rem3A_133, %ne3A_135 : vector<32x256xi32>
    %and3A_137 = arith.andi %ne3A_131, %ne3A_136 : vector<32x256xi1>
    %sub3A_138 = arith.constant 1 : i32
    %sub3A_139 = vector.broadcast %sub3A_138 : i32 to vector<32x256xi32>
    %sub3A_140 = arith.subi %div3A_113, %sub3A_139 : vector<32x256xi32>
    %select_n3A_141 = arith.select %and3A_137, %sub3A_140, %div3A_113 : vector<32x256xi1>, vector<32x256xi32>
    %iota3A_142 = tpu.iota {dimensions = array<i32: 0>} : vector<32x256xi32>
    %eq3A_143 = arith.cmpi eq, %select_n3A_141, %iota3A_142 : vector<32x256xi32>
    %convert_element_type3A_144 = arith.extui %eq3A_143 : vector<32x256xi1> to vector<32x256xi32>
    %convert_element_type3A_145 = arith.sitofp %convert_element_type3A_144 : vector<32x256xi32> to vector<32x256xf32>
    %iota3A_146 = tpu.iota {dimensions = array<i32: 0>} : vector<128x16xi32>
    %jit3A_147 = arith.constant 16 : i32
    %eq3A_148 = arith.constant 0 : i32
    %eq3A_149 = arith.cmpi eq, %jit3A_147, %eq3A_148 : i32
    %jit3A_150 = arith.constant 1 : i32
    %select_n3A_151 = arith.select %eq3A_149, %jit3A_150, %jit3A_147 : i32
    %rem3A_152 = vector.broadcast %select_n3A_151 : i32 to vector<128x16xi32>
    %rem3A_153 = arith.remsi %iota3A_146, %rem3A_152 : vector<128x16xi32>
    %ne3A_154 = arith.constant 0 : i32
    %ne3A_155 = vector.broadcast %ne3A_154 : i32 to vector<128x16xi32>
    %ne3A_156 = arith.cmpi ne, %rem3A_153, %ne3A_155 : vector<128x16xi32>
    %lt3A_157 = arith.constant 0 : i32
    %lt3A_158 = vector.broadcast %lt3A_157 : i32 to vector<128x16xi32>
    %lt3A_159 = arith.cmpi slt, %rem3A_153, %lt3A_158 : vector<128x16xi32>
    %lt3A_160 = arith.constant 0 : i32
    %lt3A_161 = arith.cmpi slt, %select_n3A_151, %lt3A_160 : i32
    %ne3A_162 = vector.broadcast %lt3A_161 : i1 to vector<128x16xi1>
    %ne3A_163 = vector.broadcast %ne3A_162 : vector<128x16xi1> to vector<128x16xi1>
    %ne3A_164 = arith.xori %lt3A_159, %ne3A_163 : vector<128x16xi1>
    %and3A_165 = arith.andi %ne3A_164, %ne3A_156 : vector<128x16xi1>
    %add3A_166 = vector.broadcast %select_n3A_151 : i32 to vector<128x16xi32>
    %add3A_167 = arith.addi %rem3A_153, %add3A_166 : vector<128x16xi32>
    %select_n3A_168 = arith.select %and3A_165, %add3A_167, %rem3A_153 : vector<128x16xi1>, vector<128x16xi32>
    %iota3A_169 = tpu.iota {dimensions = array<i32: 1>} : vector<128x16xi32>
    %eq3A_170 = arith.cmpi eq, %select_n3A_168, %iota3A_169 : vector<128x16xi32>
    %convert_element_type3A_171 = arith.extui %eq3A_170 : vector<128x16xi1> to vector<128x16xi32>
    %convert_element_type3A_172 = arith.sitofp %convert_element_type3A_171 : vector<128x16xi32> to vector<128x16xf32>
    %dot_general3A_173 = arith.constant dense<0.000000e+00> : vector<32x128xf32>
    %dot_general3A_174 = tpu.matmul %convert_element_type3A_145, %select_n3A_109, %dot_general3A_173 {dimension_numbers = #tpu.dot_dimension_numbers<[1], [0], [0], [1], [0, 0, 1, 1], [], []>, precision = #tpu.contract_precision<fp32>, transpose_lhs_hint = false} : vector<32x256xf32>, vector<256x128xf32>, vector<32x128xf32> -> vector<32x128xf32>
    %dot_general3A_175 = arith.constant dense<0.000000e+00> : vector<32x16xf32>
    %dot_general3A_176 = tpu.matmul %dot_general3A_174, %convert_element_type3A_172, %dot_general3A_175 {dimension_numbers = #tpu.dot_dimension_numbers<[1], [0], [0], [1], [0, 0, 1, 1], [], []>, precision = #tpu.contract_precision<fp32>, transpose_lhs_hint = false} : vector<32x128xf32>, vector<128x16xf32>, vector<32x16xf32> -> vector<32x16xf32>
    %broadcast_in_dim3A_177 = arith.constant 1.000000e+00 : f32
    %broadcast_in_dim3A_178 = vector.broadcast %broadcast_in_dim3A_177 : f32 to vector<1264x1xf32>
    %dot_general3A_179 = arith.constant dense<0.000000e+00> : vector<256x1xf32>
    %dot_general3A_180 = tpu.matmul %convert_element_type3A_51, %broadcast_in_dim3A_178, %dot_general3A_179 {dimension_numbers = #tpu.dot_dimension_numbers<[1], [0], [0], [1], [0, 0, 1, 1], [], []>, precision = #tpu.contract_precision<fp32>, transpose_lhs_hint = false} : vector<256x1264xf32>, vector<1264x1xf32>, vector<256x1xf32> -> vector<256x1xf32>
    %dot_general3A_181 = arith.constant dense<0.000000e+00> : vector<32x1xf32>
    %dot_general3A_182 = tpu.matmul %convert_element_type3A_145, %dot_general3A_180, %dot_general3A_181 {dimension_numbers = #tpu.dot_dimension_numbers<[1], [0], [0], [1], [0, 0, 1, 1], [], []>, precision = #tpu.contract_precision<fp32>, transpose_lhs_hint = false} : vector<32x256xf32>, vector<256x1xf32>, vector<32x1xf32> -> vector<32x1xf32>
    %max3A_183 = arith.constant 1.000000e+00 : f32
    %max3A_184 = vector.broadcast %max3A_183 : f32 to vector<32x1xf32>
    %max3A_185 = arith.maximumf %dot_general3A_182, %max3A_184 : vector<32x1xf32>
    %div3A_186 = vector.broadcast %max3A_185 : vector<32x1xf32> to vector<32x16xf32>
    %div3A_187 = arith.divf %dot_general3A_176, %div3A_186 : vector<32x16xf32>
    %get3A_188 = arith.constant 0 : index
    %get3A_189 = arith.constant 0 : index
    %get3A_190 = vector.load %arg5[%get3A_188, %get3A_189] : memref<16x1xf32, #tpu.memory_space<vmem>>, vector<16x1xf32>
    %dot_general3A_191 = arith.constant dense<0.000000e+00> : vector<32x1xf32>
    %dot_general3A_192 = tpu.matmul %div3A_187, %get3A_190, %dot_general3A_191 {dimension_numbers = #tpu.dot_dimension_numbers<[1], [0], [0], [1], [0, 0, 1, 1], [], []>, transpose_lhs_hint = false} : vector<32x16xf32>, vector<16x1xf32>, vector<32x1xf32> -> vector<32x1xf32>
    %get3A_193 = arith.constant 0 : index
    %get3A_194 = arith.constant 0 : index
    %get3A_195 = vector.load %arg6[%get3A_193, %get3A_194] : memref<1x1xf32, #tpu.memory_space<vmem>>, vector<1x1xf32>
    %add3A_196 = vector.broadcast %get3A_195 : vector<1x1xf32> to vector<32x1xf32>
    %add3A_197 = arith.addf %dot_general3A_192, %add3A_196 : vector<32x1xf32>
    %swap3A = arith.constant 0 : index
    %swap3A_198 = arith.constant 0 : index
    %swap3A_199 = vector.load %arg7[%swap3A, %swap3A_198] : memref<32x1xf32, #tpu.memory_space<vmem>>, vector<32x1xf32>
    tpu.vector_store %arg7[%swap3A, %swap3A_198], %add3A_197 {strides = array<i32>} : memref<32x1xf32, #tpu.memory_space<vmem>>, vector<32x1xf32>,
    return
  }
}

</mosaic_0001>

<sc_bundles>
// kernel: kernel.11.cloned.1.call-start
scs
__scs_entry_jumppad:
0x0: {  	(pc) =	sbr.rel $0x88, $3  }
0x1: {  	(tag) =	ssettag $0x0;
	lr =	simm.s32 $0x1  }
0x2: {  	[smem:$0x3F94] =	sst lr;
	_ =	strace $0xD0000000  }
0x3: {  	_ = 	snop  }
0x4: {  	_ = 	snop  }
0x5: {  	_ = 	snop  }
0x6: {  	_ = 	snop  }
0x7: {  	_ = 	snop  }
__scs_overlays_trampoline_lowered:
0x8: {  	[smem:$0x3FA3] =	sst s0  }
0x9: {  	[smem:$0x3FA4] =	sst s1  }
0xa: {  	[smem:$0x3FA5] =	sst s2  }
0xb: {  	[smem:$0x3FA6] =	sst s3  }
0xc: {  	[smem:$0x3FA7] =	sst s4  }
0xd: {  	[smem:$0x3FA8] =	sst s5  }
0xe: {  	[smem:$0x3FA9] =	sst s6  }
0xf: {  	[smem:$0x3FAA] =	sst s7  }
0x10: {  	[smem:$0x3FAB] =	sst s8  }
0x11: {  	[smem:$0x3FAC] =	sst s9;
	s0 =	simm.s32 @!p0 $0x0  }
0x12: {  	s1 =	sld [smem:$0x3F92];
	s0 =	simm.s32 @p0 $0x1  }
0x13: {  	[smem:$0x3FAD] =	sst s0;
	s0 =	simm.s32 @!p1 $0x0  }
0x14: {  	s2 =	sld [smem:$0x3F91];
	s0 =	simm.s32 @p1 $0x1  }
0x15: {  	[smem:$0x3FAE] =	sst s0;
	s0 =	simm.s32 @!p2 $0x0  }
0x16: {  	s3 =	sld [smem:$0x3FDB];
	s0 =	simm.s32 @p2 $0x1  }
0x17: {  	s4 =	simm.s32 $0x1BF5;
	[smem:$0x3FB0] =	sst s0  }
0x18: {  	s0 =	sld [smem:$0x3F93];
	_ =	swait.ge [sflag:s4], $0x0  }
0x19: {  	s7 =	sld [smem:$0x3F94]  }
0x1a: {  	s8 =	sadd.s32 $0xFFFFE003, lr  }
0x1b: {  	s9 =	sadd.s32 $0xFFFFFEF7, lr;
	s5 =	simm.s32 $0xFFFFFFFF;
	p2 =	slt.u32 s8, $0xFFFFF086  }
0x1c: {  	p1 =	slt.u32 s9, $0xF7A;
	s5 =	simm.s32 @!p2 $0x0  }
0x1d: {  	s5 =	simm.s32 @p1 $0x1;
	p0 =	seq.s32 s7, s2  }
0x1e: {  	s7 =	smul.u32 @!p0 $0xF7A, s2;
	p2 =	seq.s32 @!p0 s5, $0x0  }
0x1f: {  	s9 =	smul.u32 $0xF7A, s1;
	s8 =	simm.s32 @!p0 $0x1BF5;
	p2 =	por !p2, p0  }
0x20: {  	[sflag:s8] =	ssyncset.s32 @!p0 $0xFFFFF086;
	s6 =	sadd.s32 @!p0 s3, s7;
	s7 =	simm.s32 @!p0 $0x108  }
0x21: {  	s3 =	sadd.s32 s3, s9;
	s6 =	sadd.s32 @!p0 $0x88, s6;
	s7 =	simm.s32 @p2 $0x1082  }
0x22: {  	[simem:s7], [sflag:s8] =	dma.local @!p0 [hbm:s6], $0xF7A  }
0x23: {  	s9 =	sor.u32 $0xD0000000, s2;
	s6 =	simm.s32 $0x108;
	_ =	swait.ge @!p0 [sflag:s8], $0x0  }
0x24: {  	s3 =	sadd.s32 $0x88, s3;
	s6 =	simm.s32 @!p1 $0x1082;
	[sflag:s4] =	ssyncset.s32 $0xFFFFF086  }
0x25: {  	[simem:s6], [sflag:s4] =	dma.local [hbm:s3], $0xF7A  }
0x26: {  	[smem:$0x3F94] =	sst s1;
	(tag) =	ssettag s2;
	_ =	strace s9  }
0x27: {  	s1 =	sld [smem:$0x3FA4]  }
0x28: {  	s2 =	sld [smem:$0x3FA5]  }
0x29: {  	s4 =	sld [smem:$0x3FA7]  }
0x2a: {  	p0 =	seq.s32 s5, $0x0;
	s5 =	sld [smem:$0x3FA8]  }
0x2b: {  	s6 =	sld [smem:$0x3FA9]  }
0x2c: {  	s7 =	sld [smem:$0x3FAA]  }
0x2d: {  	s3 =	simm.s32 $0x108;
	s8 =	sld [smem:$0x3FAB]  }
0x2e: {  	s3 =	simm.s32 @!p0 $0x1082;
	s9 =	sld [smem:$0x3FAC]  }
0x2f: {  	lr =	sadd.s32 s0, s3;
	s0 =	sld [smem:$0x3FA3]  }
0x30: {  	s3 =	sld [smem:$0x3FA6]  }
0x31: {  	[smem:$0x3FAF] =	sst s10  }
0x32: {  	s10 =	sld [smem:$0x3FAD];
	_ =	sdelay $0x3  }
0x33: {  	p0 =	seq.s32 s10, $0x1;
	s10 =	sld [smem:$0x3FAF];
	_ =	sdelay $0x3  }
0x34: {  	[smem:$0x3FAF] =	sst s10  }
0x35: {  	s10 =	sld [smem:$0x3FAE];
	_ =	sdelay $0x3  }
0x36: {  	p1 =	seq.s32 s10, $0x1;
	s10 =	sld [smem:$0x3FAF];
	_ =	sdelay $0x3  }
0x37: {  	[smem:$0x3FAF] =	sst s10  }
0x38: {  	s10 =	sld [smem:$0x3FB0]  }
0x39: {  	_ = 	snop;
	(pc) =	sbr.ind lr, $3  }
0x3a: {  	_ = 	snop  }
0x3b: {  	_ = 	snop  }
0x3c: {  	p2 =	seq.s32 s10, $0x1;
	s10 =	sld [smem:$0x3FAF]  }
0x3d: {  	_ =	shalt  }
0x3e: {  	_ =	shalt  }
0x3f: {  	_ =	shalt  }
0x40: {  	_ =	shalt  }
0x41: {  	_ =	shalt  }
0x42: {  	_ =	shalt  }
0x43: {  	_ =	shalt  }
0x44: {  	_ =	shalt  }
0x45: {  	_ =	shalt  }
0x46: {  	_ =	shalt  }
0x47: {  	_ =	shalt  }
0x48: {  	_ =	shalt  }
0x49: {  	_ =	shalt  }
0x4a: {  	_ =	shalt  }
0x4b: {  	_ =	shalt  }
0x4c: {  	_ =	shalt  }
0x4d: {  	_ =	shalt  }
0x4e: {  	_ =	shalt  }
0x4f: {  	_ =	shalt  }
0x50: {  	_ =	shalt  }
0x51: {  	_ =	shalt  }
0x52: {  	_ =	shalt  }
0x53: {  	_ =	shalt  }
0x54: {  	_ =	shalt  }
0x55: {  	_ =	shalt  }
0x56: {  	_ =	shalt  }
0x57: {  	_ =	shalt  }
0x58: {  	_ =	shalt  }
0x59: {  	_ =	shalt  }
0x5a: {  	_ =	shalt  }
0x5b: {  	_ =	shalt  }
0x5c: {  	_ =	shalt  }
0x5d: {  	_ =	shalt  }
0x5e: {  	_ =	shalt  }
0x5f: {  	_ =	shalt  }
0x60: {  	_ =	shalt  }
0x61: {  	_ =	shalt  }
0x62: {  	_ =	shalt  }
0x63: {  	_ =	shalt  }
0x64: {  	_ =	shalt  }
0x65: {  	_ =	shalt  }
0x66: {  	_ =	shalt  }
0x67: {  	_ =	shalt  }
0x68: {  	_ =	shalt  }
0x69: {  	_ =	shalt  }
0x6a: {  	_ =	shalt  }
0x6b: {  	_ =	shalt  }
0x6c: {  	_ =	shalt  }
0x6d: {  	_ =	shalt  }
0x6e: {  	_ =	shalt  }
0x6f: {  	_ =	shalt  }
0x70: {  	_ =	shalt  }
0x71: {  	_ =	shalt  }
0x72: {  	_ =	shalt  }
0x73: {  	_ =	shalt  }
0x74: {  	_ =	shalt  }
0x75: {  	_ =	shalt  }
0x76: {  	_ =	shalt  }
0x77: {  	_ =	shalt  }
0x78: {  	_ =	shalt  }
0x79: {  	_ =	shalt  }
0x7a: {  	_ =	shalt  }
0x7b: {  	_ =	shalt  }
0x7c: {  	_ =	shalt  }
0x7d: {  	_ =	shalt  }
0x7e: {  	_ =	shalt  }
0x7f: {  	_ =	shalt  }
0x80: {  	_ =	shalt  }
0x81: {  	_ =	shalt  }
0x82: {  	_ =	shalt  }
0x83: {  	_ =	shalt  }
0x84: {  	_ =	shalt  }
0x85: {  	_ =	shalt  }
0x86: {  	_ =	shalt  }
0x87: {  	_ =	shalt  }
.Lfunc_end0:
.L_simem_size_0:
called_computation_lowered:
.L_overlay_start_0:
0x88: {  	s2 =	sld [smem:$0x3FD9]  }
0x89: {  	s3 =	sld [smem:$0x3FFE];
	_ =	sdelay $0x1  }
0x8a: {  	s1 =	srdreg.scid  }
0x8b: {  	s0 =	sand.u32 $0x1, s1  }
0x8c: {  	s16 =	sshll.u32 s0, $0xA;
	s2 =	sadd.s32 s3, s2  }
0x8d: {  	s2 =	sadd.s32 s2, s16  }
0x8e: {  	[smem:$0x3FBB] =	sst s2  }
0x8f: {  	_ = 	snop  }
0x90: {  	(tm) =	ssettm $0x1  }
0x91: {  	s17 =	sld [smem:$0x3FFB];
	_ =	sdelay $0x3  }
0x92: {  	_ =	strace s17  }
0x93: {  	s2 =	sld [smem:$0x3FFC];
	_ =	sdelay $0x3  }
0x94: {  	_ =	strace s2  }
0x95: {  	s2 =	sld [smem:$0x3FFD];
	_ =	sdelay $0x3  }
0x96: {  	_ =	strace s2  }
0x97: {  	_ =	strace $0x8FFFFFFF  }
0x98: {  	s18 =	sld [smem:$0x3FDB];
	_ =	sdelay $0x1  }
0x99: {  	s19 =	simm.s32 $_scs_section_size  }
0x9a: {  	s4 =	simm.s32 $_size__tile_overlayer_lowered;
	s5 =	simm.s32 $_tile_overlayer_lowered  }
0x9b: {  	s22 =	simm.s32 $0x1BFF;
	s21 =	sshll.u32 s5, $0x1;
	s2 =	sadd.s32 s19, s18  }
0x9c: {  	s6 =	simm.s32 $0x0;
	s20 =	sshll.u32 s4, $0x1;
	s4 =	sadd.s32 s21, s2  }
0x9d: {  	[timem:s6], [sflag:s22] =	dma.local [hbm:s4], s20  }
0x9e: {  	_ =	swait.ge [sflag:s22], s20  }
0x9f: {  	s3 =	ssub.s32 $0x0, s20;
	[sflag:s22] =	ssyncset.done $0x0  }
0xa0: {  	[sflag:s22] =	ssyncadd.s32 s3;
	_ =	sdelay $0x1  }
0xa1: {  	s23 =	simm.s32 $0x1B8B  }
0xa2: {  	_ =	swait.ge [sflag:s23], $0x1  }
0xa3: {  	[sflag:s23] =	ssyncset.done $0x0  }
0xa4: {  	s25 =	simm.s32 $0x1B8E;
	s24 =	sld [smem:$0x3FFE];
	[sflag:s23] =	ssyncadd.s32 $0xFFFFFFFF  }
0xa5: {  	s26 =	simm.s32 $execute0_lowered;
	[smem:$0x3FD2] =	sst s25  }
0xa6: {  	s4 =	sshll.u32 s26, $0x1;
	_ =	strace $0x80000046;
	[dreg:$0x1] =	wrdreg $0xFFFFFFFF  }
0xa7: {  	s28 =	simm.s32 $_size_execute0_lowered;
	s2 =	sadd.s32 s2, s4;
	[dreg:$0x0] =	wrdreg $0x0  }
0xa8: {  	s4 =	sshll.u32 s28, $0x1;
	[dreg:$0x2] =	wrdreg s2  }
0xa9: {  	[dreg:$0x3] =	wrdreg s4  }
0xaa: {  	[dreg:$0x4] =	wrdreg $0xC0  }
0xab: {  	_ =	task [dreg:s6], $0x5FFFF  }
0xac: {  	[dreg:$0x1] =	wrdreg $0xFFFFFFFF  }
0xad: {  	[dreg:$0x0] =	wrdreg $0x60  }
0xae: {  	[dreg:$0x2] =	wrdreg s24  }
0xaf: {  	[dreg:$0x3] =	wrdreg $0x37800  }
0xb0: {  	[dreg:$0x4] =	wrdreg $0x9  }
0xb1: {  	_ =	task.clear_ibuf [dreg:s6], $0x5FFFF;
	_ =	strace $0x90000046  }
0xb2: {  	s29 =	simm.s32 $0x9;
	_ =	strace $0x80000048  }
0xb3: {  	_ =	swait.ge [sflag:s29], $0x1  }
0xb4: {  	[sflag:s29] =	ssyncadd.s32 $0xFFFFFFFF  }
0xb5: {  	_ =	strace $0x90000048  }
0xb6: {  	_ =	sfence  }
0xb7: {  	s30 =	sld [smem:$0x0];
	_ =	sdelay $0x2  }
0xb8: {  	s31 =	sshll.u32 s1, $0xD;
	s1 =	sshrl.u32 s1, $0x2  }
0xb9: {  	s3 =	sand.u32 $0x4000, s31;
	s1 =	sadd.s32 s1, s30  }
0xba: {  	s0 =	sor.u32 s3, s0;
	s1 =	sshll.u32 s1, $0x11  }
0xbb: {  	s0 =	sor.u32 s1, s0  }
0xbc: {  	s0 =	sadd.s32 $0x8F2B, s0  }
0xbd: {  	[sflag:s0] =	ssyncadd.remote.s32 $0x1  }
0xbe: {  	_ =	sfence.sel $0xFFFF  }
0xbf: {  	[dreg:$0x0] =	wrdreg $0xFFFFFFFF;
	(pc) =	sbr.abs _section_cstart, $3  }
0xc0: {  	[dreg:$0x1] =	wrdreg $0xFFFFFFFF  }
0xc1: {  	_ =	task.clear_ibuf [dreg:s6], $0x2FFFF;
	_ =	strace $0x9FFFFFFF  }
0xc2: {  	(tm) =	ssettm $0x7FFFFFFF  }
0xc3: {  	_ =	shalt  }
tec
execute0_lowered:
.L_overlay_start_1:
0x0: {  	(tag) =	ssettag $0x1  }
0x1: {  	s4 =	rddreg [dreg:$0x0]  }
0x2: {  	s2 =	rddreg [dreg:$0x1]  }
0x3: {  	s0 =	rddreg [dreg:$0x2];
	s5 =	srdreg.scid  }
0x4: {  	s1 =	stileid.u32;
	s3 =	simm.s32 $0x0;
	s14 =	simm.s32 $0x1  }
0x5: {  	s15 =	simm.s32 $0x2F80;
	s16 =	simm.s32 $0x80;
	s17 =	simm.s32 $0x2780  }
0x6: {  	s20 =	simm.s32 $0x0;
	s5 =	sand.u32 $0x1, s5;
	s7 =	smul.u32 $0x2780, s1  }
0x7: {  	[smem:$0x7FF] =	sst s3;
	s8 =	sadd.s32 $0x4200, s4;
	s9 =	sshll.u32 s1, $0x1  }
0x8: {  	p0 =	slt.u32 s1, $0x2;
	s26 =	smul.u32 $0x9E00, s1;
	s18 =	sshll.u32 s1, $0x6  }
0x9: {  	s6 =	smul.u32 $0x27800, s5;
	_ =	strace $0x80000047;
	s10 =	ssub.s32 $0x2, s5  }
0xa: {  	s5 =	sor.u32 s5, s9;
	s18 =	sor.u32 $0x1C01, s18;
	s24 =	sshrl.u32 s10, $0x1  }
0xb: {  	s11 =	smul.u32 $0x2700, s5;
	s28 =	sshll.u32 s5, $0x4;
	s30 =	sshrl.u32 s26, $0x2  }
0xc: {  	s6 =	sadd.s32 s7, s6;
	s13 =	ssub.s32 s10, s24;
	s29 =	sadd.s32 s28, s8  }
0xd: {  	s7 =	sadd.s32 s7, s2;
	s31 =	sadd.s32 s30, s2;
	s6 =	sshrl.u32 s6, $0x3  }
0xe: {  	s25 =	sshrl.u32 s11, $0x3;
	s9 =	sadd.s32 $0x1000, s31;
	s10 =	sadd.s32 $0x1800, s31  }
0xf: {  	s11 =	sadd.s32 $0x2000, s31;
	s13 =	smax.u32 s13, $0x1;
	s19 =	sshrl.u32 s7, $0x3  }
0x10: {  	s12 =	sadd.s32 s6, s4;
	s4 =	simm.s32 $0x4F;
	s6 =	sadd.s32 s8, s25  }
0x11: {  	s8 =	sadd.s32 $0x800, s31;
	s4 =	simm.s32 @!p0 $0x4E;
	s5 =	sadd.s32 $0x9C40, s6  }
0x12: {  	v0 =	vimm.f32 $1.000000000e+00;
	v1 =	vimm.f32 $0.0e+00;
	s6 =	sadd.s32 $0x13840, s29;
	s12 =	sadd.s32 $0x17C00, s12;
	p0 =	sgt.u32 s1, $0x1  }
.LBB2_1:
0x13: {  	[tilespmem:s3], [sflag:$0x1] =	stream.linear.gather [hbm4b:s5+s3], $0x2700, $0x38;
	[tilespmem:$0x5F00] =	vst v63  }
0x14: {  	_ =	swait.ge [sflag:s14], $0x2700  }
0x15: {  	[sflag:s14] =	ssyncset.done $0x0  }
0x16: {  	s21 =	simm.s32 @!p0 $0x0;
	s22 =	simm.s32 @!p0 $0x2700;
	[sflag:s14] =	ssyncadd.s32 $0xFFFFD900  }
0x17: {  	[tilespmem:s22], [sflag:$0x1] =	stream.linear.gather @!p0 [hbm4b:s6+s21], $0x80, $0x38;
	[tilespmem:$0x5F00] =	vst v63  }
0x18: {  	s21 =	simm.s32 @!p0 $0x1  }
0x19: {  	_ =	swait.ge @!p0 [sflag:s21], $0x80  }
0x1a: {  	[sflag:s21] =	ssyncset.done @!p0 $0x0  }
0x1b: {  	s22 =	simm.s32 $0x0;
	[sflag:s21] =	ssyncadd.s32 @!p0 $0xFFFFFF80;
	s21 =	simm.s32 $0x40  }
.LBB2_2:
0x1c: {  	p1 =	sne.s32 s21, $0x1FC0;
	[tilespmem:s22+$0x2780] =	vst v0;
	s23 =	smov.u32 s21;
	s21 =	sadd.s32 $0x40, s21  }
.Ltmp0:
0x1d: {  	[tilespmem:s22+$0x2F80] =	vst v1;
	(pc) =	sbr.rel @p1 .LBB2_2-.Ltmp0, $2  }
0x1e: {  	_ =	sdelay $0x2  }
0x1f: {  	s22 =	sshra.s32 s23, $0x2  }
0x20: {  	[tilespmem:s22+$0x2780] =	vst v0  }
0x21: {  	[tilespmem:s22+$0x2F80] =	vst v1  }
0x22: {  	[spmem:s7] =	stream.linear.scatter [tilespmem:s15], [sflag:$0x1], $0x800, $0x38;
	[tilespmem:$0x5F00] =	vst v63  }
0x23: {  	_ =	swait.ge [sflag:s14], $0x800  }
0x24: {  	[sflag:s14] =	ssyncset.done $0x0  }
0x25: {  	[sflag:s14] =	ssyncadd.s32 $0xFFFFF800  }
0x26: {  	[spmem:s8] =	stream.linear.scatter [tilespmem:s15], [sflag:$0x1], $0x800, $0x38;
	[tilespmem:$0x5F00] =	vst v63  }
0x27: {  	_ =	swait.ge [sflag:s14], $0x800  }
0x28: {  	[sflag:s14] =	ssyncset.done $0x0  }
0x29: {  	[sflag:s14] =	ssyncadd.s32 $0xFFFFF800  }
0x2a: {  	[spmem:s9] =	stream.linear.scatter [tilespmem:s15], [sflag:$0x1], $0x800, $0x38;
	[tilespmem:$0x5F00] =	vst v63  }
0x2b: {  	_ =	swait.ge [sflag:s14], $0x800  }
0x2c: {  	[sflag:s14] =	ssyncset.done $0x0  }
0x2d: {  	[sflag:s14] =	ssyncadd.s32 $0xFFFFF800  }
0x2e: {  	[spmem:s10] =	stream.linear.scatter [tilespmem:s15], [sflag:$0x1], $0x800, $0x38;
	[tilespmem:$0x5F00] =	vst v63  }
0x2f: {  	_ =	swait.ge [sflag:s14], $0x800  }
0x30: {  	[sflag:s14] =	ssyncset.done $0x0  }
0x31: {  	[sflag:s14] =	ssyncadd.s32 $0xFFFFF800  }
0x32: {  	[spmem:s11] =	stream.linear.scatter [tilespmem:s15], [sflag:$0x1], $0x780, $0x38;
	[tilespmem:$0x5F00] =	vst v63  }
0x33: {  	_ =	swait.ge [sflag:s14], $0x780  }
0x34: {  	p1 =	sne.s32 s4, $0x1;
	[sflag:s14] =	ssyncset.done $0x0  }
.Ltmp1:
0x35: {  	[sflag:s14] =	ssyncadd.s32 $0xFFFFF880;
	(pc) =	sbr.rel @!p1 .LBB2_5-.Ltmp1, $4  }
0x36: {  	s21 =	simm.s32 $0x0;
	[bflag:$0x0] =	sbarrier.arrive $0xFFFF  }
0x37: {  	[spmem:s2] =	stream.indirect.scatter.add.f32 [tilespmem:s17], [sflag:$0x1], $0x10, s21, s16, $0xb8;
	[tilespmem:$0x5F00] =	vst v63  }
0x38: {  	_ =	swait.ge [sflag:s14], $0x800  }
0x39: {  	s22 =	sadd.s32 $0xFFFFFFFF, s4;
	[sflag:s14] =	ssyncset.done $0x0  }
.LBB2_4:
0x3a: {  	p1 =	sne.s32 s22, $0x1;
	[sflag:s14] =	ssyncadd.s32 $0xFFFFF800;
	s21 =	sadd.s32 $0x80, s21  }
.Ltmp2:
0x3b: {  	s22 =	sadd.s32 $0xFFFFFFFF, s22;
	(pc) =	sbr.rel @p1 .LBB2_4-.Ltmp2, $4  }
0x3c: {  	_ = 	snop  }
0x3d: {  	[spmem:s2] =	stream.indirect.scatter.add.f32 [tilespmem:s17], [sflag:$0x1], $0x10, s21, s16, $0xb8;
	[tilespmem:$0x5F00] =	vst v63  }
0x3e: {  	_ =	swait.ge [sflag:s14], $0x800  }
0x3f: {  	[sflag:s14] =	ssyncset.done $0x0  }
.LBB2_5:
0x40: {  	s20 =	sadd.s32 $0x1, s20  }
0x41: {  	[sflag:s14] =	ssyncadd.s32 $0xFFFFF800;
	p1 =	sne.s32 s20, s13  }
.Ltmp3:
0x42: {  	[bflag:$0x0] =	sbarrier.arrive $0xFFFF;
	(pc) =	sbr.rel @p1 .LBB2_1-.Ltmp3, $4  }
0x43: {  	[hbm:s12], [sflag:s18] =	dma.local [spmem:s19], $0x4F0  }
0x44: {  	_ =	swait.ge [sflag:s14], $0x4F0  }
0x45: {  	[sflag:s14] =	ssyncset.done $0x0  }
0x46: {  	[sflag:s14] =	ssyncadd.s32 $0xFFFFFB10  }
0x47: {  	_ =	sfence.sel $0x180000  }
0x48: {  	[bflag:$0x0] =	sbarrier.arrive $0xFFFF  }
0x49: {  	p0 =	sne.s32 s1, $0x0;
	_ =	strace $0x90000047  }
0x4a: {  	s0 =	sadd.s32 @!p0 $0x100000, s0;
	[bflag:$0x2] =	sbarrier.arrive $0xFFFF  }
0x4b: {  	[sflag:s0] =	ssyncadd.tile.s32 @!p0 $0x1;
	_ =	shalt  }
.Lfunc_end2:
_tile_overlayer_lowered:
.L_overlay_start_2:
0x4c: {  	(tag) =	ssettag $0x2  }
0x4d: {  	s0 =	rddreg [dreg:$0x0];
	s2 =	stileid.u32  }
0x4e: {  	s1 =	rddreg [dreg:$0x1];
	p0 =	sne.s32 s2, $0x0  }
0x4f: {  	s3 =	rddreg [dreg:$0x2];
	[bflag:$0x3] =	sbarrier.arrive $0xFFFF;
	s2 =	simm.s32 @!p0 $0x1C01  }
0x50: {  	[timem:s3], [sflag:s2] =	dma.local @!p0 [hbm:s0], s1  }
0x51: {  	s0 =	simm.s32 @!p0 $0x1  }
0x52: {  	_ =	swait.ge @!p0 [sflag:s0], s1  }
0x53: {  	s1 =	ssub.s32 @!p0 $0x0, s1;
	[sflag:s0] =	ssyncset.done @!p0 $0x0  }
0x54: {  	[sflag:s0] =	ssyncadd.s32 @!p0 s1  }
0x55: {  	[bflag:$0x3] =	sbarrier.arrive $0xFFFF  }
0x56: {  	_ =	shalt  }

// kernel: kernel.14.cloned.1.call-start
scs
__scs_entry_jumppad:
0x0: {  	(pc) =	sbr.rel $0x88, $3  }
0x1: {  	(tag) =	ssettag $0x0;
	lr =	simm.s32 $0x1  }
0x2: {  	[smem:$0x3F94] =	sst lr;
	_ =	strace $0xD0000000  }
0x3: {  	_ = 	snop  }
0x4: {  	_ = 	snop  }
0x5: {  	_ = 	snop  }
0x6: {  	_ = 	snop  }
0x7: {  	_ = 	snop  }
__scs_overlays_trampoline_lowered:
0x8: {  	[smem:$0x3FA3] =	sst s0  }
0x9: {  	[smem:$0x3FA4] =	sst s1  }
0xa: {  	[smem:$0x3FA5] =	sst s2  }
0xb: {  	[smem:$0x3FA6] =	sst s3  }
0xc: {  	[smem:$0x3FA7] =	sst s4  }
0xd: {  	[smem:$0x3FA8] =	sst s5  }
0xe: {  	[smem:$0x3FA9] =	sst s6  }
0xf: {  	[smem:$0x3FAA] =	sst s7  }
0x10: {  	[smem:$0x3FAB] =	sst s8  }
0x11: {  	[smem:$0x3FAC] =	sst s9;
	s0 =	simm.s32 @!p0 $0x0  }
0x12: {  	s1 =	sld [smem:$0x3F92];
	s0 =	simm.s32 @p0 $0x1  }
0x13: {  	[smem:$0x3FAD] =	sst s0;
	s0 =	simm.s32 @!p1 $0x0  }
0x14: {  	s2 =	sld [smem:$0x3F91];
	s0 =	simm.s32 @p1 $0x1  }
0x15: {  	[smem:$0x3FAE] =	sst s0;
	s0 =	simm.s32 @!p2 $0x0  }
0x16: {  	s3 =	sld [smem:$0x3FDB];
	s0 =	simm.s32 @p2 $0x1  }
0x17: {  	s4 =	simm.s32 $0x1BF5;
	[smem:$0x3FB0] =	sst s0  }
0x18: {  	s0 =	sld [smem:$0x3F93];
	_ =	swait.ge [sflag:s4], $0x0  }
0x19: {  	s7 =	sld [smem:$0x3F94]  }
0x1a: {  	s8 =	sadd.s32 $0xFFFFE003, lr  }
0x1b: {  	s9 =	sadd.s32 $0xFFFFFEF7, lr;
	s5 =	simm.s32 $0xFFFFFFFF;
	p2 =	slt.u32 s8, $0xFFFFF086  }
0x1c: {  	p1 =	slt.u32 s9, $0xF7A;
	s5 =	simm.s32 @!p2 $0x0  }
0x1d: {  	s5 =	simm.s32 @p1 $0x1;
	p0 =	seq.s32 s7, s2  }
0x1e: {  	s7 =	smul.u32 @!p0 $0xF7A, s2;
	p2 =	seq.s32 @!p0 s5, $0x0  }
0x1f: {  	s9 =	smul.u32 $0xF7A, s1;
	s8 =	simm.s32 @!p0 $0x1BF5;
	p2 =	por !p2, p0  }
0x20: {  	[sflag:s8] =	ssyncset.s32 @!p0 $0xFFFFF086;
	s6 =	sadd.s32 @!p0 s3, s7;
	s7 =	simm.s32 @!p0 $0x108  }
0x21: {  	s3 =	sadd.s32 s3, s9;
	s6 =	sadd.s32 @!p0 $0x88, s6;
	s7 =	simm.s32 @p2 $0x1082  }
0x22: {  	[simem:s7], [sflag:s8] =	dma.local @!p0 [hbm:s6], $0xF7A  }
0x23: {  	s9 =	sor.u32 $0xD0000000, s2;
	s6 =	simm.s32 $0x108;
	_ =	swait.ge @!p0 [sflag:s8], $0x0  }
0x24: {  	s3 =	sadd.s32 $0x88, s3;
	s6 =	simm.s32 @!p1 $0x1082;
	[sflag:s4] =	ssyncset.s32 $0xFFFFF086  }
0x25: {  	[simem:s6], [sflag:s4] =	dma.local [hbm:s3], $0xF7A  }
0x26: {  	[smem:$0x3F94] =	sst s1;
	(tag) =	ssettag s2;
	_ =	strace s9  }
0x27: {  	s1 =	sld [smem:$0x3FA4]  }
0x28: {  	s2 =	sld [smem:$0x3FA5]  }
0x29: {  	s4 =	sld [smem:$0x3FA7]  }
0x2a: {  	p0 =	seq.s32 s5, $0x0;
	s5 =	sld [smem:$0x3FA8]  }
0x2b: {  	s6 =	sld [smem:$0x3FA9]  }
0x2c: {  	s7 =	sld [smem:$0x3FAA]  }
0x2d: {  	s3 =	simm.s32 $0x108;
	s8 =	sld [smem:$0x3FAB]  }
0x2e: {  	s3 =	simm.s32 @!p0 $0x1082;
	s9 =	sld [smem:$0x3FAC]  }
0x2f: {  	lr =	sadd.s32 s0, s3;
	s0 =	sld [smem:$0x3FA3]  }
0x30: {  	s3 =	sld [smem:$0x3FA6]  }
0x31: {  	[smem:$0x3FAF] =	sst s10  }
0x32: {  	s10 =	sld [smem:$0x3FAD];
	_ =	sdelay $0x3  }
0x33: {  	p0 =	seq.s32 s10, $0x1;
	s10 =	sld [smem:$0x3FAF];
	_ =	sdelay $0x3  }
0x34: {  	[smem:$0x3FAF] =	sst s10  }
0x35: {  	s10 =	sld [smem:$0x3FAE];
	_ =	sdelay $0x3  }
0x36: {  	p1 =	seq.s32 s10, $0x1;
	s10 =	sld [smem:$0x3FAF];
	_ =	sdelay $0x3  }
0x37: {  	[smem:$0x3FAF] =	sst s10  }
0x38: {  	s10 =	sld [smem:$0x3FB0]  }
0x39: {  	_ = 	snop;
	(pc) =	sbr.ind lr, $3  }
0x3a: {  	_ = 	snop  }
0x3b: {  	_ = 	snop  }
0x3c: {  	p2 =	seq.s32 s10, $0x1;
	s10 =	sld [smem:$0x3FAF]  }
0x3d: {  	_ =	shalt  }
0x3e: {  	_ =	shalt  }
0x3f: {  	_ =	shalt  }
0x40: {  	_ =	shalt  }
0x41: {  	_ =	shalt  }
0x42: {  	_ =	shalt  }
0x43: {  	_ =	shalt  }
0x44: {  	_ =	shalt  }
0x45: {  	_ =	shalt  }
0x46: {  	_ =	shalt  }
0x47: {  	_ =	shalt  }
0x48: {  	_ =	shalt  }
0x49: {  	_ =	shalt  }
0x4a: {  	_ =	shalt  }
0x4b: {  	_ =	shalt  }
0x4c: {  	_ =	shalt  }
0x4d: {  	_ =	shalt  }
0x4e: {  	_ =	shalt  }
0x4f: {  	_ =	shalt  }
0x50: {  	_ =	shalt  }
0x51: {  	_ =	shalt  }
0x52: {  	_ =	shalt  }
0x53: {  	_ =	shalt  }
0x54: {  	_ =	shalt  }
0x55: {  	_ =	shalt  }
0x56: {  	_ =	shalt  }
0x57: {  	_ =	shalt  }
0x58: {  	_ =	shalt  }
0x59: {  	_ =	shalt  }
0x5a: {  	_ =	shalt  }
0x5b: {  	_ =	shalt  }
0x5c: {  	_ =	shalt  }
0x5d: {  	_ =	shalt  }
0x5e: {  	_ =	shalt  }
0x5f: {  	_ =	shalt  }
0x60: {  	_ =	shalt  }
0x61: {  	_ =	shalt  }
0x62: {  	_ =	shalt  }
0x63: {  	_ =	shalt  }
0x64: {  	_ =	shalt  }
0x65: {  	_ =	shalt  }
0x66: {  	_ =	shalt  }
0x67: {  	_ =	shalt  }
0x68: {  	_ =	shalt  }
0x69: {  	_ =	shalt  }
0x6a: {  	_ =	shalt  }
0x6b: {  	_ =	shalt  }
0x6c: {  	_ =	shalt  }
0x6d: {  	_ =	shalt  }
0x6e: {  	_ =	shalt  }
0x6f: {  	_ =	shalt  }
0x70: {  	_ =	shalt  }
0x71: {  	_ =	shalt  }
0x72: {  	_ =	shalt  }
0x73: {  	_ =	shalt  }
0x74: {  	_ =	shalt  }
0x75: {  	_ =	shalt  }
0x76: {  	_ =	shalt  }
0x77: {  	_ =	shalt  }
0x78: {  	_ =	shalt  }
0x79: {  	_ =	shalt  }
0x7a: {  	_ =	shalt  }
0x7b: {  	_ =	shalt  }
0x7c: {  	_ =	shalt  }
0x7d: {  	_ =	shalt  }
0x7e: {  	_ =	shalt  }
0x7f: {  	_ =	shalt  }
0x80: {  	_ =	shalt  }
0x81: {  	_ =	shalt  }
0x82: {  	_ =	shalt  }
0x83: {  	_ =	shalt  }
0x84: {  	_ =	shalt  }
0x85: {  	_ =	shalt  }
0x86: {  	_ =	shalt  }
0x87: {  	_ =	shalt  }
.Lfunc_end0:
.L_simem_size_0:
called_computation.1_lowered:
.L_overlay_start_0:
0x88: {  	s2 =	sld [smem:$0x3FD9]  }
0x89: {  	s3 =	sld [smem:$0x3FFE];
	_ =	sdelay $0x1  }
0x8a: {  	s1 =	srdreg.scid  }
0x8b: {  	s0 =	sand.u32 $0x1, s1  }
0x8c: {  	s16 =	sshll.u32 s0, $0xA;
	s2 =	sadd.s32 s3, s2  }
0x8d: {  	s2 =	sadd.s32 s2, s16  }
0x8e: {  	[smem:$0x3FBB] =	sst s2  }
0x8f: {  	_ = 	snop  }
0x90: {  	(tm) =	ssettm $0x1  }
0x91: {  	s17 =	sld [smem:$0x3FFB];
	_ =	sdelay $0x3  }
0x92: {  	_ =	strace s17  }
0x93: {  	s2 =	sld [smem:$0x3FFC];
	_ =	sdelay $0x3  }
0x94: {  	_ =	strace s2  }
0x95: {  	s2 =	sld [smem:$0x3FFD];
	_ =	sdelay $0x3  }
0x96: {  	_ =	strace s2  }
0x97: {  	_ =	strace $0x8FFFFFFF  }
0x98: {  	s18 =	sld [smem:$0x3FDB];
	_ =	sdelay $0x1  }
0x99: {  	s19 =	simm.s32 $_scs_section_size  }
0x9a: {  	s4 =	simm.s32 $_size__tile_overlayer_lowered;
	s5 =	simm.s32 $_tile_overlayer_lowered  }
0x9b: {  	s22 =	simm.s32 $0x1BFF;
	s21 =	sshll.u32 s5, $0x1;
	s2 =	sadd.s32 s19, s18  }
0x9c: {  	s6 =	simm.s32 $0x0;
	s20 =	sshll.u32 s4, $0x1;
	s4 =	sadd.s32 s21, s2  }
0x9d: {  	[timem:s6], [sflag:s22] =	dma.local [hbm:s4], s20  }
0x9e: {  	_ =	swait.ge [sflag:s22], s20  }
0x9f: {  	s3 =	ssub.s32 $0x0, s20;
	[sflag:s22] =	ssyncset.done $0x0  }
0xa0: {  	[sflag:s22] =	ssyncadd.s32 s3;
	_ =	sdelay $0x1  }
0xa1: {  	s23 =	simm.s32 $0x1B8B  }
0xa2: {  	_ =	swait.ge [sflag:s23], $0x1  }
0xa3: {  	[sflag:s23] =	ssyncset.done $0x0  }
0xa4: {  	s25 =	simm.s32 $0x1B8E;
	s24 =	sld [smem:$0x3FFE];
	[sflag:s23] =	ssyncadd.s32 $0xFFFFFFFF  }
0xa5: {  	s26 =	simm.s32 $execute0_lowered;
	[smem:$0x3FD2] =	sst s25  }
0xa6: {  	s4 =	sshll.u32 s26, $0x1;
	_ =	strace $0x80000049;
	[dreg:$0x1] =	wrdreg $0xFFFFFFFF  }
0xa7: {  	s28 =	simm.s32 $_size_execute0_lowered;
	s2 =	sadd.s32 s2, s4;
	[dreg:$0x0] =	wrdreg $0x0  }
0xa8: {  	s4 =	sshll.u32 s28, $0x1;
	[dreg:$0x2] =	wrdreg s2  }
0xa9: {  	[dreg:$0x3] =	wrdreg s4  }
0xaa: {  	[dreg:$0x4] =	wrdreg $0xC0  }
0xab: {  	_ =	task [dreg:s6], $0x5FFFF  }
0xac: {  	[dreg:$0x1] =	wrdreg $0xFFFFFFFF  }
0xad: {  	[dreg:$0x0] =	wrdreg $0x60  }
0xae: {  	[dreg:$0x2] =	wrdreg s24  }
0xaf: {  	[dreg:$0x3] =	wrdreg $0xBE800  }
0xb0: {  	[dreg:$0x4] =	wrdreg $0x97000  }
0xb1: {  	[dreg:$0x5] =	wrdreg $0x9  }
0xb2: {  	_ =	task.clear_ibuf [dreg:s6], $0x6FFFF;
	_ =	strace $0x90000049  }
0xb3: {  	s29 =	simm.s32 $0x9;
	_ =	strace $0x8000004B  }
0xb4: {  	_ =	swait.ge [sflag:s29], $0x1  }
0xb5: {  	[sflag:s29] =	ssyncadd.s32 $0xFFFFFFFF  }
0xb6: {  	_ =	strace $0x9000004B  }
0xb7: {  	_ =	sfence  }
0xb8: {  	s30 =	sld [smem:$0x0];
	_ =	sdelay $0x2  }
0xb9: {  	s31 =	sshll.u32 s1, $0xD;
	s1 =	sshrl.u32 s1, $0x2  }
0xba: {  	s3 =	sand.u32 $0x4000, s31;
	s1 =	sadd.s32 s1, s30  }
0xbb: {  	s0 =	sor.u32 s3, s0;
	s1 =	sshll.u32 s1, $0x11  }
0xbc: {  	s0 =	sor.u32 s1, s0  }
0xbd: {  	s0 =	sadd.s32 $0x8F2B, s0  }
0xbe: {  	[sflag:s0] =	ssyncadd.remote.s32 $0x1  }
0xbf: {  	_ =	sfence.sel $0xFFFF  }
0xc0: {  	[dreg:$0x0] =	wrdreg $0xFFFFFFFF;
	(pc) =	sbr.abs _section_cstart, $3  }
0xc1: {  	[dreg:$0x1] =	wrdreg $0xFFFFFFFF  }
0xc2: {  	_ =	task.clear_ibuf [dreg:s6], $0x2FFFF;
	_ =	strace $0x9FFFFFFF  }
0xc3: {  	(tm) =	ssettm $0x7FFFFFFF  }
tec
execute0_lowered:
.L_overlay_start_1:
0x0: {  	(tag) =	ssettag $0x1  }
0x1: {  	s0 =	rddreg [dreg:$0x0]  }
0x2: {  	s2 =	rddreg [dreg:$0x1]  }
0x3: {  	s3 =	rddreg [dreg:$0x2];
	s12 =	stileid.u32  }
0x4: {  	s4 =	srdreg.scid;
	s13 =	simm.s32 $0x0;
	s28 =	simm.s32 $0x5700  }
0x5: {  	s30 =	simm.s32 $0x5F00;
	s31 =	simm.s32 $0x2;
	s29 =	simm.s32 $0x3  }
0x6: {  	s1 =	smul.u32 $0x2780, s12;
	s4 =	sand.u32 $0x1, s4;
	[smem:$0x7FF] =	sst s13  }
0x7: {  	s26 =	sshll.u32 s12, $0x1;
	s10 =	sadd.s32 $0x4200, s0;
	s15 =	smul.u32 $0x9E00, s12  }
0x8: {  	p0 =	slt.u32 s12, $0x2;
	s6 =	smul.u32 $0x27800, s4;
	_ =	strace $0x8000004A  }
0x9: {  	s7 =	ssub.s32 $0x2, s4;
	s4 =	sor.u32 s4, s26;
	s5 =	sshrl.u32 s1, $0x3  }
0xa: {  	s11 =	sshrl.u32 s7, $0x1;
	s9 =	smul.u32 $0x2700, s4;
	s4 =	sshll.u32 s4, $0x4  }
0xb: {  	s16 =	sshrl.u32 s15, $0x2;
	s17 =	sadd.s32 s1, s2;
	s8 =	sadd.s32 s5, s0  }
0xc: {  	s6 =	sadd.s32 s1, s6;
	s5 =	simm.s32 $0x4F;
	s4 =	sadd.s32 s4, s10  }
0xd: {  	s6 =	sshrl.u32 s6, $0x3;
	s14 =	sshrl.u32 s9, $0x3;
	s5 =	simm.s32 @!p0 $0x4E  }
0xe: {  	s8 =	sadd.s32 $0x17C00, s8;
	p0 =	sgt.u32 s12, $0x1;
	s0 =	sadd.s32 s6, s0  }
0xf: {  	s6 =	ssub.s32 s7, s11;
	s7 =	sadd.s32 s10, s14;
	s10 =	sadd.s32 $0x9C00, s4  }
0x10: {  	s4 =	sadd.s32 $0x13840, s4;
	[dreg:$0x7] =	wrdreg s8;
	s11 =	sadd.s32 s1, s3  }
0x11: {  	s22 =	sand.u32 $0x3, s5;
	s24 =	sadd.s32 $0x5, s5;
	[dreg:$0x4] =	wrdreg s7  }
0x12: {  	s25 =	sadd.s32 $0x6, s5;
	s26 =	sadd.s32 $0xFFFFFFFF, s5;
	[dreg:$0x5] =	wrdreg s10  }
0x13: {  	s7 =	sadd.s32 $0x9C40, s7;
	[dreg:$0x6] =	wrdreg s4;
	s4 =	sadd.s32 s16, s3  }
0x14: {  	s0 =	sadd.s32 $0x1CC00, s0;
	s23 =	smax.u32 s6, $0x1;
	s1 =	sand.u32 $0x5, s25  }
0x15: {  	s25 =	simm.s32 $0x80;
	s18 =	sadd.s32 $0x800, s4;
	[dreg:$0xc] =	wrdreg s0  }
0x16: {  	s19 =	sadd.s32 $0x1000, s4;
	s20 =	sadd.s32 $0x1800, s4;
	[dreg:$0xd] =	wrdreg s23  }
0x17: {  	s21 =	sadd.s32 $0x2000, s4;
	s0 =	sand.u32 $0x7, s24;
	[dreg:$0x8] =	wrdreg s18  }
0x18: {  	s4 =	sand.u32 $0x7, s26;
	s23 =	sshrl.u32 s17, $0x3;
	[dreg:$0x9] =	wrdreg s19  }
0x19: {  	s24 =	simm.s32 $0x8F00;
	s26 =	simm.s32 $0x4F00;
	[dreg:$0xa] =	wrdreg s20  }
0x1a: {  	[dreg:$0xb] =	wrdreg s21;
	s18 =	sadd.s32 $0x9, s22;
	s19 =	sadd.s32 $0x9, s0  }
0x1b: {  	s20 =	sadd.s32 $0x9, s1;
	s21 =	sadd.s32 $0x9, s4;
	s22 =	simm.s32 $0x11  }
0x1c: {  	v0 =	vimm.f32 $0.0e+00;
	s1 =	simm.s32 $0x6700;
	s0 =	simm.s32 $0x1;
	s4 =	simm.s32 $0x0  }
.LBB2_1:
0x1d: {  	s6 =	rddreg [dreg:$0x4]  }
0x1e: {  	[tilespmem:s13], [sflag:$0x11] =	stream.linear.gather [hbm4b:s6+s13], $0x2700, $0x38;
	[tilespmem:$0xE600] =	vst v63  }
0x1f: {  	_ =	swait.ge [sflag:s22], $0x2700  }
0x20: {  	[sflag:s22] =	ssyncset.done $0x0  }
0x21: {  	s8 =	simm.s32 @p0 $0x2780;
	s6 =	simm.s32 @p0 $0x0;
	[sflag:s22] =	ssyncadd.s32 $0xFFFFD900  }
0x22: {  	[tilespmem:s8], [sflag:$0x11] =	stream.linear.gather @p0 [hbm4b:s7+s6], $0x2700, $0x38;
	[tilespmem:$0xE600] =	vst v63  }
0x23: {  	s6 =	simm.s32 @p0 $0x11  }
0x24: {  	_ =	swait.ge @p0 [sflag:s6], $0x2700  }
0x25: {  	s8 =	simm.s32 @!p0 $0x2700;
	[sflag:s6] =	ssyncset.done @p0 $0x0  }
0x26: {  	s9 =	rddreg [dreg:$0x5];
	[sflag:s6] =	ssyncadd.s32 @p0 $0xFFFFD900;
	s6 =	simm.s32 @!p0 $0x0  }
0x27: {  	[tilespmem:s8], [sflag:$0x11] =	stream.linear.gather @!p0 [hbm4b:s9+s6], $0x80, $0x38;
	[tilespmem:$0xE600] =	vst v63  }
0x28: {  	s8 =	simm.s32 @!p0 $0x11  }
0x29: {  	_ =	swait.ge @!p0 [sflag:s8], $0x80  }
0x2a: {  	[sflag:s8] =	ssyncset.done @!p0 $0x0  }
0x2b: {  	s9 =	simm.s32 @!p0 $0x2780;
	[sflag:s8] =	ssyncadd.s32 @!p0 $0xFFFFFF80  }
0x2c: {  	[tilespmem:s9], [sflag:$0x11] =	stream.linear.gather @!p0 [hbm4b:s7+s6], $0x2700, $0x38;
	[tilespmem:$0xE600] =	vst v63  }
0x2d: {  	_ =	swait.ge @!p0 [sflag:s8], $0x2700  }
0x2e: {  	[sflag:s8] =	ssyncset.done @!p0 $0x0  }
0x2f: {  	s9 =	simm.s32 @!p0 $0x4E80;
	s10 =	rddreg [dreg:$0x6];
	[sflag:s8] =	ssyncadd.s32 @!p0 $0xFFFFD900  }
0x30: {  	[tilespmem:s9], [sflag:$0x11] =	stream.linear.gather @!p0 [hbm4b:s10+s6], $0x80, $0x38;
	[tilespmem:$0xE600] =	vst v63  }
0x31: {  	_ =	swait.ge @!p0 [sflag:s8], $0x80  }
0x32: {  	[sflag:s8] =	ssyncset.done @!p0 $0x0  }
0x33: {  	s6 =	simm.s32 $0x40;
	[sflag:s8] =	ssyncadd.s32 @!p0 $0xFFFFFF80;
	s8 =	simm.s32 $0x0  }
.LBB2_2:
0x34: {  	p1 =	sne.s32 s6, $0x1FC0;
	[tilespmem:s8+$0x8F00] =	vst v0;
	s8 =	smov.u32 s6;
	s6 =	sadd.s32 $0x40, s6  }
.Ltmp0:
0x35: {  	(pc) =	sbr.rel @p1 .LBB2_2-.Ltmp0, $2  }
0x36: {  	_ =	sdelay $0x2  }
0x37: {  	s8 =	sshra.s32 s8, $0x2  }
0x38: {  	s6 =	stileid.u32  }
0x39: {  	s6 =	sshll.u32 s6, $0x6  }
0x3a: {  	[tilespmem:s8+$0x8F00] =	vst v0;
	s14 =	rddreg [dreg:$0x7];
	s8 =	sor.u32 $0x1C11, s6  }
0x3b: {  	[spmem:s23], [sflag:s8] =	dma.local [hbm:s14], $0x4F0  }
0x3c: {  	_ =	swait.ge [sflag:s22], $0x4F0  }
0x3d: {  	[sflag:s22] =	ssyncset.done $0x0  }
0x3e: {  	[sflag:s22] =	ssyncadd.s32 $0xFFFFFB10  }
0x3f: {  	[spmem:s11] =	stream.linear.scatter [tilespmem:s24], [sflag:$0x11], $0x800, $0x38;
	[tilespmem:$0xE600] =	vst v63  }
0x40: {  	_ =	swait.ge [sflag:s22], $0x800  }
0x41: {  	[sflag:s22] =	ssyncset.done $0x0  }
0x42: {  	s15 =	rddreg [dreg:$0x8];
	[sflag:s22] =	ssyncadd.s32 $0xFFFFF800  }
0x43: {  	[spmem:s15] =	stream.linear.scatter [tilespmem:s24], [sflag:$0x11], $0x800, $0x38;
	[tilespmem:$0xE600] =	vst v63  }
0x44: {  	_ =	swait.ge [sflag:s22], $0x800  }
0x45: {  	[sflag:s22] =	ssyncset.done $0x0  }
0x46: {  	s16 =	rddreg [dreg:$0x9];
	[sflag:s22] =	ssyncadd.s32 $0xFFFFF800  }
0x47: {  	[spmem:s16] =	stream.linear.scatter [tilespmem:s24], [sflag:$0x11], $0x800, $0x38;
	[tilespmem:$0xE600] =	vst v63  }
0x48: {  	_ =	swait.ge [sflag:s22], $0x800  }
0x49: {  	[sflag:s22] =	ssyncset.done $0x0  }
0x4a: {  	s17 =	rddreg [dreg:$0xa];
	[sflag:s22] =	ssyncadd.s32 $0xFFFFF800  }
0x4b: {  	[spmem:s17] =	stream.linear.scatter [tilespmem:s24], [sflag:$0x11], $0x800, $0x38;
	[tilespmem:$0xE600] =	vst v63  }
0x4c: {  	_ =	swait.ge [sflag:s22], $0x800  }
0x4d: {  	[sflag:s22] =	ssyncset.done $0x0  }
0x4e: {  	s9 =	rddreg [dreg:$0xb];
	[sflag:s22] =	ssyncadd.s32 $0xFFFFF800  }
0x4f: {  	[spmem:s9] =	stream.linear.scatter [tilespmem:s24], [sflag:$0x11], $0x780, $0x38;
	[tilespmem:$0xE600] =	vst v63  }
0x50: {  	_ =	swait.ge [sflag:s22], $0x780  }
0x51: {  	[sflag:s22] =	ssyncset.done $0x0  }
0x52: {  	[sflag:s22] =	ssyncadd.s32 $0xFFFFF880  }
0x53: {  	[bflag:$0x0] =	sbarrier.arrive $0xFFFF  }
0x54: {  	[tilespmem:s26], [sflag:$0x1] =	stream.indirect.gather [spmem:s2], $0x10, s13, s25, $0xb8;
	[tilespmem:$0xE600] =	vst v63  }
0x55: {  	_ = 	snop  }
0x56: {  	[tilespmem:s28], [sflag:$0x2] =	stream.indirect.gather [spmem:s2], $0x10, s25, s25, $0xb8;
	[tilespmem:$0xE600] =	vst v63  }
0x57: {  	s10 =	simm.s32 $0x100  }
0x58: {  	[tilespmem:s30], [sflag:$0x3] =	stream.indirect.gather [spmem:s2], $0x10, s10, s25, $0xb8;
	[tilespmem:$0xE600] =	vst v63  }
0x59: {  	s12 =	simm.s32 $0x180  }
0x5a: {  	[tilespmem:s1], [sflag:$0x4] =	stream.indirect.gather [spmem:s2], $0x10, s12, s25, $0xb8;
	[tilespmem:$0xE600] =	vst v63  }
0x5b: {  	_ =	swait.ge [sflag:s0], $0x800  }
0x5c: {  	[sflag:s0] =	ssyncset.done $0x0  }
0x5d: {  	s13 =	simm.s32 $0x2780;
	[sflag:s0] =	ssyncadd.s32 $0xFFFFF800  }
0x5e: {  	[spmem:s3] =	stream.indirect.scatter.add.f32 [tilespmem:s26], [sflag:$0x9], $0x10, s13, s25, $0xb8;
	[tilespmem:$0xE600] =	vst v63  }
0x5f: {  	s14 =	simm.s32 $0x200;
	s9 =	simm.s32 $0x6F00  }
0x60: {  	[tilespmem:s9], [sflag:$0x5] =	stream.indirect.gather [spmem:s2], $0x10, s14, s25, $0xb8;
	[tilespmem:$0xE600] =	vst v63  }
0x61: {  	_ =	swait.ge [sflag:s31], $0x800  }
0x62: {  	[sflag:s31] =	ssyncset.done $0x0  }
0x63: {  	s15 =	simm.s32 $0x2800;
	[sflag:s31] =	ssyncadd.s32 $0xFFFFF800  }
0x64: {  	[spmem:s3] =	stream.indirect.scatter.add.f32 [tilespmem:s28], [sflag:$0xA], $0x10, s15, s25, $0xb8;
	[tilespmem:$0xE600] =	vst v63  }
0x65: {  	s16 =	simm.s32 $0x280;
	s17 =	simm.s32 $0x7700  }
0x66: {  	[tilespmem:s17], [sflag:$0x6] =	stream.indirect.gather [spmem:s2], $0x10, s16, s25, $0xb8;
	[tilespmem:$0xE600] =	vst v63  }
0x67: {  	_ =	swait.ge [sflag:s29], $0x800  }
0x68: {  	[sflag:s29] =	ssyncset.done $0x0  }
0x69: {  	p2 =	sne.s32 s5, $0x5;
	s9 =	simm.s32 $0x2880;
	[sflag:s29] =	ssyncadd.s32 $0xFFFFF800  }
0x6a: {  	[spmem:s3] =	stream.indirect.scatter.add.f32 [tilespmem:s30], [sflag:$0xB], $0x10, s9, s25, $0xb8;
	[tilespmem:$0xE600] =	vst v63  }
0x6b: {  	s10 =	simm.s32 $0x300;
	s12 =	simm.s32 $0x7F00;
	s13 =	simm.s32 $0x4  }
0x6c: {  	[tilespmem:s12], [sflag:$0x7] =	stream.indirect.gather [spmem:s2], $0x10, s10, s25, $0xb8;
	[tilespmem:$0xE600] =	vst v63  }
0x6d: {  	p1 =	sle.u32 s5, $0x8;
	s6 =	sand.u32 $0x7, s13;
	_ =	swait.ge [sflag:s13], $0x800  }
0x6e: {  	s14 =	simm.s32 $0x2900;
	s15 =	simm.s32 $0x380;
	[sflag:s13] =	ssyncset.done $0x0  }
0x6f: {  	s16 =	sadd.s32 $0x1, s6;
	s17 =	sshll.u32 s6, $0xB;
	[sflag:s13] =	ssyncadd.s32 $0xFFFFF800  }
0x70: {  	[spmem:s3] =	stream.indirect.scatter.add.f32 [tilespmem:s1], [sflag:$0xC], $0x10, s14, s25, $0xb8;
	[tilespmem:$0xE600] =	vst v63  }
0x71: {  	s6 =	sadd.s32 $0x9, s6;
	s9 =	simm.s32 $0x400;
	s10 =	simm.s32 $0x8700  }
0x72: {  	[tilespmem:s10], [sflag:$0x8] =	stream.indirect.gather [spmem:s2], $0x10, s15, s25, $0xb8;
	[tilespmem:$0xE600] =	vst v63  }
0x73: {  	s12 =	simm.s32 $0x2980;
	s14 =	simm.s32 $0x8;
	_ =	swait.ge [sflag:s16], $0x800  }
0x74: {  	s13 =	sadd.s32 $0x4F00, s17;
	s14 =	sand.u32 $0x7, s14;
	[sflag:s16] =	ssyncset.done $0x0  }
.Ltmp1:
0x75: {  	s10 =	simm.s32 $0x2A00;
	[sflag:s16] =	ssyncadd.s32 $0xFFFFF800;
	(pc) =	sbr.rel @!p2 .LBB2_5-.Ltmp1, $4  }
0x76: {  	[spmem:s3] =	stream.indirect.scatter.add.f32 [tilespmem:s13], [sflag:s6], $0x10, s12, s25, $0xb8;
	[tilespmem:$0xE600] =	vst v63  }
0x77: {  	s16 =	simm.s32 @!p1 $0x80;
	s6 =	simm.s32 $0x5;
	s13 =	sadd.s32 $0x9, s14  }
0x78: {  	s12 =	sshll.u32 @!p1 s14, $0xB;
	s14 =	sadd.s32 @!p1 $0x1, s14;
	_ =	swait.ge [sflag:s13], $0x800  }
0x79: {  	s15 =	sadd.s32 @!p1 $0x4F00, s12;
	s12 =	simm.s32 $0x400;
	[sflag:s13] =	ssyncset.done $0x0  }
.LBB2_4:
0x7a: {  	[sflag:s13] =	ssyncadd.s32 $0xFFFFF800  }
0x7b: {  	s12 =	sadd.s32 $0x80, s12;
	s13 =	smov.u32 s6;
	s6 =	sadd.s32 $0x1, s6  }
0x7c: {  	[tilespmem:s15], [sflag:s14] =	stream.indirect.gather @!p1 [spmem:s2], $0x10, s9, s16, $0xb8;
	[tilespmem:$0xE600] =	vst v63  }
0x7d: {  	s14 =	sand.u32 $0x7, s13;
	p2 =	sne.s32 s5, s6;
	s9 =	smov.u32 s12  }
0x7e: {  	s15 =	sshll.u32 s14, $0xB;
	s16 =	sadd.s32 $0x1, s14  }
0x7f: {  	s17 =	sadd.s32 $0x4, s13;
	_ =	swait.ge [sflag:s16], $0x800  }
0x80: {  	s14 =	sadd.s32 $0x9, s14;
	s13 =	sadd.s32 $0x4F00, s15;
	[sflag:s16] =	ssyncset.done $0x0  }
.Ltmp2:
0x81: {  	s15 =	sand.u32 $0x7, s17;
	[sflag:s16] =	ssyncadd.s32 $0xFFFFF800;
	(pc) =	sbr.rel @p2 .LBB2_4-.Ltmp2, $4  }
0x82: {  	[spmem:s3] =	stream.indirect.scatter.add.f32 [tilespmem:s13], [sflag:s14], $0x10, s10, s25, $0xb8;
	[tilespmem:$0xE600] =	vst v63  }
0x83: {  	p1 =	sge.u32 s17, s5;
	s13 =	sadd.s32 $0x9, s15;
	s10 =	sadd.s32 $0x80, s10  }
0x84: {  	s16 =	sshll.u32 @!p1 s15, $0xB;
	s14 =	sadd.s32 @!p1 $0x1, s15;
	_ =	swait.ge [sflag:s13], $0x800  }
0x85: {  	s15 =	sadd.s32 @!p1 $0x4F00, s16;
	s16 =	simm.s32 @!p1 $0x80;
	[sflag:s13] =	ssyncset.done $0x0  }
.LBB2_5:
0x86: {  	[sflag:s13] =	ssyncadd.s32 $0xFFFFF800  }
0x87: {  	[tilespmem:s15], [sflag:s14] =	stream.indirect.gather @!p1 [spmem:s2], $0x10, s9, s16, $0xb8;
	[tilespmem:$0xE600] =	vst v63  }
0x88: {  	_ =	swait.ge [sflag:s18], $0x800  }
0x89: {  	[sflag:s18] =	ssyncset.done $0x0  }
0x8a: {  	[sflag:s18] =	ssyncadd.s32 $0xFFFFF800  }
0x8b: {  	_ =	swait.ge [sflag:s19], $0x800  }
0x8c: {  	[sflag:s19] =	ssyncset.done $0x0  }
0x8d: {  	[sflag:s19] =	ssyncadd.s32 $0xFFFFF800  }
0x8e: {  	_ =	swait.ge [sflag:s20], $0x800  }
0x8f: {  	[sflag:s20] =	ssyncset.done $0x0  }
0x90: {  	[sflag:s20] =	ssyncadd.s32 $0xFFFFF800  }
0x91: {  	_ =	swait.ge [sflag:s21], $0x800  }
0x92: {  	[sflag:s21] =	ssyncset.done $0x0  }
0x93: {  	[sflag:s21] =	ssyncadd.s32 $0xFFFFF800  }
0x94: {  	[bflag:$0x0] =	sbarrier.arrive $0xFFFF  }
0x95: {  	s6 =	sshrl.u32 s11, $0x3;
	s16 =	rddreg [dreg:$0xc]  }
0x96: {  	[hbm:s16], [sflag:s8] =	dma.local [spmem:s6], $0x4F0  }
0x97: {  	_ =	swait.ge [sflag:s22], $0x4F0  }
0x98: {  	s4 =	sadd.s32 $0x1, s4;
	s17 =	rddreg [dreg:$0xd]  }
0x99: {  	p1 =	sne.s32 s4, s17  }
.Ltmp3:
0x9a: {  	_ = 	snop;
	(pc) =	sbr.rel @p1 .LBB2_1-.Ltmp3, $3  }
0x9b: {  	_ =	sdelay $0x1  }
0x9c: {  	[sflag:s22] =	ssyncset.done $0x0  }
0x9d: {  	s13 =	simm.s32 $0x0;
	[sflag:s22] =	ssyncadd.s32 $0xFFFFFB10  }
0x9e: {  	_ =	sfence.sel $0x180000  }
0x9f: {  	[bflag:$0x0] =	sbarrier.arrive $0xFFFF  }
0xa0: {  	_ =	strace $0x9000004A  }
0xa1: {  	s0 =	stileid.u32;
	[bflag:$0x2] =	sbarrier.arrive $0xFFFF  }
0xa2: {  	p0 =	sne.s32 s0, $0x0;
	s0 =	rddreg [dreg:$0x3]  }
0xa3: {  	s0 =	sadd.s32 @!p0 $0x100000, s0  }
0xa4: {  	[sflag:s0] =	ssyncadd.tile.s32 @!p0 $0x1;
	_ =	shalt  }
.Lfunc_end2:
_tile_overlayer_lowered:
.L_overlay_start_2:
0xa5: {  	(tag) =	ssettag $0x2  }
0xa6: {  	s0 =	rddreg [dreg:$0x0];
	s2 =	stileid.u32  }
0xa7: {  	s1 =	rddreg [dreg:$0x1];
	p0 =	sne.s32 s2, $0x0  }
0xa8: {  	s3 =	rddreg [dreg:$0x2];
	[bflag:$0x3] =	sbarrier.arrive $0xFFFF;
	s2 =	simm.s32 @!p0 $0x1C11  }
0xa9: {  	[timem:s3], [sflag:s2] =	dma.local @!p0 [hbm:s0], s1  }
0xaa: {  	s0 =	simm.s32 @!p0 $0x11  }
0xab: {  	_ =	swait.ge @!p0 [sflag:s0], s1  }
0xac: {  	s1 =	ssub.s32 @!p0 $0x0, s1;
	[sflag:s0] =	ssyncset.done @!p0 $0x0  }
0xad: {  	[sflag:s0] =	ssyncadd.s32 @!p0 s1  }
0xae: {  	[bflag:$0x3] =	sbarrier.arrive $0xFFFF  }
0xaf: {  	_ =	shalt  }

// kernel: kernel.17.cloned.1.call-start
scs
__scs_entry_jumppad:
0x0: {  	(pc) =	sbr.rel $0x88, $3  }
0x1: {  	(tag) =	ssettag $0x0;
	lr =	simm.s32 $0x1  }
0x2: {  	[smem:$0x3F94] =	sst lr;
	_ =	strace $0xD0000000  }
0x3: {  	_ = 	snop  }
0x4: {  	_ = 	snop  }
0x5: {  	_ = 	snop  }
0x6: {  	_ = 	snop  }
0x7: {  	_ = 	snop  }
__scs_overlays_trampoline_lowered:
0x8: {  	[smem:$0x3FA3] =	sst s0  }
0x9: {  	[smem:$0x3FA4] =	sst s1  }
0xa: {  	[smem:$0x3FA5] =	sst s2  }
0xb: {  	[smem:$0x3FA6] =	sst s3  }
0xc: {  	[smem:$0x3FA7] =	sst s4  }
0xd: {  	[smem:$0x3FA8] =	sst s5  }
0xe: {  	[smem:$0x3FA9] =	sst s6  }
0xf: {  	[smem:$0x3FAA] =	sst s7  }
0x10: {  	[smem:$0x3FAB] =	sst s8  }
0x11: {  	[smem:$0x3FAC] =	sst s9;
	s0 =	simm.s32 @!p0 $0x0  }
0x12: {  	s1 =	sld [smem:$0x3F92];
	s0 =	simm.s32 @p0 $0x1  }
0x13: {  	[smem:$0x3FAD] =	sst s0;
	s0 =	simm.s32 @!p1 $0x0  }
0x14: {  	s2 =	sld [smem:$0x3F91];
	s0 =	simm.s32 @p1 $0x1  }
0x15: {  	[smem:$0x3FAE] =	sst s0;
	s0 =	simm.s32 @!p2 $0x0  }
0x16: {  	s3 =	sld [smem:$0x3FDB];
	s0 =	simm.s32 @p2 $0x1  }
0x17: {  	s4 =	simm.s32 $0x1BF5;
	[smem:$0x3FB0] =	sst s0  }
0x18: {  	s0 =	sld [smem:$0x3F93];
	_ =	swait.ge [sflag:s4], $0x0  }
0x19: {  	s7 =	sld [smem:$0x3F94]  }
0x1a: {  	s8 =	sadd.s32 $0xFFFFE003, lr  }
0x1b: {  	s9 =	sadd.s32 $0xFFFFFEF7, lr;
	s5 =	simm.s32 $0xFFFFFFFF;
	p2 =	slt.u32 s8, $0xFFFFF086  }
0x1c: {  	p1 =	slt.u32 s9, $0xF7A;
	s5 =	simm.s32 @!p2 $0x0  }
0x1d: {  	s5 =	simm.s32 @p1 $0x1;
	p0 =	seq.s32 s7, s2  }
0x1e: {  	s7 =	smul.u32 @!p0 $0xF7A, s2;
	p2 =	seq.s32 @!p0 s5, $0x0  }
0x1f: {  	s9 =	smul.u32 $0xF7A, s1;
	s8 =	simm.s32 @!p0 $0x1BF5;
	p2 =	por !p2, p0  }
0x20: {  	[sflag:s8] =	ssyncset.s32 @!p0 $0xFFFFF086;
	s6 =	sadd.s32 @!p0 s3, s7;
	s7 =	simm.s32 @!p0 $0x108  }
0x21: {  	s3 =	sadd.s32 s3, s9;
	s6 =	sadd.s32 @!p0 $0x88, s6;
	s7 =	simm.s32 @p2 $0x1082  }
0x22: {  	[simem:s7], [sflag:s8] =	dma.local @!p0 [hbm:s6], $0xF7A  }
0x23: {  	s9 =	sor.u32 $0xD0000000, s2;
	s6 =	simm.s32 $0x108;
	_ =	swait.ge @!p0 [sflag:s8], $0x0  }
0x24: {  	s3 =	sadd.s32 $0x88, s3;
	s6 =	simm.s32 @!p1 $0x1082;
	[sflag:s4] =	ssyncset.s32 $0xFFFFF086  }
0x25: {  	[simem:s6], [sflag:s4] =	dma.local [hbm:s3], $0xF7A  }
0x26: {  	[smem:$0x3F94] =	sst s1;
	(tag) =	ssettag s2;
	_ =	strace s9  }
0x27: {  	s1 =	sld [smem:$0x3FA4]  }
0x28: {  	s2 =	sld [smem:$0x3FA5]  }
0x29: {  	s4 =	sld [smem:$0x3FA7]  }
0x2a: {  	p0 =	seq.s32 s5, $0x0;
	s5 =	sld [smem:$0x3FA8]  }
0x2b: {  	s6 =	sld [smem:$0x3FA9]  }
0x2c: {  	s7 =	sld [smem:$0x3FAA]  }
0x2d: {  	s3 =	simm.s32 $0x108;
	s8 =	sld [smem:$0x3FAB]  }
0x2e: {  	s3 =	simm.s32 @!p0 $0x1082;
	s9 =	sld [smem:$0x3FAC]  }
0x2f: {  	lr =	sadd.s32 s0, s3;
	s0 =	sld [smem:$0x3FA3]  }
0x30: {  	s3 =	sld [smem:$0x3FA6]  }
0x31: {  	[smem:$0x3FAF] =	sst s10  }
0x32: {  	s10 =	sld [smem:$0x3FAD];
	_ =	sdelay $0x3  }
0x33: {  	p0 =	seq.s32 s10, $0x1;
	s10 =	sld [smem:$0x3FAF];
	_ =	sdelay $0x3  }
0x34: {  	[smem:$0x3FAF] =	sst s10  }
0x35: {  	s10 =	sld [smem:$0x3FAE];
	_ =	sdelay $0x3  }
0x36: {  	p1 =	seq.s32 s10, $0x1;
	s10 =	sld [smem:$0x3FAF];
	_ =	sdelay $0x3  }
0x37: {  	[smem:$0x3FAF] =	sst s10  }
0x38: {  	s10 =	sld [smem:$0x3FB0]  }
0x39: {  	_ = 	snop;
	(pc) =	sbr.ind lr, $3  }
0x3a: {  	_ = 	snop  }
0x3b: {  	_ = 	snop  }
0x3c: {  	p2 =	seq.s32 s10, $0x1;
	s10 =	sld [smem:$0x3FAF]  }
0x3d: {  	_ =	shalt  }
0x3e: {  	_ =	shalt  }
0x3f: {  	_ =	shalt  }
0x40: {  	_ =	shalt  }
0x41: {  	_ =	shalt  }
0x42: {  	_ =	shalt  }
0x43: {  	_ =	shalt  }
0x44: {  	_ =	shalt  }
0x45: {  	_ =	shalt  }
0x46: {  	_ =	shalt  }
0x47: {  	_ =	shalt  }
0x48: {  	_ =	shalt  }
0x49: {  	_ =	shalt  }
0x4a: {  	_ =	shalt  }
0x4b: {  	_ =	shalt  }
0x4c: {  	_ =	shalt  }
0x4d: {  	_ =	shalt  }
0x4e: {  	_ =	shalt  }
0x4f: {  	_ =	shalt  }
0x50: {  	_ =	shalt  }
0x51: {  	_ =	shalt  }
0x52: {  	_ =	shalt  }
0x53: {  	_ =	shalt  }
0x54: {  	_ =	shalt  }
0x55: {  	_ =	shalt  }
0x56: {  	_ =	shalt  }
0x57: {  	_ =	shalt  }
0x58: {  	_ =	shalt  }
0x59: {  	_ =	shalt  }
0x5a: {  	_ =	shalt  }
0x5b: {  	_ =	shalt  }
0x5c: {  	_ =	shalt  }
0x5d: {  	_ =	shalt  }
0x5e: {  	_ =	shalt  }
0x5f: {  	_ =	shalt  }
0x60: {  	_ =	shalt  }
0x61: {  	_ =	shalt  }
0x62: {  	_ =	shalt  }
0x63: {  	_ =	shalt  }
0x64: {  	_ =	shalt  }
0x65: {  	_ =	shalt  }
0x66: {  	_ =	shalt  }
0x67: {  	_ =	shalt  }
0x68: {  	_ =	shalt  }
0x69: {  	_ =	shalt  }
0x6a: {  	_ =	shalt  }
0x6b: {  	_ =	shalt  }
0x6c: {  	_ =	shalt  }
0x6d: {  	_ =	shalt  }
0x6e: {  	_ =	shalt  }
0x6f: {  	_ =	shalt  }
0x70: {  	_ =	shalt  }
0x71: {  	_ =	shalt  }
0x72: {  	_ =	shalt  }
0x73: {  	_ =	shalt  }
0x74: {  	_ =	shalt  }
0x75: {  	_ =	shalt  }
0x76: {  	_ =	shalt  }
0x77: {  	_ =	shalt  }
0x78: {  	_ =	shalt  }
0x79: {  	_ =	shalt  }
0x7a: {  	_ =	shalt  }
0x7b: {  	_ =	shalt  }
0x7c: {  	_ =	shalt  }
0x7d: {  	_ =	shalt  }
0x7e: {  	_ =	shalt  }
0x7f: {  	_ =	shalt  }
0x80: {  	_ =	shalt  }
0x81: {  	_ =	shalt  }
0x82: {  	_ =	shalt  }
0x83: {  	_ =	shalt  }
0x84: {  	_ =	shalt  }
0x85: {  	_ =	shalt  }
0x86: {  	_ =	shalt  }
0x87: {  	_ =	shalt  }
.Lfunc_end0:
.L_simem_size_0:
called_computation.2_lowered:
.L_overlay_start_0:
0x88: {  	s2 =	sld [smem:$0x3FD9]  }
0x89: {  	s3 =	sld [smem:$0x3FFE];
	_ =	sdelay $0x1  }
0x8a: {  	s1 =	srdreg.scid  }
0x8b: {  	s0 =	sand.u32 $0x1, s1  }
0x8c: {  	s16 =	sshll.u32 s0, $0xA;
	s2 =	sadd.s32 s3, s2  }
0x8d: {  	s2 =	sadd.s32 s2, s16  }
0x8e: {  	[smem:$0x3FBB] =	sst s2  }
0x8f: {  	_ = 	snop  }
0x90: {  	(tm) =	ssettm $0x1  }
0x91: {  	s17 =	sld [smem:$0x3FFB];
	_ =	sdelay $0x3  }
0x92: {  	_ =	strace s17  }
0x93: {  	s2 =	sld [smem:$0x3FFC];
	_ =	sdelay $0x3  }
0x94: {  	_ =	strace s2  }
0x95: {  	s2 =	sld [smem:$0x3FFD];
	_ =	sdelay $0x3  }
0x96: {  	_ =	strace s2  }
0x97: {  	_ =	strace $0x8FFFFFFF  }
0x98: {  	s18 =	sld [smem:$0x3FDB];
	_ =	sdelay $0x1  }
0x99: {  	s19 =	simm.s32 $_scs_section_size  }
0x9a: {  	s4 =	simm.s32 $_size__tile_overlayer_lowered;
	s5 =	simm.s32 $_tile_overlayer_lowered  }
0x9b: {  	s22 =	simm.s32 $0x1BFF;
	s21 =	sshll.u32 s5, $0x1;
	s2 =	sadd.s32 s19, s18  }
0x9c: {  	s6 =	simm.s32 $0x0;
	s20 =	sshll.u32 s4, $0x1;
	s4 =	sadd.s32 s21, s2  }
0x9d: {  	[timem:s6], [sflag:s22] =	dma.local [hbm:s4], s20  }
0x9e: {  	_ =	swait.ge [sflag:s22], s20  }
0x9f: {  	s3 =	ssub.s32 $0x0, s20;
	[sflag:s22] =	ssyncset.done $0x0  }
0xa0: {  	[sflag:s22] =	ssyncadd.s32 s3;
	_ =	sdelay $0x1  }
0xa1: {  	s23 =	simm.s32 $0x1B8B  }
0xa2: {  	_ =	swait.ge [sflag:s23], $0x1  }
0xa3: {  	[sflag:s23] =	ssyncset.done $0x0  }
0xa4: {  	s25 =	simm.s32 $0x1B8E;
	s24 =	sld [smem:$0x3FFE];
	[sflag:s23] =	ssyncadd.s32 $0xFFFFFFFF  }
0xa5: {  	s26 =	simm.s32 $execute0_lowered;
	[smem:$0x3FD2] =	sst s25  }
0xa6: {  	s4 =	sshll.u32 s26, $0x1;
	_ =	strace $0x8000004C;
	[dreg:$0x1] =	wrdreg $0xFFFFFFFF  }
0xa7: {  	s28 =	simm.s32 $_size_execute0_lowered;
	s2 =	sadd.s32 s2, s4;
	[dreg:$0x0] =	wrdreg $0x0  }
0xa8: {  	s4 =	sshll.u32 s28, $0x1;
	[dreg:$0x2] =	wrdreg s2  }
0xa9: {  	[dreg:$0x3] =	wrdreg s4  }
0xaa: {  	[dreg:$0x4] =	wrdreg $0xC0  }
0xab: {  	_ =	task [dreg:s6], $0x5FFFF  }
0xac: {  	[dreg:$0x1] =	wrdreg $0xFFFFFFFF  }
0xad: {  	[dreg:$0x0] =	wrdreg $0x60  }
0xae: {  	[dreg:$0x2] =	wrdreg s24  }
0xaf: {  	[dreg:$0x3] =	wrdreg $0xBE800  }
0xb0: {  	[dreg:$0x4] =	wrdreg $0x97000  }
0xb1: {  	[dreg:$0x5] =	wrdreg $0x9  }
0xb2: {  	_ =	task.clear_ibuf [dreg:s6], $0x6FFFF;
	_ =	strace $0x9000004C  }
0xb3: {  	s29 =	simm.s32 $0x9;
	_ =	strace $0x8000004E  }
0xb4: {  	_ =	swait.ge [sflag:s29], $0x1  }
0xb5: {  	[sflag:s29] =	ssyncadd.s32 $0xFFFFFFFF  }
0xb6: {  	_ =	strace $0x9000004E  }
0xb7: {  	_ =	sfence  }
0xb8: {  	s30 =	sld [smem:$0x0];
	_ =	sdelay $0x2  }
0xb9: {  	s31 =	sshll.u32 s1, $0xD;
	s1 =	sshrl.u32 s1, $0x2  }
0xba: {  	s3 =	sand.u32 $0x4000, s31;
	s1 =	sadd.s32 s1, s30  }
0xbb: {  	s0 =	sor.u32 s3, s0;
	s1 =	sshll.u32 s1, $0x11  }
0xbc: {  	s0 =	sor.u32 s1, s0  }
0xbd: {  	s0 =	sadd.s32 $0x8F2B, s0  }
0xbe: {  	[sflag:s0] =	ssyncadd.remote.s32 $0x1  }
0xbf: {  	_ =	sfence.sel $0xFFFF  }
0xc0: {  	[dreg:$0x0] =	wrdreg $0xFFFFFFFF;
	(pc) =	sbr.abs _section_cstart, $3  }
0xc1: {  	[dreg:$0x1] =	wrdreg $0xFFFFFFFF  }
0xc2: {  	_ =	task.clear_ibuf [dreg:s6], $0x2FFFF;
	_ =	strace $0x9FFFFFFF  }
0xc3: {  	(tm) =	ssettm $0x7FFFFFFF  }
tec
execute0_lowered:
.L_overlay_start_1:
0x0: {  	(tag) =	ssettag $0x1  }
0x1: {  	s0 =	rddreg [dreg:$0x0]  }
0x2: {  	s2 =	rddreg [dreg:$0x1]  }
0x3: {  	s3 =	rddreg [dreg:$0x2];
	s12 =	stileid.u32  }
0x4: {  	s4 =	srdreg.scid;
	s13 =	simm.s32 $0x0;
	s28 =	simm.s32 $0x5700  }
0x5: {  	s30 =	simm.s32 $0x5F00;
	s31 =	simm.s32 $0x2;
	s29 =	simm.s32 $0x3  }
0x6: {  	s1 =	smul.u32 $0x2780, s12;
	s4 =	sand.u32 $0x1, s4;
	[smem:$0x7FF] =	sst s13  }
0x7: {  	s26 =	sshll.u32 s12, $0x1;
	s10 =	sadd.s32 $0x4200, s0;
	s15 =	smul.u32 $0x9E00, s12  }
0x8: {  	p0 =	slt.u32 s12, $0x2;
	s6 =	smul.u32 $0x27800, s4;
	_ =	strace $0x8000004D  }
0x9: {  	s7 =	ssub.s32 $0x2, s4;
	s4 =	sor.u32 s4, s26;
	s5 =	sshrl.u32 s1, $0x3  }
0xa: {  	s11 =	sshrl.u32 s7, $0x1;
	s9 =	smul.u32 $0x2700, s4;
	s4 =	sshll.u32 s4, $0x4  }
0xb: {  	s16 =	sshrl.u32 s15, $0x2;
	s17 =	sadd.s32 s1, s2;
	s8 =	sadd.s32 s5, s0  }
0xc: {  	s6 =	sadd.s32 s1, s6;
	s5 =	simm.s32 $0x4F;
	s4 =	sadd.s32 s4, s10  }
0xd: {  	s6 =	sshrl.u32 s6, $0x3;
	s14 =	sshrl.u32 s9, $0x3;
	s5 =	simm.s32 @!p0 $0x4E  }
0xe: {  	s8 =	sadd.s32 $0x17C00, s8;
	p0 =	sgt.u32 s12, $0x1;
	s0 =	sadd.s32 s6, s0  }
0xf: {  	s6 =	ssub.s32 s7, s11;
	s7 =	sadd.s32 s10, s14;
	s10 =	sadd.s32 $0x9C00, s4  }
0x10: {  	s4 =	sadd.s32 $0x13840, s4;
	[dreg:$0x7] =	wrdreg s8;
	s11 =	sadd.s32 s1, s3  }
0x11: {  	s22 =	sand.u32 $0x3, s5;
	s24 =	sadd.s32 $0x5, s5;
	[dreg:$0x4] =	wrdreg s7  }
0x12: {  	s25 =	sadd.s32 $0x6, s5;
	s26 =	sadd.s32 $0xFFFFFFFF, s5;
	[dreg:$0x5] =	wrdreg s10  }
0x13: {  	s7 =	sadd.s32 $0x9C40, s7;
	[dreg:$0x6] =	wrdreg s4;
	s4 =	sadd.s32 s16, s3  }
0x14: {  	s0 =	sadd.s32 $0x1CC00, s0;
	s23 =	smax.u32 s6, $0x1;
	s1 =	sand.u32 $0x5, s25  }
0x15: {  	s25 =	simm.s32 $0x80;
	s18 =	sadd.s32 $0x800, s4;
	[dreg:$0xc] =	wrdreg s0  }
0x16: {  	s19 =	sadd.s32 $0x1000, s4;
	s20 =	sadd.s32 $0x1800, s4;
	[dreg:$0xd] =	wrdreg s23  }
0x17: {  	s21 =	sadd.s32 $0x2000, s4;
	s0 =	sand.u32 $0x7, s24;
	[dreg:$0x8] =	wrdreg s18  }
0x18: {  	s4 =	sand.u32 $0x7, s26;
	s23 =	sshrl.u32 s17, $0x3;
	[dreg:$0x9] =	wrdreg s19  }
0x19: {  	s24 =	simm.s32 $0x8F00;
	s26 =	simm.s32 $0x4F00;
	[dreg:$0xa] =	wrdreg s20  }
0x1a: {  	[dreg:$0xb] =	wrdreg s21;
	s18 =	sadd.s32 $0x9, s22;
	s19 =	sadd.s32 $0x9, s0  }
0x1b: {  	s20 =	sadd.s32 $0x9, s1;
	s21 =	sadd.s32 $0x9, s4;
	s22 =	simm.s32 $0x11  }
0x1c: {  	v0 =	vimm.f32 $0.0e+00;
	s1 =	simm.s32 $0x6700;
	s0 =	simm.s32 $0x1;
	s4 =	simm.s32 $0x0  }
.LBB2_1:
0x1d: {  	s6 =	rddreg [dreg:$0x4]  }
0x1e: {  	[tilespmem:s13], [sflag:$0x11] =	stream.linear.gather [hbm4b:s6+s13], $0x2700, $0x38;
	[tilespmem:$0xE600] =	vst v63  }
0x1f: {  	_ =	swait.ge [sflag:s22], $0x2700  }
0x20: {  	[sflag:s22] =	ssyncset.done $0x0  }
0x21: {  	s8 =	simm.s32 @p0 $0x2780;
	s6 =	simm.s32 @p0 $0x0;
	[sflag:s22] =	ssyncadd.s32 $0xFFFFD900  }
0x22: {  	[tilespmem:s8], [sflag:$0x11] =	stream.linear.gather @p0 [hbm4b:s7+s6], $0x2700, $0x38;
	[tilespmem:$0xE600] =	vst v63  }
0x23: {  	s6 =	simm.s32 @p0 $0x11  }
0x24: {  	_ =	swait.ge @p0 [sflag:s6], $0x2700  }
0x25: {  	s8 =	simm.s32 @!p0 $0x2700;
	[sflag:s6] =	ssyncset.done @p0 $0x0  }
0x26: {  	s9 =	rddreg [dreg:$0x5];
	[sflag:s6] =	ssyncadd.s32 @p0 $0xFFFFD900;
	s6 =	simm.s32 @!p0 $0x0  }
0x27: {  	[tilespmem:s8], [sflag:$0x11] =	stream.linear.gather @!p0 [hbm4b:s9+s6], $0x80, $0x38;
	[tilespmem:$0xE600] =	vst v63  }
0x28: {  	s8 =	simm.s32 @!p0 $0x11  }
0x29: {  	_ =	swait.ge @!p0 [sflag:s8], $0x80  }
0x2a: {  	[sflag:s8] =	ssyncset.done @!p0 $0x0  }
0x2b: {  	s9 =	simm.s32 @!p0 $0x2780;
	[sflag:s8] =	ssyncadd.s32 @!p0 $0xFFFFFF80  }
0x2c: {  	[tilespmem:s9], [sflag:$0x11] =	stream.linear.gather @!p0 [hbm4b:s7+s6], $0x2700, $0x38;
	[tilespmem:$0xE600] =	vst v63  }
0x2d: {  	_ =	swait.ge @!p0 [sflag:s8], $0x2700  }
0x2e: {  	[sflag:s8] =	ssyncset.done @!p0 $0x0  }
0x2f: {  	s9 =	simm.s32 @!p0 $0x4E80;
	s10 =	rddreg [dreg:$0x6];
	[sflag:s8] =	ssyncadd.s32 @!p0 $0xFFFFD900  }
0x30: {  	[tilespmem:s9], [sflag:$0x11] =	stream.linear.gather @!p0 [hbm4b:s10+s6], $0x80, $0x38;
	[tilespmem:$0xE600] =	vst v63  }
0x31: {  	_ =	swait.ge @!p0 [sflag:s8], $0x80  }
0x32: {  	[sflag:s8] =	ssyncset.done @!p0 $0x0  }
0x33: {  	s6 =	simm.s32 $0x40;
	[sflag:s8] =	ssyncadd.s32 @!p0 $0xFFFFFF80;
	s8 =	simm.s32 $0x0  }
.LBB2_2:
0x34: {  	p1 =	sne.s32 s6, $0x1FC0;
	[tilespmem:s8+$0x8F00] =	vst v0;
	s8 =	smov.u32 s6;
	s6 =	sadd.s32 $0x40, s6  }
.Ltmp0:
0x35: {  	(pc) =	sbr.rel @p1 .LBB2_2-.Ltmp0, $2  }
0x36: {  	_ =	sdelay $0x2  }
0x37: {  	s8 =	sshra.s32 s8, $0x2  }
0x38: {  	s6 =	stileid.u32  }
0x39: {  	s6 =	sshll.u32 s6, $0x6  }
0x3a: {  	[tilespmem:s8+$0x8F00] =	vst v0;
	s14 =	rddreg [dreg:$0x7];
	s8 =	sor.u32 $0x1C11, s6  }
0x3b: {  	[spmem:s23], [sflag:s8] =	dma.local [hbm:s14], $0x4F0  }
0x3c: {  	_ =	swait.ge [sflag:s22], $0x4F0  }
0x3d: {  	[sflag:s22] =	ssyncset.done $0x0  }
0x3e: {  	[sflag:s22] =	ssyncadd.s32 $0xFFFFFB10  }
0x3f: {  	[spmem:s11] =	stream.linear.scatter [tilespmem:s24], [sflag:$0x11], $0x800, $0x38;
	[tilespmem:$0xE600] =	vst v63  }
0x40: {  	_ =	swait.ge [sflag:s22], $0x800  }
0x41: {  	[sflag:s22] =	ssyncset.done $0x0  }
0x42: {  	s15 =	rddreg [dreg:$0x8];
	[sflag:s22] =	ssyncadd.s32 $0xFFFFF800  }
0x43: {  	[spmem:s15] =	stream.linear.scatter [tilespmem:s24], [sflag:$0x11], $0x800, $0x38;
	[tilespmem:$0xE600] =	vst v63  }
0x44: {  	_ =	swait.ge [sflag:s22], $0x800  }
0x45: {  	[sflag:s22] =	ssyncset.done $0x0  }
0x46: {  	s16 =	rddreg [dreg:$0x9];
	[sflag:s22] =	ssyncadd.s32 $0xFFFFF800  }
0x47: {  	[spmem:s16] =	stream.linear.scatter [tilespmem:s24], [sflag:$0x11], $0x800, $0x38;
	[tilespmem:$0xE600] =	vst v63  }
0x48: {  	_ =	swait.ge [sflag:s22], $0x800  }
0x49: {  	[sflag:s22] =	ssyncset.done $0x0  }
0x4a: {  	s17 =	rddreg [dreg:$0xa];
	[sflag:s22] =	ssyncadd.s32 $0xFFFFF800  }
0x4b: {  	[spmem:s17] =	stream.linear.scatter [tilespmem:s24], [sflag:$0x11], $0x800, $0x38;
	[tilespmem:$0xE600] =	vst v63  }
0x4c: {  	_ =	swait.ge [sflag:s22], $0x800  }
0x4d: {  	[sflag:s22] =	ssyncset.done $0x0  }
0x4e: {  	s9 =	rddreg [dreg:$0xb];
	[sflag:s22] =	ssyncadd.s32 $0xFFFFF800  }
0x4f: {  	[spmem:s9] =	stream.linear.scatter [tilespmem:s24], [sflag:$0x11], $0x780, $0x38;
	[tilespmem:$0xE600] =	vst v63  }
0x50: {  	_ =	swait.ge [sflag:s22], $0x780  }
0x51: {  	[sflag:s22] =	ssyncset.done $0x0  }
0x52: {  	[sflag:s22] =	ssyncadd.s32 $0xFFFFF880  }
0x53: {  	[bflag:$0x0] =	sbarrier.arrive $0xFFFF  }
0x54: {  	[tilespmem:s26], [sflag:$0x1] =	stream.indirect.gather [spmem:s2], $0x10, s13, s25, $0xb8;
	[tilespmem:$0xE600] =	vst v63  }
0x55: {  	_ = 	snop  }
0x56: {  	[tilespmem:s28], [sflag:$0x2] =	stream.indirect.gather [spmem:s2], $0x10, s25, s25, $0xb8;
	[tilespmem:$0xE600] =	vst v63  }
0x57: {  	s10 =	simm.s32 $0x100  }
0x58: {  	[tilespmem:s30], [sflag:$0x3] =	stream.indirect.gather [spmem:s2], $0x10, s10, s25, $0xb8;
	[tilespmem:$0xE600] =	vst v63  }
0x59: {  	s12 =	simm.s32 $0x180  }
0x5a: {  	[tilespmem:s1], [sflag:$0x4] =	stream.indirect.gather [spmem:s2], $0x10, s12, s25, $0xb8;
	[tilespmem:$0xE600] =	vst v63  }
0x5b: {  	_ =	swait.ge [sflag:s0], $0x800  }
0x5c: {  	[sflag:s0] =	ssyncset.done $0x0  }
0x5d: {  	s13 =	simm.s32 $0x2780;
	[sflag:s0] =	ssyncadd.s32 $0xFFFFF800  }
0x5e: {  	[spmem:s3] =	stream.indirect.scatter.add.f32 [tilespmem:s26], [sflag:$0x9], $0x10, s13, s25, $0xb8;
	[tilespmem:$0xE600] =	vst v63  }
0x5f: {  	s14 =	simm.s32 $0x200;
	s9 =	simm.s32 $0x6F00  }
0x60: {  	[tilespmem:s9], [sflag:$0x5] =	stream.indirect.gather [spmem:s2], $0x10, s14, s25, $0xb8;
	[tilespmem:$0xE600] =	vst v63  }
0x61: {  	_ =	swait.ge [sflag:s31], $0x800  }
0x62: {  	[sflag:s31] =	ssyncset.done $0x0  }
0x63: {  	s15 =	simm.s32 $0x2800;
	[sflag:s31] =	ssyncadd.s32 $0xFFFFF800  }
0x64: {  	[spmem:s3] =	stream.indirect.scatter.add.f32 [tilespmem:s28], [sflag:$0xA], $0x10, s15, s25, $0xb8;
	[tilespmem:$0xE600] =	vst v63  }
0x65: {  	s16 =	simm.s32 $0x280;
	s17 =	simm.s32 $0x7700  }
0x66: {  	[tilespmem:s17], [sflag:$0x6] =	stream.indirect.gather [spmem:s2], $0x10, s16, s25, $0xb8;
	[tilespmem:$0xE600] =	vst v63  }
0x67: {  	_ =	swait.ge [sflag:s29], $0x800  }
0x68: {  	[sflag:s29] =	ssyncset.done $0x0  }
0x69: {  	p2 =	sne.s32 s5, $0x5;
	s9 =	simm.s32 $0x2880;
	[sflag:s29] =	ssyncadd.s32 $0xFFFFF800  }
0x6a: {  	[spmem:s3] =	stream.indirect.scatter.add.f32 [tilespmem:s30], [sflag:$0xB], $0x10, s9, s25, $0xb8;
	[tilespmem:$0xE600] =	vst v63  }
0x6b: {  	s10 =	simm.s32 $0x300;
	s12 =	simm.s32 $0x7F00;
	s13 =	simm.s32 $0x4  }
0x6c: {  	[tilespmem:s12], [sflag:$0x7] =	stream.indirect.gather [spmem:s2], $0x10, s10, s25, $0xb8;
	[tilespmem:$0xE600] =	vst v63  }
0x6d: {  	p1 =	sle.u32 s5, $0x8;
	s6 =	sand.u32 $0x7, s13;
	_ =	swait.ge [sflag:s13], $0x800  }
0x6e: {  	s14 =	simm.s32 $0x2900;
	s15 =	simm.s32 $0x380;
	[sflag:s13] =	ssyncset.done $0x0  }
0x6f: {  	s16 =	sadd.s32 $0x1, s6;
	s17 =	sshll.u32 s6, $0xB;
	[sflag:s13] =	ssyncadd.s32 $0xFFFFF800  }
0x70: {  	[spmem:s3] =	stream.indirect.scatter.add.f32 [tilespmem:s1], [sflag:$0xC], $0x10, s14, s25, $0xb8;
	[tilespmem:$0xE600] =	vst v63  }
0x71: {  	s6 =	sadd.s32 $0x9, s6;
	s9 =	simm.s32 $0x400;
	s10 =	simm.s32 $0x8700  }
0x72: {  	[tilespmem:s10], [sflag:$0x8] =	stream.indirect.gather [spmem:s2], $0x10, s15, s25, $0xb8;
	[tilespmem:$0xE600] =	vst v63  }
0x73: {  	s12 =	simm.s32 $0x2980;
	s14 =	simm.s32 $0x8;
	_ =	swait.ge [sflag:s16], $0x800  }
0x74: {  	s13 =	sadd.s32 $0x4F00, s17;
	s14 =	sand.u32 $0x7, s14;
	[sflag:s16] =	ssyncset.done $0x0  }
.Ltmp1:
0x75: {  	s10 =	simm.s32 $0x2A00;
	[sflag:s16] =	ssyncadd.s32 $0xFFFFF800;
	(pc) =	sbr.rel @!p2 .LBB2_5-.Ltmp1, $4  }
0x76: {  	[spmem:s3] =	stream.indirect.scatter.add.f32 [tilespmem:s13], [sflag:s6], $0x10, s12, s25, $0xb8;
	[tilespmem:$0xE600] =	vst v63  }
0x77: {  	s16 =	simm.s32 @!p1 $0x80;
	s6 =	simm.s32 $0x5;
	s13 =	sadd.s32 $0x9, s14  }
0x78: {  	s12 =	sshll.u32 @!p1 s14, $0xB;
	s14 =	sadd.s32 @!p1 $0x1, s14;
	_ =	swait.ge [sflag:s13], $0x800  }
0x79: {  	s15 =	sadd.s32 @!p1 $0x4F00, s12;
	s12 =	simm.s32 $0x400;
	[sflag:s13] =	ssyncset.done $0x0  }
.LBB2_4:
0x7a: {  	[sflag:s13] =	ssyncadd.s32 $0xFFFFF800  }
0x7b: {  	s12 =	sadd.s32 $0x80, s12;
	s13 =	smov.u32 s6;
	s6 =	sadd.s32 $0x1, s6  }
0x7c: {  	[tilespmem:s15], [sflag:s14] =	stream.indirect.gather @!p1 [spmem:s2], $0x10, s9, s16, $0xb8;
	[tilespmem:$0xE600] =	vst v63  }
0x7d: {  	s14 =	sand.u32 $0x7, s13;
	p2 =	sne.s32 s5, s6;
	s9 =	smov.u32 s12  }
0x7e: {  	s15 =	sshll.u32 s14, $0xB;
	s16 =	sadd.s32 $0x1, s14  }
0x7f: {  	s17 =	sadd.s32 $0x4, s13;
	_ =	swait.ge [sflag:s16], $0x800  }
0x80: {  	s14 =	sadd.s32 $0x9, s14;
	s13 =	sadd.s32 $0x4F00, s15;
	[sflag:s16] =	ssyncset.done $0x0  }
.Ltmp2:
0x81: {  	s15 =	sand.u32 $0x7, s17;
	[sflag:s16] =	ssyncadd.s32 $0xFFFFF800;
	(pc) =	sbr.rel @p2 .LBB2_4-.Ltmp2, $4  }
0x82: {  	[spmem:s3] =	stream.indirect.scatter.add.f32 [tilespmem:s13], [sflag:s14], $0x10, s10, s25, $0xb8;
	[tilespmem:$0xE600] =	vst v63  }
0x83: {  	p1 =	sge.u32 s17, s5;
	s13 =	sadd.s32 $0x9, s15;
	s10 =	sadd.s32 $0x80, s10  }
0x84: {  	s16 =	sshll.u32 @!p1 s15, $0xB;
	s14 =	sadd.s32 @!p1 $0x1, s15;
	_ =	swait.ge [sflag:s13], $0x800  }
0x85: {  	s15 =	sadd.s32 @!p1 $0x4F00, s16;
	s16 =	simm.s32 @!p1 $0x80;
	[sflag:s13] =	ssyncset.done $0x0  }
.LBB2_5:
0x86: {  	[sflag:s13] =	ssyncadd.s32 $0xFFFFF800  }
0x87: {  	[tilespmem:s15], [sflag:s14] =	stream.indirect.gather @!p1 [spmem:s2], $0x10, s9, s16, $0xb8;
	[tilespmem:$0xE600] =	vst v63  }
0x88: {  	_ =	swait.ge [sflag:s18], $0x800  }
0x89: {  	[sflag:s18] =	ssyncset.done $0x0  }
0x8a: {  	[sflag:s18] =	ssyncadd.s32 $0xFFFFF800  }
0x8b: {  	_ =	swait.ge [sflag:s19], $0x800  }
0x8c: {  	[sflag:s19] =	ssyncset.done $0x0  }
0x8d: {  	[sflag:s19] =	ssyncadd.s32 $0xFFFFF800  }
0x8e: {  	_ =	swait.ge [sflag:s20], $0x800  }
0x8f: {  	[sflag:s20] =	ssyncset.done $0x0  }
0x90: {  	[sflag:s20] =	ssyncadd.s32 $0xFFFFF800  }
0x91: {  	_ =	swait.ge [sflag:s21], $0x800  }
0x92: {  	[sflag:s21] =	ssyncset.done $0x0  }
0x93: {  	[sflag:s21] =	ssyncadd.s32 $0xFFFFF800  }
0x94: {  	[bflag:$0x0] =	sbarrier.arrive $0xFFFF  }
0x95: {  	s6 =	sshrl.u32 s11, $0x3;
	s16 =	rddreg [dreg:$0xc]  }
0x96: {  	[hbm:s16], [sflag:s8] =	dma.local [spmem:s6], $0x4F0  }
0x97: {  	_ =	swait.ge [sflag:s22], $0x4F0  }
0x98: {  	s4 =	sadd.s32 $0x1, s4;
	s17 =	rddreg [dreg:$0xd]  }
0x99: {  	p1 =	sne.s32 s4, s17  }
.Ltmp3:
0x9a: {  	_ = 	snop;
	(pc) =	sbr.rel @p1 .LBB2_1-.Ltmp3, $3  }
0x9b: {  	_ =	sdelay $0x1  }
0x9c: {  	[sflag:s22] =	ssyncset.done $0x0  }
0x9d: {  	s13 =	simm.s32 $0x0;
	[sflag:s22] =	ssyncadd.s32 $0xFFFFFB10  }
0x9e: {  	_ =	sfence.sel $0x180000  }
0x9f: {  	[bflag:$0x0] =	sbarrier.arrive $0xFFFF  }
0xa0: {  	_ =	strace $0x9000004D  }
0xa1: {  	s0 =	stileid.u32;
	[bflag:$0x2] =	sbarrier.arrive $0xFFFF  }
0xa2: {  	p0 =	sne.s32 s0, $0x0;
	s0 =	rddreg [dreg:$0x3]  }
0xa3: {  	s0 =	sadd.s32 @!p0 $0x100000, s0  }
0xa4: {  	[sflag:s0] =	ssyncadd.tile.s32 @!p0 $0x1;
	_ =	shalt  }
.Lfunc_end2:
_tile_overlayer_lowered:
.L_overlay_start_2:
0xa5: {  	(tag) =	ssettag $0x2  }
0xa6: {  	s0 =	rddreg [dreg:$0x0];
	s2 =	stileid.u32  }
0xa7: {  	s1 =	rddreg [dreg:$0x1];
	p0 =	sne.s32 s2, $0x0  }
0xa8: {  	s3 =	rddreg [dreg:$0x2];
	[bflag:$0x3] =	sbarrier.arrive $0xFFFF;
	s2 =	simm.s32 @!p0 $0x1C11  }
0xa9: {  	[timem:s3], [sflag:s2] =	dma.local @!p0 [hbm:s0], s1  }
0xaa: {  	s0 =	simm.s32 @!p0 $0x11  }
0xab: {  	_ =	swait.ge @!p0 [sflag:s0], s1  }
0xac: {  	s1 =	ssub.s32 @!p0 $0x0, s1;
	[sflag:s0] =	ssyncset.done @!p0 $0x0  }
0xad: {  	[sflag:s0] =	ssyncadd.s32 @!p0 s1  }
0xae: {  	[bflag:$0x3] =	sbarrier.arrive $0xFFFF  }
0xaf: {  	_ =	shalt  }

// kernel: kernel.20.cloned.1.call-start
scs
__scs_entry_jumppad:
0x0: {  	(pc) =	sbr.rel $0x88, $3  }
0x1: {  	(tag) =	ssettag $0x0;
	lr =	simm.s32 $0x1  }
0x2: {  	[smem:$0x3F94] =	sst lr;
	_ =	strace $0xD0000000  }
0x3: {  	_ = 	snop  }
0x4: {  	_ = 	snop  }
0x5: {  	_ = 	snop  }
0x6: {  	_ = 	snop  }
0x7: {  	_ = 	snop  }
__scs_overlays_trampoline_lowered:
0x8: {  	[smem:$0x3FA3] =	sst s0  }
0x9: {  	[smem:$0x3FA4] =	sst s1  }
0xa: {  	[smem:$0x3FA5] =	sst s2  }
0xb: {  	[smem:$0x3FA6] =	sst s3  }
0xc: {  	[smem:$0x3FA7] =	sst s4  }
0xd: {  	[smem:$0x3FA8] =	sst s5  }
0xe: {  	[smem:$0x3FA9] =	sst s6  }
0xf: {  	[smem:$0x3FAA] =	sst s7  }
0x10: {  	[smem:$0x3FAB] =	sst s8  }
0x11: {  	[smem:$0x3FAC] =	sst s9;
	s0 =	simm.s32 @!p0 $0x0  }
0x12: {  	s1 =	sld [smem:$0x3F92];
	s0 =	simm.s32 @p0 $0x1  }
0x13: {  	[smem:$0x3FAD] =	sst s0;
	s0 =	simm.s32 @!p1 $0x0  }
0x14: {  	s2 =	sld [smem:$0x3F91];
	s0 =	simm.s32 @p1 $0x1  }
0x15: {  	[smem:$0x3FAE] =	sst s0;
	s0 =	simm.s32 @!p2 $0x0  }
0x16: {  	s3 =	sld [smem:$0x3FDB];
	s0 =	simm.s32 @p2 $0x1  }
0x17: {  	s4 =	simm.s32 $0x1BF5;
	[smem:$0x3FB0] =	sst s0  }
0x18: {  	s0 =	sld [smem:$0x3F93];
	_ =	swait.ge [sflag:s4], $0x0  }
0x19: {  	s7 =	sld [smem:$0x3F94]  }
0x1a: {  	s8 =	sadd.s32 $0xFFFFE003, lr  }
0x1b: {  	s9 =	sadd.s32 $0xFFFFFEF7, lr;
	s5 =	simm.s32 $0xFFFFFFFF;
	p2 =	slt.u32 s8, $0xFFFFF086  }
0x1c: {  	p1 =	slt.u32 s9, $0xF7A;
	s5 =	simm.s32 @!p2 $0x0  }
0x1d: {  	s5 =	simm.s32 @p1 $0x1;
	p0 =	seq.s32 s7, s2  }
0x1e: {  	s7 =	smul.u32 @!p0 $0xF7A, s2;
	p2 =	seq.s32 @!p0 s5, $0x0  }
0x1f: {  	s9 =	smul.u32 $0xF7A, s1;
	s8 =	simm.s32 @!p0 $0x1BF5;
	p2 =	por !p2, p0  }
0x20: {  	[sflag:s8] =	ssyncset.s32 @!p0 $0xFFFFF086;
	s6 =	sadd.s32 @!p0 s3, s7;
	s7 =	simm.s32 @!p0 $0x108  }
0x21: {  	s3 =	sadd.s32 s3, s9;
	s6 =	sadd.s32 @!p0 $0x88, s6;
	s7 =	simm.s32 @p2 $0x1082  }
0x22: {  	[simem:s7], [sflag:s8] =	dma.local @!p0 [hbm:s6], $0xF7A  }
0x23: {  	s9 =	sor.u32 $0xD0000000, s2;
	s6 =	simm.s32 $0x108;
	_ =	swait.ge @!p0 [sflag:s8], $0x0  }
0x24: {  	s3 =	sadd.s32 $0x88, s3;
	s6 =	simm.s32 @!p1 $0x1082;
	[sflag:s4] =	ssyncset.s32 $0xFFFFF086  }
0x25: {  	[simem:s6], [sflag:s4] =	dma.local [hbm:s3], $0xF7A  }
0x26: {  	[smem:$0x3F94] =	sst s1;
	(tag) =	ssettag s2;
	_ =	strace s9  }
0x27: {  	s1 =	sld [smem:$0x3FA4]  }
0x28: {  	s2 =	sld [smem:$0x3FA5]  }
0x29: {  	s4 =	sld [smem:$0x3FA7]  }
0x2a: {  	p0 =	seq.s32 s5, $0x0;
	s5 =	sld [smem:$0x3FA8]  }
0x2b: {  	s6 =	sld [smem:$0x3FA9]  }
0x2c: {  	s7 =	sld [smem:$0x3FAA]  }
0x2d: {  	s3 =	simm.s32 $0x108;
	s8 =	sld [smem:$0x3FAB]  }
0x2e: {  	s3 =	simm.s32 @!p0 $0x1082;
	s9 =	sld [smem:$0x3FAC]  }
0x2f: {  	lr =	sadd.s32 s0, s3;
	s0 =	sld [smem:$0x3FA3]  }
0x30: {  	s3 =	sld [smem:$0x3FA6]  }
0x31: {  	[smem:$0x3FAF] =	sst s10  }
0x32: {  	s10 =	sld [smem:$0x3FAD];
	_ =	sdelay $0x3  }
0x33: {  	p0 =	seq.s32 s10, $0x1;
	s10 =	sld [smem:$0x3FAF];
	_ =	sdelay $0x3  }
0x34: {  	[smem:$0x3FAF] =	sst s10  }
0x35: {  	s10 =	sld [smem:$0x3FAE];
	_ =	sdelay $0x3  }
0x36: {  	p1 =	seq.s32 s10, $0x1;
	s10 =	sld [smem:$0x3FAF];
	_ =	sdelay $0x3  }
0x37: {  	[smem:$0x3FAF] =	sst s10  }
0x38: {  	s10 =	sld [smem:$0x3FB0]  }
0x39: {  	_ = 	snop;
	(pc) =	sbr.ind lr, $3  }
0x3a: {  	_ = 	snop  }
0x3b: {  	_ = 	snop  }
0x3c: {  	p2 =	seq.s32 s10, $0x1;
	s10 =	sld [smem:$0x3FAF]  }
0x3d: {  	_ =	shalt  }
0x3e: {  	_ =	shalt  }
0x3f: {  	_ =	shalt  }
0x40: {  	_ =	shalt  }
0x41: {  	_ =	shalt  }
0x42: {  	_ =	shalt  }
0x43: {  	_ =	shalt  }
0x44: {  	_ =	shalt  }
0x45: {  	_ =	shalt  }
0x46: {  	_ =	shalt  }
0x47: {  	_ =	shalt  }
0x48: {  	_ =	shalt  }
0x49: {  	_ =	shalt  }
0x4a: {  	_ =	shalt  }
0x4b: {  	_ =	shalt  }
0x4c: {  	_ =	shalt  }
0x4d: {  	_ =	shalt  }
0x4e: {  	_ =	shalt  }
0x4f: {  	_ =	shalt  }
0x50: {  	_ =	shalt  }
0x51: {  	_ =	shalt  }
0x52: {  	_ =	shalt  }
0x53: {  	_ =	shalt  }
0x54: {  	_ =	shalt  }
0x55: {  	_ =	shalt  }
0x56: {  	_ =	shalt  }
0x57: {  	_ =	shalt  }
0x58: {  	_ =	shalt  }
0x59: {  	_ =	shalt  }
0x5a: {  	_ =	shalt  }
0x5b: {  	_ =	shalt  }
0x5c: {  	_ =	shalt  }
0x5d: {  	_ =	shalt  }
0x5e: {  	_ =	shalt  }
0x5f: {  	_ =	shalt  }
0x60: {  	_ =	shalt  }
0x61: {  	_ =	shalt  }
0x62: {  	_ =	shalt  }
0x63: {  	_ =	shalt  }
0x64: {  	_ =	shalt  }
0x65: {  	_ =	shalt  }
0x66: {  	_ =	shalt  }
0x67: {  	_ =	shalt  }
0x68: {  	_ =	shalt  }
0x69: {  	_ =	shalt  }
0x6a: {  	_ =	shalt  }
0x6b: {  	_ =	shalt  }
0x6c: {  	_ =	shalt  }
0x6d: {  	_ =	shalt  }
0x6e: {  	_ =	shalt  }
0x6f: {  	_ =	shalt  }
0x70: {  	_ =	shalt  }
0x71: {  	_ =	shalt  }
0x72: {  	_ =	shalt  }
0x73: {  	_ =	shalt  }
0x74: {  	_ =	shalt  }
0x75: {  	_ =	shalt  }
0x76: {  	_ =	shalt  }
0x77: {  	_ =	shalt  }
0x78: {  	_ =	shalt  }
0x79: {  	_ =	shalt  }
0x7a: {  	_ =	shalt  }
0x7b: {  	_ =	shalt  }
0x7c: {  	_ =	shalt  }
0x7d: {  	_ =	shalt  }
0x7e: {  	_ =	shalt  }
0x7f: {  	_ =	shalt  }
0x80: {  	_ =	shalt  }
0x81: {  	_ =	shalt  }
0x82: {  	_ =	shalt  }
0x83: {  	_ =	shalt  }
0x84: {  	_ =	shalt  }
0x85: {  	_ =	shalt  }
0x86: {  	_ =	shalt  }
0x87: {  	_ =	shalt  }
.Lfunc_end0:
.L_simem_size_0:
called_computation.3_lowered:
.L_overlay_start_0:
0x88: {  	s2 =	sld [smem:$0x3FD9]  }
0x89: {  	s3 =	sld [smem:$0x3FFE];
	_ =	sdelay $0x1  }
0x8a: {  	s1 =	srdreg.scid  }
0x8b: {  	s0 =	sand.u32 $0x1, s1  }
0x8c: {  	s16 =	sshll.u32 s0, $0xA;
	s2 =	sadd.s32 s3, s2  }
0x8d: {  	s2 =	sadd.s32 s2, s16  }
0x8e: {  	[smem:$0x3FBB] =	sst s2  }
0x8f: {  	_ = 	snop  }
0x90: {  	(tm) =	ssettm $0x1  }
0x91: {  	s17 =	sld [smem:$0x3FFB];
	_ =	sdelay $0x3  }
0x92: {  	_ =	strace s17  }
0x93: {  	s2 =	sld [smem:$0x3FFC];
	_ =	sdelay $0x3  }
0x94: {  	_ =	strace s2  }
0x95: {  	s2 =	sld [smem:$0x3FFD];
	_ =	sdelay $0x3  }
0x96: {  	_ =	strace s2  }
0x97: {  	_ =	strace $0x8FFFFFFF  }
0x98: {  	s18 =	sld [smem:$0x3FDB];
	_ =	sdelay $0x1  }
0x99: {  	s19 =	simm.s32 $_scs_section_size  }
0x9a: {  	s4 =	simm.s32 $_size__tile_overlayer_lowered;
	s5 =	simm.s32 $_tile_overlayer_lowered  }
0x9b: {  	s22 =	simm.s32 $0x1BFF;
	s21 =	sshll.u32 s5, $0x1;
	s2 =	sadd.s32 s19, s18  }
0x9c: {  	s6 =	simm.s32 $0x0;
	s20 =	sshll.u32 s4, $0x1;
	s4 =	sadd.s32 s21, s2  }
0x9d: {  	[timem:s6], [sflag:s22] =	dma.local [hbm:s4], s20  }
0x9e: {  	_ =	swait.ge [sflag:s22], s20  }
0x9f: {  	s3 =	ssub.s32 $0x0, s20;
	[sflag:s22] =	ssyncset.done $0x0  }
0xa0: {  	[sflag:s22] =	ssyncadd.s32 s3;
	_ =	sdelay $0x1  }
0xa1: {  	s23 =	simm.s32 $0x1B8B  }
0xa2: {  	_ =	swait.ge [sflag:s23], $0x1  }
0xa3: {  	[sflag:s23] =	ssyncset.done $0x0  }
0xa4: {  	s25 =	simm.s32 $0x1B8E;
	s24 =	sld [smem:$0x3FFE];
	[sflag:s23] =	ssyncadd.s32 $0xFFFFFFFF  }
0xa5: {  	s26 =	simm.s32 $execute0_lowered;
	[smem:$0x3FD2] =	sst s25  }
0xa6: {  	s4 =	sshll.u32 s26, $0x1;
	_ =	strace $0x8000004F;
	[dreg:$0x1] =	wrdreg $0xFFFFFFFF  }
0xa7: {  	s28 =	simm.s32 $_size_execute0_lowered;
	s2 =	sadd.s32 s2, s4;
	[dreg:$0x0] =	wrdreg $0x0  }
0xa8: {  	s4 =	sshll.u32 s28, $0x1;
	[dreg:$0x2] =	wrdreg s2  }
0xa9: {  	[dreg:$0x3] =	wrdreg s4  }
0xaa: {  	[dreg:$0x4] =	wrdreg $0xC0  }
0xab: {  	_ =	task [dreg:s6], $0x5FFFF  }
0xac: {  	[dreg:$0x1] =	wrdreg $0xFFFFFFFF  }
0xad: {  	[dreg:$0x0] =	wrdreg $0x60  }
0xae: {  	[dreg:$0x2] =	wrdreg s24  }
0xaf: {  	[dreg:$0x3] =	wrdreg $0xBE800  }
0xb0: {  	[dreg:$0x4] =	wrdreg $0x97000  }
0xb1: {  	[dreg:$0x5] =	wrdreg $0x9  }
0xb2: {  	_ =	task.clear_ibuf [dreg:s6], $0x6FFFF;
	_ =	strace $0x9000004F  }
0xb3: {  	s29 =	simm.s32 $0x9;
	_ =	strace $0x80000051  }
0xb4: {  	_ =	swait.ge [sflag:s29], $0x1  }
0xb5: {  	[sflag:s29] =	ssyncadd.s32 $0xFFFFFFFF  }
0xb6: {  	_ =	strace $0x90000051  }
0xb7: {  	_ =	sfence  }
0xb8: {  	s30 =	sld [smem:$0x0];
	_ =	sdelay $0x2  }
0xb9: {  	s31 =	sshll.u32 s1, $0xD;
	s1 =	sshrl.u32 s1, $0x2  }
0xba: {  	s3 =	sand.u32 $0x4000, s31;
	s1 =	sadd.s32 s1, s30  }
0xbb: {  	s0 =	sor.u32 s3, s0;
	s1 =	sshll.u32 s1, $0x11  }
0xbc: {  	s0 =	sor.u32 s1, s0  }
0xbd: {  	s0 =	sadd.s32 $0x8F2B, s0  }
0xbe: {  	[sflag:s0] =	ssyncadd.remote.s32 $0x1  }
0xbf: {  	_ =	sfence.sel $0xFFFF  }
0xc0: {  	[dreg:$0x0] =	wrdreg $0xFFFFFFFF;
	(pc) =	sbr.abs _section_cstart, $3  }
0xc1: {  	[dreg:$0x1] =	wrdreg $0xFFFFFFFF  }
0xc2: {  	_ =	task.clear_ibuf [dreg:s6], $0x2FFFF;
	_ =	strace $0x9FFFFFFF  }
0xc3: {  	(tm) =	ssettm $0x7FFFFFFF  }
tec
execute0_lowered:
.L_overlay_start_1:
0x0: {  	(tag) =	ssettag $0x1  }
0x1: {  	s0 =	rddreg [dreg:$0x0]  }
0x2: {  	s2 =	rddreg [dreg:$0x1]  }
0x3: {  	s3 =	rddreg [dreg:$0x2];
	s12 =	stileid.u32  }
0x4: {  	s4 =	srdreg.scid;
	s13 =	simm.s32 $0x0;
	s28 =	simm.s32 $0x5700  }
0x5: {  	s30 =	simm.s32 $0x5F00;
	s31 =	simm.s32 $0x2;
	s29 =	simm.s32 $0x3  }
0x6: {  	s1 =	smul.u32 $0x2780, s12;
	s4 =	sand.u32 $0x1, s4;
	[smem:$0x7FF] =	sst s13  }
0x7: {  	s26 =	sshll.u32 s12, $0x1;
	s10 =	sadd.s32 $0x4200, s0;
	s15 =	smul.u32 $0x9E00, s12  }
0x8: {  	p0 =	slt.u32 s12, $0x2;
	s6 =	smul.u32 $0x27800, s4;
	_ =	strace $0x80000050  }
0x9: {  	s7 =	ssub.s32 $0x2, s4;
	s4 =	sor.u32 s4, s26;
	s5 =	sshrl.u32 s1, $0x3  }
0xa: {  	s11 =	sshrl.u32 s7, $0x1;
	s9 =	smul.u32 $0x2700, s4;
	s4 =	sshll.u32 s4, $0x4  }
0xb: {  	s16 =	sshrl.u32 s15, $0x2;
	s17 =	sadd.s32 s1, s2;
	s8 =	sadd.s32 s5, s0  }
0xc: {  	s6 =	sadd.s32 s1, s6;
	s5 =	simm.s32 $0x4F;
	s4 =	sadd.s32 s4, s10  }
0xd: {  	s6 =	sshrl.u32 s6, $0x3;
	s14 =	sshrl.u32 s9, $0x3;
	s5 =	simm.s32 @!p0 $0x4E  }
0xe: {  	s8 =	sadd.s32 $0x17C00, s8;
	p0 =	sgt.u32 s12, $0x1;
	s0 =	sadd.s32 s6, s0  }
0xf: {  	s6 =	ssub.s32 s7, s11;
	s7 =	sadd.s32 s10, s14;
	s10 =	sadd.s32 $0x9C00, s4  }
0x10: {  	s4 =	sadd.s32 $0x13840, s4;
	[dreg:$0x7] =	wrdreg s8;
	s11 =	sadd.s32 s1, s3  }
0x11: {  	s22 =	sand.u32 $0x3, s5;
	s24 =	sadd.s32 $0x5, s5;
	[dreg:$0x4] =	wrdreg s7  }
0x12: {  	s25 =	sadd.s32 $0x6, s5;
	s26 =	sadd.s32 $0xFFFFFFFF, s5;
	[dreg:$0x5] =	wrdreg s10  }
0x13: {  	s7 =	sadd.s32 $0x9C40, s7;
	[dreg:$0x6] =	wrdreg s4;
	s4 =	sadd.s32 s16, s3  }
0x14: {  	s0 =	sadd.s32 $0x1CC00, s0;
	s23 =	smax.u32 s6, $0x1;
	s1 =	sand.u32 $0x5, s25  }
0x15: {  	s25 =	simm.s32 $0x80;
	s18 =	sadd.s32 $0x800, s4;
	[dreg:$0xc] =	wrdreg s0  }
0x16: {  	s19 =	sadd.s32 $0x1000, s4;
	s20 =	sadd.s32 $0x1800, s4;
	[dreg:$0xd] =	wrdreg s23  }
0x17: {  	s21 =	sadd.s32 $0x2000, s4;
	s0 =	sand.u32 $0x7, s24;
	[dreg:$0x8] =	wrdreg s18  }
0x18: {  	s4 =	sand.u32 $0x7, s26;
	s23 =	sshrl.u32 s17, $0x3;
	[dreg:$0x9] =	wrdreg s19  }
0x19: {  	s24 =	simm.s32 $0x8F00;
	s26 =	simm.s32 $0x4F00;
	[dreg:$0xa] =	wrdreg s20  }
0x1a: {  	[dreg:$0xb] =	wrdreg s21;
	s18 =	sadd.s32 $0x9, s22;
	s19 =	sadd.s32 $0x9, s0  }
0x1b: {  	s20 =	sadd.s32 $0x9, s1;
	s21 =	sadd.s32 $0x9, s4;
	s22 =	simm.s32 $0x11  }
0x1c: {  	v0 =	vimm.f32 $0.0e+00;
	s1 =	simm.s32 $0x6700;
	s0 =	simm.s32 $0x1;
	s4 =	simm.s32 $0x0  }
.LBB2_1:
0x1d: {  	s6 =	rddreg [dreg:$0x4]  }
0x1e: {  	[tilespmem:s13], [sflag:$0x11] =	stream.linear.gather [hbm4b:s6+s13], $0x2700, $0x38;
	[tilespmem:$0xE600] =	vst v63  }
0x1f: {  	_ =	swait.ge [sflag:s22], $0x2700  }
0x20: {  	[sflag:s22] =	ssyncset.done $0x0  }
0x21: {  	s8 =	simm.s32 @p0 $0x2780;
	s6 =	simm.s32 @p0 $0x0;
	[sflag:s22] =	ssyncadd.s32 $0xFFFFD900  }
0x22: {  	[tilespmem:s8], [sflag:$0x11] =	stream.linear.gather @p0 [hbm4b:s7+s6], $0x2700, $0x38;
	[tilespmem:$0xE600] =	vst v63  }
0x23: {  	s6 =	simm.s32 @p0 $0x11  }
0x24: {  	_ =	swait.ge @p0 [sflag:s6], $0x2700  }
0x25: {  	s8 =	simm.s32 @!p0 $0x2700;
	[sflag:s6] =	ssyncset.done @p0 $0x0  }
0x26: {  	s9 =	rddreg [dreg:$0x5];
	[sflag:s6] =	ssyncadd.s32 @p0 $0xFFFFD900;
	s6 =	simm.s32 @!p0 $0x0  }
0x27: {  	[tilespmem:s8], [sflag:$0x11] =	stream.linear.gather @!p0 [hbm4b:s9+s6], $0x80, $0x38;
	[tilespmem:$0xE600] =	vst v63  }
0x28: {  	s8 =	simm.s32 @!p0 $0x11  }
0x29: {  	_ =	swait.ge @!p0 [sflag:s8], $0x80  }
0x2a: {  	[sflag:s8] =	ssyncset.done @!p0 $0x0  }
0x2b: {  	s9 =	simm.s32 @!p0 $0x2780;
	[sflag:s8] =	ssyncadd.s32 @!p0 $0xFFFFFF80  }
0x2c: {  	[tilespmem:s9], [sflag:$0x11] =	stream.linear.gather @!p0 [hbm4b:s7+s6], $0x2700, $0x38;
	[tilespmem:$0xE600] =	vst v63  }
0x2d: {  	_ =	swait.ge @!p0 [sflag:s8], $0x2700  }
0x2e: {  	[sflag:s8] =	ssyncset.done @!p0 $0x0  }
0x2f: {  	s9 =	simm.s32 @!p0 $0x4E80;
	s10 =	rddreg [dreg:$0x6];
	[sflag:s8] =	ssyncadd.s32 @!p0 $0xFFFFD900  }
0x30: {  	[tilespmem:s9], [sflag:$0x11] =	stream.linear.gather @!p0 [hbm4b:s10+s6], $0x80, $0x38;
	[tilespmem:$0xE600] =	vst v63  }
0x31: {  	_ =	swait.ge @!p0 [sflag:s8], $0x80  }
0x32: {  	[sflag:s8] =	ssyncset.done @!p0 $0x0  }
0x33: {  	s6 =	simm.s32 $0x40;
	[sflag:s8] =	ssyncadd.s32 @!p0 $0xFFFFFF80;
	s8 =	simm.s32 $0x0  }
.LBB2_2:
0x34: {  	p1 =	sne.s32 s6, $0x1FC0;
	[tilespmem:s8+$0x8F00] =	vst v0;
	s8 =	smov.u32 s6;
	s6 =	sadd.s32 $0x40, s6  }
.Ltmp0:
0x35: {  	(pc) =	sbr.rel @p1 .LBB2_2-.Ltmp0, $2  }
0x36: {  	_ =	sdelay $0x2  }
0x37: {  	s8 =	sshra.s32 s8, $0x2  }
0x38: {  	s6 =	stileid.u32  }
0x39: {  	s6 =	sshll.u32 s6, $0x6  }
0x3a: {  	[tilespmem:s8+$0x8F00] =	vst v0;
	s14 =	rddreg [dreg:$0x7];
	s8 =	sor.u32 $0x1C11, s6  }
0x3b: {  	[spmem:s23], [sflag:s8] =	dma.local [hbm:s14], $0x4F0  }
0x3c: {  	_ =	swait.ge [sflag:s22], $0x4F0  }
0x3d: {  	[sflag:s22] =	ssyncset.done $0x0  }
0x3e: {  	[sflag:s22] =	ssyncadd.s32 $0xFFFFFB10  }
0x3f: {  	[spmem:s11] =	stream.linear.scatter [tilespmem:s24], [sflag:$0x11], $0x800, $0x38;
	[tilespmem:$0xE600] =	vst v63  }
0x40: {  	_ =	swait.ge [sflag:s22], $0x800  }
0x41: {  	[sflag:s22] =	ssyncset.done $0x0  }
0x42: {  	s15 =	rddreg [dreg:$0x8];
	[sflag:s22] =	ssyncadd.s32 $0xFFFFF800  }
0x43: {  	[spmem:s15] =	stream.linear.scatter [tilespmem:s24], [sflag:$0x11], $0x800, $0x38;
	[tilespmem:$0xE600] =	vst v63  }
0x44: {  	_ =	swait.ge [sflag:s22], $0x800  }
0x45: {  	[sflag:s22] =	ssyncset.done $0x0  }
0x46: {  	s16 =	rddreg [dreg:$0x9];
	[sflag:s22] =	ssyncadd.s32 $0xFFFFF800  }
0x47: {  	[spmem:s16] =	stream.linear.scatter [tilespmem:s24], [sflag:$0x11], $0x800, $0x38;
	[tilespmem:$0xE600] =	vst v63  }
0x48: {  	_ =	swait.ge [sflag:s22], $0x800  }
0x49: {  	[sflag:s22] =	ssyncset.done $0x0  }
0x4a: {  	s17 =	rddreg [dreg:$0xa];
	[sflag:s22] =	ssyncadd.s32 $0xFFFFF800  }
0x4b: {  	[spmem:s17] =	stream.linear.scatter [tilespmem:s24], [sflag:$0x11], $0x800, $0x38;
	[tilespmem:$0xE600] =	vst v63  }
0x4c: {  	_ =	swait.ge [sflag:s22], $0x800  }
0x4d: {  	[sflag:s22] =	ssyncset.done $0x0  }
0x4e: {  	s9 =	rddreg [dreg:$0xb];
	[sflag:s22] =	ssyncadd.s32 $0xFFFFF800  }
0x4f: {  	[spmem:s9] =	stream.linear.scatter [tilespmem:s24], [sflag:$0x11], $0x780, $0x38;
	[tilespmem:$0xE600] =	vst v63  }
0x50: {  	_ =	swait.ge [sflag:s22], $0x780  }
0x51: {  	[sflag:s22] =	ssyncset.done $0x0  }
0x52: {  	[sflag:s22] =	ssyncadd.s32 $0xFFFFF880  }
0x53: {  	[bflag:$0x0] =	sbarrier.arrive $0xFFFF  }
0x54: {  	[tilespmem:s26], [sflag:$0x1] =	stream.indirect.gather [spmem:s2], $0x10, s13, s25, $0xb8;
	[tilespmem:$0xE600] =	vst v63  }
0x55: {  	_ = 	snop  }
0x56: {  	[tilespmem:s28], [sflag:$0x2] =	stream.indirect.gather [spmem:s2], $0x10, s25, s25, $0xb8;
	[tilespmem:$0xE600] =	vst v63  }
0x57: {  	s10 =	simm.s32 $0x100  }
0x58: {  	[tilespmem:s30], [sflag:$0x3] =	stream.indirect.gather [spmem:s2], $0x10, s10, s25, $0xb8;
	[tilespmem:$0xE600] =	vst v63  }
0x59: {  	s12 =	simm.s32 $0x180  }
0x5a: {  	[tilespmem:s1], [sflag:$0x4] =	stream.indirect.gather [spmem:s2], $0x10, s12, s25, $0xb8;
	[tilespmem:$0xE600] =	vst v63  }
0x5b: {  	_ =	swait.ge [sflag:s0], $0x800  }
0x5c: {  	[sflag:s0] =	ssyncset.done $0x0  }
0x5d: {  	s13 =	simm.s32 $0x2780;
	[sflag:s0] =	ssyncadd.s32 $0xFFFFF800  }
0x5e: {  	[spmem:s3] =	stream.indirect.scatter.add.f32 [tilespmem:s26], [sflag:$0x9], $0x10, s13, s25, $0xb8;
	[tilespmem:$0xE600] =	vst v63  }
0x5f: {  	s14 =	simm.s32 $0x200;
	s9 =	simm.s32 $0x6F00  }
0x60: {  	[tilespmem:s9], [sflag:$0x5] =	stream.indirect.gather [spmem:s2], $0x10, s14, s25, $0xb8;
	[tilespmem:$0xE600] =	vst v63  }
0x61: {  	_ =	swait.ge [sflag:s31], $0x800  }
0x62: {  	[sflag:s31] =	ssyncset.done $0x0  }
0x63: {  	s15 =	simm.s32 $0x2800;
	[sflag:s31] =	ssyncadd.s32 $0xFFFFF800  }
0x64: {  	[spmem:s3] =	stream.indirect.scatter.add.f32 [tilespmem:s28], [sflag:$0xA], $0x10, s15, s25, $0xb8;
	[tilespmem:$0xE600] =	vst v63  }
0x65: {  	s16 =	simm.s32 $0x280;
	s17 =	simm.s32 $0x7700  }
0x66: {  	[tilespmem:s17], [sflag:$0x6] =	stream.indirect.gather [spmem:s2], $0x10, s16, s25, $0xb8;
	[tilespmem:$0xE600] =	vst v63  }
0x67: {  	_ =	swait.ge [sflag:s29], $0x800  }
0x68: {  	[sflag:s29] =	ssyncset.done $0x0  }
0x69: {  	p2 =	sne.s32 s5, $0x5;
	s9 =	simm.s32 $0x2880;
	[sflag:s29] =	ssyncadd.s32 $0xFFFFF800  }
0x6a: {  	[spmem:s3] =	stream.indirect.scatter.add.f32 [tilespmem:s30], [sflag:$0xB], $0x10, s9, s25, $0xb8;
	[tilespmem:$0xE600] =	vst v63  }
0x6b: {  	s10 =	simm.s32 $0x300;
	s12 =	simm.s32 $0x7F00;
	s13 =	simm.s32 $0x4  }
0x6c: {  	[tilespmem:s12], [sflag:$0x7] =	stream.indirect.gather [spmem:s2], $0x10, s10, s25, $0xb8;
	[tilespmem:$0xE600] =	vst v63  }
0x6d: {  	p1 =	sle.u32 s5, $0x8;
	s6 =	sand.u32 $0x7, s13;
	_ =	swait.ge [sflag:s13], $0x800  }
0x6e: {  	s14 =	simm.s32 $0x2900;
	s15 =	simm.s32 $0x380;
	[sflag:s13] =	ssyncset.done $0x0  }
0x6f: {  	s16 =	sadd.s32 $0x1, s6;
	s17 =	sshll.u32 s6, $0xB;
	[sflag:s13] =	ssyncadd.s32 $0xFFFFF800  }
0x70: {  	[spmem:s3] =	stream.indirect.scatter.add.f32 [tilespmem:s1], [sflag:$0xC], $0x10, s14, s25, $0xb8;
	[tilespmem:$0xE600] =	vst v63  }
0x71: {  	s6 =	sadd.s32 $0x9, s6;
	s9 =	simm.s32 $0x400;
	s10 =	simm.s32 $0x8700  }
0x72: {  	[tilespmem:s10], [sflag:$0x8] =	stream.indirect.gather [spmem:s2], $0x10, s15, s25, $0xb8;
	[tilespmem:$0xE600] =	vst v63  }
0x73: {  	s12 =	simm.s32 $0x2980;
	s14 =	simm.s32 $0x8;
	_ =	swait.ge [sflag:s16], $0x800  }
0x74: {  	s13 =	sadd.s32 $0x4F00, s17;
	s14 =	sand.u32 $0x7, s14;
	[sflag:s16] =	ssyncset.done $0x0  }
.Ltmp1:
0x75: {  	s10 =	simm.s32 $0x2A00;
	[sflag:s16] =	ssyncadd.s32 $0xFFFFF800;
	(pc) =	sbr.rel @!p2 .LBB2_5-.Ltmp1, $4  }
0x76: {  	[spmem:s3] =	stream.indirect.scatter.add.f32 [tilespmem:s13], [sflag:s6], $0x10, s12, s25, $0xb8;
	[tilespmem:$0xE600] =	vst v63  }
0x77: {  	s16 =	simm.s32 @!p1 $0x80;
	s6 =	simm.s32 $0x5;
	s13 =	sadd.s32 $0x9, s14  }
0x78: {  	s12 =	sshll.u32 @!p1 s14, $0xB;
	s14 =	sadd.s32 @!p1 $0x1, s14;
	_ =	swait.ge [sflag:s13], $0x800  }
0x79: {  	s15 =	sadd.s32 @!p1 $0x4F00, s12;
	s12 =	simm.s32 $0x400;
	[sflag:s13] =	ssyncset.done $0x0  }
.LBB2_4:
0x7a: {  	[sflag:s13] =	ssyncadd.s32 $0xFFFFF800  }
0x7b: {  	s12 =	sadd.s32 $0x80, s12;
	s13 =	smov.u32 s6;
	s6 =	sadd.s32 $0x1, s6  }
0x7c: {  	[tilespmem:s15], [sflag:s14] =	stream.indirect.gather @!p1 [spmem:s2], $0x10, s9, s16, $0xb8;
	[tilespmem:$0xE600] =	vst v63  }
0x7d: {  	s14 =	sand.u32 $0x7, s13;
	p2 =	sne.s32 s5, s6;
	s9 =	smov.u32 s12  }
0x7e: {  	s15 =	sshll.u32 s14, $0xB;
	s16 =	sadd.s32 $0x1, s14  }
0x7f: {  	s17 =	sadd.s32 $0x4, s13;
	_ =	swait.ge [sflag:s16], $0x800  }
0x80: {  	s14 =	sadd.s32 $0x9, s14;
	s13 =	sadd.s32 $0x4F00, s15;
	[sflag:s16] =	ssyncset.done $0x0  }
.Ltmp2:
0x81: {  	s15 =	sand.u32 $0x7, s17;
	[sflag:s16] =	ssyncadd.s32 $0xFFFFF800;
	(pc) =	sbr.rel @p2 .LBB2_4-.Ltmp2, $4  }
0x82: {  	[spmem:s3] =	stream.indirect.scatter.add.f32 [tilespmem:s13], [sflag:s14], $0x10, s10, s25, $0xb8;
	[tilespmem:$0xE600] =	vst v63  }
0x83: {  	p1 =	sge.u32 s17, s5;
	s13 =	sadd.s32 $0x9, s15;
	s10 =	sadd.s32 $0x80, s10  }
0x84: {  	s16 =	sshll.u32 @!p1 s15, $0xB;
	s14 =	sadd.s32 @!p1 $0x1, s15;
	_ =	swait.ge [sflag:s13], $0x800  }
0x85: {  	s15 =	sadd.s32 @!p1 $0x4F00, s16;
	s16 =	simm.s32 @!p1 $0x80;
	[sflag:s13] =	ssyncset.done $0x0  }
.LBB2_5:
0x86: {  	[sflag:s13] =	ssyncadd.s32 $0xFFFFF800  }
0x87: {  	[tilespmem:s15], [sflag:s14] =	stream.indirect.gather @!p1 [spmem:s2], $0x10, s9, s16, $0xb8;
	[tilespmem:$0xE600] =	vst v63  }
0x88: {  	_ =	swait.ge [sflag:s18], $0x800  }
0x89: {  	[sflag:s18] =	ssyncset.done $0x0  }
0x8a: {  	[sflag:s18] =	ssyncadd.s32 $0xFFFFF800  }
0x8b: {  	_ =	swait.ge [sflag:s19], $0x800  }
0x8c: {  	[sflag:s19] =	ssyncset.done $0x0  }
0x8d: {  	[sflag:s19] =	ssyncadd.s32 $0xFFFFF800  }
0x8e: {  	_ =	swait.ge [sflag:s20], $0x800  }
0x8f: {  	[sflag:s20] =	ssyncset.done $0x0  }
0x90: {  	[sflag:s20] =	ssyncadd.s32 $0xFFFFF800  }
0x91: {  	_ =	swait.ge [sflag:s21], $0x800  }
0x92: {  	[sflag:s21] =	ssyncset.done $0x0  }
0x93: {  	[sflag:s21] =	ssyncadd.s32 $0xFFFFF800  }
0x94: {  	[bflag:$0x0] =	sbarrier.arrive $0xFFFF  }
0x95: {  	s6 =	sshrl.u32 s11, $0x3;
	s16 =	rddreg [dreg:$0xc]  }
0x96: {  	[hbm:s16], [sflag:s8] =	dma.local [spmem:s6], $0x4F0  }
0x97: {  	_ =	swait.ge [sflag:s22], $0x4F0  }
0x98: {  	s4 =	sadd.s32 $0x1, s4;
	s17 =	rddreg [dreg:$0xd]  }
0x99: {  	p1 =	sne.s32 s4, s17  }
.Ltmp3:
0x9a: {  	_ = 	snop;
	(pc) =	sbr.rel @p1 .LBB2_1-.Ltmp3, $3  }
0x9b: {  	_ =	sdelay $0x1  }
0x9c: {  	[sflag:s22] =	ssyncset.done $0x0  }
0x9d: {  	s13 =	simm.s32 $0x0;
	[sflag:s22] =	ssyncadd.s32 $0xFFFFFB10  }
0x9e: {  	_ =	sfence.sel $0x180000  }
0x9f: {  	[bflag:$0x0] =	sbarrier.arrive $0xFFFF  }
0xa0: {  	_ =	strace $0x90000050  }
0xa1: {  	s0 =	stileid.u32;
	[bflag:$0x2] =	sbarrier.arrive $0xFFFF  }
0xa2: {  	p0 =	sne.s32 s0, $0x0;
	s0 =	rddreg [dreg:$0x3]  }
0xa3: {  	s0 =	sadd.s32 @!p0 $0x100000, s0  }
0xa4: {  	[sflag:s0] =	ssyncadd.tile.s32 @!p0 $0x1;
	_ =	shalt  }
.Lfunc_end2:
_tile_overlayer_lowered:
.L_overlay_start_2:
0xa5: {  	(tag) =	ssettag $0x2  }
0xa6: {  	s0 =	rddreg [dreg:$0x0];
	s2 =	stileid.u32  }
0xa7: {  	s1 =	rddreg [dreg:$0x1];
	p0 =	sne.s32 s2, $0x0  }
0xa8: {  	s3 =	rddreg [dreg:$0x2];
	[bflag:$0x3] =	sbarrier.arrive $0xFFFF;
	s2 =	simm.s32 @!p0 $0x1C11  }
0xa9: {  	[timem:s3], [sflag:s2] =	dma.local @!p0 [hbm:s0], s1  }
0xaa: {  	s0 =	simm.s32 @!p0 $0x11  }
0xab: {  	_ =	swait.ge @!p0 [sflag:s0], s1  }
0xac: {  	s1 =	ssub.s32 @!p0 $0x0, s1;
	[sflag:s0] =	ssyncset.done @!p0 $0x0  }
0xad: {  	[sflag:s0] =	ssyncadd.s32 @!p0 s1  }
0xae: {  	[bflag:$0x3] =	sbarrier.arrive $0xFFFF  }
0xaf: {  	_ =	shalt  }

</sc_bundles>
